<compile_context>
chip_gen: v7x
topology: tpu7x:2x2x1
jax: 0.10.2.dev20260603
libtpu: 0.0.44.dev20260713+nightly
codegen_flags: <defaults>
</compile_context>

<pallas_src>
import functools

import jax
import jax.numpy as jnp
from jax import lax
from jax.experimental import pallas as pl
from jax.experimental.pallas import tpu as pltpu
from jax.experimental.pallas import tpu_sc as plsc

D = 64
BTILE = 128
LANES = 16
NBUF = 4
PITCH = 129


@functools.partial(jax.jit, static_argnames=("n_workers", "seq"))
def _sc_embed_add(xt, table, pe2, *, n_workers, seq):
    mesh = plsc.VectorSubcoreMesh(core_axis_name="c", subcore_axis_name="s")
    num_cores = mesh.num_cores

    @functools.partial(
        pl.kernel,
        out_type=jax.ShapeDtypeStruct(
            (seq, D // 8, n_workers, 8, BTILE), jnp.float32
        ),
        mesh=mesh,
        scratch_types=[
            pltpu.VMEM((seq, BTILE), jnp.int32),
            pltpu.VMEM((seq, D), jnp.float32),
        ]
        + [pltpu.VMEM((BTILE, D), jnp.float32)] * NBUF
        + [pltpu.VMEM((D // 8, 8, PITCH), jnp.float32)] * NBUF
        + [pltpu.SemaphoreType.DMA] * (2 * NBUF),
        compiler_params=pltpu.CompilerParams(
            use_tc_tiling_on_sc=False, needs_layout_passes=False
        ),
    )
    def k(xt_hbm, table_hbm, pe_hbm, out_hbm, idx_v, pe_v, *bufs):
        rows = bufs[:NBUF]
        obuf = bufs[NBUF:2 * NBUF]
        gsem = bufs[2 * NBUF:3 * NBUF]
        osem = bufs[3 * NBUF:]
        wid = lax.axis_index("s") * num_cores + lax.axis_index("c")
        pltpu.sync_copy(xt_hbm.at[:, pl.ds(wid * BTILE, BTILE)], idx_v)
        pltpu.sync_copy(pe_hbm, pe_v)

        def start_gather(bb, i):
            pltpu.async_copy(table_hbm.at[idx_v.at[i]], rows[bb], gsem[bb])

        def wait_gather(bb, i):
            pltpu.make_async_copy(
                table_hbm.at[idx_v.at[i]], rows[bb], gsem[bb]
            ).wait()

        def start_out(bb, i):
            pltpu.async_copy(
                obuf[bb].at[:, :, pl.ds(0, BTILE)],
                out_hbm.at[i, :, wid],
                osem[bb],
            )

        def wait_out(bb, i):
            pltpu.make_async_copy(
                obuf[bb].at[:, :, pl.ds(0, BTILE)],
                out_hbm.at[i, :, wid],
                osem[bb],
            ).wait()

        def transpose_add(bb, i):
            rv, ob = rows[bb], obuf[bb]
            iota16 = lax.iota(jnp.int32, 16)
            pe4 = [pe_v[i, pl.ds(kk * LANES, LANES)] for kk in range(D // LANES)]
            dvec = [iota16 + kk * LANES for kk in range(D // LANES)]
            dtv = [d >> 3 for d in dvec]
            div = [d & 7 for d in dvec]

            @pl.loop(0, BTILE, unroll=4)
            def r_body(r):
                colidx = jnp.full((LANES,), r, jnp.int32)
                for kk in range(D // LANES):
                    v = rv[r, pl.ds(kk * LANES, LANES)] + pe4[kk]
                    plsc.store_scatter(ob, [dtv[kk], div[kk], colidx], v)

        for b in range(NBUF):
            start_gather(b, b)

        for b in range(NBUF):
            wait_gather(b, b)
            transpose_add(b, b)
            start_out(b, b)
            start_gather(b, b + NBUF)

        @pl.loop(0, seq // NBUF - 2)
        def outer(o):
            for b in range(NBUF):
                i = NBUF + o * NBUF + b
                wait_gather(b, i)
                transpose_add(b, i)
                wait_out(b, i - NBUF)
                start_out(b, i)
                start_gather(b, i + NBUF)

        for b in range(NBUF):
            i = seq - NBUF + b
            wait_gather(b, i)
            transpose_add(b, i)
            wait_out(b, i - NBUF)
            start_out(b, i)

        for b in range(NBUF):
            wait_out(b, seq - NBUF + b)

    return k(xt, table, pe2)


def kernel(x, table, pe):
    b, s = x.shape
    n_workers = b // BTILE
    xt = x.T
    pe2 = pe[0, :s, :]
    out_phys = _sc_embed_add(xt, table, pe2, n_workers=n_workers, seq=s)
    return out_phys.transpose(2, 4, 0, 1, 3).reshape(b, s, D)

# --- scband reference (transcript-rebuilt; emitter-appended) ---
"""Pipeline reference for scband-positional-word-embedding-44976897523767 (READ-ONLY COPY).

The authoritative reference and input builder live on the scoring server;
editing this copy changes nothing except your own understanding.
"""

import jax, jax.numpy as jnp
import numpy as np
import math

D_MODEL = 64
VOCAB = 100000
MAX_LEN = 5000
BATCH = 4096
SEQ = 200


def _build_pe():
    position = np.arange(0, MAX_LEN, dtype=np.float32)[:, None]
    div_term = np.exp(np.arange(0, D_MODEL, 2, dtype=np.float32) * -(math.log(10000.0) / D_MODEL))
    pe = np.zeros((MAX_LEN, D_MODEL), dtype=np.float32)
    pe[:, 0::2] = np.sin(position * div_term)
    pe[:, 1::2] = np.cos(position * div_term)
    return jnp.asarray(pe[None, :, :])  # [1, max_len, d_model]


def setup_inputs(seed: int = 0) -> dict:
    key = jax.random.key(seed)
    k1, k2 = jax.random.split(key)
    x = jax.random.randint(k1, (BATCH, SEQ), 0, VOCAB, dtype=jnp.int32)
    table = jax.random.normal(k2, (VOCAB, D_MODEL), dtype=jnp.float32)
    pe = _build_pe()
    return {"x": x, "table": table, "pe": pe}


def reference(x, table, pe):
    # pe[:, :x.size(1)] + embedding(x)
    seq_len = x.shape[1]
    emb = jnp.take(table, x, axis=0)  # [B, S, D] gather (SparseCore embedding lookup)
    return pe[:, :seq_len, :] + emb

if __name__ == "__main__":
    import jax
    _d = setup_inputs()
    print(jax.jit(kernel)(*tuple(_d.values())))

</pallas_src>

<mosaic_0001>
#map = affine_map<(d0, d1) -> (0, 0)>
#map1 = affine_map<(d0, d1) -> (0, 0, 0, 0, 0)>
module attributes {stable_mosaic.version = 14 : i64} {
  func.func @k(%arg0: i32, %arg1: i32, %arg2: memref<200x4096xi32, #tpu.memory_space<hbm>>, %arg3: memref<100000x64xf32, #tpu.memory_space<hbm>>, %arg4: memref<200x64xf32, #tpu.memory_space<hbm>>, %arg5: memref<200x8x32x8x128xf32, #tpu.memory_space<hbm>>, %arg6: memref<200x128xi32, #tpu.memory_space<vmem>>, %arg7: memref<200x64xf32, #tpu.memory_space<vmem>>, %arg8: memref<128x64xf32, #tpu.memory_space<vmem>>, %arg9: memref<128x64xf32, #tpu.memory_space<vmem>>, %arg10: memref<128x64xf32, #tpu.memory_space<vmem>>, %arg11: memref<128x64xf32, #tpu.memory_space<vmem>>, %arg12: memref<8x8x129xf32, #tpu.memory_space<vmem>>, %arg13: memref<8x8x129xf32, #tpu.memory_space<vmem>>, %arg14: memref<8x8x129xf32, #tpu.memory_space<vmem>>, %arg15: memref<8x8x129xf32, #tpu.memory_space<vmem>>, %arg16: memref<!tpu.dma_semaphore, #tpu.memory_space<semaphore_mem>>, %arg17: memref<!tpu.dma_semaphore, #tpu.memory_space<semaphore_mem>>, %arg18: memref<!tpu.dma_semaphore, #tpu.memory_space<semaphore_mem>>, %arg19: memref<!tpu.dma_semaphore, #tpu.memory_space<semaphore_mem>>, %arg20: memref<!tpu.dma_semaphore, #tpu.memory_space<semaphore_mem>>, %arg21: memref<!tpu.dma_semaphore, #tpu.memory_space<semaphore_mem>>, %arg22: memref<!tpu.dma_semaphore, #tpu.memory_space<semaphore_mem>>, %arg23: memref<!tpu.dma_semaphore, #tpu.memory_space<semaphore_mem>>) attributes {dimension_semantics = [#tpu.dimension_semantics<core_parallel>, #tpu.dimension_semantics<subcore_parallel>], iteration_bounds = array<i64: 2, 16>, scalar_prefetch = 0 : i64, scratch_operands = 18 : i64, tpu.core_type = #tpu.core_type<sc_vector_subcore>, window_params = [{transform_indices = #map}, {transform_indices = #map}, {transform_indices = #map}, {transform_indices = #map1}]} {
    %mul3A = arith.constant 2 : i32
    %mul3A_0 = arith.muli %arg1, %mul3A : i32
    %add3A = arith.addi %mul3A_0, %arg0 : i32
    %mul3A_1 = arith.constant 128 : i32
    %mul3A_2 = arith.muli %add3A, %mul3A_1 : i32
    "tpu.region"() ({
      %run_scoped3A = tpu.sem_alloc : memref<!tpu.dma_semaphore, #tpu.memory_space<semaphore_mem>>
      %dma_start3A_881 = arith.constant 0 : i32
      %dma_start3A_882 = tpu.memref_slice %arg2[%dma_start3A_881, %mul3A_2] : memref<200x4096xi32, #tpu.memory_space<hbm>> -> memref<200x128xi32, #tpu.memory_space<hbm>>
      %dma_start3A_883 = arith.constant 0 : i32
      %dma_start3A_884 = tpu.memref_slice %arg2[%dma_start3A_883, %mul3A_2] : memref<200x4096xi32, #tpu.memory_space<hbm>> -> memref<200x128xi32, #tpu.memory_space<hbm>>
      tpu.enqueue_dma source(%dma_start3A_884 : memref<200x128xi32, #tpu.memory_space<hbm>>) target(%arg6 : memref<200x128xi32, #tpu.memory_space<vmem>>) target_semaphore(%run_scoped3A : memref<!tpu.dma_semaphore, #tpu.memory_space<semaphore_mem>>)
      %dma_wait3A_885 = arith.constant 0 : i32
      %dma_wait3A_886 = tpu.memref_slice %arg2[%dma_wait3A_885, %mul3A_2] : memref<200x4096xi32, #tpu.memory_space<hbm>> -> memref<200x128xi32, #tpu.memory_space<hbm>>
      %dma_wait3A_887 = arith.constant 0 : i32
      %dma_wait3A_888 = tpu.memref_slice %arg2[%dma_wait3A_887, %mul3A_2] : memref<200x4096xi32, #tpu.memory_space<hbm>> -> memref<200x128xi32, #tpu.memory_space<hbm>>
      tpu.wait_dma2 semaphore(%run_scoped3A : memref<!tpu.dma_semaphore, #tpu.memory_space<semaphore_mem>>) src(%dma_wait3A_888 : memref<200x128xi32, #tpu.memory_space<hbm>>) dst(%arg6 : memref<200x128xi32, #tpu.memory_space<vmem>>)
      tpu.yield
    }) : () -> ()
    "tpu.region"() ({
      %run_scoped3A = tpu.sem_alloc : memref<!tpu.dma_semaphore, #tpu.memory_space<semaphore_mem>>
      tpu.enqueue_dma source(%arg4 : memref<200x64xf32, #tpu.memory_space<hbm>>) target(%arg7 : memref<200x64xf32, #tpu.memory_space<vmem>>) target_semaphore(%run_scoped3A : memref<!tpu.dma_semaphore, #tpu.memory_space<semaphore_mem>>)
      tpu.wait_dma2 semaphore(%run_scoped3A : memref<!tpu.dma_semaphore, #tpu.memory_space<semaphore_mem>>) src(%arg4 : memref<200x64xf32, #tpu.memory_space<hbm>>) dst(%arg7 : memref<200x64xf32, #tpu.memory_space<vmem>>)
      tpu.yield
    }) : () -> ()
    %dma_start3A = arith.constant 0 : i32
    %dma_start3A_3 = arith.constant 0 : i32
    %dma_start3A_4 = tpu.memref_slice %arg6[%dma_start3A, %dma_start3A_3] : memref<200x128xi32, #tpu.memory_space<vmem>> -> memref<1x128xi32, #tpu.memory_space<vmem>>
    %dma_start3A_5 = tpu.memref_squeeze %dma_start3A_4 : memref<1x128xi32, #tpu.memory_space<vmem>> -> memref<128xi32, #tpu.memory_space<vmem>>
    %dma_start3A_6 = arith.constant 0 : i32
    %dma_start3A_7 = arith.constant 0 : i32
    %dma_start3A_8 = tpu.memref_slice %arg3[%dma_start3A_6, %dma_start3A_7] : memref<100000x64xf32, #tpu.memory_space<hbm>> -> memref<100000x64xf32, #tpu.memory_space<hbm>>
    tpu.enqueue_indirect_dma source(%dma_start3A_8 : memref<100000x64xf32, #tpu.memory_space<hbm>>) target(%arg8 : memref<128x64xf32, #tpu.memory_space<vmem>>) offsets(%dma_start3A_5 : memref<128xi32, #tpu.memory_space<vmem>>) semaphore(%arg16 : memref<!tpu.dma_semaphore, #tpu.memory_space<semaphore_mem>>)
    %dma_start3A_9 = arith.constant 1 : i32
    %dma_start3A_10 = arith.constant 0 : i32
    %dma_start3A_11 = tpu.memref_slice %arg6[%dma_start3A_9, %dma_start3A_10] : memref<200x128xi32, #tpu.memory_space<vmem>> -> memref<1x128xi32, #tpu.memory_space<vmem>>
    %dma_start3A_12 = tpu.memref_squeeze %dma_start3A_11 : memref<1x128xi32, #tpu.memory_space<vmem>> -> memref<128xi32, #tpu.memory_space<vmem>>
    %dma_start3A_13 = arith.constant 0 : i32
    %dma_start3A_14 = arith.constant 0 : i32
    %dma_start3A_15 = tpu.memref_slice %arg3[%dma_start3A_13, %dma_start3A_14] : memref<100000x64xf32, #tpu.memory_space<hbm>> -> memref<100000x64xf32, #tpu.memory_space<hbm>>
    tpu.enqueue_indirect_dma source(%dma_start3A_15 : memref<100000x64xf32, #tpu.memory_space<hbm>>) target(%arg9 : memref<128x64xf32, #tpu.memory_space<vmem>>) offsets(%dma_start3A_12 : memref<128xi32, #tpu.memory_space<vmem>>) semaphore(%arg17 : memref<!tpu.dma_semaphore, #tpu.memory_space<semaphore_mem>>)
    %dma_start3A_16 = arith.constant 2 : i32
    %dma_start3A_17 = arith.constant 0 : i32
    %dma_start3A_18 = tpu.memref_slice %arg6[%dma_start3A_16, %dma_start3A_17] : memref<200x128xi32, #tpu.memory_space<vmem>> -> memref<1x128xi32, #tpu.memory_space<vmem>>
    %dma_start3A_19 = tpu.memref_squeeze %dma_start3A_18 : memref<1x128xi32, #tpu.memory_space<vmem>> -> memref<128xi32, #tpu.memory_space<vmem>>
    %dma_start3A_20 = arith.constant 0 : i32
    %dma_start3A_21 = arith.constant 0 : i32
    %dma_start3A_22 = tpu.memref_slice %arg3[%dma_start3A_20, %dma_start3A_21] : memref<100000x64xf32, #tpu.memory_space<hbm>> -> memref<100000x64xf32, #tpu.memory_space<hbm>>
    tpu.enqueue_indirect_dma source(%dma_start3A_22 : memref<100000x64xf32, #tpu.memory_space<hbm>>) target(%arg10 : memref<128x64xf32, #tpu.memory_space<vmem>>) offsets(%dma_start3A_19 : memref<128xi32, #tpu.memory_space<vmem>>) semaphore(%arg18 : memref<!tpu.dma_semaphore, #tpu.memory_space<semaphore_mem>>)
    %dma_start3A_23 = arith.constant 3 : i32
    %dma_start3A_24 = arith.constant 0 : i32
    %dma_start3A_25 = tpu.memref_slice %arg6[%dma_start3A_23, %dma_start3A_24] : memref<200x128xi32, #tpu.memory_space<vmem>> -> memref<1x128xi32, #tpu.memory_space<vmem>>
    %dma_start3A_26 = tpu.memref_squeeze %dma_start3A_25 : memref<1x128xi32, #tpu.memory_space<vmem>> -> memref<128xi32, #tpu.memory_space<vmem>>
    %dma_start3A_27 = arith.constant 0 : i32
    %dma_start3A_28 = arith.constant 0 : i32
    %dma_start3A_29 = tpu.memref_slice %arg3[%dma_start3A_27, %dma_start3A_28] : memref<100000x64xf32, #tpu.memory_space<hbm>> -> memref<100000x64xf32, #tpu.memory_space<hbm>>
    tpu.enqueue_indirect_dma source(%dma_start3A_29 : memref<100000x64xf32, #tpu.memory_space<hbm>>) target(%arg11 : memref<128x64xf32, #tpu.memory_space<vmem>>) offsets(%dma_start3A_26 : memref<128xi32, #tpu.memory_space<vmem>>) semaphore(%arg19 : memref<!tpu.dma_semaphore, #tpu.memory_space<semaphore_mem>>)
    %dma_wait3A = arith.constant 0 : i32
    %dma_wait3A_30 = arith.constant 0 : i32
    %dma_wait3A_31 = tpu.memref_slice %arg6[%dma_wait3A, %dma_wait3A_30] : memref<200x128xi32, #tpu.memory_space<vmem>> -> memref<1x128xi32, #tpu.memory_space<vmem>>
    %dma_wait3A_32 = tpu.memref_squeeze %dma_wait3A_31 : memref<1x128xi32, #tpu.memory_space<vmem>> -> memref<128xi32, #tpu.memory_space<vmem>>
    %dma_wait3A_33 = arith.constant 0 : i32
    %dma_wait3A_34 = arith.constant 0 : i32
    %dma_wait3A_35 = tpu.memref_slice %arg3[%dma_wait3A_33, %dma_wait3A_34] : memref<100000x64xf32, #tpu.memory_space<hbm>> -> memref<100000x64xf32, #tpu.memory_space<hbm>>
    tpu.wait_indirect_dma semaphore(%arg16 : memref<!tpu.dma_semaphore, #tpu.memory_space<semaphore_mem>>) src(%dma_wait3A_35 : memref<100000x64xf32, #tpu.memory_space<hbm>>) dst(%arg8 : memref<128x64xf32, #tpu.memory_space<vmem>>)
    %iota3A = tpu.iota {dimensions = array<i32: 0>} : vector<16xi32>
    %get3A = arith.constant 0 : i32
    %get3A_36 = arith.index_cast %get3A : i32 to index
    %get3A_37 = arith.constant 0 : index
    %get3A_38 = tpu.vector_load %arg7[%get3A_36, %get3A_37] {strides = array<i32>} : memref<200x64xf32, #tpu.memory_space<vmem>>, vector<16xf32>,
    %get3A_39 = arith.constant 0 : i32
    %get3A_40 = arith.index_cast %get3A_39 : i32 to index
    %get3A_41 = arith.constant 16 : index
    %get3A_42 = tpu.vector_load %arg7[%get3A_40, %get3A_41] {strides = array<i32>} : memref<200x64xf32, #tpu.memory_space<vmem>>, vector<16xf32>,
    %get3A_43 = arith.constant 0 : i32
    %get3A_44 = arith.index_cast %get3A_43 : i32 to index
    %get3A_45 = arith.constant 32 : index
    %get3A_46 = tpu.vector_load %arg7[%get3A_44, %get3A_45] {strides = array<i32>} : memref<200x64xf32, #tpu.memory_space<vmem>>, vector<16xf32>,
    %get3A_47 = arith.constant 0 : i32
    %get3A_48 = arith.index_cast %get3A_47 : i32 to index
    %get3A_49 = arith.constant 48 : index
    %get3A_50 = tpu.vector_load %arg7[%get3A_48, %get3A_49] {strides = array<i32>} : memref<200x64xf32, #tpu.memory_space<vmem>>, vector<16xf32>,
    %add3A_51 = arith.constant 0 : i32
    %add3A_52 = vector.broadcast %add3A_51 : i32 to vector<16xi32>
    %add3A_53 = arith.addi %iota3A, %add3A_52 : vector<16xi32>
    %add3A_54 = arith.constant 16 : i32
    %add3A_55 = vector.broadcast %add3A_54 : i32 to vector<16xi32>
    %add3A_56 = arith.addi %iota3A, %add3A_55 : vector<16xi32>
    %add3A_57 = arith.constant 32 : i32
    %add3A_58 = vector.broadcast %add3A_57 : i32 to vector<16xi32>
    %add3A_59 = arith.addi %iota3A, %add3A_58 : vector<16xi32>
    %add3A_60 = arith.constant 48 : i32
    %add3A_61 = vector.broadcast %add3A_60 : i32 to vector<16xi32>
    %add3A_62 = arith.addi %iota3A, %add3A_61 : vector<16xi32>
    %shift_right_arithmetic3A = arith.constant 3 : i32
    %shift_right_arithmetic3A_63 = vector.broadcast %shift_right_arithmetic3A : i32 to vector<16xi32>
    %shift_right_arithmetic3A_64 = arith.shrsi %add3A_53, %shift_right_arithmetic3A_63 : vector<16xi32>
    %shift_right_arithmetic3A_65 = arith.constant 3 : i32
    %shift_right_arithmetic3A_66 = vector.broadcast %shift_right_arithmetic3A_65 : i32 to vector<16xi32>
    %shift_right_arithmetic3A_67 = arith.shrsi %add3A_56, %shift_right_arithmetic3A_66 : vector<16xi32>
    %shift_right_arithmetic3A_68 = arith.constant 3 : i32
    %shift_right_arithmetic3A_69 = vector.broadcast %shift_right_arithmetic3A_68 : i32 to vector<16xi32>
    %shift_right_arithmetic3A_70 = arith.shrsi %add3A_59, %shift_right_arithmetic3A_69 : vector<16xi32>
    %shift_right_arithmetic3A_71 = arith.constant 3 : i32
    %shift_right_arithmetic3A_72 = vector.broadcast %shift_right_arithmetic3A_71 : i32 to vector<16xi32>
    %shift_right_arithmetic3A_73 = arith.shrsi %add3A_62, %shift_right_arithmetic3A_72 : vector<16xi32>
    %and3A = arith.constant 7 : i32
    %and3A_74 = vector.broadcast %and3A : i32 to vector<16xi32>
    %and3A_75 = arith.andi %add3A_53, %and3A_74 : vector<16xi32>
    %and3A_76 = arith.constant 7 : i32
    %and3A_77 = vector.broadcast %and3A_76 : i32 to vector<16xi32>
    %and3A_78 = arith.andi %add3A_56, %and3A_77 : vector<16xi32>
    %and3A_79 = arith.constant 7 : i32
    %and3A_80 = vector.broadcast %and3A_79 : i32 to vector<16xi32>
    %and3A_81 = arith.andi %add3A_59, %and3A_80 : vector<16xi32>
    %and3A_82 = arith.constant 7 : i32
    %and3A_83 = vector.broadcast %and3A_82 : i32 to vector<16xi32>
    %and3A_84 = arith.andi %add3A_62, %and3A_83 : vector<16xi32>
    %scan3A = arith.constant 0 : i32
    %scan3A_85 = arith.constant 128 : i32
    %scan3A_86 = arith.addi %scan3A, %scan3A_85 : i32
    %scan3A_87 = arith.constant 4 : i32
    scf.for %scan3A_881 = %scan3A to %scan3A_86 step %scan3A_87  : i32 {
      %mul3A_882 = arith.constant 1 : i32
      %mul3A_883 = arith.muli %scan3A_881, %mul3A_882 : i32
      %add3A_884 = arith.constant 0 : i32
      %add3A_885 = arith.addi %add3A_884, %mul3A_883 : i32
      %broadcast_in_dim3A = vector.broadcast %add3A_885 : i32 to vector<16xi32>
      %get3A_886 = arith.index_cast %add3A_885 : i32 to index
      %get3A_887 = arith.constant 0 : index
      %get3A_888 = tpu.vector_load %arg8[%get3A_886, %get3A_887] {strides = array<i32>} : memref<128x64xf32, #tpu.memory_space<vmem>>, vector<16xf32>,
      %add3A_889 = arith.addf %get3A_888, %get3A_38 : vector<16xf32>
      tpu.vector_store_idx %arg12[%shift_right_arithmetic3A_64, %and3A_75, %broadcast_in_dim3A], %add3A_889 : memref<8x8x129xf32, #tpu.memory_space<vmem>>[vector<16xi32>, vector<16xi32>, vector<16xi32>], vector<16xf32>,
      %get3A_890 = arith.index_cast %add3A_885 : i32 to index
      %get3A_891 = arith.constant 16 : index
      %get3A_892 = tpu.vector_load %arg8[%get3A_890, %get3A_891] {strides = array<i32>} : memref<128x64xf32, #tpu.memory_space<vmem>>, vector<16xf32>,
      %add3A_893 = arith.addf %get3A_892, %get3A_42 : vector<16xf32>
      tpu.vector_store_idx %arg12[%shift_right_arithmetic3A_67, %and3A_78, %broadcast_in_dim3A], %add3A_893 : memref<8x8x129xf32, #tpu.memory_space<vmem>>[vector<16xi32>, vector<16xi32>, vector<16xi32>], vector<16xf32>,
      %get3A_894 = arith.index_cast %add3A_885 : i32 to index
      %get3A_895 = arith.constant 32 : index
      %get3A_896 = tpu.vector_load %arg8[%get3A_894, %get3A_895] {strides = array<i32>} : memref<128x64xf32, #tpu.memory_space<vmem>>, vector<16xf32>,
      %add3A_897 = arith.addf %get3A_896, %get3A_46 : vector<16xf32>
      tpu.vector_store_idx %arg12[%shift_right_arithmetic3A_70, %and3A_81, %broadcast_in_dim3A], %add3A_897 : memref<8x8x129xf32, #tpu.memory_space<vmem>>[vector<16xi32>, vector<16xi32>, vector<16xi32>], vector<16xf32>,
      %get3A_898 = arith.index_cast %add3A_885 : i32 to index
      %get3A_899 = arith.constant 48 : index
      %get3A_900 = tpu.vector_load %arg8[%get3A_898, %get3A_899] {strides = array<i32>} : memref<128x64xf32, #tpu.memory_space<vmem>>, vector<16xf32>,
      %add3A_901 = arith.addf %get3A_900, %get3A_50 : vector<16xf32>
      tpu.vector_store_idx %arg12[%shift_right_arithmetic3A_73, %and3A_84, %broadcast_in_dim3A], %add3A_901 : memref<8x8x129xf32, #tpu.memory_space<vmem>>[vector<16xi32>, vector<16xi32>, vector<16xi32>], vector<16xf32>,
      %scan3A_902 = arith.constant 1 : i32
      %scan3A_903 = arith.addi %scan3A_881, %scan3A_902 : i32
      %mul3A_904 = arith.constant 1 : i32
      %mul3A_905 = arith.muli %scan3A_903, %mul3A_904 : i32
      %add3A_906 = arith.constant 0 : i32
      %add3A_907 = arith.addi %add3A_906, %mul3A_905 : i32
      %broadcast_in_dim3A_908 = vector.broadcast %add3A_907 : i32 to vector<16xi32>
      %get3A_909 = arith.index_cast %add3A_907 : i32 to index
      %get3A_910 = arith.constant 0 : index
      %get3A_911 = tpu.vector_load %arg8[%get3A_909, %get3A_910] {strides = array<i32>} : memref<128x64xf32, #tpu.memory_space<vmem>>, vector<16xf32>,
      %add3A_912 = arith.addf %get3A_911, %get3A_38 : vector<16xf32>
      tpu.vector_store_idx %arg12[%shift_right_arithmetic3A_64, %and3A_75, %broadcast_in_dim3A_908], %add3A_912 : memref<8x8x129xf32, #tpu.memory_space<vmem>>[vector<16xi32>, vector<16xi32>, vector<16xi32>], vector<16xf32>,
      %get3A_913 = arith.index_cast %add3A_907 : i32 to index
      %get3A_914 = arith.constant 16 : index
      %get3A_915 = tpu.vector_load %arg8[%get3A_913, %get3A_914] {strides = array<i32>} : memref<128x64xf32, #tpu.memory_space<vmem>>, vector<16xf32>,
      %add3A_916 = arith.addf %get3A_915, %get3A_42 : vector<16xf32>
      tpu.vector_store_idx %arg12[%shift_right_arithmetic3A_67, %and3A_78, %broadcast_in_dim3A_908], %add3A_916 : memref<8x8x129xf32, #tpu.memory_space<vmem>>[vector<16xi32>, vector<16xi32>, vector<16xi32>], vector<16xf32>,
      %get3A_917 = arith.index_cast %add3A_907 : i32 to index
      %get3A_918 = arith.constant 32 : index
      %get3A_919 = tpu.vector_load %arg8[%get3A_917, %get3A_918] {strides = array<i32>} : memref<128x64xf32, #tpu.memory_space<vmem>>, vector<16xf32>,
      %add3A_920 = arith.addf %get3A_919, %get3A_46 : vector<16xf32>
      tpu.vector_store_idx %arg12[%shift_right_arithmetic3A_70, %and3A_81, %broadcast_in_dim3A_908], %add3A_920 : memref<8x8x129xf32, #tpu.memory_space<vmem>>[vector<16xi32>, vector<16xi32>, vector<16xi32>], vector<16xf32>,
      %get3A_921 = arith.index_cast %add3A_907 : i32 to index
      %get3A_922 = arith.constant 48 : index
      %get3A_923 = tpu.vector_load %arg8[%get3A_921, %get3A_922] {strides = array<i32>} : memref<128x64xf32, #tpu.memory_space<vmem>>, vector<16xf32>,
      %add3A_924 = arith.addf %get3A_923, %get3A_50 : vector<16xf32>
      tpu.vector_store_idx %arg12[%shift_right_arithmetic3A_73, %and3A_84, %broadcast_in_dim3A_908], %add3A_924 : memref<8x8x129xf32, #tpu.memory_space<vmem>>[vector<16xi32>, vector<16xi32>, vector<16xi32>], vector<16xf32>,
      %scan3A_925 = arith.constant 2 : i32
      %scan3A_926 = arith.addi %scan3A_881, %scan3A_925 : i32
      %mul3A_927 = arith.constant 1 : i32
      %mul3A_928 = arith.muli %scan3A_926, %mul3A_927 : i32
      %add3A_929 = arith.constant 0 : i32
      %add3A_930 = arith.addi %add3A_929, %mul3A_928 : i32
      %broadcast_in_dim3A_931 = vector.broadcast %add3A_930 : i32 to vector<16xi32>
      %get3A_932 = arith.index_cast %add3A_930 : i32 to index
      %get3A_933 = arith.constant 0 : index
      %get3A_934 = tpu.vector_load %arg8[%get3A_932, %get3A_933] {strides = array<i32>} : memref<128x64xf32, #tpu.memory_space<vmem>>, vector<16xf32>,
      %add3A_935 = arith.addf %get3A_934, %get3A_38 : vector<16xf32>
      tpu.vector_store_idx %arg12[%shift_right_arithmetic3A_64, %and3A_75, %broadcast_in_dim3A_931], %add3A_935 : memref<8x8x129xf32, #tpu.memory_space<vmem>>[vector<16xi32>, vector<16xi32>, vector<16xi32>], vector<16xf32>,
      %get3A_936 = arith.index_cast %add3A_930 : i32 to index
      %get3A_937 = arith.constant 16 : index
      %get3A_938 = tpu.vector_load %arg8[%get3A_936, %get3A_937] {strides = array<i32>} : memref<128x64xf32, #tpu.memory_space<vmem>>, vector<16xf32>,
      %add3A_939 = arith.addf %get3A_938, %get3A_42 : vector<16xf32>
      tpu.vector_store_idx %arg12[%shift_right_arithmetic3A_67, %and3A_78, %broadcast_in_dim3A_931], %add3A_939 : memref<8x8x129xf32, #tpu.memory_space<vmem>>[vector<16xi32>, vector<16xi32>, vector<16xi32>], vector<16xf32>,
      %get3A_940 = arith.index_cast %add3A_930 : i32 to index
      %get3A_941 = arith.constant 32 : index
      %get3A_942 = tpu.vector_load %arg8[%get3A_940, %get3A_941] {strides = array<i32>} : memref<128x64xf32, #tpu.memory_space<vmem>>, vector<16xf32>,
      %add3A_943 = arith.addf %get3A_942, %get3A_46 : vector<16xf32>
      tpu.vector_store_idx %arg12[%shift_right_arithmetic3A_70, %and3A_81, %broadcast_in_dim3A_931], %add3A_943 : memref<8x8x129xf32, #tpu.memory_space<vmem>>[vector<16xi32>, vector<16xi32>, vector<16xi32>], vector<16xf32>,
      %get3A_944 = arith.index_cast %add3A_930 : i32 to index
      %get3A_945 = arith.constant 48 : index
      %get3A_946 = tpu.vector_load %arg8[%get3A_944, %get3A_945] {strides = array<i32>} : memref<128x64xf32, #tpu.memory_space<vmem>>, vector<16xf32>,
      %add3A_947 = arith.addf %get3A_946, %get3A_50 : vector<16xf32>
      tpu.vector_store_idx %arg12[%shift_right_arithmetic3A_73, %and3A_84, %broadcast_in_dim3A_931], %add3A_947 : memref<8x8x129xf32, #tpu.memory_space<vmem>>[vector<16xi32>, vector<16xi32>, vector<16xi32>], vector<16xf32>,
      %scan3A_948 = arith.constant 3 : i32
      %scan3A_949 = arith.addi %scan3A_881, %scan3A_948 : i32
      %mul3A_950 = arith.constant 1 : i32
      %mul3A_951 = arith.muli %scan3A_949, %mul3A_950 : i32
      %add3A_952 = arith.constant 0 : i32
      %add3A_953 = arith.addi %add3A_952, %mul3A_951 : i32
      %broadcast_in_dim3A_954 = vector.broadcast %add3A_953 : i32 to vector<16xi32>
      %get3A_955 = arith.index_cast %add3A_953 : i32 to index
      %get3A_956 = arith.constant 0 : index
      %get3A_957 = tpu.vector_load %arg8[%get3A_955, %get3A_956] {strides = array<i32>} : memref<128x64xf32, #tpu.memory_space<vmem>>, vector<16xf32>,
      %add3A_958 = arith.addf %get3A_957, %get3A_38 : vector<16xf32>
      tpu.vector_store_idx %arg12[%shift_right_arithmetic3A_64, %and3A_75, %broadcast_in_dim3A_954], %add3A_958 : memref<8x8x129xf32, #tpu.memory_space<vmem>>[vector<16xi32>, vector<16xi32>, vector<16xi32>], vector<16xf32>,
      %get3A_959 = arith.index_cast %add3A_953 : i32 to index
      %get3A_960 = arith.constant 16 : index
      %get3A_961 = tpu.vector_load %arg8[%get3A_959, %get3A_960] {strides = array<i32>} : memref<128x64xf32, #tpu.memory_space<vmem>>, vector<16xf32>,
      %add3A_962 = arith.addf %get3A_961, %get3A_42 : vector<16xf32>
      tpu.vector_store_idx %arg12[%shift_right_arithmetic3A_67, %and3A_78, %broadcast_in_dim3A_954], %add3A_962 : memref<8x8x129xf32, #tpu.memory_space<vmem>>[vector<16xi32>, vector<16xi32>, vector<16xi32>], vector<16xf32>,
      %get3A_963 = arith.index_cast %add3A_953 : i32 to index
      %get3A_964 = arith.constant 32 : index
      %get3A_965 = tpu.vector_load %arg8[%get3A_963, %get3A_964] {strides = array<i32>} : memref<128x64xf32, #tpu.memory_space<vmem>>, vector<16xf32>,
      %add3A_966 = arith.addf %get3A_965, %get3A_46 : vector<16xf32>
      tpu.vector_store_idx %arg12[%shift_right_arithmetic3A_70, %and3A_81, %broadcast_in_dim3A_954], %add3A_966 : memref<8x8x129xf32, #tpu.memory_space<vmem>>[vector<16xi32>, vector<16xi32>, vector<16xi32>], vector<16xf32>,
      %get3A_967 = arith.index_cast %add3A_953 : i32 to index
      %get3A_968 = arith.constant 48 : index
      %get3A_969 = tpu.vector_load %arg8[%get3A_967, %get3A_968] {strides = array<i32>} : memref<128x64xf32, #tpu.memory_space<vmem>>, vector<16xf32>,
      %add3A_970 = arith.addf %get3A_969, %get3A_50 : vector<16xf32>
      tpu.vector_store_idx %arg12[%shift_right_arithmetic3A_73, %and3A_84, %broadcast_in_dim3A_954], %add3A_970 : memref<8x8x129xf32, #tpu.memory_space<vmem>>[vector<16xi32>, vector<16xi32>, vector<16xi32>], vector<16xf32>,
    }
    %scan3A_88 = arith.constant 128 : i32
    %dma_start3A_89 = arith.constant 0 : i32
    %dma_start3A_90 = arith.constant 0 : i32
    %dma_start3A_91 = arith.constant 0 : i32
    %dma_start3A_92 = arith.constant 0 : i32
    %dma_start3A_93 = tpu.memref_slice %arg12[%dma_start3A_90, %dma_start3A_91, %dma_start3A_92] : memref<8x8x129xf32, #tpu.memory_space<vmem>> -> memref<8x8x128xf32, #tpu.memory_space<vmem>>
    %dma_start3A_94 = arith.constant 0 : i32
    %dma_start3A_95 = arith.constant 0 : i32
    %dma_start3A_96 = arith.constant 0 : i32
    %dma_start3A_97 = tpu.memref_slice %arg5[%dma_start3A_89, %dma_start3A_94, %add3A, %dma_start3A_95, %dma_start3A_96] : memref<200x8x32x8x128xf32, #tpu.memory_space<hbm>> -> memref<1x8x1x8x128xf32, #tpu.memory_space<hbm>>
    %dma_start3A_98 = tpu.memref_squeeze %dma_start3A_97 : memref<1x8x1x8x128xf32, #tpu.memory_space<hbm>> -> memref<8x8x128xf32, #tpu.memory_space<hbm>>
    %dma_start3A_99 = arith.constant 0 : i32
    %dma_start3A_100 = arith.constant 0 : i32
    %dma_start3A_101 = arith.constant 0 : i32
    %dma_start3A_102 = tpu.memref_slice %arg5[%dma_start3A_89, %dma_start3A_99, %add3A, %dma_start3A_100, %dma_start3A_101] : memref<200x8x32x8x128xf32, #tpu.memory_space<hbm>> -> memref<1x8x1x8x128xf32, #tpu.memory_space<hbm>>
    %dma_start3A_103 = tpu.memref_squeeze %dma_start3A_102 : memref<1x8x1x8x128xf32, #tpu.memory_space<hbm>> -> memref<8x8x128xf32, #tpu.memory_space<hbm>>
    %dma_start3A_104 = arith.constant 0 : i32
    %dma_start3A_105 = arith.constant 0 : i32
    %dma_start3A_106 = arith.constant 0 : i32
    %dma_start3A_107 = tpu.memref_slice %arg12[%dma_start3A_104, %dma_start3A_105, %dma_start3A_106] : memref<8x8x129xf32, #tpu.memory_space<vmem>> -> memref<8x8x128xf32, #tpu.memory_space<vmem>>
    tpu.enqueue_dma source(%dma_start3A_107 : memref<8x8x128xf32, #tpu.memory_space<vmem>>) target(%dma_start3A_103 : memref<8x8x128xf32, #tpu.memory_space<hbm>>) target_semaphore(%arg20 : memref<!tpu.dma_semaphore, #tpu.memory_space<semaphore_mem>>)
    %dma_start3A_108 = arith.constant 4 : i32
    %dma_start3A_109 = arith.constant 0 : i32
    %dma_start3A_110 = tpu.memref_slice %arg6[%dma_start3A_108, %dma_start3A_109] : memref<200x128xi32, #tpu.memory_space<vmem>> -> memref<1x128xi32, #tpu.memory_space<vmem>>
    %dma_start3A_111 = tpu.memref_squeeze %dma_start3A_110 : memref<1x128xi32, #tpu.memory_space<vmem>> -> memref<128xi32, #tpu.memory_space<vmem>>
    %dma_start3A_112 = arith.constant 0 : i32
    %dma_start3A_113 = arith.constant 0 : i32
    %dma_start3A_114 = tpu.memref_slice %arg3[%dma_start3A_112, %dma_start3A_113] : memref<100000x64xf32, #tpu.memory_space<hbm>> -> memref<100000x64xf32, #tpu.memory_space<hbm>>
    tpu.enqueue_indirect_dma source(%dma_start3A_114 : memref<100000x64xf32, #tpu.memory_space<hbm>>) target(%arg8 : memref<128x64xf32, #tpu.memory_space<vmem>>) offsets(%dma_start3A_111 : memref<128xi32, #tpu.memory_space<vmem>>) semaphore(%arg16 : memref<!tpu.dma_semaphore, #tpu.memory_space<semaphore_mem>>)
    %dma_wait3A_115 = arith.constant 1 : i32
    %dma_wait3A_116 = arith.constant 0 : i32
    %dma_wait3A_117 = tpu.memref_slice %arg6[%dma_wait3A_115, %dma_wait3A_116] : memref<200x128xi32, #tpu.memory_space<vmem>> -> memref<1x128xi32, #tpu.memory_space<vmem>>
    %dma_wait3A_118 = tpu.memref_squeeze %dma_wait3A_117 : memref<1x128xi32, #tpu.memory_space<vmem>> -> memref<128xi32, #tpu.memory_space<vmem>>
    %dma_wait3A_119 = arith.constant 0 : i32
    %dma_wait3A_120 = arith.constant 0 : i32
    %dma_wait3A_121 = tpu.memref_slice %arg3[%dma_wait3A_119, %dma_wait3A_120] : memref<100000x64xf32, #tpu.memory_space<hbm>> -> memref<100000x64xf32, #tpu.memory_space<hbm>>
    tpu.wait_indirect_dma semaphore(%arg17 : memref<!tpu.dma_semaphore, #tpu.memory_space<semaphore_mem>>) src(%dma_wait3A_121 : memref<100000x64xf32, #tpu.memory_space<hbm>>) dst(%arg9 : memref<128x64xf32, #tpu.memory_space<vmem>>)
    %iota3A_122 = tpu.iota {dimensions = array<i32: 0>} : vector<16xi32>
    %get3A_123 = arith.constant 1 : i32
    %get3A_124 = arith.index_cast %get3A_123 : i32 to index
    %get3A_125 = arith.constant 0 : index
    %get3A_126 = tpu.vector_load %arg7[%get3A_124, %get3A_125] {strides = array<i32>} : memref<200x64xf32, #tpu.memory_space<vmem>>, vector<16xf32>,
    %get3A_127 = arith.constant 1 : i32
    %get3A_128 = arith.index_cast %get3A_127 : i32 to index
    %get3A_129 = arith.constant 16 : index
    %get3A_130 = tpu.vector_load %arg7[%get3A_128, %get3A_129] {strides = array<i32>} : memref<200x64xf32, #tpu.memory_space<vmem>>, vector<16xf32>,
    %get3A_131 = arith.constant 1 : i32
    %get3A_132 = arith.index_cast %get3A_131 : i32 to index
    %get3A_133 = arith.constant 32 : index
    %get3A_134 = tpu.vector_load %arg7[%get3A_132, %get3A_133] {strides = array<i32>} : memref<200x64xf32, #tpu.memory_space<vmem>>, vector<16xf32>,
    %get3A_135 = arith.constant 1 : i32
    %get3A_136 = arith.index_cast %get3A_135 : i32 to index
    %get3A_137 = arith.constant 48 : index
    %get3A_138 = tpu.vector_load %arg7[%get3A_136, %get3A_137] {strides = array<i32>} : memref<200x64xf32, #tpu.memory_space<vmem>>, vector<16xf32>,
    %add3A_139 = arith.constant 0 : i32
    %add3A_140 = vector.broadcast %add3A_139 : i32 to vector<16xi32>
    %add3A_141 = arith.addi %iota3A_122, %add3A_140 : vector<16xi32>
    %add3A_142 = arith.constant 16 : i32
    %add3A_143 = vector.broadcast %add3A_142 : i32 to vector<16xi32>
    %add3A_144 = arith.addi %iota3A_122, %add3A_143 : vector<16xi32>
    %add3A_145 = arith.constant 32 : i32
    %add3A_146 = vector.broadcast %add3A_145 : i32 to vector<16xi32>
    %add3A_147 = arith.addi %iota3A_122, %add3A_146 : vector<16xi32>
    %add3A_148 = arith.constant 48 : i32
    %add3A_149 = vector.broadcast %add3A_148 : i32 to vector<16xi32>
    %add3A_150 = arith.addi %iota3A_122, %add3A_149 : vector<16xi32>
    %shift_right_arithmetic3A_151 = arith.constant 3 : i32
    %shift_right_arithmetic3A_152 = vector.broadcast %shift_right_arithmetic3A_151 : i32 to vector<16xi32>
    %shift_right_arithmetic3A_153 = arith.shrsi %add3A_141, %shift_right_arithmetic3A_152 : vector<16xi32>
    %shift_right_arithmetic3A_154 = arith.constant 3 : i32
    %shift_right_arithmetic3A_155 = vector.broadcast %shift_right_arithmetic3A_154 : i32 to vector<16xi32>
    %shift_right_arithmetic3A_156 = arith.shrsi %add3A_144, %shift_right_arithmetic3A_155 : vector<16xi32>
    %shift_right_arithmetic3A_157 = arith.constant 3 : i32
    %shift_right_arithmetic3A_158 = vector.broadcast %shift_right_arithmetic3A_157 : i32 to vector<16xi32>
    %shift_right_arithmetic3A_159 = arith.shrsi %add3A_147, %shift_right_arithmetic3A_158 : vector<16xi32>
    %shift_right_arithmetic3A_160 = arith.constant 3 : i32
    %shift_right_arithmetic3A_161 = vector.broadcast %shift_right_arithmetic3A_160 : i32 to vector<16xi32>
    %shift_right_arithmetic3A_162 = arith.shrsi %add3A_150, %shift_right_arithmetic3A_161 : vector<16xi32>
    %and3A_163 = arith.constant 7 : i32
    %and3A_164 = vector.broadcast %and3A_163 : i32 to vector<16xi32>
    %and3A_165 = arith.andi %add3A_141, %and3A_164 : vector<16xi32>
    %and3A_166 = arith.constant 7 : i32
    %and3A_167 = vector.broadcast %and3A_166 : i32 to vector<16xi32>
    %and3A_168 = arith.andi %add3A_144, %and3A_167 : vector<16xi32>
    %and3A_169 = arith.constant 7 : i32
    %and3A_170 = vector.broadcast %and3A_169 : i32 to vector<16xi32>
    %and3A_171 = arith.andi %add3A_147, %and3A_170 : vector<16xi32>
    %and3A_172 = arith.constant 7 : i32
    %and3A_173 = vector.broadcast %and3A_172 : i32 to vector<16xi32>
    %and3A_174 = arith.andi %add3A_150, %and3A_173 : vector<16xi32>
    %scan3A_175 = arith.constant 0 : i32
    %scan3A_176 = arith.constant 128 : i32
    %scan3A_177 = arith.addi %scan3A_175, %scan3A_176 : i32
    %scan3A_178 = arith.constant 4 : i32
    scf.for %scan3A_881 = %scan3A_175 to %scan3A_177 step %scan3A_178  : i32 {
      %mul3A_882 = arith.constant 1 : i32
      %mul3A_883 = arith.muli %scan3A_881, %mul3A_882 : i32
      %add3A_884 = arith.constant 0 : i32
      %add3A_885 = arith.addi %add3A_884, %mul3A_883 : i32
      %broadcast_in_dim3A = vector.broadcast %add3A_885 : i32 to vector<16xi32>
      %get3A_886 = arith.index_cast %add3A_885 : i32 to index
      %get3A_887 = arith.constant 0 : index
      %get3A_888 = tpu.vector_load %arg9[%get3A_886, %get3A_887] {strides = array<i32>} : memref<128x64xf32, #tpu.memory_space<vmem>>, vector<16xf32>,
      %add3A_889 = arith.addf %get3A_888, %get3A_126 : vector<16xf32>
      tpu.vector_store_idx %arg13[%shift_right_arithmetic3A_153, %and3A_165, %broadcast_in_dim3A], %add3A_889 : memref<8x8x129xf32, #tpu.memory_space<vmem>>[vector<16xi32>, vector<16xi32>, vector<16xi32>], vector<16xf32>,
      %get3A_890 = arith.index_cast %add3A_885 : i32 to index
      %get3A_891 = arith.constant 16 : index
      %get3A_892 = tpu.vector_load %arg9[%get3A_890, %get3A_891] {strides = array<i32>} : memref<128x64xf32, #tpu.memory_space<vmem>>, vector<16xf32>,
      %add3A_893 = arith.addf %get3A_892, %get3A_130 : vector<16xf32>
      tpu.vector_store_idx %arg13[%shift_right_arithmetic3A_156, %and3A_168, %broadcast_in_dim3A], %add3A_893 : memref<8x8x129xf32, #tpu.memory_space<vmem>>[vector<16xi32>, vector<16xi32>, vector<16xi32>], vector<16xf32>,
      %get3A_894 = arith.index_cast %add3A_885 : i32 to index
      %get3A_895 = arith.constant 32 : index
      %get3A_896 = tpu.vector_load %arg9[%get3A_894, %get3A_895] {strides = array<i32>} : memref<128x64xf32, #tpu.memory_space<vmem>>, vector<16xf32>,
      %add3A_897 = arith.addf %get3A_896, %get3A_134 : vector<16xf32>
      tpu.vector_store_idx %arg13[%shift_right_arithmetic3A_159, %and3A_171, %broadcast_in_dim3A], %add3A_897 : memref<8x8x129xf32, #tpu.memory_space<vmem>>[vector<16xi32>, vector<16xi32>, vector<16xi32>], vector<16xf32>,
      %get3A_898 = arith.index_cast %add3A_885 : i32 to index
      %get3A_899 = arith.constant 48 : index
      %get3A_900 = tpu.vector_load %arg9[%get3A_898, %get3A_899] {strides = array<i32>} : memref<128x64xf32, #tpu.memory_space<vmem>>, vector<16xf32>,
      %add3A_901 = arith.addf %get3A_900, %get3A_138 : vector<16xf32>
      tpu.vector_store_idx %arg13[%shift_right_arithmetic3A_162, %and3A_174, %broadcast_in_dim3A], %add3A_901 : memref<8x8x129xf32, #tpu.memory_space<vmem>>[vector<16xi32>, vector<16xi32>, vector<16xi32>], vector<16xf32>,
      %scan3A_902 = arith.constant 1 : i32
      %scan3A_903 = arith.addi %scan3A_881, %scan3A_902 : i32
      %mul3A_904 = arith.constant 1 : i32
      %mul3A_905 = arith.muli %scan3A_903, %mul3A_904 : i32
      %add3A_906 = arith.constant 0 : i32
      %add3A_907 = arith.addi %add3A_906, %mul3A_905 : i32
      %broadcast_in_dim3A_908 = vector.broadcast %add3A_907 : i32 to vector<16xi32>
      %get3A_909 = arith.index_cast %add3A_907 : i32 to index
      %get3A_910 = arith.constant 0 : index
      %get3A_911 = tpu.vector_load %arg9[%get3A_909, %get3A_910] {strides = array<i32>} : memref<128x64xf32, #tpu.memory_space<vmem>>, vector<16xf32>,
      %add3A_912 = arith.addf %get3A_911, %get3A_126 : vector<16xf32>
      tpu.vector_store_idx %arg13[%shift_right_arithmetic3A_153, %and3A_165, %broadcast_in_dim3A_908], %add3A_912 : memref<8x8x129xf32, #tpu.memory_space<vmem>>[vector<16xi32>, vector<16xi32>, vector<16xi32>], vector<16xf32>,
      %get3A_913 = arith.index_cast %add3A_907 : i32 to index
      %get3A_914 = arith.constant 16 : index
      %get3A_915 = tpu.vector_load %arg9[%get3A_913, %get3A_914] {strides = array<i32>} : memref<128x64xf32, #tpu.memory_space<vmem>>, vector<16xf32>,
      %add3A_916 = arith.addf %get3A_915, %get3A_130 : vector<16xf32>
      tpu.vector_store_idx %arg13[%shift_right_arithmetic3A_156, %and3A_168, %broadcast_in_dim3A_908], %add3A_916 : memref<8x8x129xf32, #tpu.memory_space<vmem>>[vector<16xi32>, vector<16xi32>, vector<16xi32>], vector<16xf32>,
      %get3A_917 = arith.index_cast %add3A_907 : i32 to index
      %get3A_918 = arith.constant 32 : index
      %get3A_919 = tpu.vector_load %arg9[%get3A_917, %get3A_918] {strides = array<i32>} : memref<128x64xf32, #tpu.memory_space<vmem>>, vector<16xf32>,
      %add3A_920 = arith.addf %get3A_919, %get3A_134 : vector<16xf32>
      tpu.vector_store_idx %arg13[%shift_right_arithmetic3A_159, %and3A_171, %broadcast_in_dim3A_908], %add3A_920 : memref<8x8x129xf32, #tpu.memory_space<vmem>>[vector<16xi32>, vector<16xi32>, vector<16xi32>], vector<16xf32>,
      %get3A_921 = arith.index_cast %add3A_907 : i32 to index
      %get3A_922 = arith.constant 48 : index
      %get3A_923 = tpu.vector_load %arg9[%get3A_921, %get3A_922] {strides = array<i32>} : memref<128x64xf32, #tpu.memory_space<vmem>>, vector<16xf32>,
      %add3A_924 = arith.addf %get3A_923, %get3A_138 : vector<16xf32>
      tpu.vector_store_idx %arg13[%shift_right_arithmetic3A_162, %and3A_174, %broadcast_in_dim3A_908], %add3A_924 : memref<8x8x129xf32, #tpu.memory_space<vmem>>[vector<16xi32>, vector<16xi32>, vector<16xi32>], vector<16xf32>,
      %scan3A_925 = arith.constant 2 : i32
      %scan3A_926 = arith.addi %scan3A_881, %scan3A_925 : i32
      %mul3A_927 = arith.constant 1 : i32
      %mul3A_928 = arith.muli %scan3A_926, %mul3A_927 : i32
      %add3A_929 = arith.constant 0 : i32
      %add3A_930 = arith.addi %add3A_929, %mul3A_928 : i32
      %broadcast_in_dim3A_931 = vector.broadcast %add3A_930 : i32 to vector<16xi32>
      %get3A_932 = arith.index_cast %add3A_930 : i32 to index
      %get3A_933 = arith.constant 0 : index
      %get3A_934 = tpu.vector_load %arg9[%get3A_932, %get3A_933] {strides = array<i32>} : memref<128x64xf32, #tpu.memory_space<vmem>>, vector<16xf32>,
      %add3A_935 = arith.addf %get3A_934, %get3A_126 : vector<16xf32>
      tpu.vector_store_idx %arg13[%shift_right_arithmetic3A_153, %and3A_165, %broadcast_in_dim3A_931], %add3A_935 : memref<8x8x129xf32, #tpu.memory_space<vmem>>[vector<16xi32>, vector<16xi32>, vector<16xi32>], vector<16xf32>,
      %get3A_936 = arith.index_cast %add3A_930 : i32 to index
      %get3A_937 = arith.constant 16 : index
      %get3A_938 = tpu.vector_load %arg9[%get3A_936, %get3A_937] {strides = array<i32>} : memref<128x64xf32, #tpu.memory_space<vmem>>, vector<16xf32>,
      %add3A_939 = arith.addf %get3A_938, %get3A_130 : vector<16xf32>
      tpu.vector_store_idx %arg13[%shift_right_arithmetic3A_156, %and3A_168, %broadcast_in_dim3A_931], %add3A_939 : memref<8x8x129xf32, #tpu.memory_space<vmem>>[vector<16xi32>, vector<16xi32>, vector<16xi32>], vector<16xf32>,
      %get3A_940 = arith.index_cast %add3A_930 : i32 to index
      %get3A_941 = arith.constant 32 : index
      %get3A_942 = tpu.vector_load %arg9[%get3A_940, %get3A_941] {strides = array<i32>} : memref<128x64xf32, #tpu.memory_space<vmem>>, vector<16xf32>,
      %add3A_943 = arith.addf %get3A_942, %get3A_134 : vector<16xf32>
      tpu.vector_store_idx %arg13[%shift_right_arithmetic3A_159, %and3A_171, %broadcast_in_dim3A_931], %add3A_943 : memref<8x8x129xf32, #tpu.memory_space<vmem>>[vector<16xi32>, vector<16xi32>, vector<16xi32>], vector<16xf32>,
      %get3A_944 = arith.index_cast %add3A_930 : i32 to index
      %get3A_945 = arith.constant 48 : index
      %get3A_946 = tpu.vector_load %arg9[%get3A_944, %get3A_945] {strides = array<i32>} : memref<128x64xf32, #tpu.memory_space<vmem>>, vector<16xf32>,
      %add3A_947 = arith.addf %get3A_946, %get3A_138 : vector<16xf32>
      tpu.vector_store_idx %arg13[%shift_right_arithmetic3A_162, %and3A_174, %broadcast_in_dim3A_931], %add3A_947 : memref<8x8x129xf32, #tpu.memory_space<vmem>>[vector<16xi32>, vector<16xi32>, vector<16xi32>], vector<16xf32>,
      %scan3A_948 = arith.constant 3 : i32
      %scan3A_949 = arith.addi %scan3A_881, %scan3A_948 : i32
      %mul3A_950 = arith.constant 1 : i32
      %mul3A_951 = arith.muli %scan3A_949, %mul3A_950 : i32
      %add3A_952 = arith.constant 0 : i32
      %add3A_953 = arith.addi %add3A_952, %mul3A_951 : i32
      %broadcast_in_dim3A_954 = vector.broadcast %add3A_953 : i32 to vector<16xi32>
      %get3A_955 = arith.index_cast %add3A_953 : i32 to index
      %get3A_956 = arith.constant 0 : index
      %get3A_957 = tpu.vector_load %arg9[%get3A_955, %get3A_956] {strides = array<i32>} : memref<128x64xf32, #tpu.memory_space<vmem>>, vector<16xf32>,
      %add3A_958 = arith.addf %get3A_957, %get3A_126 : vector<16xf32>
      tpu.vector_store_idx %arg13[%shift_right_arithmetic3A_153, %and3A_165, %broadcast_in_dim3A_954], %add3A_958 : memref<8x8x129xf32, #tpu.memory_space<vmem>>[vector<16xi32>, vector<16xi32>, vector<16xi32>], vector<16xf32>,
      %get3A_959 = arith.index_cast %add3A_953 : i32 to index
      %get3A_960 = arith.constant 16 : index
      %get3A_961 = tpu.vector_load %arg9[%get3A_959, %get3A_960] {strides = array<i32>} : memref<128x64xf32, #tpu.memory_space<vmem>>, vector<16xf32>,
      %add3A_962 = arith.addf %get3A_961, %get3A_130 : vector<16xf32>
      tpu.vector_store_idx %arg13[%shift_right_arithmetic3A_156, %and3A_168, %broadcast_in_dim3A_954], %add3A_962 : memref<8x8x129xf32, #tpu.memory_space<vmem>>[vector<16xi32>, vector<16xi32>, vector<16xi32>], vector<16xf32>,
      %get3A_963 = arith.index_cast %add3A_953 : i32 to index
      %get3A_964 = arith.constant 32 : index
      %get3A_965 = tpu.vector_load %arg9[%get3A_963, %get3A_964] {strides = array<i32>} : memref<128x64xf32, #tpu.memory_space<vmem>>, vector<16xf32>,
      %add3A_966 = arith.addf %get3A_965, %get3A_134 : vector<16xf32>
      tpu.vector_store_idx %arg13[%shift_right_arithmetic3A_159, %and3A_171, %broadcast_in_dim3A_954], %add3A_966 : memref<8x8x129xf32, #tpu.memory_space<vmem>>[vector<16xi32>, vector<16xi32>, vector<16xi32>], vector<16xf32>,
      %get3A_967 = arith.index_cast %add3A_953 : i32 to index
      %get3A_968 = arith.constant 48 : index
      %get3A_969 = tpu.vector_load %arg9[%get3A_967, %get3A_968] {strides = array<i32>} : memref<128x64xf32, #tpu.memory_space<vmem>>, vector<16xf32>,
      %add3A_970 = arith.addf %get3A_969, %get3A_138 : vector<16xf32>
      tpu.vector_store_idx %arg13[%shift_right_arithmetic3A_162, %and3A_174, %broadcast_in_dim3A_954], %add3A_970 : memref<8x8x129xf32, #tpu.memory_space<vmem>>[vector<16xi32>, vector<16xi32>, vector<16xi32>], vector<16xf32>,
    }
    %scan3A_179 = arith.constant 128 : i32
    %dma_start3A_180 = arith.constant 1 : i32
    %dma_start3A_181 = arith.constant 0 : i32
    %dma_start3A_182 = arith.constant 0 : i32
    %dma_start3A_183 = arith.constant 0 : i32
    %dma_start3A_184 = tpu.memref_slice %arg13[%dma_start3A_181, %dma_start3A_182, %dma_start3A_183] : memref<8x8x129xf32, #tpu.memory_space<vmem>> -> memref<8x8x128xf32, #tpu.memory_space<vmem>>
    %dma_start3A_185 = arith.constant 0 : i32
    %dma_start3A_186 = arith.constant 0 : i32
    %dma_start3A_187 = arith.constant 0 : i32
    %dma_start3A_188 = tpu.memref_slice %arg5[%dma_start3A_180, %dma_start3A_185, %add3A, %dma_start3A_186, %dma_start3A_187] : memref<200x8x32x8x128xf32, #tpu.memory_space<hbm>> -> memref<1x8x1x8x128xf32, #tpu.memory_space<hbm>>
    %dma_start3A_189 = tpu.memref_squeeze %dma_start3A_188 : memref<1x8x1x8x128xf32, #tpu.memory_space<hbm>> -> memref<8x8x128xf32, #tpu.memory_space<hbm>>
    %dma_start3A_190 = arith.constant 0 : i32
    %dma_start3A_191 = arith.constant 0 : i32
    %dma_start3A_192 = arith.constant 0 : i32
    %dma_start3A_193 = tpu.memref_slice %arg5[%dma_start3A_180, %dma_start3A_190, %add3A, %dma_start3A_191, %dma_start3A_192] : memref<200x8x32x8x128xf32, #tpu.memory_space<hbm>> -> memref<1x8x1x8x128xf32, #tpu.memory_space<hbm>>
    %dma_start3A_194 = tpu.memref_squeeze %dma_start3A_193 : memref<1x8x1x8x128xf32, #tpu.memory_space<hbm>> -> memref<8x8x128xf32, #tpu.memory_space<hbm>>
    %dma_start3A_195 = arith.constant 0 : i32
    %dma_start3A_196 = arith.constant 0 : i32
    %dma_start3A_197 = arith.constant 0 : i32
    %dma_start3A_198 = tpu.memref_slice %arg13[%dma_start3A_195, %dma_start3A_196, %dma_start3A_197] : memref<8x8x129xf32, #tpu.memory_space<vmem>> -> memref<8x8x128xf32, #tpu.memory_space<vmem>>
    tpu.enqueue_dma source(%dma_start3A_198 : memref<8x8x128xf32, #tpu.memory_space<vmem>>) target(%dma_start3A_194 : memref<8x8x128xf32, #tpu.memory_space<hbm>>) target_semaphore(%arg21 : memref<!tpu.dma_semaphore, #tpu.memory_space<semaphore_mem>>)
    %dma_start3A_199 = arith.constant 5 : i32
    %dma_start3A_200 = arith.constant 0 : i32
    %dma_start3A_201 = tpu.memref_slice %arg6[%dma_start3A_199, %dma_start3A_200] : memref<200x128xi32, #tpu.memory_space<vmem>> -> memref<1x128xi32, #tpu.memory_space<vmem>>
    %dma_start3A_202 = tpu.memref_squeeze %dma_start3A_201 : memref<1x128xi32, #tpu.memory_space<vmem>> -> memref<128xi32, #tpu.memory_space<vmem>>
    %dma_start3A_203 = arith.constant 0 : i32
    %dma_start3A_204 = arith.constant 0 : i32
    %dma_start3A_205 = tpu.memref_slice %arg3[%dma_start3A_203, %dma_start3A_204] : memref<100000x64xf32, #tpu.memory_space<hbm>> -> memref<100000x64xf32, #tpu.memory_space<hbm>>
    tpu.enqueue_indirect_dma source(%dma_start3A_205 : memref<100000x64xf32, #tpu.memory_space<hbm>>) target(%arg9 : memref<128x64xf32, #tpu.memory_space<vmem>>) offsets(%dma_start3A_202 : memref<128xi32, #tpu.memory_space<vmem>>) semaphore(%arg17 : memref<!tpu.dma_semaphore, #tpu.memory_space<semaphore_mem>>)
    %dma_wait3A_206 = arith.constant 2 : i32
    %dma_wait3A_207 = arith.constant 0 : i32
    %dma_wait3A_208 = tpu.memref_slice %arg6[%dma_wait3A_206, %dma_wait3A_207] : memref<200x128xi32, #tpu.memory_space<vmem>> -> memref<1x128xi32, #tpu.memory_space<vmem>>
    %dma_wait3A_209 = tpu.memref_squeeze %dma_wait3A_208 : memref<1x128xi32, #tpu.memory_space<vmem>> -> memref<128xi32, #tpu.memory_space<vmem>>
    %dma_wait3A_210 = arith.constant 0 : i32
    %dma_wait3A_211 = arith.constant 0 : i32
    %dma_wait3A_212 = tpu.memref_slice %arg3[%dma_wait3A_210, %dma_wait3A_211] : memref<100000x64xf32, #tpu.memory_space<hbm>> -> memref<100000x64xf32, #tpu.memory_space<hbm>>
    tpu.wait_indirect_dma semaphore(%arg18 : memref<!tpu.dma_semaphore, #tpu.memory_space<semaphore_mem>>) src(%dma_wait3A_212 : memref<100000x64xf32, #tpu.memory_space<hbm>>) dst(%arg10 : memref<128x64xf32, #tpu.memory_space<vmem>>)
    %iota3A_213 = tpu.iota {dimensions = array<i32: 0>} : vector<16xi32>
    %get3A_214 = arith.constant 2 : i32
    %get3A_215 = arith.index_cast %get3A_214 : i32 to index
    %get3A_216 = arith.constant 0 : index
    %get3A_217 = tpu.vector_load %arg7[%get3A_215, %get3A_216] {strides = array<i32>} : memref<200x64xf32, #tpu.memory_space<vmem>>, vector<16xf32>,
    %get3A_218 = arith.constant 2 : i32
    %get3A_219 = arith.index_cast %get3A_218 : i32 to index
    %get3A_220 = arith.constant 16 : index
    %get3A_221 = tpu.vector_load %arg7[%get3A_219, %get3A_220] {strides = array<i32>} : memref<200x64xf32, #tpu.memory_space<vmem>>, vector<16xf32>,
    %get3A_222 = arith.constant 2 : i32
    %get3A_223 = arith.index_cast %get3A_222 : i32 to index
    %get3A_224 = arith.constant 32 : index
    %get3A_225 = tpu.vector_load %arg7[%get3A_223, %get3A_224] {strides = array<i32>} : memref<200x64xf32, #tpu.memory_space<vmem>>, vector<16xf32>,
    %get3A_226 = arith.constant 2 : i32
    %get3A_227 = arith.index_cast %get3A_226 : i32 to index
    %get3A_228 = arith.constant 48 : index
    %get3A_229 = tpu.vector_load %arg7[%get3A_227, %get3A_228] {strides = array<i32>} : memref<200x64xf32, #tpu.memory_space<vmem>>, vector<16xf32>,
    %add3A_230 = arith.constant 0 : i32
    %add3A_231 = vector.broadcast %add3A_230 : i32 to vector<16xi32>
    %add3A_232 = arith.addi %iota3A_213, %add3A_231 : vector<16xi32>
    %add3A_233 = arith.constant 16 : i32
    %add3A_234 = vector.broadcast %add3A_233 : i32 to vector<16xi32>
    %add3A_235 = arith.addi %iota3A_213, %add3A_234 : vector<16xi32>
    %add3A_236 = arith.constant 32 : i32
    %add3A_237 = vector.broadcast %add3A_236 : i32 to vector<16xi32>
    %add3A_238 = arith.addi %iota3A_213, %add3A_237 : vector<16xi32>
    %add3A_239 = arith.constant 48 : i32
    %add3A_240 = vector.broadcast %add3A_239 : i32 to vector<16xi32>
    %add3A_241 = arith.addi %iota3A_213, %add3A_240 : vector<16xi32>
    %shift_right_arithmetic3A_242 = arith.constant 3 : i32
    %shift_right_arithmetic3A_243 = vector.broadcast %shift_right_arithmetic3A_242 : i32 to vector<16xi32>
    %shift_right_arithmetic3A_244 = arith.shrsi %add3A_232, %shift_right_arithmetic3A_243 : vector<16xi32>
    %shift_right_arithmetic3A_245 = arith.constant 3 : i32
    %shift_right_arithmetic3A_246 = vector.broadcast %shift_right_arithmetic3A_245 : i32 to vector<16xi32>
    %shift_right_arithmetic3A_247 = arith.shrsi %add3A_235, %shift_right_arithmetic3A_246 : vector<16xi32>
    %shift_right_arithmetic3A_248 = arith.constant 3 : i32
    %shift_right_arithmetic3A_249 = vector.broadcast %shift_right_arithmetic3A_248 : i32 to vector<16xi32>
    %shift_right_arithmetic3A_250 = arith.shrsi %add3A_238, %shift_right_arithmetic3A_249 : vector<16xi32>
    %shift_right_arithmetic3A_251 = arith.constant 3 : i32
    %shift_right_arithmetic3A_252 = vector.broadcast %shift_right_arithmetic3A_251 : i32 to vector<16xi32>
    %shift_right_arithmetic3A_253 = arith.shrsi %add3A_241, %shift_right_arithmetic3A_252 : vector<16xi32>
    %and3A_254 = arith.constant 7 : i32
    %and3A_255 = vector.broadcast %and3A_254 : i32 to vector<16xi32>
    %and3A_256 = arith.andi %add3A_232, %and3A_255 : vector<16xi32>
    %and3A_257 = arith.constant 7 : i32
    %and3A_258 = vector.broadcast %and3A_257 : i32 to vector<16xi32>
    %and3A_259 = arith.andi %add3A_235, %and3A_258 : vector<16xi32>
    %and3A_260 = arith.constant 7 : i32
    %and3A_261 = vector.broadcast %and3A_260 : i32 to vector<16xi32>
    %and3A_262 = arith.andi %add3A_238, %and3A_261 : vector<16xi32>
    %and3A_263 = arith.constant 7 : i32
    %and3A_264 = vector.broadcast %and3A_263 : i32 to vector<16xi32>
    %and3A_265 = arith.andi %add3A_241, %and3A_264 : vector<16xi32>
    %scan3A_266 = arith.constant 0 : i32
    %scan3A_267 = arith.constant 128 : i32
    %scan3A_268 = arith.addi %scan3A_266, %scan3A_267 : i32
    %scan3A_269 = arith.constant 4 : i32
    scf.for %scan3A_881 = %scan3A_266 to %scan3A_268 step %scan3A_269  : i32 {
      %mul3A_882 = arith.constant 1 : i32
      %mul3A_883 = arith.muli %scan3A_881, %mul3A_882 : i32
      %add3A_884 = arith.constant 0 : i32
      %add3A_885 = arith.addi %add3A_884, %mul3A_883 : i32
      %broadcast_in_dim3A = vector.broadcast %add3A_885 : i32 to vector<16xi32>
      %get3A_886 = arith.index_cast %add3A_885 : i32 to index
      %get3A_887 = arith.constant 0 : index
      %get3A_888 = tpu.vector_load %arg10[%get3A_886, %get3A_887] {strides = array<i32>} : memref<128x64xf32, #tpu.memory_space<vmem>>, vector<16xf32>,
      %add3A_889 = arith.addf %get3A_888, %get3A_217 : vector<16xf32>
      tpu.vector_store_idx %arg14[%shift_right_arithmetic3A_244, %and3A_256, %broadcast_in_dim3A], %add3A_889 : memref<8x8x129xf32, #tpu.memory_space<vmem>>[vector<16xi32>, vector<16xi32>, vector<16xi32>], vector<16xf32>,
      %get3A_890 = arith.index_cast %add3A_885 : i32 to index
      %get3A_891 = arith.constant 16 : index
      %get3A_892 = tpu.vector_load %arg10[%get3A_890, %get3A_891] {strides = array<i32>} : memref<128x64xf32, #tpu.memory_space<vmem>>, vector<16xf32>,
      %add3A_893 = arith.addf %get3A_892, %get3A_221 : vector<16xf32>
      tpu.vector_store_idx %arg14[%shift_right_arithmetic3A_247, %and3A_259, %broadcast_in_dim3A], %add3A_893 : memref<8x8x129xf32, #tpu.memory_space<vmem>>[vector<16xi32>, vector<16xi32>, vector<16xi32>], vector<16xf32>,
      %get3A_894 = arith.index_cast %add3A_885 : i32 to index
      %get3A_895 = arith.constant 32 : index
      %get3A_896 = tpu.vector_load %arg10[%get3A_894, %get3A_895] {strides = array<i32>} : memref<128x64xf32, #tpu.memory_space<vmem>>, vector<16xf32>,
      %add3A_897 = arith.addf %get3A_896, %get3A_225 : vector<16xf32>
      tpu.vector_store_idx %arg14[%shift_right_arithmetic3A_250, %and3A_262, %broadcast_in_dim3A], %add3A_897 : memref<8x8x129xf32, #tpu.memory_space<vmem>>[vector<16xi32>, vector<16xi32>, vector<16xi32>], vector<16xf32>,
      %get3A_898 = arith.index_cast %add3A_885 : i32 to index
      %get3A_899 = arith.constant 48 : index
      %get3A_900 = tpu.vector_load %arg10[%get3A_898, %get3A_899] {strides = array<i32>} : memref<128x64xf32, #tpu.memory_space<vmem>>, vector<16xf32>,
      %add3A_901 = arith.addf %get3A_900, %get3A_229 : vector<16xf32>
      tpu.vector_store_idx %arg14[%shift_right_arithmetic3A_253, %and3A_265, %broadcast_in_dim3A], %add3A_901 : memref<8x8x129xf32, #tpu.memory_space<vmem>>[vector<16xi32>, vector<16xi32>, vector<16xi32>], vector<16xf32>,
      %scan3A_902 = arith.constant 1 : i32
      %scan3A_903 = arith.addi %scan3A_881, %scan3A_902 : i32
      %mul3A_904 = arith.constant 1 : i32
      %mul3A_905 = arith.muli %scan3A_903, %mul3A_904 : i32
      %add3A_906 = arith.constant 0 : i32
      %add3A_907 = arith.addi %add3A_906, %mul3A_905 : i32
      %broadcast_in_dim3A_908 = vector.broadcast %add3A_907 : i32 to vector<16xi32>
      %get3A_909 = arith.index_cast %add3A_907 : i32 to index
      %get3A_910 = arith.constant 0 : index
      %get3A_911 = tpu.vector_load %arg10[%get3A_909, %get3A_910] {strides = array<i32>} : memref<128x64xf32, #tpu.memory_space<vmem>>, vector<16xf32>,
      %add3A_912 = arith.addf %get3A_911, %get3A_217 : vector<16xf32>
      tpu.vector_store_idx %arg14[%shift_right_arithmetic3A_244, %and3A_256, %broadcast_in_dim3A_908], %add3A_912 : memref<8x8x129xf32, #tpu.memory_space<vmem>>[vector<16xi32>, vector<16xi32>, vector<16xi32>], vector<16xf32>,
      %get3A_913 = arith.index_cast %add3A_907 : i32 to index
      %get3A_914 = arith.constant 16 : index
      %get3A_915 = tpu.vector_load %arg10[%get3A_913, %get3A_914] {strides = array<i32>} : memref<128x64xf32, #tpu.memory_space<vmem>>, vector<16xf32>,
      %add3A_916 = arith.addf %get3A_915, %get3A_221 : vector<16xf32>
      tpu.vector_store_idx %arg14[%shift_right_arithmetic3A_247, %and3A_259, %broadcast_in_dim3A_908], %add3A_916 : memref<8x8x129xf32, #tpu.memory_space<vmem>>[vector<16xi32>, vector<16xi32>, vector<16xi32>], vector<16xf32>,
      %get3A_917 = arith.index_cast %add3A_907 : i32 to index
      %get3A_918 = arith.constant 32 : index
      %get3A_919 = tpu.vector_load %arg10[%get3A_917, %get3A_918] {strides = array<i32>} : memref<128x64xf32, #tpu.memory_space<vmem>>, vector<16xf32>,
      %add3A_920 = arith.addf %get3A_919, %get3A_225 : vector<16xf32>
      tpu.vector_store_idx %arg14[%shift_right_arithmetic3A_250, %and3A_262, %broadcast_in_dim3A_908], %add3A_920 : memref<8x8x129xf32, #tpu.memory_space<vmem>>[vector<16xi32>, vector<16xi32>, vector<16xi32>], vector<16xf32>,
      %get3A_921 = arith.index_cast %add3A_907 : i32 to index
      %get3A_922 = arith.constant 48 : index
      %get3A_923 = tpu.vector_load %arg10[%get3A_921, %get3A_922] {strides = array<i32>} : memref<128x64xf32, #tpu.memory_space<vmem>>, vector<16xf32>,
      %add3A_924 = arith.addf %get3A_923, %get3A_229 : vector<16xf32>
      tpu.vector_store_idx %arg14[%shift_right_arithmetic3A_253, %and3A_265, %broadcast_in_dim3A_908], %add3A_924 : memref<8x8x129xf32, #tpu.memory_space<vmem>>[vector<16xi32>, vector<16xi32>, vector<16xi32>], vector<16xf32>,
      %scan3A_925 = arith.constant 2 : i32
      %scan3A_926 = arith.addi %scan3A_881, %scan3A_925 : i32
      %mul3A_927 = arith.constant 1 : i32
      %mul3A_928 = arith.muli %scan3A_926, %mul3A_927 : i32
      %add3A_929 = arith.constant 0 : i32
      %add3A_930 = arith.addi %add3A_929, %mul3A_928 : i32
      %broadcast_in_dim3A_931 = vector.broadcast %add3A_930 : i32 to vector<16xi32>
      %get3A_932 = arith.index_cast %add3A_930 : i32 to index
      %get3A_933 = arith.constant 0 : index
      %get3A_934 = tpu.vector_load %arg10[%get3A_932, %get3A_933] {strides = array<i32>} : memref<128x64xf32, #tpu.memory_space<vmem>>, vector<16xf32>,
      %add3A_935 = arith.addf %get3A_934, %get3A_217 : vector<16xf32>
      tpu.vector_store_idx %arg14[%shift_right_arithmetic3A_244, %and3A_256, %broadcast_in_dim3A_931], %add3A_935 : memref<8x8x129xf32, #tpu.memory_space<vmem>>[vector<16xi32>, vector<16xi32>, vector<16xi32>], vector<16xf32>,
      %get3A_936 = arith.index_cast %add3A_930 : i32 to index
      %get3A_937 = arith.constant 16 : index
      %get3A_938 = tpu.vector_load %arg10[%get3A_936, %get3A_937] {strides = array<i32>} : memref<128x64xf32, #tpu.memory_space<vmem>>, vector<16xf32>,
      %add3A_939 = arith.addf %get3A_938, %get3A_221 : vector<16xf32>
      tpu.vector_store_idx %arg14[%shift_right_arithmetic3A_247, %and3A_259, %broadcast_in_dim3A_931], %add3A_939 : memref<8x8x129xf32, #tpu.memory_space<vmem>>[vector<16xi32>, vector<16xi32>, vector<16xi32>], vector<16xf32>,
      %get3A_940 = arith.index_cast %add3A_930 : i32 to index
      %get3A_941 = arith.constant 32 : index
      %get3A_942 = tpu.vector_load %arg10[%get3A_940, %get3A_941] {strides = array<i32>} : memref<128x64xf32, #tpu.memory_space<vmem>>, vector<16xf32>,
      %add3A_943 = arith.addf %get3A_942, %get3A_225 : vector<16xf32>
      tpu.vector_store_idx %arg14[%shift_right_arithmetic3A_250, %and3A_262, %broadcast_in_dim3A_931], %add3A_943 : memref<8x8x129xf32, #tpu.memory_space<vmem>>[vector<16xi32>, vector<16xi32>, vector<16xi32>], vector<16xf32>,
      %get3A_944 = arith.index_cast %add3A_930 : i32 to index
      %get3A_945 = arith.constant 48 : index
      %get3A_946 = tpu.vector_load %arg10[%get3A_944, %get3A_945] {strides = array<i32>} : memref<128x64xf32, #tpu.memory_space<vmem>>, vector<16xf32>,
      %add3A_947 = arith.addf %get3A_946, %get3A_229 : vector<16xf32>
      tpu.vector_store_idx %arg14[%shift_right_arithmetic3A_253, %and3A_265, %broadcast_in_dim3A_931], %add3A_947 : memref<8x8x129xf32, #tpu.memory_space<vmem>>[vector<16xi32>, vector<16xi32>, vector<16xi32>], vector<16xf32>,
      %scan3A_948 = arith.constant 3 : i32
      %scan3A_949 = arith.addi %scan3A_881, %scan3A_948 : i32
      %mul3A_950 = arith.constant 1 : i32
      %mul3A_951 = arith.muli %scan3A_949, %mul3A_950 : i32
      %add3A_952 = arith.constant 0 : i32
      %add3A_953 = arith.addi %add3A_952, %mul3A_951 : i32
      %broadcast_in_dim3A_954 = vector.broadcast %add3A_953 : i32 to vector<16xi32>
      %get3A_955 = arith.index_cast %add3A_953 : i32 to index
      %get3A_956 = arith.constant 0 : index
      %get3A_957 = tpu.vector_load %arg10[%get3A_955, %get3A_956] {strides = array<i32>} : memref<128x64xf32, #tpu.memory_space<vmem>>, vector<16xf32>,
      %add3A_958 = arith.addf %get3A_957, %get3A_217 : vector<16xf32>
      tpu.vector_store_idx %arg14[%shift_right_arithmetic3A_244, %and3A_256, %broadcast_in_dim3A_954], %add3A_958 : memref<8x8x129xf32, #tpu.memory_space<vmem>>[vector<16xi32>, vector<16xi32>, vector<16xi32>], vector<16xf32>,
      %get3A_959 = arith.index_cast %add3A_953 : i32 to index
      %get3A_960 = arith.constant 16 : index
      %get3A_961 = tpu.vector_load %arg10[%get3A_959, %get3A_960] {strides = array<i32>} : memref<128x64xf32, #tpu.memory_space<vmem>>, vector<16xf32>,
      %add3A_962 = arith.addf %get3A_961, %get3A_221 : vector<16xf32>
      tpu.vector_store_idx %arg14[%shift_right_arithmetic3A_247, %and3A_259, %broadcast_in_dim3A_954], %add3A_962 : memref<8x8x129xf32, #tpu.memory_space<vmem>>[vector<16xi32>, vector<16xi32>, vector<16xi32>], vector<16xf32>,
      %get3A_963 = arith.index_cast %add3A_953 : i32 to index
      %get3A_964 = arith.constant 32 : index
      %get3A_965 = tpu.vector_load %arg10[%get3A_963, %get3A_964] {strides = array<i32>} : memref<128x64xf32, #tpu.memory_space<vmem>>, vector<16xf32>,
      %add3A_966 = arith.addf %get3A_965, %get3A_225 : vector<16xf32>
      tpu.vector_store_idx %arg14[%shift_right_arithmetic3A_250, %and3A_262, %broadcast_in_dim3A_954], %add3A_966 : memref<8x8x129xf32, #tpu.memory_space<vmem>>[vector<16xi32>, vector<16xi32>, vector<16xi32>], vector<16xf32>,
      %get3A_967 = arith.index_cast %add3A_953 : i32 to index
      %get3A_968 = arith.constant 48 : index
      %get3A_969 = tpu.vector_load %arg10[%get3A_967, %get3A_968] {strides = array<i32>} : memref<128x64xf32, #tpu.memory_space<vmem>>, vector<16xf32>,
      %add3A_970 = arith.addf %get3A_969, %get3A_229 : vector<16xf32>
      tpu.vector_store_idx %arg14[%shift_right_arithmetic3A_253, %and3A_265, %broadcast_in_dim3A_954], %add3A_970 : memref<8x8x129xf32, #tpu.memory_space<vmem>>[vector<16xi32>, vector<16xi32>, vector<16xi32>], vector<16xf32>,
    }
    %scan3A_270 = arith.constant 128 : i32
    %dma_start3A_271 = arith.constant 2 : i32
    %dma_start3A_272 = arith.constant 0 : i32
    %dma_start3A_273 = arith.constant 0 : i32
    %dma_start3A_274 = arith.constant 0 : i32
    %dma_start3A_275 = tpu.memref_slice %arg14[%dma_start3A_272, %dma_start3A_273, %dma_start3A_274] : memref<8x8x129xf32, #tpu.memory_space<vmem>> -> memref<8x8x128xf32, #tpu.memory_space<vmem>>
    %dma_start3A_276 = arith.constant 0 : i32
    %dma_start3A_277 = arith.constant 0 : i32
    %dma_start3A_278 = arith.constant 0 : i32
    %dma_start3A_279 = tpu.memref_slice %arg5[%dma_start3A_271, %dma_start3A_276, %add3A, %dma_start3A_277, %dma_start3A_278] : memref<200x8x32x8x128xf32, #tpu.memory_space<hbm>> -> memref<1x8x1x8x128xf32, #tpu.memory_space<hbm>>
    %dma_start3A_280 = tpu.memref_squeeze %dma_start3A_279 : memref<1x8x1x8x128xf32, #tpu.memory_space<hbm>> -> memref<8x8x128xf32, #tpu.memory_space<hbm>>
    %dma_start3A_281 = arith.constant 0 : i32
    %dma_start3A_282 = arith.constant 0 : i32
    %dma_start3A_283 = arith.constant 0 : i32
    %dma_start3A_284 = tpu.memref_slice %arg5[%dma_start3A_271, %dma_start3A_281, %add3A, %dma_start3A_282, %dma_start3A_283] : memref<200x8x32x8x128xf32, #tpu.memory_space<hbm>> -> memref<1x8x1x8x128xf32, #tpu.memory_space<hbm>>
    %dma_start3A_285 = tpu.memref_squeeze %dma_start3A_284 : memref<1x8x1x8x128xf32, #tpu.memory_space<hbm>> -> memref<8x8x128xf32, #tpu.memory_space<hbm>>
    %dma_start3A_286 = arith.constant 0 : i32
    %dma_start3A_287 = arith.constant 0 : i32
    %dma_start3A_288 = arith.constant 0 : i32
    %dma_start3A_289 = tpu.memref_slice %arg14[%dma_start3A_286, %dma_start3A_287, %dma_start3A_288] : memref<8x8x129xf32, #tpu.memory_space<vmem>> -> memref<8x8x128xf32, #tpu.memory_space<vmem>>
    tpu.enqueue_dma source(%dma_start3A_289 : memref<8x8x128xf32, #tpu.memory_space<vmem>>) target(%dma_start3A_285 : memref<8x8x128xf32, #tpu.memory_space<hbm>>) target_semaphore(%arg22 : memref<!tpu.dma_semaphore, #tpu.memory_space<semaphore_mem>>)
    %dma_start3A_290 = arith.constant 6 : i32
    %dma_start3A_291 = arith.constant 0 : i32
    %dma_start3A_292 = tpu.memref_slice %arg6[%dma_start3A_290, %dma_start3A_291] : memref<200x128xi32, #tpu.memory_space<vmem>> -> memref<1x128xi32, #tpu.memory_space<vmem>>
    %dma_start3A_293 = tpu.memref_squeeze %dma_start3A_292 : memref<1x128xi32, #tpu.memory_space<vmem>> -> memref<128xi32, #tpu.memory_space<vmem>>
    %dma_start3A_294 = arith.constant 0 : i32
    %dma_start3A_295 = arith.constant 0 : i32
    %dma_start3A_296 = tpu.memref_slice %arg3[%dma_start3A_294, %dma_start3A_295] : memref<100000x64xf32, #tpu.memory_space<hbm>> -> memref<100000x64xf32, #tpu.memory_space<hbm>>
    tpu.enqueue_indirect_dma source(%dma_start3A_296 : memref<100000x64xf32, #tpu.memory_space<hbm>>) target(%arg10 : memref<128x64xf32, #tpu.memory_space<vmem>>) offsets(%dma_start3A_293 : memref<128xi32, #tpu.memory_space<vmem>>) semaphore(%arg18 : memref<!tpu.dma_semaphore, #tpu.memory_space<semaphore_mem>>)
    %dma_wait3A_297 = arith.constant 3 : i32
    %dma_wait3A_298 = arith.constant 0 : i32
    %dma_wait3A_299 = tpu.memref_slice %arg6[%dma_wait3A_297, %dma_wait3A_298] : memref<200x128xi32, #tpu.memory_space<vmem>> -> memref<1x128xi32, #tpu.memory_space<vmem>>
    %dma_wait3A_300 = tpu.memref_squeeze %dma_wait3A_299 : memref<1x128xi32, #tpu.memory_space<vmem>> -> memref<128xi32, #tpu.memory_space<vmem>>
    %dma_wait3A_301 = arith.constant 0 : i32
    %dma_wait3A_302 = arith.constant 0 : i32
    %dma_wait3A_303 = tpu.memref_slice %arg3[%dma_wait3A_301, %dma_wait3A_302] : memref<100000x64xf32, #tpu.memory_space<hbm>> -> memref<100000x64xf32, #tpu.memory_space<hbm>>
    tpu.wait_indirect_dma semaphore(%arg19 : memref<!tpu.dma_semaphore, #tpu.memory_space<semaphore_mem>>) src(%dma_wait3A_303 : memref<100000x64xf32, #tpu.memory_space<hbm>>) dst(%arg11 : memref<128x64xf32, #tpu.memory_space<vmem>>)
    %iota3A_304 = tpu.iota {dimensions = array<i32: 0>} : vector<16xi32>
    %get3A_305 = arith.constant 3 : i32
    %get3A_306 = arith.index_cast %get3A_305 : i32 to index
    %get3A_307 = arith.constant 0 : index
    %get3A_308 = tpu.vector_load %arg7[%get3A_306, %get3A_307] {strides = array<i32>} : memref<200x64xf32, #tpu.memory_space<vmem>>, vector<16xf32>,
    %get3A_309 = arith.constant 3 : i32
    %get3A_310 = arith.index_cast %get3A_309 : i32 to index
    %get3A_311 = arith.constant 16 : index
    %get3A_312 = tpu.vector_load %arg7[%get3A_310, %get3A_311] {strides = array<i32>} : memref<200x64xf32, #tpu.memory_space<vmem>>, vector<16xf32>,
    %get3A_313 = arith.constant 3 : i32
    %get3A_314 = arith.index_cast %get3A_313 : i32 to index
    %get3A_315 = arith.constant 32 : index
    %get3A_316 = tpu.vector_load %arg7[%get3A_314, %get3A_315] {strides = array<i32>} : memref<200x64xf32, #tpu.memory_space<vmem>>, vector<16xf32>,
    %get3A_317 = arith.constant 3 : i32
    %get3A_318 = arith.index_cast %get3A_317 : i32 to index
    %get3A_319 = arith.constant 48 : index
    %get3A_320 = tpu.vector_load %arg7[%get3A_318, %get3A_319] {strides = array<i32>} : memref<200x64xf32, #tpu.memory_space<vmem>>, vector<16xf32>,
    %add3A_321 = arith.constant 0 : i32
    %add3A_322 = vector.broadcast %add3A_321 : i32 to vector<16xi32>
    %add3A_323 = arith.addi %iota3A_304, %add3A_322 : vector<16xi32>
    %add3A_324 = arith.constant 16 : i32
    %add3A_325 = vector.broadcast %add3A_324 : i32 to vector<16xi32>
    %add3A_326 = arith.addi %iota3A_304, %add3A_325 : vector<16xi32>
    %add3A_327 = arith.constant 32 : i32
    %add3A_328 = vector.broadcast %add3A_327 : i32 to vector<16xi32>
    %add3A_329 = arith.addi %iota3A_304, %add3A_328 : vector<16xi32>
    %add3A_330 = arith.constant 48 : i32
    %add3A_331 = vector.broadcast %add3A_330 : i32 to vector<16xi32>
    %add3A_332 = arith.addi %iota3A_304, %add3A_331 : vector<16xi32>
    %shift_right_arithmetic3A_333 = arith.constant 3 : i32
    %shift_right_arithmetic3A_334 = vector.broadcast %shift_right_arithmetic3A_333 : i32 to vector<16xi32>
    %shift_right_arithmetic3A_335 = arith.shrsi %add3A_323, %shift_right_arithmetic3A_334 : vector<16xi32>
    %shift_right_arithmetic3A_336 = arith.constant 3 : i32
    %shift_right_arithmetic3A_337 = vector.broadcast %shift_right_arithmetic3A_336 : i32 to vector<16xi32>
    %shift_right_arithmetic3A_338 = arith.shrsi %add3A_326, %shift_right_arithmetic3A_337 : vector<16xi32>
    %shift_right_arithmetic3A_339 = arith.constant 3 : i32
    %shift_right_arithmetic3A_340 = vector.broadcast %shift_right_arithmetic3A_339 : i32 to vector<16xi32>
    %shift_right_arithmetic3A_341 = arith.shrsi %add3A_329, %shift_right_arithmetic3A_340 : vector<16xi32>
    %shift_right_arithmetic3A_342 = arith.constant 3 : i32
    %shift_right_arithmetic3A_343 = vector.broadcast %shift_right_arithmetic3A_342 : i32 to vector<16xi32>
    %shift_right_arithmetic3A_344 = arith.shrsi %add3A_332, %shift_right_arithmetic3A_343 : vector<16xi32>
    %and3A_345 = arith.constant 7 : i32
    %and3A_346 = vector.broadcast %and3A_345 : i32 to vector<16xi32>
    %and3A_347 = arith.andi %add3A_323, %and3A_346 : vector<16xi32>
    %and3A_348 = arith.constant 7 : i32
    %and3A_349 = vector.broadcast %and3A_348 : i32 to vector<16xi32>
    %and3A_350 = arith.andi %add3A_326, %and3A_349 : vector<16xi32>
    %and3A_351 = arith.constant 7 : i32
    %and3A_352 = vector.broadcast %and3A_351 : i32 to vector<16xi32>
    %and3A_353 = arith.andi %add3A_329, %and3A_352 : vector<16xi32>
    %and3A_354 = arith.constant 7 : i32
    %and3A_355 = vector.broadcast %and3A_354 : i32 to vector<16xi32>
    %and3A_356 = arith.andi %add3A_332, %and3A_355 : vector<16xi32>
    %scan3A_357 = arith.constant 0 : i32
    %scan3A_358 = arith.constant 128 : i32
    %scan3A_359 = arith.addi %scan3A_357, %scan3A_358 : i32
    %scan3A_360 = arith.constant 4 : i32
    scf.for %scan3A_881 = %scan3A_357 to %scan3A_359 step %scan3A_360  : i32 {
      %mul3A_882 = arith.constant 1 : i32
      %mul3A_883 = arith.muli %scan3A_881, %mul3A_882 : i32
      %add3A_884 = arith.constant 0 : i32
      %add3A_885 = arith.addi %add3A_884, %mul3A_883 : i32
      %broadcast_in_dim3A = vector.broadcast %add3A_885 : i32 to vector<16xi32>
      %get3A_886 = arith.index_cast %add3A_885 : i32 to index
      %get3A_887 = arith.constant 0 : index
      %get3A_888 = tpu.vector_load %arg11[%get3A_886, %get3A_887] {strides = array<i32>} : memref<128x64xf32, #tpu.memory_space<vmem>>, vector<16xf32>,
      %add3A_889 = arith.addf %get3A_888, %get3A_308 : vector<16xf32>
      tpu.vector_store_idx %arg15[%shift_right_arithmetic3A_335, %and3A_347, %broadcast_in_dim3A], %add3A_889 : memref<8x8x129xf32, #tpu.memory_space<vmem>>[vector<16xi32>, vector<16xi32>, vector<16xi32>], vector<16xf32>,
      %get3A_890 = arith.index_cast %add3A_885 : i32 to index
      %get3A_891 = arith.constant 16 : index
      %get3A_892 = tpu.vector_load %arg11[%get3A_890, %get3A_891] {strides = array<i32>} : memref<128x64xf32, #tpu.memory_space<vmem>>, vector<16xf32>,
      %add3A_893 = arith.addf %get3A_892, %get3A_312 : vector<16xf32>
      tpu.vector_store_idx %arg15[%shift_right_arithmetic3A_338, %and3A_350, %broadcast_in_dim3A], %add3A_893 : memref<8x8x129xf32, #tpu.memory_space<vmem>>[vector<16xi32>, vector<16xi32>, vector<16xi32>], vector<16xf32>,
      %get3A_894 = arith.index_cast %add3A_885 : i32 to index
      %get3A_895 = arith.constant 32 : index
      %get3A_896 = tpu.vector_load %arg11[%get3A_894, %get3A_895] {strides = array<i32>} : memref<128x64xf32, #tpu.memory_space<vmem>>, vector<16xf32>,
      %add3A_897 = arith.addf %get3A_896, %get3A_316 : vector<16xf32>
      tpu.vector_store_idx %arg15[%shift_right_arithmetic3A_341, %and3A_353, %broadcast_in_dim3A], %add3A_897 : memref<8x8x129xf32, #tpu.memory_space<vmem>>[vector<16xi32>, vector<16xi32>, vector<16xi32>], vector<16xf32>,
      %get3A_898 = arith.index_cast %add3A_885 : i32 to index
      %get3A_899 = arith.constant 48 : index
      %get3A_900 = tpu.vector_load %arg11[%get3A_898, %get3A_899] {strides = array<i32>} : memref<128x64xf32, #tpu.memory_space<vmem>>, vector<16xf32>,
      %add3A_901 = arith.addf %get3A_900, %get3A_320 : vector<16xf32>
      tpu.vector_store_idx %arg15[%shift_right_arithmetic3A_344, %and3A_356, %broadcast_in_dim3A], %add3A_901 : memref<8x8x129xf32, #tpu.memory_space<vmem>>[vector<16xi32>, vector<16xi32>, vector<16xi32>], vector<16xf32>,
      %scan3A_902 = arith.constant 1 : i32
      %scan3A_903 = arith.addi %scan3A_881, %scan3A_902 : i32
      %mul3A_904 = arith.constant 1 : i32
      %mul3A_905 = arith.muli %scan3A_903, %mul3A_904 : i32
      %add3A_906 = arith.constant 0 : i32
      %add3A_907 = arith.addi %add3A_906, %mul3A_905 : i32
      %broadcast_in_dim3A_908 = vector.broadcast %add3A_907 : i32 to vector<16xi32>
      %get3A_909 = arith.index_cast %add3A_907 : i32 to index
      %get3A_910 = arith.constant 0 : index
      %get3A_911 = tpu.vector_load %arg11[%get3A_909, %get3A_910] {strides = array<i32>} : memref<128x64xf32, #tpu.memory_space<vmem>>, vector<16xf32>,
      %add3A_912 = arith.addf %get3A_911, %get3A_308 : vector<16xf32>
      tpu.vector_store_idx %arg15[%shift_right_arithmetic3A_335, %and3A_347, %broadcast_in_dim3A_908], %add3A_912 : memref<8x8x129xf32, #tpu.memory_space<vmem>>[vector<16xi32>, vector<16xi32>, vector<16xi32>], vector<16xf32>,
      %get3A_913 = arith.index_cast %add3A_907 : i32 to index
      %get3A_914 = arith.constant 16 : index
      %get3A_915 = tpu.vector_load %arg11[%get3A_913, %get3A_914] {strides = array<i32>} : memref<128x64xf32, #tpu.memory_space<vmem>>, vector<16xf32>,
      %add3A_916 = arith.addf %get3A_915, %get3A_312 : vector<16xf32>
      tpu.vector_store_idx %arg15[%shift_right_arithmetic3A_338, %and3A_350, %broadcast_in_dim3A_908], %add3A_916 : memref<8x8x129xf32, #tpu.memory_space<vmem>>[vector<16xi32>, vector<16xi32>, vector<16xi32>], vector<16xf32>,
      %get3A_917 = arith.index_cast %add3A_907 : i32 to index
      %get3A_918 = arith.constant 32 : index
      %get3A_919 = tpu.vector_load %arg11[%get3A_917, %get3A_918] {strides = array<i32>} : memref<128x64xf32, #tpu.memory_space<vmem>>, vector<16xf32>,
      %add3A_920 = arith.addf %get3A_919, %get3A_316 : vector<16xf32>
      tpu.vector_store_idx %arg15[%shift_right_arithmetic3A_341, %and3A_353, %broadcast_in_dim3A_908], %add3A_920 : memref<8x8x129xf32, #tpu.memory_space<vmem>>[vector<16xi32>, vector<16xi32>, vector<16xi32>], vector<16xf32>,
      %get3A_921 = arith.index_cast %add3A_907 : i32 to index
      %get3A_922 = arith.constant 48 : index
      %get3A_923 = tpu.vector_load %arg11[%get3A_921, %get3A_922] {strides = array<i32>} : memref<128x64xf32, #tpu.memory_space<vmem>>, vector<16xf32>,
      %add3A_924 = arith.addf %get3A_923, %get3A_320 : vector<16xf32>
      tpu.vector_store_idx %arg15[%shift_right_arithmetic3A_344, %and3A_356, %broadcast_in_dim3A_908], %add3A_924 : memref<8x8x129xf32, #tpu.memory_space<vmem>>[vector<16xi32>, vector<16xi32>, vector<16xi32>], vector<16xf32>,
      %scan3A_925 = arith.constant 2 : i32
      %scan3A_926 = arith.addi %scan3A_881, %scan3A_925 : i32
      %mul3A_927 = arith.constant 1 : i32
      %mul3A_928 = arith.muli %scan3A_926, %mul3A_927 : i32
      %add3A_929 = arith.constant 0 : i32
      %add3A_930 = arith.addi %add3A_929, %mul3A_928 : i32
      %broadcast_in_dim3A_931 = vector.broadcast %add3A_930 : i32 to vector<16xi32>
      %get3A_932 = arith.index_cast %add3A_930 : i32 to index
      %get3A_933 = arith.constant 0 : index
      %get3A_934 = tpu.vector_load %arg11[%get3A_932, %get3A_933] {strides = array<i32>} : memref<128x64xf32, #tpu.memory_space<vmem>>, vector<16xf32>,
      %add3A_935 = arith.addf %get3A_934, %get3A_308 : vector<16xf32>
      tpu.vector_store_idx %arg15[%shift_right_arithmetic3A_335, %and3A_347, %broadcast_in_dim3A_931], %add3A_935 : memref<8x8x129xf32, #tpu.memory_space<vmem>>[vector<16xi32>, vector<16xi32>, vector<16xi32>], vector<16xf32>,
      %get3A_936 = arith.index_cast %add3A_930 : i32 to index
      %get3A_937 = arith.constant 16 : index
      %get3A_938 = tpu.vector_load %arg11[%get3A_936, %get3A_937] {strides = array<i32>} : memref<128x64xf32, #tpu.memory_space<vmem>>, vector<16xf32>,
      %add3A_939 = arith.addf %get3A_938, %get3A_312 : vector<16xf32>
      tpu.vector_store_idx %arg15[%shift_right_arithmetic3A_338, %and3A_350, %broadcast_in_dim3A_931], %add3A_939 : memref<8x8x129xf32, #tpu.memory_space<vmem>>[vector<16xi32>, vector<16xi32>, vector<16xi32>], vector<16xf32>,
      %get3A_940 = arith.index_cast %add3A_930 : i32 to index
      %get3A_941 = arith.constant 32 : index
      %get3A_942 = tpu.vector_load %arg11[%get3A_940, %get3A_941] {strides = array<i32>} : memref<128x64xf32, #tpu.memory_space<vmem>>, vector<16xf32>,
      %add3A_943 = arith.addf %get3A_942, %get3A_316 : vector<16xf32>
      tpu.vector_store_idx %arg15[%shift_right_arithmetic3A_341, %and3A_353, %broadcast_in_dim3A_931], %add3A_943 : memref<8x8x129xf32, #tpu.memory_space<vmem>>[vector<16xi32>, vector<16xi32>, vector<16xi32>], vector<16xf32>,
      %get3A_944 = arith.index_cast %add3A_930 : i32 to index
      %get3A_945 = arith.constant 48 : index
      %get3A_946 = tpu.vector_load %arg11[%get3A_944, %get3A_945] {strides = array<i32>} : memref<128x64xf32, #tpu.memory_space<vmem>>, vector<16xf32>,
      %add3A_947 = arith.addf %get3A_946, %get3A_320 : vector<16xf32>
      tpu.vector_store_idx %arg15[%shift_right_arithmetic3A_344, %and3A_356, %broadcast_in_dim3A_931], %add3A_947 : memref<8x8x129xf32, #tpu.memory_space<vmem>>[vector<16xi32>, vector<16xi32>, vector<16xi32>], vector<16xf32>,
      %scan3A_948 = arith.constant 3 : i32
      %scan3A_949 = arith.addi %scan3A_881, %scan3A_948 : i32
      %mul3A_950 = arith.constant 1 : i32
      %mul3A_951 = arith.muli %scan3A_949, %mul3A_950 : i32
      %add3A_952 = arith.constant 0 : i32
      %add3A_953 = arith.addi %add3A_952, %mul3A_951 : i32
      %broadcast_in_dim3A_954 = vector.broadcast %add3A_953 : i32 to vector<16xi32>
      %get3A_955 = arith.index_cast %add3A_953 : i32 to index
      %get3A_956 = arith.constant 0 : index
      %get3A_957 = tpu.vector_load %arg11[%get3A_955, %get3A_956] {strides = array<i32>} : memref<128x64xf32, #tpu.memory_space<vmem>>, vector<16xf32>,
      %add3A_958 = arith.addf %get3A_957, %get3A_308 : vector<16xf32>
      tpu.vector_store_idx %arg15[%shift_right_arithmetic3A_335, %and3A_347, %broadcast_in_dim3A_954], %add3A_958 : memref<8x8x129xf32, #tpu.memory_space<vmem>>[vector<16xi32>, vector<16xi32>, vector<16xi32>], vector<16xf32>,
      %get3A_959 = arith.index_cast %add3A_953 : i32 to index
      %get3A_960 = arith.constant 16 : index
      %get3A_961 = tpu.vector_load %arg11[%get3A_959, %get3A_960] {strides = array<i32>} : memref<128x64xf32, #tpu.memory_space<vmem>>, vector<16xf32>,
      %add3A_962 = arith.addf %get3A_961, %get3A_312 : vector<16xf32>
      tpu.vector_store_idx %arg15[%shift_right_arithmetic3A_338, %and3A_350, %broadcast_in_dim3A_954], %add3A_962 : memref<8x8x129xf32, #tpu.memory_space<vmem>>[vector<16xi32>, vector<16xi32>, vector<16xi32>], vector<16xf32>,
      %get3A_963 = arith.index_cast %add3A_953 : i32 to index
      %get3A_964 = arith.constant 32 : index
      %get3A_965 = tpu.vector_load %arg11[%get3A_963, %get3A_964] {strides = array<i32>} : memref<128x64xf32, #tpu.memory_space<vmem>>, vector<16xf32>,
      %add3A_966 = arith.addf %get3A_965, %get3A_316 : vector<16xf32>
      tpu.vector_store_idx %arg15[%shift_right_arithmetic3A_341, %and3A_353, %broadcast_in_dim3A_954], %add3A_966 : memref<8x8x129xf32, #tpu.memory_space<vmem>>[vector<16xi32>, vector<16xi32>, vector<16xi32>], vector<16xf32>,
      %get3A_967 = arith.index_cast %add3A_953 : i32 to index
      %get3A_968 = arith.constant 48 : index
      %get3A_969 = tpu.vector_load %arg11[%get3A_967, %get3A_968] {strides = array<i32>} : memref<128x64xf32, #tpu.memory_space<vmem>>, vector<16xf32>,
      %add3A_970 = arith.addf %get3A_969, %get3A_320 : vector<16xf32>
      tpu.vector_store_idx %arg15[%shift_right_arithmetic3A_344, %and3A_356, %broadcast_in_dim3A_954], %add3A_970 : memref<8x8x129xf32, #tpu.memory_space<vmem>>[vector<16xi32>, vector<16xi32>, vector<16xi32>], vector<16xf32>,
    }
    %scan3A_361 = arith.constant 128 : i32
    %dma_start3A_362 = arith.constant 3 : i32
    %dma_start3A_363 = arith.constant 0 : i32
    %dma_start3A_364 = arith.constant 0 : i32
    %dma_start3A_365 = arith.constant 0 : i32
    %dma_start3A_366 = tpu.memref_slice %arg15[%dma_start3A_363, %dma_start3A_364, %dma_start3A_365] : memref<8x8x129xf32, #tpu.memory_space<vmem>> -> memref<8x8x128xf32, #tpu.memory_space<vmem>>
    %dma_start3A_367 = arith.constant 0 : i32
    %dma_start3A_368 = arith.constant 0 : i32
    %dma_start3A_369 = arith.constant 0 : i32
    %dma_start3A_370 = tpu.memref_slice %arg5[%dma_start3A_362, %dma_start3A_367, %add3A, %dma_start3A_368, %dma_start3A_369] : memref<200x8x32x8x128xf32, #tpu.memory_space<hbm>> -> memref<1x8x1x8x128xf32, #tpu.memory_space<hbm>>
    %dma_start3A_371 = tpu.memref_squeeze %dma_start3A_370 : memref<1x8x1x8x128xf32, #tpu.memory_space<hbm>> -> memref<8x8x128xf32, #tpu.memory_space<hbm>>
    %dma_start3A_372 = arith.constant 0 : i32
    %dma_start3A_373 = arith.constant 0 : i32
    %dma_start3A_374 = arith.constant 0 : i32
    %dma_start3A_375 = tpu.memref_slice %arg5[%dma_start3A_362, %dma_start3A_372, %add3A, %dma_start3A_373, %dma_start3A_374] : memref<200x8x32x8x128xf32, #tpu.memory_space<hbm>> -> memref<1x8x1x8x128xf32, #tpu.memory_space<hbm>>
    %dma_start3A_376 = tpu.memref_squeeze %dma_start3A_375 : memref<1x8x1x8x128xf32, #tpu.memory_space<hbm>> -> memref<8x8x128xf32, #tpu.memory_space<hbm>>
    %dma_start3A_377 = arith.constant 0 : i32
    %dma_start3A_378 = arith.constant 0 : i32
    %dma_start3A_379 = arith.constant 0 : i32
    %dma_start3A_380 = tpu.memref_slice %arg15[%dma_start3A_377, %dma_start3A_378, %dma_start3A_379] : memref<8x8x129xf32, #tpu.memory_space<vmem>> -> memref<8x8x128xf32, #tpu.memory_space<vmem>>
    tpu.enqueue_dma source(%dma_start3A_380 : memref<8x8x128xf32, #tpu.memory_space<vmem>>) target(%dma_start3A_376 : memref<8x8x128xf32, #tpu.memory_space<hbm>>) target_semaphore(%arg23 : memref<!tpu.dma_semaphore, #tpu.memory_space<semaphore_mem>>)
    %dma_start3A_381 = arith.constant 7 : i32
    %dma_start3A_382 = arith.constant 0 : i32
    %dma_start3A_383 = tpu.memref_slice %arg6[%dma_start3A_381, %dma_start3A_382] : memref<200x128xi32, #tpu.memory_space<vmem>> -> memref<1x128xi32, #tpu.memory_space<vmem>>
    %dma_start3A_384 = tpu.memref_squeeze %dma_start3A_383 : memref<1x128xi32, #tpu.memory_space<vmem>> -> memref<128xi32, #tpu.memory_space<vmem>>
    %dma_start3A_385 = arith.constant 0 : i32
    %dma_start3A_386 = arith.constant 0 : i32
    %dma_start3A_387 = tpu.memref_slice %arg3[%dma_start3A_385, %dma_start3A_386] : memref<100000x64xf32, #tpu.memory_space<hbm>> -> memref<100000x64xf32, #tpu.memory_space<hbm>>
    tpu.enqueue_indirect_dma source(%dma_start3A_387 : memref<100000x64xf32, #tpu.memory_space<hbm>>) target(%arg11 : memref<128x64xf32, #tpu.memory_space<vmem>>) offsets(%dma_start3A_384 : memref<128xi32, #tpu.memory_space<vmem>>) semaphore(%arg19 : memref<!tpu.dma_semaphore, #tpu.memory_space<semaphore_mem>>)
    %scan3A_388 = arith.constant 0 : i32
    %scan3A_389 = arith.constant 48 : i32
    %scan3A_390 = arith.addi %scan3A_388, %scan3A_389 : i32
    %scan3A_391 = arith.constant 1 : i32
    scf.for %scan3A_881 = %scan3A_388 to %scan3A_390 step %scan3A_391  : i32 {
      %mul3A_882 = arith.constant 1 : i32
      %mul3A_883 = arith.muli %scan3A_881, %mul3A_882 : i32
      %add3A_884 = arith.constant 0 : i32
      %add3A_885 = arith.addi %add3A_884, %mul3A_883 : i32
      %mul3A_886 = arith.constant 4 : i32
      %mul3A_887 = arith.muli %add3A_885, %mul3A_886 : i32
      %add3A_888 = arith.constant 4 : i32
      %add3A_889 = arith.addi %add3A_888, %mul3A_887 : i32
      %add3A_890 = arith.constant 0 : i32
      %add3A_891 = arith.addi %add3A_889, %add3A_890 : i32
      %dma_wait3A_892 = arith.constant 0 : i32
      %dma_wait3A_893 = tpu.memref_slice %arg6[%add3A_891, %dma_wait3A_892] : memref<200x128xi32, #tpu.memory_space<vmem>> -> memref<1x128xi32, #tpu.memory_space<vmem>>
      %dma_wait3A_894 = tpu.memref_squeeze %dma_wait3A_893 : memref<1x128xi32, #tpu.memory_space<vmem>> -> memref<128xi32, #tpu.memory_space<vmem>>
      %dma_wait3A_895 = arith.constant 0 : i32
      %dma_wait3A_896 = arith.constant 0 : i32
      %dma_wait3A_897 = tpu.memref_slice %arg3[%dma_wait3A_895, %dma_wait3A_896] : memref<100000x64xf32, #tpu.memory_space<hbm>> -> memref<100000x64xf32, #tpu.memory_space<hbm>>
      tpu.wait_indirect_dma semaphore(%arg16 : memref<!tpu.dma_semaphore, #tpu.memory_space<semaphore_mem>>) src(%dma_wait3A_897 : memref<100000x64xf32, #tpu.memory_space<hbm>>) dst(%arg8 : memref<128x64xf32, #tpu.memory_space<vmem>>)
      %iota3A_898 = tpu.iota {dimensions = array<i32: 0>} : vector<16xi32>
      %get3A_899 = arith.index_cast %add3A_891 : i32 to index
      %get3A_900 = arith.constant 0 : index
      %get3A_901 = tpu.vector_load %arg7[%get3A_899, %get3A_900] {strides = array<i32>} : memref<200x64xf32, #tpu.memory_space<vmem>>, vector<16xf32>,
      %get3A_902 = arith.index_cast %add3A_891 : i32 to index
      %get3A_903 = arith.constant 16 : index
      %get3A_904 = tpu.vector_load %arg7[%get3A_902, %get3A_903] {strides = array<i32>} : memref<200x64xf32, #tpu.memory_space<vmem>>, vector<16xf32>,
      %get3A_905 = arith.index_cast %add3A_891 : i32 to index
      %get3A_906 = arith.constant 32 : index
      %get3A_907 = tpu.vector_load %arg7[%get3A_905, %get3A_906] {strides = array<i32>} : memref<200x64xf32, #tpu.memory_space<vmem>>, vector<16xf32>,
      %get3A_908 = arith.index_cast %add3A_891 : i32 to index
      %get3A_909 = arith.constant 48 : index
      %get3A_910 = tpu.vector_load %arg7[%get3A_908, %get3A_909] {strides = array<i32>} : memref<200x64xf32, #tpu.memory_space<vmem>>, vector<16xf32>,
      %add3A_911 = arith.constant 0 : i32
      %add3A_912 = vector.broadcast %add3A_911 : i32 to vector<16xi32>
      %add3A_913 = arith.addi %iota3A_898, %add3A_912 : vector<16xi32>
      %add3A_914 = arith.constant 16 : i32
      %add3A_915 = vector.broadcast %add3A_914 : i32 to vector<16xi32>
      %add3A_916 = arith.addi %iota3A_898, %add3A_915 : vector<16xi32>
      %add3A_917 = arith.constant 32 : i32
      %add3A_918 = vector.broadcast %add3A_917 : i32 to vector<16xi32>
      %add3A_919 = arith.addi %iota3A_898, %add3A_918 : vector<16xi32>
      %add3A_920 = arith.constant 48 : i32
      %add3A_921 = vector.broadcast %add3A_920 : i32 to vector<16xi32>
      %add3A_922 = arith.addi %iota3A_898, %add3A_921 : vector<16xi32>
      %shift_right_arithmetic3A_923 = arith.constant 3 : i32
      %shift_right_arithmetic3A_924 = vector.broadcast %shift_right_arithmetic3A_923 : i32 to vector<16xi32>
      %shift_right_arithmetic3A_925 = arith.shrsi %add3A_913, %shift_right_arithmetic3A_924 : vector<16xi32>
      %shift_right_arithmetic3A_926 = arith.constant 3 : i32
      %shift_right_arithmetic3A_927 = vector.broadcast %shift_right_arithmetic3A_926 : i32 to vector<16xi32>
      %shift_right_arithmetic3A_928 = arith.shrsi %add3A_916, %shift_right_arithmetic3A_927 : vector<16xi32>
      %shift_right_arithmetic3A_929 = arith.constant 3 : i32
      %shift_right_arithmetic3A_930 = vector.broadcast %shift_right_arithmetic3A_929 : i32 to vector<16xi32>
      %shift_right_arithmetic3A_931 = arith.shrsi %add3A_919, %shift_right_arithmetic3A_930 : vector<16xi32>
      %shift_right_arithmetic3A_932 = arith.constant 3 : i32
      %shift_right_arithmetic3A_933 = vector.broadcast %shift_right_arithmetic3A_932 : i32 to vector<16xi32>
      %shift_right_arithmetic3A_934 = arith.shrsi %add3A_922, %shift_right_arithmetic3A_933 : vector<16xi32>
      %and3A_935 = arith.constant 7 : i32
      %and3A_936 = vector.broadcast %and3A_935 : i32 to vector<16xi32>
      %and3A_937 = arith.andi %add3A_913, %and3A_936 : vector<16xi32>
      %and3A_938 = arith.constant 7 : i32
      %and3A_939 = vector.broadcast %and3A_938 : i32 to vector<16xi32>
      %and3A_940 = arith.andi %add3A_916, %and3A_939 : vector<16xi32>
      %and3A_941 = arith.constant 7 : i32
      %and3A_942 = vector.broadcast %and3A_941 : i32 to vector<16xi32>
      %and3A_943 = arith.andi %add3A_919, %and3A_942 : vector<16xi32>
      %and3A_944 = arith.constant 7 : i32
      %and3A_945 = vector.broadcast %and3A_944 : i32 to vector<16xi32>
      %and3A_946 = arith.andi %add3A_922, %and3A_945 : vector<16xi32>
      %scan3A_947 = arith.constant 0 : i32
      %scan3A_948 = arith.constant 128 : i32
      %scan3A_949 = arith.addi %scan3A_947, %scan3A_948 : i32
      %scan3A_950 = arith.constant 4 : i32
      scf.for %scan3A_1333 = %scan3A_947 to %scan3A_949 step %scan3A_950  : i32 {
        %mul3A_1334 = arith.constant 1 : i32
        %mul3A_1335 = arith.muli %scan3A_1333, %mul3A_1334 : i32
        %add3A_1336 = arith.constant 0 : i32
        %add3A_1337 = arith.addi %add3A_1336, %mul3A_1335 : i32
        %broadcast_in_dim3A = vector.broadcast %add3A_1337 : i32 to vector<16xi32>
        %get3A_1338 = arith.index_cast %add3A_1337 : i32 to index
        %get3A_1339 = arith.constant 0 : index
        %get3A_1340 = tpu.vector_load %arg8[%get3A_1338, %get3A_1339] {strides = array<i32>} : memref<128x64xf32, #tpu.memory_space<vmem>>, vector<16xf32>,
        %add3A_1341 = arith.addf %get3A_1340, %get3A_901 : vector<16xf32>
        tpu.vector_store_idx %arg12[%shift_right_arithmetic3A_925, %and3A_937, %broadcast_in_dim3A], %add3A_1341 : memref<8x8x129xf32, #tpu.memory_space<vmem>>[vector<16xi32>, vector<16xi32>, vector<16xi32>], vector<16xf32>,
        %get3A_1342 = arith.index_cast %add3A_1337 : i32 to index
        %get3A_1343 = arith.constant 16 : index
        %get3A_1344 = tpu.vector_load %arg8[%get3A_1342, %get3A_1343] {strides = array<i32>} : memref<128x64xf32, #tpu.memory_space<vmem>>, vector<16xf32>,
        %add3A_1345 = arith.addf %get3A_1344, %get3A_904 : vector<16xf32>
        tpu.vector_store_idx %arg12[%shift_right_arithmetic3A_928, %and3A_940, %broadcast_in_dim3A], %add3A_1345 : memref<8x8x129xf32, #tpu.memory_space<vmem>>[vector<16xi32>, vector<16xi32>, vector<16xi32>], vector<16xf32>,
        %get3A_1346 = arith.index_cast %add3A_1337 : i32 to index
        %get3A_1347 = arith.constant 32 : index
        %get3A_1348 = tpu.vector_load %arg8[%get3A_1346, %get3A_1347] {strides = array<i32>} : memref<128x64xf32, #tpu.memory_space<vmem>>, vector<16xf32>,
        %add3A_1349 = arith.addf %get3A_1348, %get3A_907 : vector<16xf32>
        tpu.vector_store_idx %arg12[%shift_right_arithmetic3A_931, %and3A_943, %broadcast_in_dim3A], %add3A_1349 : memref<8x8x129xf32, #tpu.memory_space<vmem>>[vector<16xi32>, vector<16xi32>, vector<16xi32>], vector<16xf32>,
        %get3A_1350 = arith.index_cast %add3A_1337 : i32 to index
        %get3A_1351 = arith.constant 48 : index
        %get3A_1352 = tpu.vector_load %arg8[%get3A_1350, %get3A_1351] {strides = array<i32>} : memref<128x64xf32, #tpu.memory_space<vmem>>, vector<16xf32>,
        %add3A_1353 = arith.addf %get3A_1352, %get3A_910 : vector<16xf32>
        tpu.vector_store_idx %arg12[%shift_right_arithmetic3A_934, %and3A_946, %broadcast_in_dim3A], %add3A_1353 : memref<8x8x129xf32, #tpu.memory_space<vmem>>[vector<16xi32>, vector<16xi32>, vector<16xi32>], vector<16xf32>,
        %scan3A_1354 = arith.constant 1 : i32
        %scan3A_1355 = arith.addi %scan3A_1333, %scan3A_1354 : i32
        %mul3A_1356 = arith.constant 1 : i32
        %mul3A_1357 = arith.muli %scan3A_1355, %mul3A_1356 : i32
        %add3A_1358 = arith.constant 0 : i32
        %add3A_1359 = arith.addi %add3A_1358, %mul3A_1357 : i32
        %broadcast_in_dim3A_1360 = vector.broadcast %add3A_1359 : i32 to vector<16xi32>
        %get3A_1361 = arith.index_cast %add3A_1359 : i32 to index
        %get3A_1362 = arith.constant 0 : index
        %get3A_1363 = tpu.vector_load %arg8[%get3A_1361, %get3A_1362] {strides = array<i32>} : memref<128x64xf32, #tpu.memory_space<vmem>>, vector<16xf32>,
        %add3A_1364 = arith.addf %get3A_1363, %get3A_901 : vector<16xf32>
        tpu.vector_store_idx %arg12[%shift_right_arithmetic3A_925, %and3A_937, %broadcast_in_dim3A_1360], %add3A_1364 : memref<8x8x129xf32, #tpu.memory_space<vmem>>[vector<16xi32>, vector<16xi32>, vector<16xi32>], vector<16xf32>,
        %get3A_1365 = arith.index_cast %add3A_1359 : i32 to index
        %get3A_1366 = arith.constant 16 : index
        %get3A_1367 = tpu.vector_load %arg8[%get3A_1365, %get3A_1366] {strides = array<i32>} : memref<128x64xf32, #tpu.memory_space<vmem>>, vector<16xf32>,
        %add3A_1368 = arith.addf %get3A_1367, %get3A_904 : vector<16xf32>
        tpu.vector_store_idx %arg12[%shift_right_arithmetic3A_928, %and3A_940, %broadcast_in_dim3A_1360], %add3A_1368 : memref<8x8x129xf32, #tpu.memory_space<vmem>>[vector<16xi32>, vector<16xi32>, vector<16xi32>], vector<16xf32>,
        %get3A_1369 = arith.index_cast %add3A_1359 : i32 to index
        %get3A_1370 = arith.constant 32 : index
        %get3A_1371 = tpu.vector_load %arg8[%get3A_1369, %get3A_1370] {strides = array<i32>} : memref<128x64xf32, #tpu.memory_space<vmem>>, vector<16xf32>,
        %add3A_1372 = arith.addf %get3A_1371, %get3A_907 : vector<16xf32>
        tpu.vector_store_idx %arg12[%shift_right_arithmetic3A_931, %and3A_943, %broadcast_in_dim3A_1360], %add3A_1372 : memref<8x8x129xf32, #tpu.memory_space<vmem>>[vector<16xi32>, vector<16xi32>, vector<16xi32>], vector<16xf32>,
        %get3A_1373 = arith.index_cast %add3A_1359 : i32 to index
        %get3A_1374 = arith.constant 48 : index
        %get3A_1375 = tpu.vector_load %arg8[%get3A_1373, %get3A_1374] {strides = array<i32>} : memref<128x64xf32, #tpu.memory_space<vmem>>, vector<16xf32>,
        %add3A_1376 = arith.addf %get3A_1375, %get3A_910 : vector<16xf32>
        tpu.vector_store_idx %arg12[%shift_right_arithmetic3A_934, %and3A_946, %broadcast_in_dim3A_1360], %add3A_1376 : memref<8x8x129xf32, #tpu.memory_space<vmem>>[vector<16xi32>, vector<16xi32>, vector<16xi32>], vector<16xf32>,
        %scan3A_1377 = arith.constant 2 : i32
        %scan3A_1378 = arith.addi %scan3A_1333, %scan3A_1377 : i32
        %mul3A_1379 = arith.constant 1 : i32
        %mul3A_1380 = arith.muli %scan3A_1378, %mul3A_1379 : i32
        %add3A_1381 = arith.constant 0 : i32
        %add3A_1382 = arith.addi %add3A_1381, %mul3A_1380 : i32
        %broadcast_in_dim3A_1383 = vector.broadcast %add3A_1382 : i32 to vector<16xi32>
        %get3A_1384 = arith.index_cast %add3A_1382 : i32 to index
        %get3A_1385 = arith.constant 0 : index
        %get3A_1386 = tpu.vector_load %arg8[%get3A_1384, %get3A_1385] {strides = array<i32>} : memref<128x64xf32, #tpu.memory_space<vmem>>, vector<16xf32>,
        %add3A_1387 = arith.addf %get3A_1386, %get3A_901 : vector<16xf32>
        tpu.vector_store_idx %arg12[%shift_right_arithmetic3A_925, %and3A_937, %broadcast_in_dim3A_1383], %add3A_1387 : memref<8x8x129xf32, #tpu.memory_space<vmem>>[vector<16xi32>, vector<16xi32>, vector<16xi32>], vector<16xf32>,
        %get3A_1388 = arith.index_cast %add3A_1382 : i32 to index
        %get3A_1389 = arith.constant 16 : index
        %get3A_1390 = tpu.vector_load %arg8[%get3A_1388, %get3A_1389] {strides = array<i32>} : memref<128x64xf32, #tpu.memory_space<vmem>>, vector<16xf32>,
        %add3A_1391 = arith.addf %get3A_1390, %get3A_904 : vector<16xf32>
        tpu.vector_store_idx %arg12[%shift_right_arithmetic3A_928, %and3A_940, %broadcast_in_dim3A_1383], %add3A_1391 : memref<8x8x129xf32, #tpu.memory_space<vmem>>[vector<16xi32>, vector<16xi32>, vector<16xi32>], vector<16xf32>,
        %get3A_1392 = arith.index_cast %add3A_1382 : i32 to index
        %get3A_1393 = arith.constant 32 : index
        %get3A_1394 = tpu.vector_load %arg8[%get3A_1392, %get3A_1393] {strides = array<i32>} : memref<128x64xf32, #tpu.memory_space<vmem>>, vector<16xf32>,
        %add3A_1395 = arith.addf %get3A_1394, %get3A_907 : vector<16xf32>
        tpu.vector_store_idx %arg12[%shift_right_arithmetic3A_931, %and3A_943, %broadcast_in_dim3A_1383], %add3A_1395 : memref<8x8x129xf32, #tpu.memory_space<vmem>>[vector<16xi32>, vector<16xi32>, vector<16xi32>], vector<16xf32>,
        %get3A_1396 = arith.index_cast %add3A_1382 : i32 to index
        %get3A_1397 = arith.constant 48 : index
        %get3A_1398 = tpu.vector_load %arg8[%get3A_1396, %get3A_1397] {strides = array<i32>} : memref<128x64xf32, #tpu.memory_space<vmem>>, vector<16xf32>,
        %add3A_1399 = arith.addf %get3A_1398, %get3A_910 : vector<16xf32>
        tpu.vector_store_idx %arg12[%shift_right_arithmetic3A_934, %and3A_946, %broadcast_in_dim3A_1383], %add3A_1399 : memref<8x8x129xf32, #tpu.memory_space<vmem>>[vector<16xi32>, vector<16xi32>, vector<16xi32>], vector<16xf32>,
        %scan3A_1400 = arith.constant 3 : i32
        %scan3A_1401 = arith.addi %scan3A_1333, %scan3A_1400 : i32
        %mul3A_1402 = arith.constant 1 : i32
        %mul3A_1403 = arith.muli %scan3A_1401, %mul3A_1402 : i32
        %add3A_1404 = arith.constant 0 : i32
        %add3A_1405 = arith.addi %add3A_1404, %mul3A_1403 : i32
        %broadcast_in_dim3A_1406 = vector.broadcast %add3A_1405 : i32 to vector<16xi32>
        %get3A_1407 = arith.index_cast %add3A_1405 : i32 to index
        %get3A_1408 = arith.constant 0 : index
        %get3A_1409 = tpu.vector_load %arg8[%get3A_1407, %get3A_1408] {strides = array<i32>} : memref<128x64xf32, #tpu.memory_space<vmem>>, vector<16xf32>,
        %add3A_1410 = arith.addf %get3A_1409, %get3A_901 : vector<16xf32>
        tpu.vector_store_idx %arg12[%shift_right_arithmetic3A_925, %and3A_937, %broadcast_in_dim3A_1406], %add3A_1410 : memref<8x8x129xf32, #tpu.memory_space<vmem>>[vector<16xi32>, vector<16xi32>, vector<16xi32>], vector<16xf32>,
        %get3A_1411 = arith.index_cast %add3A_1405 : i32 to index
        %get3A_1412 = arith.constant 16 : index
        %get3A_1413 = tpu.vector_load %arg8[%get3A_1411, %get3A_1412] {strides = array<i32>} : memref<128x64xf32, #tpu.memory_space<vmem>>, vector<16xf32>,
        %add3A_1414 = arith.addf %get3A_1413, %get3A_904 : vector<16xf32>
        tpu.vector_store_idx %arg12[%shift_right_arithmetic3A_928, %and3A_940, %broadcast_in_dim3A_1406], %add3A_1414 : memref<8x8x129xf32, #tpu.memory_space<vmem>>[vector<16xi32>, vector<16xi32>, vector<16xi32>], vector<16xf32>,
        %get3A_1415 = arith.index_cast %add3A_1405 : i32 to index
        %get3A_1416 = arith.constant 32 : index
        %get3A_1417 = tpu.vector_load %arg8[%get3A_1415, %get3A_1416] {strides = array<i32>} : memref<128x64xf32, #tpu.memory_space<vmem>>, vector<16xf32>,
        %add3A_1418 = arith.addf %get3A_1417, %get3A_907 : vector<16xf32>
        tpu.vector_store_idx %arg12[%shift_right_arithmetic3A_931, %and3A_943, %broadcast_in_dim3A_1406], %add3A_1418 : memref<8x8x129xf32, #tpu.memory_space<vmem>>[vector<16xi32>, vector<16xi32>, vector<16xi32>], vector<16xf32>,
        %get3A_1419 = arith.index_cast %add3A_1405 : i32 to index
        %get3A_1420 = arith.constant 48 : index
        %get3A_1421 = tpu.vector_load %arg8[%get3A_1419, %get3A_1420] {strides = array<i32>} : memref<128x64xf32, #tpu.memory_space<vmem>>, vector<16xf32>,
        %add3A_1422 = arith.addf %get3A_1421, %get3A_910 : vector<16xf32>
        tpu.vector_store_idx %arg12[%shift_right_arithmetic3A_934, %and3A_946, %broadcast_in_dim3A_1406], %add3A_1422 : memref<8x8x129xf32, #tpu.memory_space<vmem>>[vector<16xi32>, vector<16xi32>, vector<16xi32>], vector<16xf32>,
      }
      %scan3A_951 = arith.constant 128 : i32
      %sub3A = arith.constant 4 : i32
      %sub3A_952 = arith.subi %add3A_891, %sub3A : i32
      %dma_wait3A_953 = arith.constant 0 : i32
      %dma_wait3A_954 = arith.constant 0 : i32
      %dma_wait3A_955 = arith.constant 0 : i32
      %dma_wait3A_956 = tpu.memref_slice %arg12[%dma_wait3A_953, %dma_wait3A_954, %dma_wait3A_955] : memref<8x8x129xf32, #tpu.memory_space<vmem>> -> memref<8x8x128xf32, #tpu.memory_space<vmem>>
      %dma_wait3A_957 = arith.constant 0 : i32
      %dma_wait3A_958 = arith.constant 0 : i32
      %dma_wait3A_959 = arith.constant 0 : i32
      %dma_wait3A_960 = tpu.memref_slice %arg5[%sub3A_952, %dma_wait3A_957, %add3A, %dma_wait3A_958, %dma_wait3A_959] : memref<200x8x32x8x128xf32, #tpu.memory_space<hbm>> -> memref<1x8x1x8x128xf32, #tpu.memory_space<hbm>>
      %dma_wait3A_961 = tpu.memref_squeeze %dma_wait3A_960 : memref<1x8x1x8x128xf32, #tpu.memory_space<hbm>> -> memref<8x8x128xf32, #tpu.memory_space<hbm>>
      %dma_wait3A_962 = arith.constant 0 : i32
      %dma_wait3A_963 = arith.constant 0 : i32
      %dma_wait3A_964 = arith.constant 0 : i32
      %dma_wait3A_965 = tpu.memref_slice %arg5[%sub3A_952, %dma_wait3A_962, %add3A, %dma_wait3A_963, %dma_wait3A_964] : memref<200x8x32x8x128xf32, #tpu.memory_space<hbm>> -> memref<1x8x1x8x128xf32, #tpu.memory_space<hbm>>
      %dma_wait3A_966 = tpu.memref_squeeze %dma_wait3A_965 : memref<1x8x1x8x128xf32, #tpu.memory_space<hbm>> -> memref<8x8x128xf32, #tpu.memory_space<hbm>>
      %dma_wait3A_967 = arith.constant 0 : i32
      %dma_wait3A_968 = arith.constant 0 : i32
      %dma_wait3A_969 = arith.constant 0 : i32
      %dma_wait3A_970 = tpu.memref_slice %arg12[%dma_wait3A_967, %dma_wait3A_968, %dma_wait3A_969] : memref<8x8x129xf32, #tpu.memory_space<vmem>> -> memref<8x8x128xf32, #tpu.memory_space<vmem>>
      tpu.wait_dma2 semaphore(%arg20 : memref<!tpu.dma_semaphore, #tpu.memory_space<semaphore_mem>>) src(%dma_wait3A_970 : memref<8x8x128xf32, #tpu.memory_space<vmem>>) dst(%dma_wait3A_966 : memref<8x8x128xf32, #tpu.memory_space<hbm>>)
      %dma_start3A_971 = arith.constant 0 : i32
      %dma_start3A_972 = arith.constant 0 : i32
      %dma_start3A_973 = arith.constant 0 : i32
      %dma_start3A_974 = tpu.memref_slice %arg12[%dma_start3A_971, %dma_start3A_972, %dma_start3A_973] : memref<8x8x129xf32, #tpu.memory_space<vmem>> -> memref<8x8x128xf32, #tpu.memory_space<vmem>>
      %dma_start3A_975 = arith.constant 0 : i32
      %dma_start3A_976 = arith.constant 0 : i32
      %dma_start3A_977 = arith.constant 0 : i32
      %dma_start3A_978 = tpu.memref_slice %arg5[%add3A_891, %dma_start3A_975, %add3A, %dma_start3A_976, %dma_start3A_977] : memref<200x8x32x8x128xf32, #tpu.memory_space<hbm>> -> memref<1x8x1x8x128xf32, #tpu.memory_space<hbm>>
      %dma_start3A_979 = tpu.memref_squeeze %dma_start3A_978 : memref<1x8x1x8x128xf32, #tpu.memory_space<hbm>> -> memref<8x8x128xf32, #tpu.memory_space<hbm>>
      %dma_start3A_980 = arith.constant 0 : i32
      %dma_start3A_981 = arith.constant 0 : i32
      %dma_start3A_982 = arith.constant 0 : i32
      %dma_start3A_983 = tpu.memref_slice %arg5[%add3A_891, %dma_start3A_980, %add3A, %dma_start3A_981, %dma_start3A_982] : memref<200x8x32x8x128xf32, #tpu.memory_space<hbm>> -> memref<1x8x1x8x128xf32, #tpu.memory_space<hbm>>
      %dma_start3A_984 = tpu.memref_squeeze %dma_start3A_983 : memref<1x8x1x8x128xf32, #tpu.memory_space<hbm>> -> memref<8x8x128xf32, #tpu.memory_space<hbm>>
      %dma_start3A_985 = arith.constant 0 : i32
      %dma_start3A_986 = arith.constant 0 : i32
      %dma_start3A_987 = arith.constant 0 : i32
      %dma_start3A_988 = tpu.memref_slice %arg12[%dma_start3A_985, %dma_start3A_986, %dma_start3A_987] : memref<8x8x129xf32, #tpu.memory_space<vmem>> -> memref<8x8x128xf32, #tpu.memory_space<vmem>>
      tpu.enqueue_dma source(%dma_start3A_988 : memref<8x8x128xf32, #tpu.memory_space<vmem>>) target(%dma_start3A_984 : memref<8x8x128xf32, #tpu.memory_space<hbm>>) target_semaphore(%arg20 : memref<!tpu.dma_semaphore, #tpu.memory_space<semaphore_mem>>)
      %add3A_989 = arith.constant 4 : i32
      %add3A_990 = arith.addi %add3A_891, %add3A_989 : i32
      %dma_start3A_991 = arith.constant 0 : i32
      %dma_start3A_992 = tpu.memref_slice %arg6[%add3A_990, %dma_start3A_991] : memref<200x128xi32, #tpu.memory_space<vmem>> -> memref<1x128xi32, #tpu.memory_space<vmem>>
      %dma_start3A_993 = tpu.memref_squeeze %dma_start3A_992 : memref<1x128xi32, #tpu.memory_space<vmem>> -> memref<128xi32, #tpu.memory_space<vmem>>
      %dma_start3A_994 = arith.constant 0 : i32
      %dma_start3A_995 = arith.constant 0 : i32
      %dma_start3A_996 = tpu.memref_slice %arg3[%dma_start3A_994, %dma_start3A_995] : memref<100000x64xf32, #tpu.memory_space<hbm>> -> memref<100000x64xf32, #tpu.memory_space<hbm>>
      tpu.enqueue_indirect_dma source(%dma_start3A_996 : memref<100000x64xf32, #tpu.memory_space<hbm>>) target(%arg8 : memref<128x64xf32, #tpu.memory_space<vmem>>) offsets(%dma_start3A_993 : memref<128xi32, #tpu.memory_space<vmem>>) semaphore(%arg16 : memref<!tpu.dma_semaphore, #tpu.memory_space<semaphore_mem>>)
      %mul3A_997 = arith.constant 4 : i32
      %mul3A_998 = arith.muli %add3A_885, %mul3A_997 : i32
      %add3A_999 = arith.constant 4 : i32
      %add3A_1000 = arith.addi %add3A_999, %mul3A_998 : i32
      %add3A_1001 = arith.constant 1 : i32
      %add3A_1002 = arith.addi %add3A_1000, %add3A_1001 : i32
      %dma_wait3A_1003 = arith.constant 0 : i32
      %dma_wait3A_1004 = tpu.memref_slice %arg6[%add3A_1002, %dma_wait3A_1003] : memref<200x128xi32, #tpu.memory_space<vmem>> -> memref<1x128xi32, #tpu.memory_space<vmem>>
      %dma_wait3A_1005 = tpu.memref_squeeze %dma_wait3A_1004 : memref<1x128xi32, #tpu.memory_space<vmem>> -> memref<128xi32, #tpu.memory_space<vmem>>
      %dma_wait3A_1006 = arith.constant 0 : i32
      %dma_wait3A_1007 = arith.constant 0 : i32
      %dma_wait3A_1008 = tpu.memref_slice %arg3[%dma_wait3A_1006, %dma_wait3A_1007] : memref<100000x64xf32, #tpu.memory_space<hbm>> -> memref<100000x64xf32, #tpu.memory_space<hbm>>
      tpu.wait_indirect_dma semaphore(%arg17 : memref<!tpu.dma_semaphore, #tpu.memory_space<semaphore_mem>>) src(%dma_wait3A_1008 : memref<100000x64xf32, #tpu.memory_space<hbm>>) dst(%arg9 : memref<128x64xf32, #tpu.memory_space<vmem>>)
      %iota3A_1009 = tpu.iota {dimensions = array<i32: 0>} : vector<16xi32>
      %get3A_1010 = arith.index_cast %add3A_1002 : i32 to index
      %get3A_1011 = arith.constant 0 : index
      %get3A_1012 = tpu.vector_load %arg7[%get3A_1010, %get3A_1011] {strides = array<i32>} : memref<200x64xf32, #tpu.memory_space<vmem>>, vector<16xf32>,
      %get3A_1013 = arith.index_cast %add3A_1002 : i32 to index
      %get3A_1014 = arith.constant 16 : index
      %get3A_1015 = tpu.vector_load %arg7[%get3A_1013, %get3A_1014] {strides = array<i32>} : memref<200x64xf32, #tpu.memory_space<vmem>>, vector<16xf32>,
      %get3A_1016 = arith.index_cast %add3A_1002 : i32 to index
      %get3A_1017 = arith.constant 32 : index
      %get3A_1018 = tpu.vector_load %arg7[%get3A_1016, %get3A_1017] {strides = array<i32>} : memref<200x64xf32, #tpu.memory_space<vmem>>, vector<16xf32>,
      %get3A_1019 = arith.index_cast %add3A_1002 : i32 to index
      %get3A_1020 = arith.constant 48 : index
      %get3A_1021 = tpu.vector_load %arg7[%get3A_1019, %get3A_1020] {strides = array<i32>} : memref<200x64xf32, #tpu.memory_space<vmem>>, vector<16xf32>,
      %add3A_1022 = arith.constant 0 : i32
      %add3A_1023 = vector.broadcast %add3A_1022 : i32 to vector<16xi32>
      %add3A_1024 = arith.addi %iota3A_1009, %add3A_1023 : vector<16xi32>
      %add3A_1025 = arith.constant 16 : i32
      %add3A_1026 = vector.broadcast %add3A_1025 : i32 to vector<16xi32>
      %add3A_1027 = arith.addi %iota3A_1009, %add3A_1026 : vector<16xi32>
      %add3A_1028 = arith.constant 32 : i32
      %add3A_1029 = vector.broadcast %add3A_1028 : i32 to vector<16xi32>
      %add3A_1030 = arith.addi %iota3A_1009, %add3A_1029 : vector<16xi32>
      %add3A_1031 = arith.constant 48 : i32
      %add3A_1032 = vector.broadcast %add3A_1031 : i32 to vector<16xi32>
      %add3A_1033 = arith.addi %iota3A_1009, %add3A_1032 : vector<16xi32>
      %shift_right_arithmetic3A_1034 = arith.constant 3 : i32
      %shift_right_arithmetic3A_1035 = vector.broadcast %shift_right_arithmetic3A_1034 : i32 to vector<16xi32>
      %shift_right_arithmetic3A_1036 = arith.shrsi %add3A_1024, %shift_right_arithmetic3A_1035 : vector<16xi32>
      %shift_right_arithmetic3A_1037 = arith.constant 3 : i32
      %shift_right_arithmetic3A_1038 = vector.broadcast %shift_right_arithmetic3A_1037 : i32 to vector<16xi32>
      %shift_right_arithmetic3A_1039 = arith.shrsi %add3A_1027, %shift_right_arithmetic3A_1038 : vector<16xi32>
      %shift_right_arithmetic3A_1040 = arith.constant 3 : i32
      %shift_right_arithmetic3A_1041 = vector.broadcast %shift_right_arithmetic3A_1040 : i32 to vector<16xi32>
      %shift_right_arithmetic3A_1042 = arith.shrsi %add3A_1030, %shift_right_arithmetic3A_1041 : vector<16xi32>
      %shift_right_arithmetic3A_1043 = arith.constant 3 : i32
      %shift_right_arithmetic3A_1044 = vector.broadcast %shift_right_arithmetic3A_1043 : i32 to vector<16xi32>
      %shift_right_arithmetic3A_1045 = arith.shrsi %add3A_1033, %shift_right_arithmetic3A_1044 : vector<16xi32>
      %and3A_1046 = arith.constant 7 : i32
      %and3A_1047 = vector.broadcast %and3A_1046 : i32 to vector<16xi32>
      %and3A_1048 = arith.andi %add3A_1024, %and3A_1047 : vector<16xi32>
      %and3A_1049 = arith.constant 7 : i32
      %and3A_1050 = vector.broadcast %and3A_1049 : i32 to vector<16xi32>
      %and3A_1051 = arith.andi %add3A_1027, %and3A_1050 : vector<16xi32>
      %and3A_1052 = arith.constant 7 : i32
      %and3A_1053 = vector.broadcast %and3A_1052 : i32 to vector<16xi32>
      %and3A_1054 = arith.andi %add3A_1030, %and3A_1053 : vector<16xi32>
      %and3A_1055 = arith.constant 7 : i32
      %and3A_1056 = vector.broadcast %and3A_1055 : i32 to vector<16xi32>
      %and3A_1057 = arith.andi %add3A_1033, %and3A_1056 : vector<16xi32>
      %scan3A_1058 = arith.constant 0 : i32
      %scan3A_1059 = arith.constant 128 : i32
      %scan3A_1060 = arith.addi %scan3A_1058, %scan3A_1059 : i32
      %scan3A_1061 = arith.constant 4 : i32
      scf.for %scan3A_1333 = %scan3A_1058 to %scan3A_1060 step %scan3A_1061  : i32 {
        %mul3A_1334 = arith.constant 1 : i32
        %mul3A_1335 = arith.muli %scan3A_1333, %mul3A_1334 : i32
        %add3A_1336 = arith.constant 0 : i32
        %add3A_1337 = arith.addi %add3A_1336, %mul3A_1335 : i32
        %broadcast_in_dim3A = vector.broadcast %add3A_1337 : i32 to vector<16xi32>
        %get3A_1338 = arith.index_cast %add3A_1337 : i32 to index
        %get3A_1339 = arith.constant 0 : index
        %get3A_1340 = tpu.vector_load %arg9[%get3A_1338, %get3A_1339] {strides = array<i32>} : memref<128x64xf32, #tpu.memory_space<vmem>>, vector<16xf32>,
        %add3A_1341 = arith.addf %get3A_1340, %get3A_1012 : vector<16xf32>
        tpu.vector_store_idx %arg13[%shift_right_arithmetic3A_1036, %and3A_1048, %broadcast_in_dim3A], %add3A_1341 : memref<8x8x129xf32, #tpu.memory_space<vmem>>[vector<16xi32>, vector<16xi32>, vector<16xi32>], vector<16xf32>,
        %get3A_1342 = arith.index_cast %add3A_1337 : i32 to index
        %get3A_1343 = arith.constant 16 : index
        %get3A_1344 = tpu.vector_load %arg9[%get3A_1342, %get3A_1343] {strides = array<i32>} : memref<128x64xf32, #tpu.memory_space<vmem>>, vector<16xf32>,
        %add3A_1345 = arith.addf %get3A_1344, %get3A_1015 : vector<16xf32>
        tpu.vector_store_idx %arg13[%shift_right_arithmetic3A_1039, %and3A_1051, %broadcast_in_dim3A], %add3A_1345 : memref<8x8x129xf32, #tpu.memory_space<vmem>>[vector<16xi32>, vector<16xi32>, vector<16xi32>], vector<16xf32>,
        %get3A_1346 = arith.index_cast %add3A_1337 : i32 to index
        %get3A_1347 = arith.constant 32 : index
        %get3A_1348 = tpu.vector_load %arg9[%get3A_1346, %get3A_1347] {strides = array<i32>} : memref<128x64xf32, #tpu.memory_space<vmem>>, vector<16xf32>,
        %add3A_1349 = arith.addf %get3A_1348, %get3A_1018 : vector<16xf32>
        tpu.vector_store_idx %arg13[%shift_right_arithmetic3A_1042, %and3A_1054, %broadcast_in_dim3A], %add3A_1349 : memref<8x8x129xf32, #tpu.memory_space<vmem>>[vector<16xi32>, vector<16xi32>, vector<16xi32>], vector<16xf32>,
        %get3A_1350 = arith.index_cast %add3A_1337 : i32 to index
        %get3A_1351 = arith.constant 48 : index
        %get3A_1352 = tpu.vector_load %arg9[%get3A_1350, %get3A_1351] {strides = array<i32>} : memref<128x64xf32, #tpu.memory_space<vmem>>, vector<16xf32>,
        %add3A_1353 = arith.addf %get3A_1352, %get3A_1021 : vector<16xf32>
        tpu.vector_store_idx %arg13[%shift_right_arithmetic3A_1045, %and3A_1057, %broadcast_in_dim3A], %add3A_1353 : memref<8x8x129xf32, #tpu.memory_space<vmem>>[vector<16xi32>, vector<16xi32>, vector<16xi32>], vector<16xf32>,
        %scan3A_1354 = arith.constant 1 : i32
        %scan3A_1355 = arith.addi %scan3A_1333, %scan3A_1354 : i32
        %mul3A_1356 = arith.constant 1 : i32
        %mul3A_1357 = arith.muli %scan3A_1355, %mul3A_1356 : i32
        %add3A_1358 = arith.constant 0 : i32
        %add3A_1359 = arith.addi %add3A_1358, %mul3A_1357 : i32
        %broadcast_in_dim3A_1360 = vector.broadcast %add3A_1359 : i32 to vector<16xi32>
        %get3A_1361 = arith.index_cast %add3A_1359 : i32 to index
        %get3A_1362 = arith.constant 0 : index
        %get3A_1363 = tpu.vector_load %arg9[%get3A_1361, %get3A_1362] {strides = array<i32>} : memref<128x64xf32, #tpu.memory_space<vmem>>, vector<16xf32>,
        %add3A_1364 = arith.addf %get3A_1363, %get3A_1012 : vector<16xf32>
        tpu.vector_store_idx %arg13[%shift_right_arithmetic3A_1036, %and3A_1048, %broadcast_in_dim3A_1360], %add3A_1364 : memref<8x8x129xf32, #tpu.memory_space<vmem>>[vector<16xi32>, vector<16xi32>, vector<16xi32>], vector<16xf32>,
        %get3A_1365 = arith.index_cast %add3A_1359 : i32 to index
        %get3A_1366 = arith.constant 16 : index
        %get3A_1367 = tpu.vector_load %arg9[%get3A_1365, %get3A_1366] {strides = array<i32>} : memref<128x64xf32, #tpu.memory_space<vmem>>, vector<16xf32>,
        %add3A_1368 = arith.addf %get3A_1367, %get3A_1015 : vector<16xf32>
        tpu.vector_store_idx %arg13[%shift_right_arithmetic3A_1039, %and3A_1051, %broadcast_in_dim3A_1360], %add3A_1368 : memref<8x8x129xf32, #tpu.memory_space<vmem>>[vector<16xi32>, vector<16xi32>, vector<16xi32>], vector<16xf32>,
        %get3A_1369 = arith.index_cast %add3A_1359 : i32 to index
        %get3A_1370 = arith.constant 32 : index
        %get3A_1371 = tpu.vector_load %arg9[%get3A_1369, %get3A_1370] {strides = array<i32>} : memref<128x64xf32, #tpu.memory_space<vmem>>, vector<16xf32>,
        %add3A_1372 = arith.addf %get3A_1371, %get3A_1018 : vector<16xf32>
        tpu.vector_store_idx %arg13[%shift_right_arithmetic3A_1042, %and3A_1054, %broadcast_in_dim3A_1360], %add3A_1372 : memref<8x8x129xf32, #tpu.memory_space<vmem>>[vector<16xi32>, vector<16xi32>, vector<16xi32>], vector<16xf32>,
        %get3A_1373 = arith.index_cast %add3A_1359 : i32 to index
        %get3A_1374 = arith.constant 48 : index
        %get3A_1375 = tpu.vector_load %arg9[%get3A_1373, %get3A_1374] {strides = array<i32>} : memref<128x64xf32, #tpu.memory_space<vmem>>, vector<16xf32>,
        %add3A_1376 = arith.addf %get3A_1375, %get3A_1021 : vector<16xf32>
        tpu.vector_store_idx %arg13[%shift_right_arithmetic3A_1045, %and3A_1057, %broadcast_in_dim3A_1360], %add3A_1376 : memref<8x8x129xf32, #tpu.memory_space<vmem>>[vector<16xi32>, vector<16xi32>, vector<16xi32>], vector<16xf32>,
        %scan3A_1377 = arith.constant 2 : i32
        %scan3A_1378 = arith.addi %scan3A_1333, %scan3A_1377 : i32
        %mul3A_1379 = arith.constant 1 : i32
        %mul3A_1380 = arith.muli %scan3A_1378, %mul3A_1379 : i32
        %add3A_1381 = arith.constant 0 : i32
        %add3A_1382 = arith.addi %add3A_1381, %mul3A_1380 : i32
        %broadcast_in_dim3A_1383 = vector.broadcast %add3A_1382 : i32 to vector<16xi32>
        %get3A_1384 = arith.index_cast %add3A_1382 : i32 to index
        %get3A_1385 = arith.constant 0 : index
        %get3A_1386 = tpu.vector_load %arg9[%get3A_1384, %get3A_1385] {strides = array<i32>} : memref<128x64xf32, #tpu.memory_space<vmem>>, vector<16xf32>,
        %add3A_1387 = arith.addf %get3A_1386, %get3A_1012 : vector<16xf32>
        tpu.vector_store_idx %arg13[%shift_right_arithmetic3A_1036, %and3A_1048, %broadcast_in_dim3A_1383], %add3A_1387 : memref<8x8x129xf32, #tpu.memory_space<vmem>>[vector<16xi32>, vector<16xi32>, vector<16xi32>], vector<16xf32>,
        %get3A_1388 = arith.index_cast %add3A_1382 : i32 to index
        %get3A_1389 = arith.constant 16 : index
        %get3A_1390 = tpu.vector_load %arg9[%get3A_1388, %get3A_1389] {strides = array<i32>} : memref<128x64xf32, #tpu.memory_space<vmem>>, vector<16xf32>,
        %add3A_1391 = arith.addf %get3A_1390, %get3A_1015 : vector<16xf32>
        tpu.vector_store_idx %arg13[%shift_right_arithmetic3A_1039, %and3A_1051, %broadcast_in_dim3A_1383], %add3A_1391 : memref<8x8x129xf32, #tpu.memory_space<vmem>>[vector<16xi32>, vector<16xi32>, vector<16xi32>], vector<16xf32>,
        %get3A_1392 = arith.index_cast %add3A_1382 : i32 to index
        %get3A_1393 = arith.constant 32 : index
        %get3A_1394 = tpu.vector_load %arg9[%get3A_1392, %get3A_1393] {strides = array<i32>} : memref<128x64xf32, #tpu.memory_space<vmem>>, vector<16xf32>,
        %add3A_1395 = arith.addf %get3A_1394, %get3A_1018 : vector<16xf32>
        tpu.vector_store_idx %arg13[%shift_right_arithmetic3A_1042, %and3A_1054, %broadcast_in_dim3A_1383], %add3A_1395 : memref<8x8x129xf32, #tpu.memory_space<vmem>>[vector<16xi32>, vector<16xi32>, vector<16xi32>], vector<16xf32>,
        %get3A_1396 = arith.index_cast %add3A_1382 : i32 to index
        %get3A_1397 = arith.constant 48 : index
        %get3A_1398 = tpu.vector_load %arg9[%get3A_1396, %get3A_1397] {strides = array<i32>} : memref<128x64xf32, #tpu.memory_space<vmem>>, vector<16xf32>,
        %add3A_1399 = arith.addf %get3A_1398, %get3A_1021 : vector<16xf32>
        tpu.vector_store_idx %arg13[%shift_right_arithmetic3A_1045, %and3A_1057, %broadcast_in_dim3A_1383], %add3A_1399 : memref<8x8x129xf32, #tpu.memory_space<vmem>>[vector<16xi32>, vector<16xi32>, vector<16xi32>], vector<16xf32>,
        %scan3A_1400 = arith.constant 3 : i32
        %scan3A_1401 = arith.addi %scan3A_1333, %scan3A_1400 : i32
        %mul3A_1402 = arith.constant 1 : i32
        %mul3A_1403 = arith.muli %scan3A_1401, %mul3A_1402 : i32
        %add3A_1404 = arith.constant 0 : i32
        %add3A_1405 = arith.addi %add3A_1404, %mul3A_1403 : i32
        %broadcast_in_dim3A_1406 = vector.broadcast %add3A_1405 : i32 to vector<16xi32>
        %get3A_1407 = arith.index_cast %add3A_1405 : i32 to index
        %get3A_1408 = arith.constant 0 : index
        %get3A_1409 = tpu.vector_load %arg9[%get3A_1407, %get3A_1408] {strides = array<i32>} : memref<128x64xf32, #tpu.memory_space<vmem>>, vector<16xf32>,
        %add3A_1410 = arith.addf %get3A_1409, %get3A_1012 : vector<16xf32>
        tpu.vector_store_idx %arg13[%shift_right_arithmetic3A_1036, %and3A_1048, %broadcast_in_dim3A_1406], %add3A_1410 : memref<8x8x129xf32, #tpu.memory_space<vmem>>[vector<16xi32>, vector<16xi32>, vector<16xi32>], vector<16xf32>,
        %get3A_1411 = arith.index_cast %add3A_1405 : i32 to index
        %get3A_1412 = arith.constant 16 : index
        %get3A_1413 = tpu.vector_load %arg9[%get3A_1411, %get3A_1412] {strides = array<i32>} : memref<128x64xf32, #tpu.memory_space<vmem>>, vector<16xf32>,
        %add3A_1414 = arith.addf %get3A_1413, %get3A_1015 : vector<16xf32>
        tpu.vector_store_idx %arg13[%shift_right_arithmetic3A_1039, %and3A_1051, %broadcast_in_dim3A_1406], %add3A_1414 : memref<8x8x129xf32, #tpu.memory_space<vmem>>[vector<16xi32>, vector<16xi32>, vector<16xi32>], vector<16xf32>,
        %get3A_1415 = arith.index_cast %add3A_1405 : i32 to index
        %get3A_1416 = arith.constant 32 : index
        %get3A_1417 = tpu.vector_load %arg9[%get3A_1415, %get3A_1416] {strides = array<i32>} : memref<128x64xf32, #tpu.memory_space<vmem>>, vector<16xf32>,
        %add3A_1418 = arith.addf %get3A_1417, %get3A_1018 : vector<16xf32>
        tpu.vector_store_idx %arg13[%shift_right_arithmetic3A_1042, %and3A_1054, %broadcast_in_dim3A_1406], %add3A_1418 : memref<8x8x129xf32, #tpu.memory_space<vmem>>[vector<16xi32>, vector<16xi32>, vector<16xi32>], vector<16xf32>,
        %get3A_1419 = arith.index_cast %add3A_1405 : i32 to index
        %get3A_1420 = arith.constant 48 : index
        %get3A_1421 = tpu.vector_load %arg9[%get3A_1419, %get3A_1420] {strides = array<i32>} : memref<128x64xf32, #tpu.memory_space<vmem>>, vector<16xf32>,
        %add3A_1422 = arith.addf %get3A_1421, %get3A_1021 : vector<16xf32>
        tpu.vector_store_idx %arg13[%shift_right_arithmetic3A_1045, %and3A_1057, %broadcast_in_dim3A_1406], %add3A_1422 : memref<8x8x129xf32, #tpu.memory_space<vmem>>[vector<16xi32>, vector<16xi32>, vector<16xi32>], vector<16xf32>,
      }
      %scan3A_1062 = arith.constant 128 : i32
      %sub3A_1063 = arith.constant 4 : i32
      %sub3A_1064 = arith.subi %add3A_1002, %sub3A_1063 : i32
      %dma_wait3A_1065 = arith.constant 0 : i32
      %dma_wait3A_1066 = arith.constant 0 : i32
      %dma_wait3A_1067 = arith.constant 0 : i32
      %dma_wait3A_1068 = tpu.memref_slice %arg13[%dma_wait3A_1065, %dma_wait3A_1066, %dma_wait3A_1067] : memref<8x8x129xf32, #tpu.memory_space<vmem>> -> memref<8x8x128xf32, #tpu.memory_space<vmem>>
      %dma_wait3A_1069 = arith.constant 0 : i32
      %dma_wait3A_1070 = arith.constant 0 : i32
      %dma_wait3A_1071 = arith.constant 0 : i32
      %dma_wait3A_1072 = tpu.memref_slice %arg5[%sub3A_1064, %dma_wait3A_1069, %add3A, %dma_wait3A_1070, %dma_wait3A_1071] : memref<200x8x32x8x128xf32, #tpu.memory_space<hbm>> -> memref<1x8x1x8x128xf32, #tpu.memory_space<hbm>>
      %dma_wait3A_1073 = tpu.memref_squeeze %dma_wait3A_1072 : memref<1x8x1x8x128xf32, #tpu.memory_space<hbm>> -> memref<8x8x128xf32, #tpu.memory_space<hbm>>
      %dma_wait3A_1074 = arith.constant 0 : i32
      %dma_wait3A_1075 = arith.constant 0 : i32
      %dma_wait3A_1076 = arith.constant 0 : i32
      %dma_wait3A_1077 = tpu.memref_slice %arg5[%sub3A_1064, %dma_wait3A_1074, %add3A, %dma_wait3A_1075, %dma_wait3A_1076] : memref<200x8x32x8x128xf32, #tpu.memory_space<hbm>> -> memref<1x8x1x8x128xf32, #tpu.memory_space<hbm>>
      %dma_wait3A_1078 = tpu.memref_squeeze %dma_wait3A_1077 : memref<1x8x1x8x128xf32, #tpu.memory_space<hbm>> -> memref<8x8x128xf32, #tpu.memory_space<hbm>>
      %dma_wait3A_1079 = arith.constant 0 : i32
      %dma_wait3A_1080 = arith.constant 0 : i32
      %dma_wait3A_1081 = arith.constant 0 : i32
      %dma_wait3A_1082 = tpu.memref_slice %arg13[%dma_wait3A_1079, %dma_wait3A_1080, %dma_wait3A_1081] : memref<8x8x129xf32, #tpu.memory_space<vmem>> -> memref<8x8x128xf32, #tpu.memory_space<vmem>>
      tpu.wait_dma2 semaphore(%arg21 : memref<!tpu.dma_semaphore, #tpu.memory_space<semaphore_mem>>) src(%dma_wait3A_1082 : memref<8x8x128xf32, #tpu.memory_space<vmem>>) dst(%dma_wait3A_1078 : memref<8x8x128xf32, #tpu.memory_space<hbm>>)
      %dma_start3A_1083 = arith.constant 0 : i32
      %dma_start3A_1084 = arith.constant 0 : i32
      %dma_start3A_1085 = arith.constant 0 : i32
      %dma_start3A_1086 = tpu.memref_slice %arg13[%dma_start3A_1083, %dma_start3A_1084, %dma_start3A_1085] : memref<8x8x129xf32, #tpu.memory_space<vmem>> -> memref<8x8x128xf32, #tpu.memory_space<vmem>>
      %dma_start3A_1087 = arith.constant 0 : i32
      %dma_start3A_1088 = arith.constant 0 : i32
      %dma_start3A_1089 = arith.constant 0 : i32
      %dma_start3A_1090 = tpu.memref_slice %arg5[%add3A_1002, %dma_start3A_1087, %add3A, %dma_start3A_1088, %dma_start3A_1089] : memref<200x8x32x8x128xf32, #tpu.memory_space<hbm>> -> memref<1x8x1x8x128xf32, #tpu.memory_space<hbm>>
      %dma_start3A_1091 = tpu.memref_squeeze %dma_start3A_1090 : memref<1x8x1x8x128xf32, #tpu.memory_space<hbm>> -> memref<8x8x128xf32, #tpu.memory_space<hbm>>
      %dma_start3A_1092 = arith.constant 0 : i32
      %dma_start3A_1093 = arith.constant 0 : i32
      %dma_start3A_1094 = arith.constant 0 : i32
      %dma_start3A_1095 = tpu.memref_slice %arg5[%add3A_1002, %dma_start3A_1092, %add3A, %dma_start3A_1093, %dma_start3A_1094] : memref<200x8x32x8x128xf32, #tpu.memory_space<hbm>> -> memref<1x8x1x8x128xf32, #tpu.memory_space<hbm>>
      %dma_start3A_1096 = tpu.memref_squeeze %dma_start3A_1095 : memref<1x8x1x8x128xf32, #tpu.memory_space<hbm>> -> memref<8x8x128xf32, #tpu.memory_space<hbm>>
      %dma_start3A_1097 = arith.constant 0 : i32
      %dma_start3A_1098 = arith.constant 0 : i32
      %dma_start3A_1099 = arith.constant 0 : i32
      %dma_start3A_1100 = tpu.memref_slice %arg13[%dma_start3A_1097, %dma_start3A_1098, %dma_start3A_1099] : memref<8x8x129xf32, #tpu.memory_space<vmem>> -> memref<8x8x128xf32, #tpu.memory_space<vmem>>
      tpu.enqueue_dma source(%dma_start3A_1100 : memref<8x8x128xf32, #tpu.memory_space<vmem>>) target(%dma_start3A_1096 : memref<8x8x128xf32, #tpu.memory_space<hbm>>) target_semaphore(%arg21 : memref<!tpu.dma_semaphore, #tpu.memory_space<semaphore_mem>>)
      %add3A_1101 = arith.constant 4 : i32
      %add3A_1102 = arith.addi %add3A_1002, %add3A_1101 : i32
      %dma_start3A_1103 = arith.constant 0 : i32
      %dma_start3A_1104 = tpu.memref_slice %arg6[%add3A_1102, %dma_start3A_1103] : memref<200x128xi32, #tpu.memory_space<vmem>> -> memref<1x128xi32, #tpu.memory_space<vmem>>
      %dma_start3A_1105 = tpu.memref_squeeze %dma_start3A_1104 : memref<1x128xi32, #tpu.memory_space<vmem>> -> memref<128xi32, #tpu.memory_space<vmem>>
      %dma_start3A_1106 = arith.constant 0 : i32
      %dma_start3A_1107 = arith.constant 0 : i32
      %dma_start3A_1108 = tpu.memref_slice %arg3[%dma_start3A_1106, %dma_start3A_1107] : memref<100000x64xf32, #tpu.memory_space<hbm>> -> memref<100000x64xf32, #tpu.memory_space<hbm>>
      tpu.enqueue_indirect_dma source(%dma_start3A_1108 : memref<100000x64xf32, #tpu.memory_space<hbm>>) target(%arg9 : memref<128x64xf32, #tpu.memory_space<vmem>>) offsets(%dma_start3A_1105 : memref<128xi32, #tpu.memory_space<vmem>>) semaphore(%arg17 : memref<!tpu.dma_semaphore, #tpu.memory_space<semaphore_mem>>)
      %mul3A_1109 = arith.constant 4 : i32
      %mul3A_1110 = arith.muli %add3A_885, %mul3A_1109 : i32
      %add3A_1111 = arith.constant 4 : i32
      %add3A_1112 = arith.addi %add3A_1111, %mul3A_1110 : i32
      %add3A_1113 = arith.constant 2 : i32
      %add3A_1114 = arith.addi %add3A_1112, %add3A_1113 : i32
      %dma_wait3A_1115 = arith.constant 0 : i32
      %dma_wait3A_1116 = tpu.memref_slice %arg6[%add3A_1114, %dma_wait3A_1115] : memref<200x128xi32, #tpu.memory_space<vmem>> -> memref<1x128xi32, #tpu.memory_space<vmem>>
      %dma_wait3A_1117 = tpu.memref_squeeze %dma_wait3A_1116 : memref<1x128xi32, #tpu.memory_space<vmem>> -> memref<128xi32, #tpu.memory_space<vmem>>
      %dma_wait3A_1118 = arith.constant 0 : i32
      %dma_wait3A_1119 = arith.constant 0 : i32
      %dma_wait3A_1120 = tpu.memref_slice %arg3[%dma_wait3A_1118, %dma_wait3A_1119] : memref<100000x64xf32, #tpu.memory_space<hbm>> -> memref<100000x64xf32, #tpu.memory_space<hbm>>
      tpu.wait_indirect_dma semaphore(%arg18 : memref<!tpu.dma_semaphore, #tpu.memory_space<semaphore_mem>>) src(%dma_wait3A_1120 : memref<100000x64xf32, #tpu.memory_space<hbm>>) dst(%arg10 : memref<128x64xf32, #tpu.memory_space<vmem>>)
      %iota3A_1121 = tpu.iota {dimensions = array<i32: 0>} : vector<16xi32>
      %get3A_1122 = arith.index_cast %add3A_1114 : i32 to index
      %get3A_1123 = arith.constant 0 : index
      %get3A_1124 = tpu.vector_load %arg7[%get3A_1122, %get3A_1123] {strides = array<i32>} : memref<200x64xf32, #tpu.memory_space<vmem>>, vector<16xf32>,
      %get3A_1125 = arith.index_cast %add3A_1114 : i32 to index
      %get3A_1126 = arith.constant 16 : index
      %get3A_1127 = tpu.vector_load %arg7[%get3A_1125, %get3A_1126] {strides = array<i32>} : memref<200x64xf32, #tpu.memory_space<vmem>>, vector<16xf32>,
      %get3A_1128 = arith.index_cast %add3A_1114 : i32 to index
      %get3A_1129 = arith.constant 32 : index
      %get3A_1130 = tpu.vector_load %arg7[%get3A_1128, %get3A_1129] {strides = array<i32>} : memref<200x64xf32, #tpu.memory_space<vmem>>, vector<16xf32>,
      %get3A_1131 = arith.index_cast %add3A_1114 : i32 to index
      %get3A_1132 = arith.constant 48 : index
      %get3A_1133 = tpu.vector_load %arg7[%get3A_1131, %get3A_1132] {strides = array<i32>} : memref<200x64xf32, #tpu.memory_space<vmem>>, vector<16xf32>,
      %add3A_1134 = arith.constant 0 : i32
      %add3A_1135 = vector.broadcast %add3A_1134 : i32 to vector<16xi32>
      %add3A_1136 = arith.addi %iota3A_1121, %add3A_1135 : vector<16xi32>
      %add3A_1137 = arith.constant 16 : i32
      %add3A_1138 = vector.broadcast %add3A_1137 : i32 to vector<16xi32>
      %add3A_1139 = arith.addi %iota3A_1121, %add3A_1138 : vector<16xi32>
      %add3A_1140 = arith.constant 32 : i32
      %add3A_1141 = vector.broadcast %add3A_1140 : i32 to vector<16xi32>
      %add3A_1142 = arith.addi %iota3A_1121, %add3A_1141 : vector<16xi32>
      %add3A_1143 = arith.constant 48 : i32
      %add3A_1144 = vector.broadcast %add3A_1143 : i32 to vector<16xi32>
      %add3A_1145 = arith.addi %iota3A_1121, %add3A_1144 : vector<16xi32>
      %shift_right_arithmetic3A_1146 = arith.constant 3 : i32
      %shift_right_arithmetic3A_1147 = vector.broadcast %shift_right_arithmetic3A_1146 : i32 to vector<16xi32>
      %shift_right_arithmetic3A_1148 = arith.shrsi %add3A_1136, %shift_right_arithmetic3A_1147 : vector<16xi32>
      %shift_right_arithmetic3A_1149 = arith.constant 3 : i32
      %shift_right_arithmetic3A_1150 = vector.broadcast %shift_right_arithmetic3A_1149 : i32 to vector<16xi32>
      %shift_right_arithmetic3A_1151 = arith.shrsi %add3A_1139, %shift_right_arithmetic3A_1150 : vector<16xi32>
      %shift_right_arithmetic3A_1152 = arith.constant 3 : i32
      %shift_right_arithmetic3A_1153 = vector.broadcast %shift_right_arithmetic3A_1152 : i32 to vector<16xi32>
      %shift_right_arithmetic3A_1154 = arith.shrsi %add3A_1142, %shift_right_arithmetic3A_1153 : vector<16xi32>
      %shift_right_arithmetic3A_1155 = arith.constant 3 : i32
      %shift_right_arithmetic3A_1156 = vector.broadcast %shift_right_arithmetic3A_1155 : i32 to vector<16xi32>
      %shift_right_arithmetic3A_1157 = arith.shrsi %add3A_1145, %shift_right_arithmetic3A_1156 : vector<16xi32>
      %and3A_1158 = arith.constant 7 : i32
      %and3A_1159 = vector.broadcast %and3A_1158 : i32 to vector<16xi32>
      %and3A_1160 = arith.andi %add3A_1136, %and3A_1159 : vector<16xi32>
      %and3A_1161 = arith.constant 7 : i32
      %and3A_1162 = vector.broadcast %and3A_1161 : i32 to vector<16xi32>
      %and3A_1163 = arith.andi %add3A_1139, %and3A_1162 : vector<16xi32>
      %and3A_1164 = arith.constant 7 : i32
      %and3A_1165 = vector.broadcast %and3A_1164 : i32 to vector<16xi32>
      %and3A_1166 = arith.andi %add3A_1142, %and3A_1165 : vector<16xi32>
      %and3A_1167 = arith.constant 7 : i32
      %and3A_1168 = vector.broadcast %and3A_1167 : i32 to vector<16xi32>
      %and3A_1169 = arith.andi %add3A_1145, %and3A_1168 : vector<16xi32>
      %scan3A_1170 = arith.constant 0 : i32
      %scan3A_1171 = arith.constant 128 : i32
      %scan3A_1172 = arith.addi %scan3A_1170, %scan3A_1171 : i32
      %scan3A_1173 = arith.constant 4 : i32
      scf.for %scan3A_1333 = %scan3A_1170 to %scan3A_1172 step %scan3A_1173  : i32 {
        %mul3A_1334 = arith.constant 1 : i32
        %mul3A_1335 = arith.muli %scan3A_1333, %mul3A_1334 : i32
        %add3A_1336 = arith.constant 0 : i32
        %add3A_1337 = arith.addi %add3A_1336, %mul3A_1335 : i32
        %broadcast_in_dim3A = vector.broadcast %add3A_1337 : i32 to vector<16xi32>
        %get3A_1338 = arith.index_cast %add3A_1337 : i32 to index
        %get3A_1339 = arith.constant 0 : index
        %get3A_1340 = tpu.vector_load %arg10[%get3A_1338, %get3A_1339] {strides = array<i32>} : memref<128x64xf32, #tpu.memory_space<vmem>>, vector<16xf32>,
        %add3A_1341 = arith.addf %get3A_1340, %get3A_1124 : vector<16xf32>
        tpu.vector_store_idx %arg14[%shift_right_arithmetic3A_1148, %and3A_1160, %broadcast_in_dim3A], %add3A_1341 : memref<8x8x129xf32, #tpu.memory_space<vmem>>[vector<16xi32>, vector<16xi32>, vector<16xi32>], vector<16xf32>,
        %get3A_1342 = arith.index_cast %add3A_1337 : i32 to index
        %get3A_1343 = arith.constant 16 : index
        %get3A_1344 = tpu.vector_load %arg10[%get3A_1342, %get3A_1343] {strides = array<i32>} : memref<128x64xf32, #tpu.memory_space<vmem>>, vector<16xf32>,
        %add3A_1345 = arith.addf %get3A_1344, %get3A_1127 : vector<16xf32>
        tpu.vector_store_idx %arg14[%shift_right_arithmetic3A_1151, %and3A_1163, %broadcast_in_dim3A], %add3A_1345 : memref<8x8x129xf32, #tpu.memory_space<vmem>>[vector<16xi32>, vector<16xi32>, vector<16xi32>], vector<16xf32>,
        %get3A_1346 = arith.index_cast %add3A_1337 : i32 to index
        %get3A_1347 = arith.constant 32 : index
        %get3A_1348 = tpu.vector_load %arg10[%get3A_1346, %get3A_1347] {strides = array<i32>} : memref<128x64xf32, #tpu.memory_space<vmem>>, vector<16xf32>,
        %add3A_1349 = arith.addf %get3A_1348, %get3A_1130 : vector<16xf32>
        tpu.vector_store_idx %arg14[%shift_right_arithmetic3A_1154, %and3A_1166, %broadcast_in_dim3A], %add3A_1349 : memref<8x8x129xf32, #tpu.memory_space<vmem>>[vector<16xi32>, vector<16xi32>, vector<16xi32>], vector<16xf32>,
        %get3A_1350 = arith.index_cast %add3A_1337 : i32 to index
        %get3A_1351 = arith.constant 48 : index
        %get3A_1352 = tpu.vector_load %arg10[%get3A_1350, %get3A_1351] {strides = array<i32>} : memref<128x64xf32, #tpu.memory_space<vmem>>, vector<16xf32>,
        %add3A_1353 = arith.addf %get3A_1352, %get3A_1133 : vector<16xf32>
        tpu.vector_store_idx %arg14[%shift_right_arithmetic3A_1157, %and3A_1169, %broadcast_in_dim3A], %add3A_1353 : memref<8x8x129xf32, #tpu.memory_space<vmem>>[vector<16xi32>, vector<16xi32>, vector<16xi32>], vector<16xf32>,
        %scan3A_1354 = arith.constant 1 : i32
        %scan3A_1355 = arith.addi %scan3A_1333, %scan3A_1354 : i32
        %mul3A_1356 = arith.constant 1 : i32
        %mul3A_1357 = arith.muli %scan3A_1355, %mul3A_1356 : i32
        %add3A_1358 = arith.constant 0 : i32
        %add3A_1359 = arith.addi %add3A_1358, %mul3A_1357 : i32
        %broadcast_in_dim3A_1360 = vector.broadcast %add3A_1359 : i32 to vector<16xi32>
        %get3A_1361 = arith.index_cast %add3A_1359 : i32 to index
        %get3A_1362 = arith.constant 0 : index
        %get3A_1363 = tpu.vector_load %arg10[%get3A_1361, %get3A_1362] {strides = array<i32>} : memref<128x64xf32, #tpu.memory_space<vmem>>, vector<16xf32>,
        %add3A_1364 = arith.addf %get3A_1363, %get3A_1124 : vector<16xf32>
        tpu.vector_store_idx %arg14[%shift_right_arithmetic3A_1148, %and3A_1160, %broadcast_in_dim3A_1360], %add3A_1364 : memref<8x8x129xf32, #tpu.memory_space<vmem>>[vector<16xi32>, vector<16xi32>, vector<16xi32>], vector<16xf32>,
        %get3A_1365 = arith.index_cast %add3A_1359 : i32 to index
        %get3A_1366 = arith.constant 16 : index
        %get3A_1367 = tpu.vector_load %arg10[%get3A_1365, %get3A_1366] {strides = array<i32>} : memref<128x64xf32, #tpu.memory_space<vmem>>, vector<16xf32>,
        %add3A_1368 = arith.addf %get3A_1367, %get3A_1127 : vector<16xf32>
        tpu.vector_store_idx %arg14[%shift_right_arithmetic3A_1151, %and3A_1163, %broadcast_in_dim3A_1360], %add3A_1368 : memref<8x8x129xf32, #tpu.memory_space<vmem>>[vector<16xi32>, vector<16xi32>, vector<16xi32>], vector<16xf32>,
        %get3A_1369 = arith.index_cast %add3A_1359 : i32 to index
        %get3A_1370 = arith.constant 32 : index
        %get3A_1371 = tpu.vector_load %arg10[%get3A_1369, %get3A_1370] {strides = array<i32>} : memref<128x64xf32, #tpu.memory_space<vmem>>, vector<16xf32>,
        %add3A_1372 = arith.addf %get3A_1371, %get3A_1130 : vector<16xf32>
        tpu.vector_store_idx %arg14[%shift_right_arithmetic3A_1154, %and3A_1166, %broadcast_in_dim3A_1360], %add3A_1372 : memref<8x8x129xf32, #tpu.memory_space<vmem>>[vector<16xi32>, vector<16xi32>, vector<16xi32>], vector<16xf32>,
        %get3A_1373 = arith.index_cast %add3A_1359 : i32 to index
        %get3A_1374 = arith.constant 48 : index
        %get3A_1375 = tpu.vector_load %arg10[%get3A_1373, %get3A_1374] {strides = array<i32>} : memref<128x64xf32, #tpu.memory_space<vmem>>, vector<16xf32>,
        %add3A_1376 = arith.addf %get3A_1375, %get3A_1133 : vector<16xf32>
        tpu.vector_store_idx %arg14[%shift_right_arithmetic3A_1157, %and3A_1169, %broadcast_in_dim3A_1360], %add3A_1376 : memref<8x8x129xf32, #tpu.memory_space<vmem>>[vector<16xi32>, vector<16xi32>, vector<16xi32>], vector<16xf32>,
        %scan3A_1377 = arith.constant 2 : i32
        %scan3A_1378 = arith.addi %scan3A_1333, %scan3A_1377 : i32
        %mul3A_1379 = arith.constant 1 : i32
        %mul3A_1380 = arith.muli %scan3A_1378, %mul3A_1379 : i32
        %add3A_1381 = arith.constant 0 : i32
        %add3A_1382 = arith.addi %add3A_1381, %mul3A_1380 : i32
        %broadcast_in_dim3A_1383 = vector.broadcast %add3A_1382 : i32 to vector<16xi32>
        %get3A_1384 = arith.index_cast %add3A_1382 : i32 to index
        %get3A_1385 = arith.constant 0 : index
        %get3A_1386 = tpu.vector_load %arg10[%get3A_1384, %get3A_1385] {strides = array<i32>} : memref<128x64xf32, #tpu.memory_space<vmem>>, vector<16xf32>,
        %add3A_1387 = arith.addf %get3A_1386, %get3A_1124 : vector<16xf32>
        tpu.vector_store_idx %arg14[%shift_right_arithmetic3A_1148, %and3A_1160, %broadcast_in_dim3A_1383], %add3A_1387 : memref<8x8x129xf32, #tpu.memory_space<vmem>>[vector<16xi32>, vector<16xi32>, vector<16xi32>], vector<16xf32>,
        %get3A_1388 = arith.index_cast %add3A_1382 : i32 to index
        %get3A_1389 = arith.constant 16 : index
        %get3A_1390 = tpu.vector_load %arg10[%get3A_1388, %get3A_1389] {strides = array<i32>} : memref<128x64xf32, #tpu.memory_space<vmem>>, vector<16xf32>,
        %add3A_1391 = arith.addf %get3A_1390, %get3A_1127 : vector<16xf32>
        tpu.vector_store_idx %arg14[%shift_right_arithmetic3A_1151, %and3A_1163, %broadcast_in_dim3A_1383], %add3A_1391 : memref<8x8x129xf32, #tpu.memory_space<vmem>>[vector<16xi32>, vector<16xi32>, vector<16xi32>], vector<16xf32>,
        %get3A_1392 = arith.index_cast %add3A_1382 : i32 to index
        %get3A_1393 = arith.constant 32 : index
        %get3A_1394 = tpu.vector_load %arg10[%get3A_1392, %get3A_1393] {strides = array<i32>} : memref<128x64xf32, #tpu.memory_space<vmem>>, vector<16xf32>,
        %add3A_1395 = arith.addf %get3A_1394, %get3A_1130 : vector<16xf32>
        tpu.vector_store_idx %arg14[%shift_right_arithmetic3A_1154, %and3A_1166, %broadcast_in_dim3A_1383], %add3A_1395 : memref<8x8x129xf32, #tpu.memory_space<vmem>>[vector<16xi32>, vector<16xi32>, vector<16xi32>], vector<16xf32>,
        %get3A_1396 = arith.index_cast %add3A_1382 : i32 to index
        %get3A_1397 = arith.constant 48 : index
        %get3A_1398 = tpu.vector_load %arg10[%get3A_1396, %get3A_1397] {strides = array<i32>} : memref<128x64xf32, #tpu.memory_space<vmem>>, vector<16xf32>,
        %add3A_1399 = arith.addf %get3A_1398, %get3A_1133 : vector<16xf32>
        tpu.vector_store_idx %arg14[%shift_right_arithmetic3A_1157, %and3A_1169, %broadcast_in_dim3A_1383], %add3A_1399 : memref<8x8x129xf32, #tpu.memory_space<vmem>>[vector<16xi32>, vector<16xi32>, vector<16xi32>], vector<16xf32>,
        %scan3A_1400 = arith.constant 3 : i32
        %scan3A_1401 = arith.addi %scan3A_1333, %scan3A_1400 : i32
        %mul3A_1402 = arith.constant 1 : i32
        %mul3A_1403 = arith.muli %scan3A_1401, %mul3A_1402 : i32
        %add3A_1404 = arith.constant 0 : i32
        %add3A_1405 = arith.addi %add3A_1404, %mul3A_1403 : i32
        %broadcast_in_dim3A_1406 = vector.broadcast %add3A_1405 : i32 to vector<16xi32>
        %get3A_1407 = arith.index_cast %add3A_1405 : i32 to index
        %get3A_1408 = arith.constant 0 : index
        %get3A_1409 = tpu.vector_load %arg10[%get3A_1407, %get3A_1408] {strides = array<i32>} : memref<128x64xf32, #tpu.memory_space<vmem>>, vector<16xf32>,
        %add3A_1410 = arith.addf %get3A_1409, %get3A_1124 : vector<16xf32>
        tpu.vector_store_idx %arg14[%shift_right_arithmetic3A_1148, %and3A_1160, %broadcast_in_dim3A_1406], %add3A_1410 : memref<8x8x129xf32, #tpu.memory_space<vmem>>[vector<16xi32>, vector<16xi32>, vector<16xi32>], vector<16xf32>,
        %get3A_1411 = arith.index_cast %add3A_1405 : i32 to index
        %get3A_1412 = arith.constant 16 : index
        %get3A_1413 = tpu.vector_load %arg10[%get3A_1411, %get3A_1412] {strides = array<i32>} : memref<128x64xf32, #tpu.memory_space<vmem>>, vector<16xf32>,
        %add3A_1414 = arith.addf %get3A_1413, %get3A_1127 : vector<16xf32>
        tpu.vector_store_idx %arg14[%shift_right_arithmetic3A_1151, %and3A_1163, %broadcast_in_dim3A_1406], %add3A_1414 : memref<8x8x129xf32, #tpu.memory_space<vmem>>[vector<16xi32>, vector<16xi32>, vector<16xi32>], vector<16xf32>,
        %get3A_1415 = arith.index_cast %add3A_1405 : i32 to index
        %get3A_1416 = arith.constant 32 : index
        %get3A_1417 = tpu.vector_load %arg10[%get3A_1415, %get3A_1416] {strides = array<i32>} : memref<128x64xf32, #tpu.memory_space<vmem>>, vector<16xf32>,
        %add3A_1418 = arith.addf %get3A_1417, %get3A_1130 : vector<16xf32>
        tpu.vector_store_idx %arg14[%shift_right_arithmetic3A_1154, %and3A_1166, %broadcast_in_dim3A_1406], %add3A_1418 : memref<8x8x129xf32, #tpu.memory_space<vmem>>[vector<16xi32>, vector<16xi32>, vector<16xi32>], vector<16xf32>,
        %get3A_1419 = arith.index_cast %add3A_1405 : i32 to index
        %get3A_1420 = arith.constant 48 : index
        %get3A_1421 = tpu.vector_load %arg10[%get3A_1419, %get3A_1420] {strides = array<i32>} : memref<128x64xf32, #tpu.memory_space<vmem>>, vector<16xf32>,
        %add3A_1422 = arith.addf %get3A_1421, %get3A_1133 : vector<16xf32>
        tpu.vector_store_idx %arg14[%shift_right_arithmetic3A_1157, %and3A_1169, %broadcast_in_dim3A_1406], %add3A_1422 : memref<8x8x129xf32, #tpu.memory_space<vmem>>[vector<16xi32>, vector<16xi32>, vector<16xi32>], vector<16xf32>,
      }
      %scan3A_1174 = arith.constant 128 : i32
      %sub3A_1175 = arith.constant 4 : i32
      %sub3A_1176 = arith.subi %add3A_1114, %sub3A_1175 : i32
      %dma_wait3A_1177 = arith.constant 0 : i32
      %dma_wait3A_1178 = arith.constant 0 : i32
      %dma_wait3A_1179 = arith.constant 0 : i32
      %dma_wait3A_1180 = tpu.memref_slice %arg14[%dma_wait3A_1177, %dma_wait3A_1178, %dma_wait3A_1179] : memref<8x8x129xf32, #tpu.memory_space<vmem>> -> memref<8x8x128xf32, #tpu.memory_space<vmem>>
      %dma_wait3A_1181 = arith.constant 0 : i32
      %dma_wait3A_1182 = arith.constant 0 : i32
      %dma_wait3A_1183 = arith.constant 0 : i32
      %dma_wait3A_1184 = tpu.memref_slice %arg5[%sub3A_1176, %dma_wait3A_1181, %add3A, %dma_wait3A_1182, %dma_wait3A_1183] : memref<200x8x32x8x128xf32, #tpu.memory_space<hbm>> -> memref<1x8x1x8x128xf32, #tpu.memory_space<hbm>>
      %dma_wait3A_1185 = tpu.memref_squeeze %dma_wait3A_1184 : memref<1x8x1x8x128xf32, #tpu.memory_space<hbm>> -> memref<8x8x128xf32, #tpu.memory_space<hbm>>
      %dma_wait3A_1186 = arith.constant 0 : i32
      %dma_wait3A_1187 = arith.constant 0 : i32
      %dma_wait3A_1188 = arith.constant 0 : i32
      %dma_wait3A_1189 = tpu.memref_slice %arg5[%sub3A_1176, %dma_wait3A_1186, %add3A, %dma_wait3A_1187, %dma_wait3A_1188] : memref<200x8x32x8x128xf32, #tpu.memory_space<hbm>> -> memref<1x8x1x8x128xf32, #tpu.memory_space<hbm>>
      %dma_wait3A_1190 = tpu.memref_squeeze %dma_wait3A_1189 : memref<1x8x1x8x128xf32, #tpu.memory_space<hbm>> -> memref<8x8x128xf32, #tpu.memory_space<hbm>>
      %dma_wait3A_1191 = arith.constant 0 : i32
      %dma_wait3A_1192 = arith.constant 0 : i32
      %dma_wait3A_1193 = arith.constant 0 : i32
      %dma_wait3A_1194 = tpu.memref_slice %arg14[%dma_wait3A_1191, %dma_wait3A_1192, %dma_wait3A_1193] : memref<8x8x129xf32, #tpu.memory_space<vmem>> -> memref<8x8x128xf32, #tpu.memory_space<vmem>>
      tpu.wait_dma2 semaphore(%arg22 : memref<!tpu.dma_semaphore, #tpu.memory_space<semaphore_mem>>) src(%dma_wait3A_1194 : memref<8x8x128xf32, #tpu.memory_space<vmem>>) dst(%dma_wait3A_1190 : memref<8x8x128xf32, #tpu.memory_space<hbm>>)
      %dma_start3A_1195 = arith.constant 0 : i32
      %dma_start3A_1196 = arith.constant 0 : i32
      %dma_start3A_1197 = arith.constant 0 : i32
      %dma_start3A_1198 = tpu.memref_slice %arg14[%dma_start3A_1195, %dma_start3A_1196, %dma_start3A_1197] : memref<8x8x129xf32, #tpu.memory_space<vmem>> -> memref<8x8x128xf32, #tpu.memory_space<vmem>>
      %dma_start3A_1199 = arith.constant 0 : i32
      %dma_start3A_1200 = arith.constant 0 : i32
      %dma_start3A_1201 = arith.constant 0 : i32
      %dma_start3A_1202 = tpu.memref_slice %arg5[%add3A_1114, %dma_start3A_1199, %add3A, %dma_start3A_1200, %dma_start3A_1201] : memref<200x8x32x8x128xf32, #tpu.memory_space<hbm>> -> memref<1x8x1x8x128xf32, #tpu.memory_space<hbm>>
      %dma_start3A_1203 = tpu.memref_squeeze %dma_start3A_1202 : memref<1x8x1x8x128xf32, #tpu.memory_space<hbm>> -> memref<8x8x128xf32, #tpu.memory_space<hbm>>
      %dma_start3A_1204 = arith.constant 0 : i32
      %dma_start3A_1205 = arith.constant 0 : i32
      %dma_start3A_1206 = arith.constant 0 : i32
      %dma_start3A_1207 = tpu.memref_slice %arg5[%add3A_1114, %dma_start3A_1204, %add3A, %dma_start3A_1205, %dma_start3A_1206] : memref<200x8x32x8x128xf32, #tpu.memory_space<hbm>> -> memref<1x8x1x8x128xf32, #tpu.memory_space<hbm>>
      %dma_start3A_1208 = tpu.memref_squeeze %dma_start3A_1207 : memref<1x8x1x8x128xf32, #tpu.memory_space<hbm>> -> memref<8x8x128xf32, #tpu.memory_space<hbm>>
      %dma_start3A_1209 = arith.constant 0 : i32
      %dma_start3A_1210 = arith.constant 0 : i32
      %dma_start3A_1211 = arith.constant 0 : i32
      %dma_start3A_1212 = tpu.memref_slice %arg14[%dma_start3A_1209, %dma_start3A_1210, %dma_start3A_1211] : memref<8x8x129xf32, #tpu.memory_space<vmem>> -> memref<8x8x128xf32, #tpu.memory_space<vmem>>
      tpu.enqueue_dma source(%dma_start3A_1212 : memref<8x8x128xf32, #tpu.memory_space<vmem>>) target(%dma_start3A_1208 : memref<8x8x128xf32, #tpu.memory_space<hbm>>) target_semaphore(%arg22 : memref<!tpu.dma_semaphore, #tpu.memory_space<semaphore_mem>>)
      %add3A_1213 = arith.constant 4 : i32
      %add3A_1214 = arith.addi %add3A_1114, %add3A_1213 : i32
      %dma_start3A_1215 = arith.constant 0 : i32
      %dma_start3A_1216 = tpu.memref_slice %arg6[%add3A_1214, %dma_start3A_1215] : memref<200x128xi32, #tpu.memory_space<vmem>> -> memref<1x128xi32, #tpu.memory_space<vmem>>
      %dma_start3A_1217 = tpu.memref_squeeze %dma_start3A_1216 : memref<1x128xi32, #tpu.memory_space<vmem>> -> memref<128xi32, #tpu.memory_space<vmem>>
      %dma_start3A_1218 = arith.constant 0 : i32
      %dma_start3A_1219 = arith.constant 0 : i32
      %dma_start3A_1220 = tpu.memref_slice %arg3[%dma_start3A_1218, %dma_start3A_1219] : memref<100000x64xf32, #tpu.memory_space<hbm>> -> memref<100000x64xf32, #tpu.memory_space<hbm>>
      tpu.enqueue_indirect_dma source(%dma_start3A_1220 : memref<100000x64xf32, #tpu.memory_space<hbm>>) target(%arg10 : memref<128x64xf32, #tpu.memory_space<vmem>>) offsets(%dma_start3A_1217 : memref<128xi32, #tpu.memory_space<vmem>>) semaphore(%arg18 : memref<!tpu.dma_semaphore, #tpu.memory_space<semaphore_mem>>)
      %mul3A_1221 = arith.constant 4 : i32
      %mul3A_1222 = arith.muli %add3A_885, %mul3A_1221 : i32
      %add3A_1223 = arith.constant 4 : i32
      %add3A_1224 = arith.addi %add3A_1223, %mul3A_1222 : i32
      %add3A_1225 = arith.constant 3 : i32
      %add3A_1226 = arith.addi %add3A_1224, %add3A_1225 : i32
      %dma_wait3A_1227 = arith.constant 0 : i32
      %dma_wait3A_1228 = tpu.memref_slice %arg6[%add3A_1226, %dma_wait3A_1227] : memref<200x128xi32, #tpu.memory_space<vmem>> -> memref<1x128xi32, #tpu.memory_space<vmem>>
      %dma_wait3A_1229 = tpu.memref_squeeze %dma_wait3A_1228 : memref<1x128xi32, #tpu.memory_space<vmem>> -> memref<128xi32, #tpu.memory_space<vmem>>
      %dma_wait3A_1230 = arith.constant 0 : i32
      %dma_wait3A_1231 = arith.constant 0 : i32
      %dma_wait3A_1232 = tpu.memref_slice %arg3[%dma_wait3A_1230, %dma_wait3A_1231] : memref<100000x64xf32, #tpu.memory_space<hbm>> -> memref<100000x64xf32, #tpu.memory_space<hbm>>
      tpu.wait_indirect_dma semaphore(%arg19 : memref<!tpu.dma_semaphore, #tpu.memory_space<semaphore_mem>>) src(%dma_wait3A_1232 : memref<100000x64xf32, #tpu.memory_space<hbm>>) dst(%arg11 : memref<128x64xf32, #tpu.memory_space<vmem>>)
      %iota3A_1233 = tpu.iota {dimensions = array<i32: 0>} : vector<16xi32>
      %get3A_1234 = arith.index_cast %add3A_1226 : i32 to index
      %get3A_1235 = arith.constant 0 : index
      %get3A_1236 = tpu.vector_load %arg7[%get3A_1234, %get3A_1235] {strides = array<i32>} : memref<200x64xf32, #tpu.memory_space<vmem>>, vector<16xf32>,
      %get3A_1237 = arith.index_cast %add3A_1226 : i32 to index
      %get3A_1238 = arith.constant 16 : index
      %get3A_1239 = tpu.vector_load %arg7[%get3A_1237, %get3A_1238] {strides = array<i32>} : memref<200x64xf32, #tpu.memory_space<vmem>>, vector<16xf32>,
      %get3A_1240 = arith.index_cast %add3A_1226 : i32 to index
      %get3A_1241 = arith.constant 32 : index
      %get3A_1242 = tpu.vector_load %arg7[%get3A_1240, %get3A_1241] {strides = array<i32>} : memref<200x64xf32, #tpu.memory_space<vmem>>, vector<16xf32>,
      %get3A_1243 = arith.index_cast %add3A_1226 : i32 to index
      %get3A_1244 = arith.constant 48 : index
      %get3A_1245 = tpu.vector_load %arg7[%get3A_1243, %get3A_1244] {strides = array<i32>} : memref<200x64xf32, #tpu.memory_space<vmem>>, vector<16xf32>,
      %add3A_1246 = arith.constant 0 : i32
      %add3A_1247 = vector.broadcast %add3A_1246 : i32 to vector<16xi32>
      %add3A_1248 = arith.addi %iota3A_1233, %add3A_1247 : vector<16xi32>
      %add3A_1249 = arith.constant 16 : i32
      %add3A_1250 = vector.broadcast %add3A_1249 : i32 to vector<16xi32>
      %add3A_1251 = arith.addi %iota3A_1233, %add3A_1250 : vector<16xi32>
      %add3A_1252 = arith.constant 32 : i32
      %add3A_1253 = vector.broadcast %add3A_1252 : i32 to vector<16xi32>
      %add3A_1254 = arith.addi %iota3A_1233, %add3A_1253 : vector<16xi32>
      %add3A_1255 = arith.constant 48 : i32
      %add3A_1256 = vector.broadcast %add3A_1255 : i32 to vector<16xi32>
      %add3A_1257 = arith.addi %iota3A_1233, %add3A_1256 : vector<16xi32>
      %shift_right_arithmetic3A_1258 = arith.constant 3 : i32
      %shift_right_arithmetic3A_1259 = vector.broadcast %shift_right_arithmetic3A_1258 : i32 to vector<16xi32>
      %shift_right_arithmetic3A_1260 = arith.shrsi %add3A_1248, %shift_right_arithmetic3A_1259 : vector<16xi32>
      %shift_right_arithmetic3A_1261 = arith.constant 3 : i32
      %shift_right_arithmetic3A_1262 = vector.broadcast %shift_right_arithmetic3A_1261 : i32 to vector<16xi32>
      %shift_right_arithmetic3A_1263 = arith.shrsi %add3A_1251, %shift_right_arithmetic3A_1262 : vector<16xi32>
      %shift_right_arithmetic3A_1264 = arith.constant 3 : i32
      %shift_right_arithmetic3A_1265 = vector.broadcast %shift_right_arithmetic3A_1264 : i32 to vector<16xi32>
      %shift_right_arithmetic3A_1266 = arith.shrsi %add3A_1254, %shift_right_arithmetic3A_1265 : vector<16xi32>
      %shift_right_arithmetic3A_1267 = arith.constant 3 : i32
      %shift_right_arithmetic3A_1268 = vector.broadcast %shift_right_arithmetic3A_1267 : i32 to vector<16xi32>
      %shift_right_arithmetic3A_1269 = arith.shrsi %add3A_1257, %shift_right_arithmetic3A_1268 : vector<16xi32>
      %and3A_1270 = arith.constant 7 : i32
      %and3A_1271 = vector.broadcast %and3A_1270 : i32 to vector<16xi32>
      %and3A_1272 = arith.andi %add3A_1248, %and3A_1271 : vector<16xi32>
      %and3A_1273 = arith.constant 7 : i32
      %and3A_1274 = vector.broadcast %and3A_1273 : i32 to vector<16xi32>
      %and3A_1275 = arith.andi %add3A_1251, %and3A_1274 : vector<16xi32>
      %and3A_1276 = arith.constant 7 : i32
      %and3A_1277 = vector.broadcast %and3A_1276 : i32 to vector<16xi32>
      %and3A_1278 = arith.andi %add3A_1254, %and3A_1277 : vector<16xi32>
      %and3A_1279 = arith.constant 7 : i32
      %and3A_1280 = vector.broadcast %and3A_1279 : i32 to vector<16xi32>
      %and3A_1281 = arith.andi %add3A_1257, %and3A_1280 : vector<16xi32>
      %scan3A_1282 = arith.constant 0 : i32
      %scan3A_1283 = arith.constant 128 : i32
      %scan3A_1284 = arith.addi %scan3A_1282, %scan3A_1283 : i32
      %scan3A_1285 = arith.constant 4 : i32
      scf.for %scan3A_1333 = %scan3A_1282 to %scan3A_1284 step %scan3A_1285  : i32 {
        %mul3A_1334 = arith.constant 1 : i32
        %mul3A_1335 = arith.muli %scan3A_1333, %mul3A_1334 : i32
        %add3A_1336 = arith.constant 0 : i32
        %add3A_1337 = arith.addi %add3A_1336, %mul3A_1335 : i32
        %broadcast_in_dim3A = vector.broadcast %add3A_1337 : i32 to vector<16xi32>
        %get3A_1338 = arith.index_cast %add3A_1337 : i32 to index
        %get3A_1339 = arith.constant 0 : index
        %get3A_1340 = tpu.vector_load %arg11[%get3A_1338, %get3A_1339] {strides = array<i32>} : memref<128x64xf32, #tpu.memory_space<vmem>>, vector<16xf32>,
        %add3A_1341 = arith.addf %get3A_1340, %get3A_1236 : vector<16xf32>
        tpu.vector_store_idx %arg15[%shift_right_arithmetic3A_1260, %and3A_1272, %broadcast_in_dim3A], %add3A_1341 : memref<8x8x129xf32, #tpu.memory_space<vmem>>[vector<16xi32>, vector<16xi32>, vector<16xi32>], vector<16xf32>,
        %get3A_1342 = arith.index_cast %add3A_1337 : i32 to index
        %get3A_1343 = arith.constant 16 : index
        %get3A_1344 = tpu.vector_load %arg11[%get3A_1342, %get3A_1343] {strides = array<i32>} : memref<128x64xf32, #tpu.memory_space<vmem>>, vector<16xf32>,
        %add3A_1345 = arith.addf %get3A_1344, %get3A_1239 : vector<16xf32>
        tpu.vector_store_idx %arg15[%shift_right_arithmetic3A_1263, %and3A_1275, %broadcast_in_dim3A], %add3A_1345 : memref<8x8x129xf32, #tpu.memory_space<vmem>>[vector<16xi32>, vector<16xi32>, vector<16xi32>], vector<16xf32>,
        %get3A_1346 = arith.index_cast %add3A_1337 : i32 to index
        %get3A_1347 = arith.constant 32 : index
        %get3A_1348 = tpu.vector_load %arg11[%get3A_1346, %get3A_1347] {strides = array<i32>} : memref<128x64xf32, #tpu.memory_space<vmem>>, vector<16xf32>,
        %add3A_1349 = arith.addf %get3A_1348, %get3A_1242 : vector<16xf32>
        tpu.vector_store_idx %arg15[%shift_right_arithmetic3A_1266, %and3A_1278, %broadcast_in_dim3A], %add3A_1349 : memref<8x8x129xf32, #tpu.memory_space<vmem>>[vector<16xi32>, vector<16xi32>, vector<16xi32>], vector<16xf32>,
        %get3A_1350 = arith.index_cast %add3A_1337 : i32 to index
        %get3A_1351 = arith.constant 48 : index
        %get3A_1352 = tpu.vector_load %arg11[%get3A_1350, %get3A_1351] {strides = array<i32>} : memref<128x64xf32, #tpu.memory_space<vmem>>, vector<16xf32>,
        %add3A_1353 = arith.addf %get3A_1352, %get3A_1245 : vector<16xf32>
        tpu.vector_store_idx %arg15[%shift_right_arithmetic3A_1269, %and3A_1281, %broadcast_in_dim3A], %add3A_1353 : memref<8x8x129xf32, #tpu.memory_space<vmem>>[vector<16xi32>, vector<16xi32>, vector<16xi32>], vector<16xf32>,
        %scan3A_1354 = arith.constant 1 : i32
        %scan3A_1355 = arith.addi %scan3A_1333, %scan3A_1354 : i32
        %mul3A_1356 = arith.constant 1 : i32
        %mul3A_1357 = arith.muli %scan3A_1355, %mul3A_1356 : i32
        %add3A_1358 = arith.constant 0 : i32
        %add3A_1359 = arith.addi %add3A_1358, %mul3A_1357 : i32
        %broadcast_in_dim3A_1360 = vector.broadcast %add3A_1359 : i32 to vector<16xi32>
        %get3A_1361 = arith.index_cast %add3A_1359 : i32 to index
        %get3A_1362 = arith.constant 0 : index
        %get3A_1363 = tpu.vector_load %arg11[%get3A_1361, %get3A_1362] {strides = array<i32>} : memref<128x64xf32, #tpu.memory_space<vmem>>, vector<16xf32>,
        %add3A_1364 = arith.addf %get3A_1363, %get3A_1236 : vector<16xf32>
        tpu.vector_store_idx %arg15[%shift_right_arithmetic3A_1260, %and3A_1272, %broadcast_in_dim3A_1360], %add3A_1364 : memref<8x8x129xf32, #tpu.memory_space<vmem>>[vector<16xi32>, vector<16xi32>, vector<16xi32>], vector<16xf32>,
        %get3A_1365 = arith.index_cast %add3A_1359 : i32 to index
        %get3A_1366 = arith.constant 16 : index
        %get3A_1367 = tpu.vector_load %arg11[%get3A_1365, %get3A_1366] {strides = array<i32>} : memref<128x64xf32, #tpu.memory_space<vmem>>, vector<16xf32>,
        %add3A_1368 = arith.addf %get3A_1367, %get3A_1239 : vector<16xf32>
        tpu.vector_store_idx %arg15[%shift_right_arithmetic3A_1263, %and3A_1275, %broadcast_in_dim3A_1360], %add3A_1368 : memref<8x8x129xf32, #tpu.memory_space<vmem>>[vector<16xi32>, vector<16xi32>, vector<16xi32>], vector<16xf32>,
        %get3A_1369 = arith.index_cast %add3A_1359 : i32 to index
        %get3A_1370 = arith.constant 32 : index
        %get3A_1371 = tpu.vector_load %arg11[%get3A_1369, %get3A_1370] {strides = array<i32>} : memref<128x64xf32, #tpu.memory_space<vmem>>, vector<16xf32>,
        %add3A_1372 = arith.addf %get3A_1371, %get3A_1242 : vector<16xf32>
        tpu.vector_store_idx %arg15[%shift_right_arithmetic3A_1266, %and3A_1278, %broadcast_in_dim3A_1360], %add3A_1372 : memref<8x8x129xf32, #tpu.memory_space<vmem>>[vector<16xi32>, vector<16xi32>, vector<16xi32>], vector<16xf32>,
        %get3A_1373 = arith.index_cast %add3A_1359 : i32 to index
        %get3A_1374 = arith.constant 48 : index
        %get3A_1375 = tpu.vector_load %arg11[%get3A_1373, %get3A_1374] {strides = array<i32>} : memref<128x64xf32, #tpu.memory_space<vmem>>, vector<16xf32>,
        %add3A_1376 = arith.addf %get3A_1375, %get3A_1245 : vector<16xf32>
        tpu.vector_store_idx %arg15[%shift_right_arithmetic3A_1269, %and3A_1281, %broadcast_in_dim3A_1360], %add3A_1376 : memref<8x8x129xf32, #tpu.memory_space<vmem>>[vector<16xi32>, vector<16xi32>, vector<16xi32>], vector<16xf32>,
        %scan3A_1377 = arith.constant 2 : i32
        %scan3A_1378 = arith.addi %scan3A_1333, %scan3A_1377 : i32
        %mul3A_1379 = arith.constant 1 : i32
        %mul3A_1380 = arith.muli %scan3A_1378, %mul3A_1379 : i32
        %add3A_1381 = arith.constant 0 : i32
        %add3A_1382 = arith.addi %add3A_1381, %mul3A_1380 : i32
        %broadcast_in_dim3A_1383 = vector.broadcast %add3A_1382 : i32 to vector<16xi32>
        %get3A_1384 = arith.index_cast %add3A_1382 : i32 to index
        %get3A_1385 = arith.constant 0 : index
        %get3A_1386 = tpu.vector_load %arg11[%get3A_1384, %get3A_1385] {strides = array<i32>} : memref<128x64xf32, #tpu.memory_space<vmem>>, vector<16xf32>,
        %add3A_1387 = arith.addf %get3A_1386, %get3A_1236 : vector<16xf32>
        tpu.vector_store_idx %arg15[%shift_right_arithmetic3A_1260, %and3A_1272, %broadcast_in_dim3A_1383], %add3A_1387 : memref<8x8x129xf32, #tpu.memory_space<vmem>>[vector<16xi32>, vector<16xi32>, vector<16xi32>], vector<16xf32>,
        %get3A_1388 = arith.index_cast %add3A_1382 : i32 to index
        %get3A_1389 = arith.constant 16 : index
        %get3A_1390 = tpu.vector_load %arg11[%get3A_1388, %get3A_1389] {strides = array<i32>} : memref<128x64xf32, #tpu.memory_space<vmem>>, vector<16xf32>,
        %add3A_1391 = arith.addf %get3A_1390, %get3A_1239 : vector<16xf32>
        tpu.vector_store_idx %arg15[%shift_right_arithmetic3A_1263, %and3A_1275, %broadcast_in_dim3A_1383], %add3A_1391 : memref<8x8x129xf32, #tpu.memory_space<vmem>>[vector<16xi32>, vector<16xi32>, vector<16xi32>], vector<16xf32>,
        %get3A_1392 = arith.index_cast %add3A_1382 : i32 to index
        %get3A_1393 = arith.constant 32 : index
        %get3A_1394 = tpu.vector_load %arg11[%get3A_1392, %get3A_1393] {strides = array<i32>} : memref<128x64xf32, #tpu.memory_space<vmem>>, vector<16xf32>,
        %add3A_1395 = arith.addf %get3A_1394, %get3A_1242 : vector<16xf32>
        tpu.vector_store_idx %arg15[%shift_right_arithmetic3A_1266, %and3A_1278, %broadcast_in_dim3A_1383], %add3A_1395 : memref<8x8x129xf32, #tpu.memory_space<vmem>>[vector<16xi32>, vector<16xi32>, vector<16xi32>], vector<16xf32>,
        %get3A_1396 = arith.index_cast %add3A_1382 : i32 to index
        %get3A_1397 = arith.constant 48 : index
        %get3A_1398 = tpu.vector_load %arg11[%get3A_1396, %get3A_1397] {strides = array<i32>} : memref<128x64xf32, #tpu.memory_space<vmem>>, vector<16xf32>,
        %add3A_1399 = arith.addf %get3A_1398, %get3A_1245 : vector<16xf32>
        tpu.vector_store_idx %arg15[%shift_right_arithmetic3A_1269, %and3A_1281, %broadcast_in_dim3A_1383], %add3A_1399 : memref<8x8x129xf32, #tpu.memory_space<vmem>>[vector<16xi32>, vector<16xi32>, vector<16xi32>], vector<16xf32>,
        %scan3A_1400 = arith.constant 3 : i32
        %scan3A_1401 = arith.addi %scan3A_1333, %scan3A_1400 : i32
        %mul3A_1402 = arith.constant 1 : i32
        %mul3A_1403 = arith.muli %scan3A_1401, %mul3A_1402 : i32
        %add3A_1404 = arith.constant 0 : i32
        %add3A_1405 = arith.addi %add3A_1404, %mul3A_1403 : i32
        %broadcast_in_dim3A_1406 = vector.broadcast %add3A_1405 : i32 to vector<16xi32>
        %get3A_1407 = arith.index_cast %add3A_1405 : i32 to index
        %get3A_1408 = arith.constant 0 : index
        %get3A_1409 = tpu.vector_load %arg11[%get3A_1407, %get3A_1408] {strides = array<i32>} : memref<128x64xf32, #tpu.memory_space<vmem>>, vector<16xf32>,
        %add3A_1410 = arith.addf %get3A_1409, %get3A_1236 : vector<16xf32>
        tpu.vector_store_idx %arg15[%shift_right_arithmetic3A_1260, %and3A_1272, %broadcast_in_dim3A_1406], %add3A_1410 : memref<8x8x129xf32, #tpu.memory_space<vmem>>[vector<16xi32>, vector<16xi32>, vector<16xi32>], vector<16xf32>,
        %get3A_1411 = arith.index_cast %add3A_1405 : i32 to index
        %get3A_1412 = arith.constant 16 : index
        %get3A_1413 = tpu.vector_load %arg11[%get3A_1411, %get3A_1412] {strides = array<i32>} : memref<128x64xf32, #tpu.memory_space<vmem>>, vector<16xf32>,
        %add3A_1414 = arith.addf %get3A_1413, %get3A_1239 : vector<16xf32>
        tpu.vector_store_idx %arg15[%shift_right_arithmetic3A_1263, %and3A_1275, %broadcast_in_dim3A_1406], %add3A_1414 : memref<8x8x129xf32, #tpu.memory_space<vmem>>[vector<16xi32>, vector<16xi32>, vector<16xi32>], vector<16xf32>,
        %get3A_1415 = arith.index_cast %add3A_1405 : i32 to index
        %get3A_1416 = arith.constant 32 : index
        %get3A_1417 = tpu.vector_load %arg11[%get3A_1415, %get3A_1416] {strides = array<i32>} : memref<128x64xf32, #tpu.memory_space<vmem>>, vector<16xf32>,
        %add3A_1418 = arith.addf %get3A_1417, %get3A_1242 : vector<16xf32>
        tpu.vector_store_idx %arg15[%shift_right_arithmetic3A_1266, %and3A_1278, %broadcast_in_dim3A_1406], %add3A_1418 : memref<8x8x129xf32, #tpu.memory_space<vmem>>[vector<16xi32>, vector<16xi32>, vector<16xi32>], vector<16xf32>,
        %get3A_1419 = arith.index_cast %add3A_1405 : i32 to index
        %get3A_1420 = arith.constant 48 : index
        %get3A_1421 = tpu.vector_load %arg11[%get3A_1419, %get3A_1420] {strides = array<i32>} : memref<128x64xf32, #tpu.memory_space<vmem>>, vector<16xf32>,
        %add3A_1422 = arith.addf %get3A_1421, %get3A_1245 : vector<16xf32>
        tpu.vector_store_idx %arg15[%shift_right_arithmetic3A_1269, %and3A_1281, %broadcast_in_dim3A_1406], %add3A_1422 : memref<8x8x129xf32, #tpu.memory_space<vmem>>[vector<16xi32>, vector<16xi32>, vector<16xi32>], vector<16xf32>,
      }
      %scan3A_1286 = arith.constant 128 : i32
      %sub3A_1287 = arith.constant 4 : i32
      %sub3A_1288 = arith.subi %add3A_1226, %sub3A_1287 : i32
      %dma_wait3A_1289 = arith.constant 0 : i32
      %dma_wait3A_1290 = arith.constant 0 : i32
      %dma_wait3A_1291 = arith.constant 0 : i32
      %dma_wait3A_1292 = tpu.memref_slice %arg15[%dma_wait3A_1289, %dma_wait3A_1290, %dma_wait3A_1291] : memref<8x8x129xf32, #tpu.memory_space<vmem>> -> memref<8x8x128xf32, #tpu.memory_space<vmem>>
      %dma_wait3A_1293 = arith.constant 0 : i32
      %dma_wait3A_1294 = arith.constant 0 : i32
      %dma_wait3A_1295 = arith.constant 0 : i32
      %dma_wait3A_1296 = tpu.memref_slice %arg5[%sub3A_1288, %dma_wait3A_1293, %add3A, %dma_wait3A_1294, %dma_wait3A_1295] : memref<200x8x32x8x128xf32, #tpu.memory_space<hbm>> -> memref<1x8x1x8x128xf32, #tpu.memory_space<hbm>>
      %dma_wait3A_1297 = tpu.memref_squeeze %dma_wait3A_1296 : memref<1x8x1x8x128xf32, #tpu.memory_space<hbm>> -> memref<8x8x128xf32, #tpu.memory_space<hbm>>
      %dma_wait3A_1298 = arith.constant 0 : i32
      %dma_wait3A_1299 = arith.constant 0 : i32
      %dma_wait3A_1300 = arith.constant 0 : i32
      %dma_wait3A_1301 = tpu.memref_slice %arg5[%sub3A_1288, %dma_wait3A_1298, %add3A, %dma_wait3A_1299, %dma_wait3A_1300] : memref<200x8x32x8x128xf32, #tpu.memory_space<hbm>> -> memref<1x8x1x8x128xf32, #tpu.memory_space<hbm>>
      %dma_wait3A_1302 = tpu.memref_squeeze %dma_wait3A_1301 : memref<1x8x1x8x128xf32, #tpu.memory_space<hbm>> -> memref<8x8x128xf32, #tpu.memory_space<hbm>>
      %dma_wait3A_1303 = arith.constant 0 : i32
      %dma_wait3A_1304 = arith.constant 0 : i32
      %dma_wait3A_1305 = arith.constant 0 : i32
      %dma_wait3A_1306 = tpu.memref_slice %arg15[%dma_wait3A_1303, %dma_wait3A_1304, %dma_wait3A_1305] : memref<8x8x129xf32, #tpu.memory_space<vmem>> -> memref<8x8x128xf32, #tpu.memory_space<vmem>>
      tpu.wait_dma2 semaphore(%arg23 : memref<!tpu.dma_semaphore, #tpu.memory_space<semaphore_mem>>) src(%dma_wait3A_1306 : memref<8x8x128xf32, #tpu.memory_space<vmem>>) dst(%dma_wait3A_1302 : memref<8x8x128xf32, #tpu.memory_space<hbm>>)
      %dma_start3A_1307 = arith.constant 0 : i32
      %dma_start3A_1308 = arith.constant 0 : i32
      %dma_start3A_1309 = arith.constant 0 : i32
      %dma_start3A_1310 = tpu.memref_slice %arg15[%dma_start3A_1307, %dma_start3A_1308, %dma_start3A_1309] : memref<8x8x129xf32, #tpu.memory_space<vmem>> -> memref<8x8x128xf32, #tpu.memory_space<vmem>>
      %dma_start3A_1311 = arith.constant 0 : i32
      %dma_start3A_1312 = arith.constant 0 : i32
      %dma_start3A_1313 = arith.constant 0 : i32
      %dma_start3A_1314 = tpu.memref_slice %arg5[%add3A_1226, %dma_start3A_1311, %add3A, %dma_start3A_1312, %dma_start3A_1313] : memref<200x8x32x8x128xf32, #tpu.memory_space<hbm>> -> memref<1x8x1x8x128xf32, #tpu.memory_space<hbm>>
      %dma_start3A_1315 = tpu.memref_squeeze %dma_start3A_1314 : memref<1x8x1x8x128xf32, #tpu.memory_space<hbm>> -> memref<8x8x128xf32, #tpu.memory_space<hbm>>
      %dma_start3A_1316 = arith.constant 0 : i32
      %dma_start3A_1317 = arith.constant 0 : i32
      %dma_start3A_1318 = arith.constant 0 : i32
      %dma_start3A_1319 = tpu.memref_slice %arg5[%add3A_1226, %dma_start3A_1316, %add3A, %dma_start3A_1317, %dma_start3A_1318] : memref<200x8x32x8x128xf32, #tpu.memory_space<hbm>> -> memref<1x8x1x8x128xf32, #tpu.memory_space<hbm>>
      %dma_start3A_1320 = tpu.memref_squeeze %dma_start3A_1319 : memref<1x8x1x8x128xf32, #tpu.memory_space<hbm>> -> memref<8x8x128xf32, #tpu.memory_space<hbm>>
      %dma_start3A_1321 = arith.constant 0 : i32
      %dma_start3A_1322 = arith.constant 0 : i32
      %dma_start3A_1323 = arith.constant 0 : i32
      %dma_start3A_1324 = tpu.memref_slice %arg15[%dma_start3A_1321, %dma_start3A_1322, %dma_start3A_1323] : memref<8x8x129xf32, #tpu.memory_space<vmem>> -> memref<8x8x128xf32, #tpu.memory_space<vmem>>
      tpu.enqueue_dma source(%dma_start3A_1324 : memref<8x8x128xf32, #tpu.memory_space<vmem>>) target(%dma_start3A_1320 : memref<8x8x128xf32, #tpu.memory_space<hbm>>) target_semaphore(%arg23 : memref<!tpu.dma_semaphore, #tpu.memory_space<semaphore_mem>>)
      %add3A_1325 = arith.constant 4 : i32
      %add3A_1326 = arith.addi %add3A_1226, %add3A_1325 : i32
      %dma_start3A_1327 = arith.constant 0 : i32
      %dma_start3A_1328 = tpu.memref_slice %arg6[%add3A_1326, %dma_start3A_1327] : memref<200x128xi32, #tpu.memory_space<vmem>> -> memref<1x128xi32, #tpu.memory_space<vmem>>
      %dma_start3A_1329 = tpu.memref_squeeze %dma_start3A_1328 : memref<1x128xi32, #tpu.memory_space<vmem>> -> memref<128xi32, #tpu.memory_space<vmem>>
      %dma_start3A_1330 = arith.constant 0 : i32
      %dma_start3A_1331 = arith.constant 0 : i32
      %dma_start3A_1332 = tpu.memref_slice %arg3[%dma_start3A_1330, %dma_start3A_1331] : memref<100000x64xf32, #tpu.memory_space<hbm>> -> memref<100000x64xf32, #tpu.memory_space<hbm>>
      tpu.enqueue_indirect_dma source(%dma_start3A_1332 : memref<100000x64xf32, #tpu.memory_space<hbm>>) target(%arg11 : memref<128x64xf32, #tpu.memory_space<vmem>>) offsets(%dma_start3A_1329 : memref<128xi32, #tpu.memory_space<vmem>>) semaphore(%arg19 : memref<!tpu.dma_semaphore, #tpu.memory_space<semaphore_mem>>)
    }
    %scan3A_392 = arith.constant 48 : i32
    %dma_wait3A_393 = arith.constant 196 : i32
    %dma_wait3A_394 = arith.constant 0 : i32
    %dma_wait3A_395 = tpu.memref_slice %arg6[%dma_wait3A_393, %dma_wait3A_394] : memref<200x128xi32, #tpu.memory_space<vmem>> -> memref<1x128xi32, #tpu.memory_space<vmem>>
    %dma_wait3A_396 = tpu.memref_squeeze %dma_wait3A_395 : memref<1x128xi32, #tpu.memory_space<vmem>> -> memref<128xi32, #tpu.memory_space<vmem>>
    %dma_wait3A_397 = arith.constant 0 : i32
    %dma_wait3A_398 = arith.constant 0 : i32
    %dma_wait3A_399 = tpu.memref_slice %arg3[%dma_wait3A_397, %dma_wait3A_398] : memref<100000x64xf32, #tpu.memory_space<hbm>> -> memref<100000x64xf32, #tpu.memory_space<hbm>>
    tpu.wait_indirect_dma semaphore(%arg16 : memref<!tpu.dma_semaphore, #tpu.memory_space<semaphore_mem>>) src(%dma_wait3A_399 : memref<100000x64xf32, #tpu.memory_space<hbm>>) dst(%arg8 : memref<128x64xf32, #tpu.memory_space<vmem>>)
    %iota3A_400 = tpu.iota {dimensions = array<i32: 0>} : vector<16xi32>
    %get3A_401 = arith.constant 196 : i32
    %get3A_402 = arith.index_cast %get3A_401 : i32 to index
    %get3A_403 = arith.constant 0 : index
    %get3A_404 = tpu.vector_load %arg7[%get3A_402, %get3A_403] {strides = array<i32>} : memref<200x64xf32, #tpu.memory_space<vmem>>, vector<16xf32>,
    %get3A_405 = arith.constant 196 : i32
    %get3A_406 = arith.index_cast %get3A_405 : i32 to index
    %get3A_407 = arith.constant 16 : index
    %get3A_408 = tpu.vector_load %arg7[%get3A_406, %get3A_407] {strides = array<i32>} : memref<200x64xf32, #tpu.memory_space<vmem>>, vector<16xf32>,
    %get3A_409 = arith.constant 196 : i32
    %get3A_410 = arith.index_cast %get3A_409 : i32 to index
    %get3A_411 = arith.constant 32 : index
    %get3A_412 = tpu.vector_load %arg7[%get3A_410, %get3A_411] {strides = array<i32>} : memref<200x64xf32, #tpu.memory_space<vmem>>, vector<16xf32>,
    %get3A_413 = arith.constant 196 : i32
    %get3A_414 = arith.index_cast %get3A_413 : i32 to index
    %get3A_415 = arith.constant 48 : index
    %get3A_416 = tpu.vector_load %arg7[%get3A_414, %get3A_415] {strides = array<i32>} : memref<200x64xf32, #tpu.memory_space<vmem>>, vector<16xf32>,
    %add3A_417 = arith.constant 0 : i32
    %add3A_418 = vector.broadcast %add3A_417 : i32 to vector<16xi32>
    %add3A_419 = arith.addi %iota3A_400, %add3A_418 : vector<16xi32>
    %add3A_420 = arith.constant 16 : i32
    %add3A_421 = vector.broadcast %add3A_420 : i32 to vector<16xi32>
    %add3A_422 = arith.addi %iota3A_400, %add3A_421 : vector<16xi32>
    %add3A_423 = arith.constant 32 : i32
    %add3A_424 = vector.broadcast %add3A_423 : i32 to vector<16xi32>
    %add3A_425 = arith.addi %iota3A_400, %add3A_424 : vector<16xi32>
    %add3A_426 = arith.constant 48 : i32
    %add3A_427 = vector.broadcast %add3A_426 : i32 to vector<16xi32>
    %add3A_428 = arith.addi %iota3A_400, %add3A_427 : vector<16xi32>
    %shift_right_arithmetic3A_429 = arith.constant 3 : i32
    %shift_right_arithmetic3A_430 = vector.broadcast %shift_right_arithmetic3A_429 : i32 to vector<16xi32>
    %shift_right_arithmetic3A_431 = arith.shrsi %add3A_419, %shift_right_arithmetic3A_430 : vector<16xi32>
    %shift_right_arithmetic3A_432 = arith.constant 3 : i32
    %shift_right_arithmetic3A_433 = vector.broadcast %shift_right_arithmetic3A_432 : i32 to vector<16xi32>
    %shift_right_arithmetic3A_434 = arith.shrsi %add3A_422, %shift_right_arithmetic3A_433 : vector<16xi32>
    %shift_right_arithmetic3A_435 = arith.constant 3 : i32
    %shift_right_arithmetic3A_436 = vector.broadcast %shift_right_arithmetic3A_435 : i32 to vector<16xi32>
    %shift_right_arithmetic3A_437 = arith.shrsi %add3A_425, %shift_right_arithmetic3A_436 : vector<16xi32>
    %shift_right_arithmetic3A_438 = arith.constant 3 : i32
    %shift_right_arithmetic3A_439 = vector.broadcast %shift_right_arithmetic3A_438 : i32 to vector<16xi32>
    %shift_right_arithmetic3A_440 = arith.shrsi %add3A_428, %shift_right_arithmetic3A_439 : vector<16xi32>
    %and3A_441 = arith.constant 7 : i32
    %and3A_442 = vector.broadcast %and3A_441 : i32 to vector<16xi32>
    %and3A_443 = arith.andi %add3A_419, %and3A_442 : vector<16xi32>
    %and3A_444 = arith.constant 7 : i32
    %and3A_445 = vector.broadcast %and3A_444 : i32 to vector<16xi32>
    %and3A_446 = arith.andi %add3A_422, %and3A_445 : vector<16xi32>
    %and3A_447 = arith.constant 7 : i32
    %and3A_448 = vector.broadcast %and3A_447 : i32 to vector<16xi32>
    %and3A_449 = arith.andi %add3A_425, %and3A_448 : vector<16xi32>
    %and3A_450 = arith.constant 7 : i32
    %and3A_451 = vector.broadcast %and3A_450 : i32 to vector<16xi32>
    %and3A_452 = arith.andi %add3A_428, %and3A_451 : vector<16xi32>
    %scan3A_453 = arith.constant 0 : i32
    %scan3A_454 = arith.constant 128 : i32
    %scan3A_455 = arith.addi %scan3A_453, %scan3A_454 : i32
    %scan3A_456 = arith.constant 4 : i32
    scf.for %scan3A_881 = %scan3A_453 to %scan3A_455 step %scan3A_456  : i32 {
      %mul3A_882 = arith.constant 1 : i32
      %mul3A_883 = arith.muli %scan3A_881, %mul3A_882 : i32
      %add3A_884 = arith.constant 0 : i32
      %add3A_885 = arith.addi %add3A_884, %mul3A_883 : i32
      %broadcast_in_dim3A = vector.broadcast %add3A_885 : i32 to vector<16xi32>
      %get3A_886 = arith.index_cast %add3A_885 : i32 to index
      %get3A_887 = arith.constant 0 : index
      %get3A_888 = tpu.vector_load %arg8[%get3A_886, %get3A_887] {strides = array<i32>} : memref<128x64xf32, #tpu.memory_space<vmem>>, vector<16xf32>,
      %add3A_889 = arith.addf %get3A_888, %get3A_404 : vector<16xf32>
      tpu.vector_store_idx %arg12[%shift_right_arithmetic3A_431, %and3A_443, %broadcast_in_dim3A], %add3A_889 : memref<8x8x129xf32, #tpu.memory_space<vmem>>[vector<16xi32>, vector<16xi32>, vector<16xi32>], vector<16xf32>,
      %get3A_890 = arith.index_cast %add3A_885 : i32 to index
      %get3A_891 = arith.constant 16 : index
      %get3A_892 = tpu.vector_load %arg8[%get3A_890, %get3A_891] {strides = array<i32>} : memref<128x64xf32, #tpu.memory_space<vmem>>, vector<16xf32>,
      %add3A_893 = arith.addf %get3A_892, %get3A_408 : vector<16xf32>
      tpu.vector_store_idx %arg12[%shift_right_arithmetic3A_434, %and3A_446, %broadcast_in_dim3A], %add3A_893 : memref<8x8x129xf32, #tpu.memory_space<vmem>>[vector<16xi32>, vector<16xi32>, vector<16xi32>], vector<16xf32>,
      %get3A_894 = arith.index_cast %add3A_885 : i32 to index
      %get3A_895 = arith.constant 32 : index
      %get3A_896 = tpu.vector_load %arg8[%get3A_894, %get3A_895] {strides = array<i32>} : memref<128x64xf32, #tpu.memory_space<vmem>>, vector<16xf32>,
      %add3A_897 = arith.addf %get3A_896, %get3A_412 : vector<16xf32>
      tpu.vector_store_idx %arg12[%shift_right_arithmetic3A_437, %and3A_449, %broadcast_in_dim3A], %add3A_897 : memref<8x8x129xf32, #tpu.memory_space<vmem>>[vector<16xi32>, vector<16xi32>, vector<16xi32>], vector<16xf32>,
      %get3A_898 = arith.index_cast %add3A_885 : i32 to index
      %get3A_899 = arith.constant 48 : index
      %get3A_900 = tpu.vector_load %arg8[%get3A_898, %get3A_899] {strides = array<i32>} : memref<128x64xf32, #tpu.memory_space<vmem>>, vector<16xf32>,
      %add3A_901 = arith.addf %get3A_900, %get3A_416 : vector<16xf32>
      tpu.vector_store_idx %arg12[%shift_right_arithmetic3A_440, %and3A_452, %broadcast_in_dim3A], %add3A_901 : memref<8x8x129xf32, #tpu.memory_space<vmem>>[vector<16xi32>, vector<16xi32>, vector<16xi32>], vector<16xf32>,
      %scan3A_902 = arith.constant 1 : i32
      %scan3A_903 = arith.addi %scan3A_881, %scan3A_902 : i32
      %mul3A_904 = arith.constant 1 : i32
      %mul3A_905 = arith.muli %scan3A_903, %mul3A_904 : i32
      %add3A_906 = arith.constant 0 : i32
      %add3A_907 = arith.addi %add3A_906, %mul3A_905 : i32
      %broadcast_in_dim3A_908 = vector.broadcast %add3A_907 : i32 to vector<16xi32>
      %get3A_909 = arith.index_cast %add3A_907 : i32 to index
      %get3A_910 = arith.constant 0 : index
      %get3A_911 = tpu.vector_load %arg8[%get3A_909, %get3A_910] {strides = array<i32>} : memref<128x64xf32, #tpu.memory_space<vmem>>, vector<16xf32>,
      %add3A_912 = arith.addf %get3A_911, %get3A_404 : vector<16xf32>
      tpu.vector_store_idx %arg12[%shift_right_arithmetic3A_431, %and3A_443, %broadcast_in_dim3A_908], %add3A_912 : memref<8x8x129xf32, #tpu.memory_space<vmem>>[vector<16xi32>, vector<16xi32>, vector<16xi32>], vector<16xf32>,
      %get3A_913 = arith.index_cast %add3A_907 : i32 to index
      %get3A_914 = arith.constant 16 : index
      %get3A_915 = tpu.vector_load %arg8[%get3A_913, %get3A_914] {strides = array<i32>} : memref<128x64xf32, #tpu.memory_space<vmem>>, vector<16xf32>,
      %add3A_916 = arith.addf %get3A_915, %get3A_408 : vector<16xf32>
      tpu.vector_store_idx %arg12[%shift_right_arithmetic3A_434, %and3A_446, %broadcast_in_dim3A_908], %add3A_916 : memref<8x8x129xf32, #tpu.memory_space<vmem>>[vector<16xi32>, vector<16xi32>, vector<16xi32>], vector<16xf32>,
      %get3A_917 = arith.index_cast %add3A_907 : i32 to index
      %get3A_918 = arith.constant 32 : index
      %get3A_919 = tpu.vector_load %arg8[%get3A_917, %get3A_918] {strides = array<i32>} : memref<128x64xf32, #tpu.memory_space<vmem>>, vector<16xf32>,
      %add3A_920 = arith.addf %get3A_919, %get3A_412 : vector<16xf32>
      tpu.vector_store_idx %arg12[%shift_right_arithmetic3A_437, %and3A_449, %broadcast_in_dim3A_908], %add3A_920 : memref<8x8x129xf32, #tpu.memory_space<vmem>>[vector<16xi32>, vector<16xi32>, vector<16xi32>], vector<16xf32>,
      %get3A_921 = arith.index_cast %add3A_907 : i32 to index
      %get3A_922 = arith.constant 48 : index
      %get3A_923 = tpu.vector_load %arg8[%get3A_921, %get3A_922] {strides = array<i32>} : memref<128x64xf32, #tpu.memory_space<vmem>>, vector<16xf32>,
      %add3A_924 = arith.addf %get3A_923, %get3A_416 : vector<16xf32>
      tpu.vector_store_idx %arg12[%shift_right_arithmetic3A_440, %and3A_452, %broadcast_in_dim3A_908], %add3A_924 : memref<8x8x129xf32, #tpu.memory_space<vmem>>[vector<16xi32>, vector<16xi32>, vector<16xi32>], vector<16xf32>,
      %scan3A_925 = arith.constant 2 : i32
      %scan3A_926 = arith.addi %scan3A_881, %scan3A_925 : i32
      %mul3A_927 = arith.constant 1 : i32
      %mul3A_928 = arith.muli %scan3A_926, %mul3A_927 : i32
      %add3A_929 = arith.constant 0 : i32
      %add3A_930 = arith.addi %add3A_929, %mul3A_928 : i32
      %broadcast_in_dim3A_931 = vector.broadcast %add3A_930 : i32 to vector<16xi32>
      %get3A_932 = arith.index_cast %add3A_930 : i32 to index
      %get3A_933 = arith.constant 0 : index
      %get3A_934 = tpu.vector_load %arg8[%get3A_932, %get3A_933] {strides = array<i32>} : memref<128x64xf32, #tpu.memory_space<vmem>>, vector<16xf32>,
      %add3A_935 = arith.addf %get3A_934, %get3A_404 : vector<16xf32>
      tpu.vector_store_idx %arg12[%shift_right_arithmetic3A_431, %and3A_443, %broadcast_in_dim3A_931], %add3A_935 : memref<8x8x129xf32, #tpu.memory_space<vmem>>[vector<16xi32>, vector<16xi32>, vector<16xi32>], vector<16xf32>,
      %get3A_936 = arith.index_cast %add3A_930 : i32 to index
      %get3A_937 = arith.constant 16 : index
      %get3A_938 = tpu.vector_load %arg8[%get3A_936, %get3A_937] {strides = array<i32>} : memref<128x64xf32, #tpu.memory_space<vmem>>, vector<16xf32>,
      %add3A_939 = arith.addf %get3A_938, %get3A_408 : vector<16xf32>
      tpu.vector_store_idx %arg12[%shift_right_arithmetic3A_434, %and3A_446, %broadcast_in_dim3A_931], %add3A_939 : memref<8x8x129xf32, #tpu.memory_space<vmem>>[vector<16xi32>, vector<16xi32>, vector<16xi32>], vector<16xf32>,
      %get3A_940 = arith.index_cast %add3A_930 : i32 to index
      %get3A_941 = arith.constant 32 : index
      %get3A_942 = tpu.vector_load %arg8[%get3A_940, %get3A_941] {strides = array<i32>} : memref<128x64xf32, #tpu.memory_space<vmem>>, vector<16xf32>,
      %add3A_943 = arith.addf %get3A_942, %get3A_412 : vector<16xf32>
      tpu.vector_store_idx %arg12[%shift_right_arithmetic3A_437, %and3A_449, %broadcast_in_dim3A_931], %add3A_943 : memref<8x8x129xf32, #tpu.memory_space<vmem>>[vector<16xi32>, vector<16xi32>, vector<16xi32>], vector<16xf32>,
      %get3A_944 = arith.index_cast %add3A_930 : i32 to index
      %get3A_945 = arith.constant 48 : index
      %get3A_946 = tpu.vector_load %arg8[%get3A_944, %get3A_945] {strides = array<i32>} : memref<128x64xf32, #tpu.memory_space<vmem>>, vector<16xf32>,
      %add3A_947 = arith.addf %get3A_946, %get3A_416 : vector<16xf32>
      tpu.vector_store_idx %arg12[%shift_right_arithmetic3A_440, %and3A_452, %broadcast_in_dim3A_931], %add3A_947 : memref<8x8x129xf32, #tpu.memory_space<vmem>>[vector<16xi32>, vector<16xi32>, vector<16xi32>], vector<16xf32>,
      %scan3A_948 = arith.constant 3 : i32
      %scan3A_949 = arith.addi %scan3A_881, %scan3A_948 : i32
      %mul3A_950 = arith.constant 1 : i32
      %mul3A_951 = arith.muli %scan3A_949, %mul3A_950 : i32
      %add3A_952 = arith.constant 0 : i32
      %add3A_953 = arith.addi %add3A_952, %mul3A_951 : i32
      %broadcast_in_dim3A_954 = vector.broadcast %add3A_953 : i32 to vector<16xi32>
      %get3A_955 = arith.index_cast %add3A_953 : i32 to index
      %get3A_956 = arith.constant 0 : index
      %get3A_957 = tpu.vector_load %arg8[%get3A_955, %get3A_956] {strides = array<i32>} : memref<128x64xf32, #tpu.memory_space<vmem>>, vector<16xf32>,
      %add3A_958 = arith.addf %get3A_957, %get3A_404 : vector<16xf32>
      tpu.vector_store_idx %arg12[%shift_right_arithmetic3A_431, %and3A_443, %broadcast_in_dim3A_954], %add3A_958 : memref<8x8x129xf32, #tpu.memory_space<vmem>>[vector<16xi32>, vector<16xi32>, vector<16xi32>], vector<16xf32>,
      %get3A_959 = arith.index_cast %add3A_953 : i32 to index
      %get3A_960 = arith.constant 16 : index
      %get3A_961 = tpu.vector_load %arg8[%get3A_959, %get3A_960] {strides = array<i32>} : memref<128x64xf32, #tpu.memory_space<vmem>>, vector<16xf32>,
      %add3A_962 = arith.addf %get3A_961, %get3A_408 : vector<16xf32>
      tpu.vector_store_idx %arg12[%shift_right_arithmetic3A_434, %and3A_446, %broadcast_in_dim3A_954], %add3A_962 : memref<8x8x129xf32, #tpu.memory_space<vmem>>[vector<16xi32>, vector<16xi32>, vector<16xi32>], vector<16xf32>,
      %get3A_963 = arith.index_cast %add3A_953 : i32 to index
      %get3A_964 = arith.constant 32 : index
      %get3A_965 = tpu.vector_load %arg8[%get3A_963, %get3A_964] {strides = array<i32>} : memref<128x64xf32, #tpu.memory_space<vmem>>, vector<16xf32>,
      %add3A_966 = arith.addf %get3A_965, %get3A_412 : vector<16xf32>
      tpu.vector_store_idx %arg12[%shift_right_arithmetic3A_437, %and3A_449, %broadcast_in_dim3A_954], %add3A_966 : memref<8x8x129xf32, #tpu.memory_space<vmem>>[vector<16xi32>, vector<16xi32>, vector<16xi32>], vector<16xf32>,
      %get3A_967 = arith.index_cast %add3A_953 : i32 to index
      %get3A_968 = arith.constant 48 : index
      %get3A_969 = tpu.vector_load %arg8[%get3A_967, %get3A_968] {strides = array<i32>} : memref<128x64xf32, #tpu.memory_space<vmem>>, vector<16xf32>,
      %add3A_970 = arith.addf %get3A_969, %get3A_416 : vector<16xf32>
      tpu.vector_store_idx %arg12[%shift_right_arithmetic3A_440, %and3A_452, %broadcast_in_dim3A_954], %add3A_970 : memref<8x8x129xf32, #tpu.memory_space<vmem>>[vector<16xi32>, vector<16xi32>, vector<16xi32>], vector<16xf32>,
    }
    %scan3A_457 = arith.constant 128 : i32
    %dma_wait3A_458 = arith.constant 192 : i32
    %dma_wait3A_459 = arith.constant 0 : i32
    %dma_wait3A_460 = arith.constant 0 : i32
    %dma_wait3A_461 = arith.constant 0 : i32
    %dma_wait3A_462 = tpu.memref_slice %arg12[%dma_wait3A_459, %dma_wait3A_460, %dma_wait3A_461] : memref<8x8x129xf32, #tpu.memory_space<vmem>> -> memref<8x8x128xf32, #tpu.memory_space<vmem>>
    %dma_wait3A_463 = arith.constant 0 : i32
    %dma_wait3A_464 = arith.constant 0 : i32
    %dma_wait3A_465 = arith.constant 0 : i32
    %dma_wait3A_466 = tpu.memref_slice %arg5[%dma_wait3A_458, %dma_wait3A_463, %add3A, %dma_wait3A_464, %dma_wait3A_465] : memref<200x8x32x8x128xf32, #tpu.memory_space<hbm>> -> memref<1x8x1x8x128xf32, #tpu.memory_space<hbm>>
    %dma_wait3A_467 = tpu.memref_squeeze %dma_wait3A_466 : memref<1x8x1x8x128xf32, #tpu.memory_space<hbm>> -> memref<8x8x128xf32, #tpu.memory_space<hbm>>
    %dma_wait3A_468 = arith.constant 0 : i32
    %dma_wait3A_469 = arith.constant 0 : i32
    %dma_wait3A_470 = arith.constant 0 : i32
    %dma_wait3A_471 = tpu.memref_slice %arg5[%dma_wait3A_458, %dma_wait3A_468, %add3A, %dma_wait3A_469, %dma_wait3A_470] : memref<200x8x32x8x128xf32, #tpu.memory_space<hbm>> -> memref<1x8x1x8x128xf32, #tpu.memory_space<hbm>>
    %dma_wait3A_472 = tpu.memref_squeeze %dma_wait3A_471 : memref<1x8x1x8x128xf32, #tpu.memory_space<hbm>> -> memref<8x8x128xf32, #tpu.memory_space<hbm>>
    %dma_wait3A_473 = arith.constant 0 : i32
    %dma_wait3A_474 = arith.constant 0 : i32
    %dma_wait3A_475 = arith.constant 0 : i32
    %dma_wait3A_476 = tpu.memref_slice %arg12[%dma_wait3A_473, %dma_wait3A_474, %dma_wait3A_475] : memref<8x8x129xf32, #tpu.memory_space<vmem>> -> memref<8x8x128xf32, #tpu.memory_space<vmem>>
    tpu.wait_dma2 semaphore(%arg20 : memref<!tpu.dma_semaphore, #tpu.memory_space<semaphore_mem>>) src(%dma_wait3A_476 : memref<8x8x128xf32, #tpu.memory_space<vmem>>) dst(%dma_wait3A_472 : memref<8x8x128xf32, #tpu.memory_space<hbm>>)
    %dma_start3A_477 = arith.constant 196 : i32
    %dma_start3A_478 = arith.constant 0 : i32
    %dma_start3A_479 = arith.constant 0 : i32
    %dma_start3A_480 = arith.constant 0 : i32
    %dma_start3A_481 = tpu.memref_slice %arg12[%dma_start3A_478, %dma_start3A_479, %dma_start3A_480] : memref<8x8x129xf32, #tpu.memory_space<vmem>> -> memref<8x8x128xf32, #tpu.memory_space<vmem>>
    %dma_start3A_482 = arith.constant 0 : i32
    %dma_start3A_483 = arith.constant 0 : i32
    %dma_start3A_484 = arith.constant 0 : i32
    %dma_start3A_485 = tpu.memref_slice %arg5[%dma_start3A_477, %dma_start3A_482, %add3A, %dma_start3A_483, %dma_start3A_484] : memref<200x8x32x8x128xf32, #tpu.memory_space<hbm>> -> memref<1x8x1x8x128xf32, #tpu.memory_space<hbm>>
    %dma_start3A_486 = tpu.memref_squeeze %dma_start3A_485 : memref<1x8x1x8x128xf32, #tpu.memory_space<hbm>> -> memref<8x8x128xf32, #tpu.memory_space<hbm>>
    %dma_start3A_487 = arith.constant 0 : i32
    %dma_start3A_488 = arith.constant 0 : i32
    %dma_start3A_489 = arith.constant 0 : i32
    %dma_start3A_490 = tpu.memref_slice %arg5[%dma_start3A_477, %dma_start3A_487, %add3A, %dma_start3A_488, %dma_start3A_489] : memref<200x8x32x8x128xf32, #tpu.memory_space<hbm>> -> memref<1x8x1x8x128xf32, #tpu.memory_space<hbm>>
    %dma_start3A_491 = tpu.memref_squeeze %dma_start3A_490 : memref<1x8x1x8x128xf32, #tpu.memory_space<hbm>> -> memref<8x8x128xf32, #tpu.memory_space<hbm>>
    %dma_start3A_492 = arith.constant 0 : i32
    %dma_start3A_493 = arith.constant 0 : i32
    %dma_start3A_494 = arith.constant 0 : i32
    %dma_start3A_495 = tpu.memref_slice %arg12[%dma_start3A_492, %dma_start3A_493, %dma_start3A_494] : memref<8x8x129xf32, #tpu.memory_space<vmem>> -> memref<8x8x128xf32, #tpu.memory_space<vmem>>
    tpu.enqueue_dma source(%dma_start3A_495 : memref<8x8x128xf32, #tpu.memory_space<vmem>>) target(%dma_start3A_491 : memref<8x8x128xf32, #tpu.memory_space<hbm>>) target_semaphore(%arg20 : memref<!tpu.dma_semaphore, #tpu.memory_space<semaphore_mem>>)
    %dma_wait3A_496 = arith.constant 197 : i32
    %dma_wait3A_497 = arith.constant 0 : i32
    %dma_wait3A_498 = tpu.memref_slice %arg6[%dma_wait3A_496, %dma_wait3A_497] : memref<200x128xi32, #tpu.memory_space<vmem>> -> memref<1x128xi32, #tpu.memory_space<vmem>>
    %dma_wait3A_499 = tpu.memref_squeeze %dma_wait3A_498 : memref<1x128xi32, #tpu.memory_space<vmem>> -> memref<128xi32, #tpu.memory_space<vmem>>
    %dma_wait3A_500 = arith.constant 0 : i32
    %dma_wait3A_501 = arith.constant 0 : i32
    %dma_wait3A_502 = tpu.memref_slice %arg3[%dma_wait3A_500, %dma_wait3A_501] : memref<100000x64xf32, #tpu.memory_space<hbm>> -> memref<100000x64xf32, #tpu.memory_space<hbm>>
    tpu.wait_indirect_dma semaphore(%arg17 : memref<!tpu.dma_semaphore, #tpu.memory_space<semaphore_mem>>) src(%dma_wait3A_502 : memref<100000x64xf32, #tpu.memory_space<hbm>>) dst(%arg9 : memref<128x64xf32, #tpu.memory_space<vmem>>)
    %iota3A_503 = tpu.iota {dimensions = array<i32: 0>} : vector<16xi32>
    %get3A_504 = arith.constant 197 : i32
    %get3A_505 = arith.index_cast %get3A_504 : i32 to index
    %get3A_506 = arith.constant 0 : index
    %get3A_507 = tpu.vector_load %arg7[%get3A_505, %get3A_506] {strides = array<i32>} : memref<200x64xf32, #tpu.memory_space<vmem>>, vector<16xf32>,
    %get3A_508 = arith.constant 197 : i32
    %get3A_509 = arith.index_cast %get3A_508 : i32 to index
    %get3A_510 = arith.constant 16 : index
    %get3A_511 = tpu.vector_load %arg7[%get3A_509, %get3A_510] {strides = array<i32>} : memref<200x64xf32, #tpu.memory_space<vmem>>, vector<16xf32>,
    %get3A_512 = arith.constant 197 : i32
    %get3A_513 = arith.index_cast %get3A_512 : i32 to index
    %get3A_514 = arith.constant 32 : index
    %get3A_515 = tpu.vector_load %arg7[%get3A_513, %get3A_514] {strides = array<i32>} : memref<200x64xf32, #tpu.memory_space<vmem>>, vector<16xf32>,
    %get3A_516 = arith.constant 197 : i32
    %get3A_517 = arith.index_cast %get3A_516 : i32 to index
    %get3A_518 = arith.constant 48 : index
    %get3A_519 = tpu.vector_load %arg7[%get3A_517, %get3A_518] {strides = array<i32>} : memref<200x64xf32, #tpu.memory_space<vmem>>, vector<16xf32>,
    %add3A_520 = arith.constant 0 : i32
    %add3A_521 = vector.broadcast %add3A_520 : i32 to vector<16xi32>
    %add3A_522 = arith.addi %iota3A_503, %add3A_521 : vector<16xi32>
    %add3A_523 = arith.constant 16 : i32
    %add3A_524 = vector.broadcast %add3A_523 : i32 to vector<16xi32>
    %add3A_525 = arith.addi %iota3A_503, %add3A_524 : vector<16xi32>
    %add3A_526 = arith.constant 32 : i32
    %add3A_527 = vector.broadcast %add3A_526 : i32 to vector<16xi32>
    %add3A_528 = arith.addi %iota3A_503, %add3A_527 : vector<16xi32>
    %add3A_529 = arith.constant 48 : i32
    %add3A_530 = vector.broadcast %add3A_529 : i32 to vector<16xi32>
    %add3A_531 = arith.addi %iota3A_503, %add3A_530 : vector<16xi32>
    %shift_right_arithmetic3A_532 = arith.constant 3 : i32
    %shift_right_arithmetic3A_533 = vector.broadcast %shift_right_arithmetic3A_532 : i32 to vector<16xi32>
    %shift_right_arithmetic3A_534 = arith.shrsi %add3A_522, %shift_right_arithmetic3A_533 : vector<16xi32>
    %shift_right_arithmetic3A_535 = arith.constant 3 : i32
    %shift_right_arithmetic3A_536 = vector.broadcast %shift_right_arithmetic3A_535 : i32 to vector<16xi32>
    %shift_right_arithmetic3A_537 = arith.shrsi %add3A_525, %shift_right_arithmetic3A_536 : vector<16xi32>
    %shift_right_arithmetic3A_538 = arith.constant 3 : i32
    %shift_right_arithmetic3A_539 = vector.broadcast %shift_right_arithmetic3A_538 : i32 to vector<16xi32>
    %shift_right_arithmetic3A_540 = arith.shrsi %add3A_528, %shift_right_arithmetic3A_539 : vector<16xi32>
    %shift_right_arithmetic3A_541 = arith.constant 3 : i32
    %shift_right_arithmetic3A_542 = vector.broadcast %shift_right_arithmetic3A_541 : i32 to vector<16xi32>
    %shift_right_arithmetic3A_543 = arith.shrsi %add3A_531, %shift_right_arithmetic3A_542 : vector<16xi32>
    %and3A_544 = arith.constant 7 : i32
    %and3A_545 = vector.broadcast %and3A_544 : i32 to vector<16xi32>
    %and3A_546 = arith.andi %add3A_522, %and3A_545 : vector<16xi32>
    %and3A_547 = arith.constant 7 : i32
    %and3A_548 = vector.broadcast %and3A_547 : i32 to vector<16xi32>
    %and3A_549 = arith.andi %add3A_525, %and3A_548 : vector<16xi32>
    %and3A_550 = arith.constant 7 : i32
    %and3A_551 = vector.broadcast %and3A_550 : i32 to vector<16xi32>
    %and3A_552 = arith.andi %add3A_528, %and3A_551 : vector<16xi32>
    %and3A_553 = arith.constant 7 : i32
    %and3A_554 = vector.broadcast %and3A_553 : i32 to vector<16xi32>
    %and3A_555 = arith.andi %add3A_531, %and3A_554 : vector<16xi32>
    %scan3A_556 = arith.constant 0 : i32
    %scan3A_557 = arith.constant 128 : i32
    %scan3A_558 = arith.addi %scan3A_556, %scan3A_557 : i32
    %scan3A_559 = arith.constant 4 : i32
    scf.for %scan3A_881 = %scan3A_556 to %scan3A_558 step %scan3A_559  : i32 {
      %mul3A_882 = arith.constant 1 : i32
      %mul3A_883 = arith.muli %scan3A_881, %mul3A_882 : i32
      %add3A_884 = arith.constant 0 : i32
      %add3A_885 = arith.addi %add3A_884, %mul3A_883 : i32
      %broadcast_in_dim3A = vector.broadcast %add3A_885 : i32 to vector<16xi32>
      %get3A_886 = arith.index_cast %add3A_885 : i32 to index
      %get3A_887 = arith.constant 0 : index
      %get3A_888 = tpu.vector_load %arg9[%get3A_886, %get3A_887] {strides = array<i32>} : memref<128x64xf32, #tpu.memory_space<vmem>>, vector<16xf32>,
      %add3A_889 = arith.addf %get3A_888, %get3A_507 : vector<16xf32>
      tpu.vector_store_idx %arg13[%shift_right_arithmetic3A_534, %and3A_546, %broadcast_in_dim3A], %add3A_889 : memref<8x8x129xf32, #tpu.memory_space<vmem>>[vector<16xi32>, vector<16xi32>, vector<16xi32>], vector<16xf32>,
      %get3A_890 = arith.index_cast %add3A_885 : i32 to index
      %get3A_891 = arith.constant 16 : index
      %get3A_892 = tpu.vector_load %arg9[%get3A_890, %get3A_891] {strides = array<i32>} : memref<128x64xf32, #tpu.memory_space<vmem>>, vector<16xf32>,
      %add3A_893 = arith.addf %get3A_892, %get3A_511 : vector<16xf32>
      tpu.vector_store_idx %arg13[%shift_right_arithmetic3A_537, %and3A_549, %broadcast_in_dim3A], %add3A_893 : memref<8x8x129xf32, #tpu.memory_space<vmem>>[vector<16xi32>, vector<16xi32>, vector<16xi32>], vector<16xf32>,
      %get3A_894 = arith.index_cast %add3A_885 : i32 to index
      %get3A_895 = arith.constant 32 : index
      %get3A_896 = tpu.vector_load %arg9[%get3A_894, %get3A_895] {strides = array<i32>} : memref<128x64xf32, #tpu.memory_space<vmem>>, vector<16xf32>,
      %add3A_897 = arith.addf %get3A_896, %get3A_515 : vector<16xf32>
      tpu.vector_store_idx %arg13[%shift_right_arithmetic3A_540, %and3A_552, %broadcast_in_dim3A], %add3A_897 : memref<8x8x129xf32, #tpu.memory_space<vmem>>[vector<16xi32>, vector<16xi32>, vector<16xi32>], vector<16xf32>,
      %get3A_898 = arith.index_cast %add3A_885 : i32 to index
      %get3A_899 = arith.constant 48 : index
      %get3A_900 = tpu.vector_load %arg9[%get3A_898, %get3A_899] {strides = array<i32>} : memref<128x64xf32, #tpu.memory_space<vmem>>, vector<16xf32>,
      %add3A_901 = arith.addf %get3A_900, %get3A_519 : vector<16xf32>
      tpu.vector_store_idx %arg13[%shift_right_arithmetic3A_543, %and3A_555, %broadcast_in_dim3A], %add3A_901 : memref<8x8x129xf32, #tpu.memory_space<vmem>>[vector<16xi32>, vector<16xi32>, vector<16xi32>], vector<16xf32>,
      %scan3A_902 = arith.constant 1 : i32
      %scan3A_903 = arith.addi %scan3A_881, %scan3A_902 : i32
      %mul3A_904 = arith.constant 1 : i32
      %mul3A_905 = arith.muli %scan3A_903, %mul3A_904 : i32
      %add3A_906 = arith.constant 0 : i32
      %add3A_907 = arith.addi %add3A_906, %mul3A_905 : i32
      %broadcast_in_dim3A_908 = vector.broadcast %add3A_907 : i32 to vector<16xi32>
      %get3A_909 = arith.index_cast %add3A_907 : i32 to index
      %get3A_910 = arith.constant 0 : index
      %get3A_911 = tpu.vector_load %arg9[%get3A_909, %get3A_910] {strides = array<i32>} : memref<128x64xf32, #tpu.memory_space<vmem>>, vector<16xf32>,
      %add3A_912 = arith.addf %get3A_911, %get3A_507 : vector<16xf32>
      tpu.vector_store_idx %arg13[%shift_right_arithmetic3A_534, %and3A_546, %broadcast_in_dim3A_908], %add3A_912 : memref<8x8x129xf32, #tpu.memory_space<vmem>>[vector<16xi32>, vector<16xi32>, vector<16xi32>], vector<16xf32>,
      %get3A_913 = arith.index_cast %add3A_907 : i32 to index
      %get3A_914 = arith.constant 16 : index
      %get3A_915 = tpu.vector_load %arg9[%get3A_913, %get3A_914] {strides = array<i32>} : memref<128x64xf32, #tpu.memory_space<vmem>>, vector<16xf32>,
      %add3A_916 = arith.addf %get3A_915, %get3A_511 : vector<16xf32>
      tpu.vector_store_idx %arg13[%shift_right_arithmetic3A_537, %and3A_549, %broadcast_in_dim3A_908], %add3A_916 : memref<8x8x129xf32, #tpu.memory_space<vmem>>[vector<16xi32>, vector<16xi32>, vector<16xi32>], vector<16xf32>,
      %get3A_917 = arith.index_cast %add3A_907 : i32 to index
      %get3A_918 = arith.constant 32 : index
      %get3A_919 = tpu.vector_load %arg9[%get3A_917, %get3A_918] {strides = array<i32>} : memref<128x64xf32, #tpu.memory_space<vmem>>, vector<16xf32>,
      %add3A_920 = arith.addf %get3A_919, %get3A_515 : vector<16xf32>
      tpu.vector_store_idx %arg13[%shift_right_arithmetic3A_540, %and3A_552, %broadcast_in_dim3A_908], %add3A_920 : memref<8x8x129xf32, #tpu.memory_space<vmem>>[vector<16xi32>, vector<16xi32>, vector<16xi32>], vector<16xf32>,
      %get3A_921 = arith.index_cast %add3A_907 : i32 to index
      %get3A_922 = arith.constant 48 : index
      %get3A_923 = tpu.vector_load %arg9[%get3A_921, %get3A_922] {strides = array<i32>} : memref<128x64xf32, #tpu.memory_space<vmem>>, vector<16xf32>,
      %add3A_924 = arith.addf %get3A_923, %get3A_519 : vector<16xf32>
      tpu.vector_store_idx %arg13[%shift_right_arithmetic3A_543, %and3A_555, %broadcast_in_dim3A_908], %add3A_924 : memref<8x8x129xf32, #tpu.memory_space<vmem>>[vector<16xi32>, vector<16xi32>, vector<16xi32>], vector<16xf32>,
      %scan3A_925 = arith.constant 2 : i32
      %scan3A_926 = arith.addi %scan3A_881, %scan3A_925 : i32
      %mul3A_927 = arith.constant 1 : i32
      %mul3A_928 = arith.muli %scan3A_926, %mul3A_927 : i32
      %add3A_929 = arith.constant 0 : i32
      %add3A_930 = arith.addi %add3A_929, %mul3A_928 : i32
      %broadcast_in_dim3A_931 = vector.broadcast %add3A_930 : i32 to vector<16xi32>
      %get3A_932 = arith.index_cast %add3A_930 : i32 to index
      %get3A_933 = arith.constant 0 : index
      %get3A_934 = tpu.vector_load %arg9[%get3A_932, %get3A_933] {strides = array<i32>} : memref<128x64xf32, #tpu.memory_space<vmem>>, vector<16xf32>,
      %add3A_935 = arith.addf %get3A_934, %get3A_507 : vector<16xf32>
      tpu.vector_store_idx %arg13[%shift_right_arithmetic3A_534, %and3A_546, %broadcast_in_dim3A_931], %add3A_935 : memref<8x8x129xf32, #tpu.memory_space<vmem>>[vector<16xi32>, vector<16xi32>, vector<16xi32>], vector<16xf32>,
      %get3A_936 = arith.index_cast %add3A_930 : i32 to index
      %get3A_937 = arith.constant 16 : index
      %get3A_938 = tpu.vector_load %arg9[%get3A_936, %get3A_937] {strides = array<i32>} : memref<128x64xf32, #tpu.memory_space<vmem>>, vector<16xf32>,
      %add3A_939 = arith.addf %get3A_938, %get3A_511 : vector<16xf32>
      tpu.vector_store_idx %arg13[%shift_right_arithmetic3A_537, %and3A_549, %broadcast_in_dim3A_931], %add3A_939 : memref<8x8x129xf32, #tpu.memory_space<vmem>>[vector<16xi32>, vector<16xi32>, vector<16xi32>], vector<16xf32>,
      %get3A_940 = arith.index_cast %add3A_930 : i32 to index
      %get3A_941 = arith.constant 32 : index
      %get3A_942 = tpu.vector_load %arg9[%get3A_940, %get3A_941] {strides = array<i32>} : memref<128x64xf32, #tpu.memory_space<vmem>>, vector<16xf32>,
      %add3A_943 = arith.addf %get3A_942, %get3A_515 : vector<16xf32>
      tpu.vector_store_idx %arg13[%shift_right_arithmetic3A_540, %and3A_552, %broadcast_in_dim3A_931], %add3A_943 : memref<8x8x129xf32, #tpu.memory_space<vmem>>[vector<16xi32>, vector<16xi32>, vector<16xi32>], vector<16xf32>,
      %get3A_944 = arith.index_cast %add3A_930 : i32 to index
      %get3A_945 = arith.constant 48 : index
      %get3A_946 = tpu.vector_load %arg9[%get3A_944, %get3A_945] {strides = array<i32>} : memref<128x64xf32, #tpu.memory_space<vmem>>, vector<16xf32>,
      %add3A_947 = arith.addf %get3A_946, %get3A_519 : vector<16xf32>
      tpu.vector_store_idx %arg13[%shift_right_arithmetic3A_543, %and3A_555, %broadcast_in_dim3A_931], %add3A_947 : memref<8x8x129xf32, #tpu.memory_space<vmem>>[vector<16xi32>, vector<16xi32>, vector<16xi32>], vector<16xf32>,
      %scan3A_948 = arith.constant 3 : i32
      %scan3A_949 = arith.addi %scan3A_881, %scan3A_948 : i32
      %mul3A_950 = arith.constant 1 : i32
      %mul3A_951 = arith.muli %scan3A_949, %mul3A_950 : i32
      %add3A_952 = arith.constant 0 : i32
      %add3A_953 = arith.addi %add3A_952, %mul3A_951 : i32
      %broadcast_in_dim3A_954 = vector.broadcast %add3A_953 : i32 to vector<16xi32>
      %get3A_955 = arith.index_cast %add3A_953 : i32 to index
      %get3A_956 = arith.constant 0 : index
      %get3A_957 = tpu.vector_load %arg9[%get3A_955, %get3A_956] {strides = array<i32>} : memref<128x64xf32, #tpu.memory_space<vmem>>, vector<16xf32>,
      %add3A_958 = arith.addf %get3A_957, %get3A_507 : vector<16xf32>
      tpu.vector_store_idx %arg13[%shift_right_arithmetic3A_534, %and3A_546, %broadcast_in_dim3A_954], %add3A_958 : memref<8x8x129xf32, #tpu.memory_space<vmem>>[vector<16xi32>, vector<16xi32>, vector<16xi32>], vector<16xf32>,
      %get3A_959 = arith.index_cast %add3A_953 : i32 to index
      %get3A_960 = arith.constant 16 : index
      %get3A_961 = tpu.vector_load %arg9[%get3A_959, %get3A_960] {strides = array<i32>} : memref<128x64xf32, #tpu.memory_space<vmem>>, vector<16xf32>,
      %add3A_962 = arith.addf %get3A_961, %get3A_511 : vector<16xf32>
      tpu.vector_store_idx %arg13[%shift_right_arithmetic3A_537, %and3A_549, %broadcast_in_dim3A_954], %add3A_962 : memref<8x8x129xf32, #tpu.memory_space<vmem>>[vector<16xi32>, vector<16xi32>, vector<16xi32>], vector<16xf32>,
      %get3A_963 = arith.index_cast %add3A_953 : i32 to index
      %get3A_964 = arith.constant 32 : index
      %get3A_965 = tpu.vector_load %arg9[%get3A_963, %get3A_964] {strides = array<i32>} : memref<128x64xf32, #tpu.memory_space<vmem>>, vector<16xf32>,
      %add3A_966 = arith.addf %get3A_965, %get3A_515 : vector<16xf32>
      tpu.vector_store_idx %arg13[%shift_right_arithmetic3A_540, %and3A_552, %broadcast_in_dim3A_954], %add3A_966 : memref<8x8x129xf32, #tpu.memory_space<vmem>>[vector<16xi32>, vector<16xi32>, vector<16xi32>], vector<16xf32>,
      %get3A_967 = arith.index_cast %add3A_953 : i32 to index
      %get3A_968 = arith.constant 48 : index
      %get3A_969 = tpu.vector_load %arg9[%get3A_967, %get3A_968] {strides = array<i32>} : memref<128x64xf32, #tpu.memory_space<vmem>>, vector<16xf32>,
      %add3A_970 = arith.addf %get3A_969, %get3A_519 : vector<16xf32>
      tpu.vector_store_idx %arg13[%shift_right_arithmetic3A_543, %and3A_555, %broadcast_in_dim3A_954], %add3A_970 : memref<8x8x129xf32, #tpu.memory_space<vmem>>[vector<16xi32>, vector<16xi32>, vector<16xi32>], vector<16xf32>,
    }
    %scan3A_560 = arith.constant 128 : i32
    %dma_wait3A_561 = arith.constant 193 : i32
    %dma_wait3A_562 = arith.constant 0 : i32
    %dma_wait3A_563 = arith.constant 0 : i32
    %dma_wait3A_564 = arith.constant 0 : i32
    %dma_wait3A_565 = tpu.memref_slice %arg13[%dma_wait3A_562, %dma_wait3A_563, %dma_wait3A_564] : memref<8x8x129xf32, #tpu.memory_space<vmem>> -> memref<8x8x128xf32, #tpu.memory_space<vmem>>
    %dma_wait3A_566 = arith.constant 0 : i32
    %dma_wait3A_567 = arith.constant 0 : i32
    %dma_wait3A_568 = arith.constant 0 : i32
    %dma_wait3A_569 = tpu.memref_slice %arg5[%dma_wait3A_561, %dma_wait3A_566, %add3A, %dma_wait3A_567, %dma_wait3A_568] : memref<200x8x32x8x128xf32, #tpu.memory_space<hbm>> -> memref<1x8x1x8x128xf32, #tpu.memory_space<hbm>>
    %dma_wait3A_570 = tpu.memref_squeeze %dma_wait3A_569 : memref<1x8x1x8x128xf32, #tpu.memory_space<hbm>> -> memref<8x8x128xf32, #tpu.memory_space<hbm>>
    %dma_wait3A_571 = arith.constant 0 : i32
    %dma_wait3A_572 = arith.constant 0 : i32
    %dma_wait3A_573 = arith.constant 0 : i32
    %dma_wait3A_574 = tpu.memref_slice %arg5[%dma_wait3A_561, %dma_wait3A_571, %add3A, %dma_wait3A_572, %dma_wait3A_573] : memref<200x8x32x8x128xf32, #tpu.memory_space<hbm>> -> memref<1x8x1x8x128xf32, #tpu.memory_space<hbm>>
    %dma_wait3A_575 = tpu.memref_squeeze %dma_wait3A_574 : memref<1x8x1x8x128xf32, #tpu.memory_space<hbm>> -> memref<8x8x128xf32, #tpu.memory_space<hbm>>
    %dma_wait3A_576 = arith.constant 0 : i32
    %dma_wait3A_577 = arith.constant 0 : i32
    %dma_wait3A_578 = arith.constant 0 : i32
    %dma_wait3A_579 = tpu.memref_slice %arg13[%dma_wait3A_576, %dma_wait3A_577, %dma_wait3A_578] : memref<8x8x129xf32, #tpu.memory_space<vmem>> -> memref<8x8x128xf32, #tpu.memory_space<vmem>>
    tpu.wait_dma2 semaphore(%arg21 : memref<!tpu.dma_semaphore, #tpu.memory_space<semaphore_mem>>) src(%dma_wait3A_579 : memref<8x8x128xf32, #tpu.memory_space<vmem>>) dst(%dma_wait3A_575 : memref<8x8x128xf32, #tpu.memory_space<hbm>>)
    %dma_start3A_580 = arith.constant 197 : i32
    %dma_start3A_581 = arith.constant 0 : i32
    %dma_start3A_582 = arith.constant 0 : i32
    %dma_start3A_583 = arith.constant 0 : i32
    %dma_start3A_584 = tpu.memref_slice %arg13[%dma_start3A_581, %dma_start3A_582, %dma_start3A_583] : memref<8x8x129xf32, #tpu.memory_space<vmem>> -> memref<8x8x128xf32, #tpu.memory_space<vmem>>
    %dma_start3A_585 = arith.constant 0 : i32
    %dma_start3A_586 = arith.constant 0 : i32
    %dma_start3A_587 = arith.constant 0 : i32
    %dma_start3A_588 = tpu.memref_slice %arg5[%dma_start3A_580, %dma_start3A_585, %add3A, %dma_start3A_586, %dma_start3A_587] : memref<200x8x32x8x128xf32, #tpu.memory_space<hbm>> -> memref<1x8x1x8x128xf32, #tpu.memory_space<hbm>>
    %dma_start3A_589 = tpu.memref_squeeze %dma_start3A_588 : memref<1x8x1x8x128xf32, #tpu.memory_space<hbm>> -> memref<8x8x128xf32, #tpu.memory_space<hbm>>
    %dma_start3A_590 = arith.constant 0 : i32
    %dma_start3A_591 = arith.constant 0 : i32
    %dma_start3A_592 = arith.constant 0 : i32
    %dma_start3A_593 = tpu.memref_slice %arg5[%dma_start3A_580, %dma_start3A_590, %add3A, %dma_start3A_591, %dma_start3A_592] : memref<200x8x32x8x128xf32, #tpu.memory_space<hbm>> -> memref<1x8x1x8x128xf32, #tpu.memory_space<hbm>>
    %dma_start3A_594 = tpu.memref_squeeze %dma_start3A_593 : memref<1x8x1x8x128xf32, #tpu.memory_space<hbm>> -> memref<8x8x128xf32, #tpu.memory_space<hbm>>
    %dma_start3A_595 = arith.constant 0 : i32
    %dma_start3A_596 = arith.constant 0 : i32
    %dma_start3A_597 = arith.constant 0 : i32
    %dma_start3A_598 = tpu.memref_slice %arg13[%dma_start3A_595, %dma_start3A_596, %dma_start3A_597] : memref<8x8x129xf32, #tpu.memory_space<vmem>> -> memref<8x8x128xf32, #tpu.memory_space<vmem>>
    tpu.enqueue_dma source(%dma_start3A_598 : memref<8x8x128xf32, #tpu.memory_space<vmem>>) target(%dma_start3A_594 : memref<8x8x128xf32, #tpu.memory_space<hbm>>) target_semaphore(%arg21 : memref<!tpu.dma_semaphore, #tpu.memory_space<semaphore_mem>>)
    %dma_wait3A_599 = arith.constant 198 : i32
    %dma_wait3A_600 = arith.constant 0 : i32
    %dma_wait3A_601 = tpu.memref_slice %arg6[%dma_wait3A_599, %dma_wait3A_600] : memref<200x128xi32, #tpu.memory_space<vmem>> -> memref<1x128xi32, #tpu.memory_space<vmem>>
    %dma_wait3A_602 = tpu.memref_squeeze %dma_wait3A_601 : memref<1x128xi32, #tpu.memory_space<vmem>> -> memref<128xi32, #tpu.memory_space<vmem>>
    %dma_wait3A_603 = arith.constant 0 : i32
    %dma_wait3A_604 = arith.constant 0 : i32
    %dma_wait3A_605 = tpu.memref_slice %arg3[%dma_wait3A_603, %dma_wait3A_604] : memref<100000x64xf32, #tpu.memory_space<hbm>> -> memref<100000x64xf32, #tpu.memory_space<hbm>>
    tpu.wait_indirect_dma semaphore(%arg18 : memref<!tpu.dma_semaphore, #tpu.memory_space<semaphore_mem>>) src(%dma_wait3A_605 : memref<100000x64xf32, #tpu.memory_space<hbm>>) dst(%arg10 : memref<128x64xf32, #tpu.memory_space<vmem>>)
    %iota3A_606 = tpu.iota {dimensions = array<i32: 0>} : vector<16xi32>
    %get3A_607 = arith.constant 198 : i32
    %get3A_608 = arith.index_cast %get3A_607 : i32 to index
    %get3A_609 = arith.constant 0 : index
    %get3A_610 = tpu.vector_load %arg7[%get3A_608, %get3A_609] {strides = array<i32>} : memref<200x64xf32, #tpu.memory_space<vmem>>, vector<16xf32>,
    %get3A_611 = arith.constant 198 : i32
    %get3A_612 = arith.index_cast %get3A_611 : i32 to index
    %get3A_613 = arith.constant 16 : index
    %get3A_614 = tpu.vector_load %arg7[%get3A_612, %get3A_613] {strides = array<i32>} : memref<200x64xf32, #tpu.memory_space<vmem>>, vector<16xf32>,
    %get3A_615 = arith.constant 198 : i32
    %get3A_616 = arith.index_cast %get3A_615 : i32 to index
    %get3A_617 = arith.constant 32 : index
    %get3A_618 = tpu.vector_load %arg7[%get3A_616, %get3A_617] {strides = array<i32>} : memref<200x64xf32, #tpu.memory_space<vmem>>, vector<16xf32>,
    %get3A_619 = arith.constant 198 : i32
    %get3A_620 = arith.index_cast %get3A_619 : i32 to index
    %get3A_621 = arith.constant 48 : index
    %get3A_622 = tpu.vector_load %arg7[%get3A_620, %get3A_621] {strides = array<i32>} : memref<200x64xf32, #tpu.memory_space<vmem>>, vector<16xf32>,
    %add3A_623 = arith.constant 0 : i32
    %add3A_624 = vector.broadcast %add3A_623 : i32 to vector<16xi32>
    %add3A_625 = arith.addi %iota3A_606, %add3A_624 : vector<16xi32>
    %add3A_626 = arith.constant 16 : i32
    %add3A_627 = vector.broadcast %add3A_626 : i32 to vector<16xi32>
    %add3A_628 = arith.addi %iota3A_606, %add3A_627 : vector<16xi32>
    %add3A_629 = arith.constant 32 : i32
    %add3A_630 = vector.broadcast %add3A_629 : i32 to vector<16xi32>
    %add3A_631 = arith.addi %iota3A_606, %add3A_630 : vector<16xi32>
    %add3A_632 = arith.constant 48 : i32
    %add3A_633 = vector.broadcast %add3A_632 : i32 to vector<16xi32>
    %add3A_634 = arith.addi %iota3A_606, %add3A_633 : vector<16xi32>
    %shift_right_arithmetic3A_635 = arith.constant 3 : i32
    %shift_right_arithmetic3A_636 = vector.broadcast %shift_right_arithmetic3A_635 : i32 to vector<16xi32>
    %shift_right_arithmetic3A_637 = arith.shrsi %add3A_625, %shift_right_arithmetic3A_636 : vector<16xi32>
    %shift_right_arithmetic3A_638 = arith.constant 3 : i32
    %shift_right_arithmetic3A_639 = vector.broadcast %shift_right_arithmetic3A_638 : i32 to vector<16xi32>
    %shift_right_arithmetic3A_640 = arith.shrsi %add3A_628, %shift_right_arithmetic3A_639 : vector<16xi32>
    %shift_right_arithmetic3A_641 = arith.constant 3 : i32
    %shift_right_arithmetic3A_642 = vector.broadcast %shift_right_arithmetic3A_641 : i32 to vector<16xi32>
    %shift_right_arithmetic3A_643 = arith.shrsi %add3A_631, %shift_right_arithmetic3A_642 : vector<16xi32>
    %shift_right_arithmetic3A_644 = arith.constant 3 : i32
    %shift_right_arithmetic3A_645 = vector.broadcast %shift_right_arithmetic3A_644 : i32 to vector<16xi32>
    %shift_right_arithmetic3A_646 = arith.shrsi %add3A_634, %shift_right_arithmetic3A_645 : vector<16xi32>
    %and3A_647 = arith.constant 7 : i32
    %and3A_648 = vector.broadcast %and3A_647 : i32 to vector<16xi32>
    %and3A_649 = arith.andi %add3A_625, %and3A_648 : vector<16xi32>
    %and3A_650 = arith.constant 7 : i32
    %and3A_651 = vector.broadcast %and3A_650 : i32 to vector<16xi32>
    %and3A_652 = arith.andi %add3A_628, %and3A_651 : vector<16xi32>
    %and3A_653 = arith.constant 7 : i32
    %and3A_654 = vector.broadcast %and3A_653 : i32 to vector<16xi32>
    %and3A_655 = arith.andi %add3A_631, %and3A_654 : vector<16xi32>
    %and3A_656 = arith.constant 7 : i32
    %and3A_657 = vector.broadcast %and3A_656 : i32 to vector<16xi32>
    %and3A_658 = arith.andi %add3A_634, %and3A_657 : vector<16xi32>
    %scan3A_659 = arith.constant 0 : i32
    %scan3A_660 = arith.constant 128 : i32
    %scan3A_661 = arith.addi %scan3A_659, %scan3A_660 : i32
    %scan3A_662 = arith.constant 4 : i32
    scf.for %scan3A_881 = %scan3A_659 to %scan3A_661 step %scan3A_662  : i32 {
      %mul3A_882 = arith.constant 1 : i32
      %mul3A_883 = arith.muli %scan3A_881, %mul3A_882 : i32
      %add3A_884 = arith.constant 0 : i32
      %add3A_885 = arith.addi %add3A_884, %mul3A_883 : i32
      %broadcast_in_dim3A = vector.broadcast %add3A_885 : i32 to vector<16xi32>
      %get3A_886 = arith.index_cast %add3A_885 : i32 to index
      %get3A_887 = arith.constant 0 : index
      %get3A_888 = tpu.vector_load %arg10[%get3A_886, %get3A_887] {strides = array<i32>} : memref<128x64xf32, #tpu.memory_space<vmem>>, vector<16xf32>,
      %add3A_889 = arith.addf %get3A_888, %get3A_610 : vector<16xf32>
      tpu.vector_store_idx %arg14[%shift_right_arithmetic3A_637, %and3A_649, %broadcast_in_dim3A], %add3A_889 : memref<8x8x129xf32, #tpu.memory_space<vmem>>[vector<16xi32>, vector<16xi32>, vector<16xi32>], vector<16xf32>,
      %get3A_890 = arith.index_cast %add3A_885 : i32 to index
      %get3A_891 = arith.constant 16 : index
      %get3A_892 = tpu.vector_load %arg10[%get3A_890, %get3A_891] {strides = array<i32>} : memref<128x64xf32, #tpu.memory_space<vmem>>, vector<16xf32>,
      %add3A_893 = arith.addf %get3A_892, %get3A_614 : vector<16xf32>
      tpu.vector_store_idx %arg14[%shift_right_arithmetic3A_640, %and3A_652, %broadcast_in_dim3A], %add3A_893 : memref<8x8x129xf32, #tpu.memory_space<vmem>>[vector<16xi32>, vector<16xi32>, vector<16xi32>], vector<16xf32>,
      %get3A_894 = arith.index_cast %add3A_885 : i32 to index
      %get3A_895 = arith.constant 32 : index
      %get3A_896 = tpu.vector_load %arg10[%get3A_894, %get3A_895] {strides = array<i32>} : memref<128x64xf32, #tpu.memory_space<vmem>>, vector<16xf32>,
      %add3A_897 = arith.addf %get3A_896, %get3A_618 : vector<16xf32>
      tpu.vector_store_idx %arg14[%shift_right_arithmetic3A_643, %and3A_655, %broadcast_in_dim3A], %add3A_897 : memref<8x8x129xf32, #tpu.memory_space<vmem>>[vector<16xi32>, vector<16xi32>, vector<16xi32>], vector<16xf32>,
      %get3A_898 = arith.index_cast %add3A_885 : i32 to index
      %get3A_899 = arith.constant 48 : index
      %get3A_900 = tpu.vector_load %arg10[%get3A_898, %get3A_899] {strides = array<i32>} : memref<128x64xf32, #tpu.memory_space<vmem>>, vector<16xf32>,
      %add3A_901 = arith.addf %get3A_900, %get3A_622 : vector<16xf32>
      tpu.vector_store_idx %arg14[%shift_right_arithmetic3A_646, %and3A_658, %broadcast_in_dim3A], %add3A_901 : memref<8x8x129xf32, #tpu.memory_space<vmem>>[vector<16xi32>, vector<16xi32>, vector<16xi32>], vector<16xf32>,
      %scan3A_902 = arith.constant 1 : i32
      %scan3A_903 = arith.addi %scan3A_881, %scan3A_902 : i32
      %mul3A_904 = arith.constant 1 : i32
      %mul3A_905 = arith.muli %scan3A_903, %mul3A_904 : i32
      %add3A_906 = arith.constant 0 : i32
      %add3A_907 = arith.addi %add3A_906, %mul3A_905 : i32
      %broadcast_in_dim3A_908 = vector.broadcast %add3A_907 : i32 to vector<16xi32>
      %get3A_909 = arith.index_cast %add3A_907 : i32 to index
      %get3A_910 = arith.constant 0 : index
      %get3A_911 = tpu.vector_load %arg10[%get3A_909, %get3A_910] {strides = array<i32>} : memref<128x64xf32, #tpu.memory_space<vmem>>, vector<16xf32>,
      %add3A_912 = arith.addf %get3A_911, %get3A_610 : vector<16xf32>
      tpu.vector_store_idx %arg14[%shift_right_arithmetic3A_637, %and3A_649, %broadcast_in_dim3A_908], %add3A_912 : memref<8x8x129xf32, #tpu.memory_space<vmem>>[vector<16xi32>, vector<16xi32>, vector<16xi32>], vector<16xf32>,
      %get3A_913 = arith.index_cast %add3A_907 : i32 to index
      %get3A_914 = arith.constant 16 : index
      %get3A_915 = tpu.vector_load %arg10[%get3A_913, %get3A_914] {strides = array<i32>} : memref<128x64xf32, #tpu.memory_space<vmem>>, vector<16xf32>,
      %add3A_916 = arith.addf %get3A_915, %get3A_614 : vector<16xf32>
      tpu.vector_store_idx %arg14[%shift_right_arithmetic3A_640, %and3A_652, %broadcast_in_dim3A_908], %add3A_916 : memref<8x8x129xf32, #tpu.memory_space<vmem>>[vector<16xi32>, vector<16xi32>, vector<16xi32>], vector<16xf32>,
      %get3A_917 = arith.index_cast %add3A_907 : i32 to index
      %get3A_918 = arith.constant 32 : index
      %get3A_919 = tpu.vector_load %arg10[%get3A_917, %get3A_918] {strides = array<i32>} : memref<128x64xf32, #tpu.memory_space<vmem>>, vector<16xf32>,
      %add3A_920 = arith.addf %get3A_919, %get3A_618 : vector<16xf32>
      tpu.vector_store_idx %arg14[%shift_right_arithmetic3A_643, %and3A_655, %broadcast_in_dim3A_908], %add3A_920 : memref<8x8x129xf32, #tpu.memory_space<vmem>>[vector<16xi32>, vector<16xi32>, vector<16xi32>], vector<16xf32>,
      %get3A_921 = arith.index_cast %add3A_907 : i32 to index
      %get3A_922 = arith.constant 48 : index
      %get3A_923 = tpu.vector_load %arg10[%get3A_921, %get3A_922] {strides = array<i32>} : memref<128x64xf32, #tpu.memory_space<vmem>>, vector<16xf32>,
      %add3A_924 = arith.addf %get3A_923, %get3A_622 : vector<16xf32>
      tpu.vector_store_idx %arg14[%shift_right_arithmetic3A_646, %and3A_658, %broadcast_in_dim3A_908], %add3A_924 : memref<8x8x129xf32, #tpu.memory_space<vmem>>[vector<16xi32>, vector<16xi32>, vector<16xi32>], vector<16xf32>,
      %scan3A_925 = arith.constant 2 : i32
      %scan3A_926 = arith.addi %scan3A_881, %scan3A_925 : i32
      %mul3A_927 = arith.constant 1 : i32
      %mul3A_928 = arith.muli %scan3A_926, %mul3A_927 : i32
      %add3A_929 = arith.constant 0 : i32
      %add3A_930 = arith.addi %add3A_929, %mul3A_928 : i32
      %broadcast_in_dim3A_931 = vector.broadcast %add3A_930 : i32 to vector<16xi32>
      %get3A_932 = arith.index_cast %add3A_930 : i32 to index
      %get3A_933 = arith.constant 0 : index
      %get3A_934 = tpu.vector_load %arg10[%get3A_932, %get3A_933] {strides = array<i32>} : memref<128x64xf32, #tpu.memory_space<vmem>>, vector<16xf32>,
      %add3A_935 = arith.addf %get3A_934, %get3A_610 : vector<16xf32>
      tpu.vector_store_idx %arg14[%shift_right_arithmetic3A_637, %and3A_649, %broadcast_in_dim3A_931], %add3A_935 : memref<8x8x129xf32, #tpu.memory_space<vmem>>[vector<16xi32>, vector<16xi32>, vector<16xi32>], vector<16xf32>,
      %get3A_936 = arith.index_cast %add3A_930 : i32 to index
      %get3A_937 = arith.constant 16 : index
      %get3A_938 = tpu.vector_load %arg10[%get3A_936, %get3A_937] {strides = array<i32>} : memref<128x64xf32, #tpu.memory_space<vmem>>, vector<16xf32>,
      %add3A_939 = arith.addf %get3A_938, %get3A_614 : vector<16xf32>
      tpu.vector_store_idx %arg14[%shift_right_arithmetic3A_640, %and3A_652, %broadcast_in_dim3A_931], %add3A_939 : memref<8x8x129xf32, #tpu.memory_space<vmem>>[vector<16xi32>, vector<16xi32>, vector<16xi32>], vector<16xf32>,
      %get3A_940 = arith.index_cast %add3A_930 : i32 to index
      %get3A_941 = arith.constant 32 : index
      %get3A_942 = tpu.vector_load %arg10[%get3A_940, %get3A_941] {strides = array<i32>} : memref<128x64xf32, #tpu.memory_space<vmem>>, vector<16xf32>,
      %add3A_943 = arith.addf %get3A_942, %get3A_618 : vector<16xf32>
      tpu.vector_store_idx %arg14[%shift_right_arithmetic3A_643, %and3A_655, %broadcast_in_dim3A_931], %add3A_943 : memref<8x8x129xf32, #tpu.memory_space<vmem>>[vector<16xi32>, vector<16xi32>, vector<16xi32>], vector<16xf32>,
      %get3A_944 = arith.index_cast %add3A_930 : i32 to index
      %get3A_945 = arith.constant 48 : index
      %get3A_946 = tpu.vector_load %arg10[%get3A_944, %get3A_945] {strides = array<i32>} : memref<128x64xf32, #tpu.memory_space<vmem>>, vector<16xf32>,
      %add3A_947 = arith.addf %get3A_946, %get3A_622 : vector<16xf32>
      tpu.vector_store_idx %arg14[%shift_right_arithmetic3A_646, %and3A_658, %broadcast_in_dim3A_931], %add3A_947 : memref<8x8x129xf32, #tpu.memory_space<vmem>>[vector<16xi32>, vector<16xi32>, vector<16xi32>], vector<16xf32>,
      %scan3A_948 = arith.constant 3 : i32
      %scan3A_949 = arith.addi %scan3A_881, %scan3A_948 : i32
      %mul3A_950 = arith.constant 1 : i32
      %mul3A_951 = arith.muli %scan3A_949, %mul3A_950 : i32
      %add3A_952 = arith.constant 0 : i32
      %add3A_953 = arith.addi %add3A_952, %mul3A_951 : i32
      %broadcast_in_dim3A_954 = vector.broadcast %add3A_953 : i32 to vector<16xi32>
      %get3A_955 = arith.index_cast %add3A_953 : i32 to index
      %get3A_956 = arith.constant 0 : index
      %get3A_957 = tpu.vector_load %arg10[%get3A_955, %get3A_956] {strides = array<i32>} : memref<128x64xf32, #tpu.memory_space<vmem>>, vector<16xf32>,
      %add3A_958 = arith.addf %get3A_957, %get3A_610 : vector<16xf32>
      tpu.vector_store_idx %arg14[%shift_right_arithmetic3A_637, %and3A_649, %broadcast_in_dim3A_954], %add3A_958 : memref<8x8x129xf32, #tpu.memory_space<vmem>>[vector<16xi32>, vector<16xi32>, vector<16xi32>], vector<16xf32>,
      %get3A_959 = arith.index_cast %add3A_953 : i32 to index
      %get3A_960 = arith.constant 16 : index
      %get3A_961 = tpu.vector_load %arg10[%get3A_959, %get3A_960] {strides = array<i32>} : memref<128x64xf32, #tpu.memory_space<vmem>>, vector<16xf32>,
      %add3A_962 = arith.addf %get3A_961, %get3A_614 : vector<16xf32>
      tpu.vector_store_idx %arg14[%shift_right_arithmetic3A_640, %and3A_652, %broadcast_in_dim3A_954], %add3A_962 : memref<8x8x129xf32, #tpu.memory_space<vmem>>[vector<16xi32>, vector<16xi32>, vector<16xi32>], vector<16xf32>,
      %get3A_963 = arith.index_cast %add3A_953 : i32 to index
      %get3A_964 = arith.constant 32 : index
      %get3A_965 = tpu.vector_load %arg10[%get3A_963, %get3A_964] {strides = array<i32>} : memref<128x64xf32, #tpu.memory_space<vmem>>, vector<16xf32>,
      %add3A_966 = arith.addf %get3A_965, %get3A_618 : vector<16xf32>
      tpu.vector_store_idx %arg14[%shift_right_arithmetic3A_643, %and3A_655, %broadcast_in_dim3A_954], %add3A_966 : memref<8x8x129xf32, #tpu.memory_space<vmem>>[vector<16xi32>, vector<16xi32>, vector<16xi32>], vector<16xf32>,
      %get3A_967 = arith.index_cast %add3A_953 : i32 to index
      %get3A_968 = arith.constant 48 : index
      %get3A_969 = tpu.vector_load %arg10[%get3A_967, %get3A_968] {strides = array<i32>} : memref<128x64xf32, #tpu.memory_space<vmem>>, vector<16xf32>,
      %add3A_970 = arith.addf %get3A_969, %get3A_622 : vector<16xf32>
      tpu.vector_store_idx %arg14[%shift_right_arithmetic3A_646, %and3A_658, %broadcast_in_dim3A_954], %add3A_970 : memref<8x8x129xf32, #tpu.memory_space<vmem>>[vector<16xi32>, vector<16xi32>, vector<16xi32>], vector<16xf32>,
    }
    %scan3A_663 = arith.constant 128 : i32
    %dma_wait3A_664 = arith.constant 194 : i32
    %dma_wait3A_665 = arith.constant 0 : i32
    %dma_wait3A_666 = arith.constant 0 : i32
    %dma_wait3A_667 = arith.constant 0 : i32
    %dma_wait3A_668 = tpu.memref_slice %arg14[%dma_wait3A_665, %dma_wait3A_666, %dma_wait3A_667] : memref<8x8x129xf32, #tpu.memory_space<vmem>> -> memref<8x8x128xf32, #tpu.memory_space<vmem>>
    %dma_wait3A_669 = arith.constant 0 : i32
    %dma_wait3A_670 = arith.constant 0 : i32
    %dma_wait3A_671 = arith.constant 0 : i32
    %dma_wait3A_672 = tpu.memref_slice %arg5[%dma_wait3A_664, %dma_wait3A_669, %add3A, %dma_wait3A_670, %dma_wait3A_671] : memref<200x8x32x8x128xf32, #tpu.memory_space<hbm>> -> memref<1x8x1x8x128xf32, #tpu.memory_space<hbm>>
    %dma_wait3A_673 = tpu.memref_squeeze %dma_wait3A_672 : memref<1x8x1x8x128xf32, #tpu.memory_space<hbm>> -> memref<8x8x128xf32, #tpu.memory_space<hbm>>
    %dma_wait3A_674 = arith.constant 0 : i32
    %dma_wait3A_675 = arith.constant 0 : i32
    %dma_wait3A_676 = arith.constant 0 : i32
    %dma_wait3A_677 = tpu.memref_slice %arg5[%dma_wait3A_664, %dma_wait3A_674, %add3A, %dma_wait3A_675, %dma_wait3A_676] : memref<200x8x32x8x128xf32, #tpu.memory_space<hbm>> -> memref<1x8x1x8x128xf32, #tpu.memory_space<hbm>>
    %dma_wait3A_678 = tpu.memref_squeeze %dma_wait3A_677 : memref<1x8x1x8x128xf32, #tpu.memory_space<hbm>> -> memref<8x8x128xf32, #tpu.memory_space<hbm>>
    %dma_wait3A_679 = arith.constant 0 : i32
    %dma_wait3A_680 = arith.constant 0 : i32
    %dma_wait3A_681 = arith.constant 0 : i32
    %dma_wait3A_682 = tpu.memref_slice %arg14[%dma_wait3A_679, %dma_wait3A_680, %dma_wait3A_681] : memref<8x8x129xf32, #tpu.memory_space<vmem>> -> memref<8x8x128xf32, #tpu.memory_space<vmem>>
    tpu.wait_dma2 semaphore(%arg22 : memref<!tpu.dma_semaphore, #tpu.memory_space<semaphore_mem>>) src(%dma_wait3A_682 : memref<8x8x128xf32, #tpu.memory_space<vmem>>) dst(%dma_wait3A_678 : memref<8x8x128xf32, #tpu.memory_space<hbm>>)
    %dma_start3A_683 = arith.constant 198 : i32
    %dma_start3A_684 = arith.constant 0 : i32
    %dma_start3A_685 = arith.constant 0 : i32
    %dma_start3A_686 = arith.constant 0 : i32
    %dma_start3A_687 = tpu.memref_slice %arg14[%dma_start3A_684, %dma_start3A_685, %dma_start3A_686] : memref<8x8x129xf32, #tpu.memory_space<vmem>> -> memref<8x8x128xf32, #tpu.memory_space<vmem>>
    %dma_start3A_688 = arith.constant 0 : i32
    %dma_start3A_689 = arith.constant 0 : i32
    %dma_start3A_690 = arith.constant 0 : i32
    %dma_start3A_691 = tpu.memref_slice %arg5[%dma_start3A_683, %dma_start3A_688, %add3A, %dma_start3A_689, %dma_start3A_690] : memref<200x8x32x8x128xf32, #tpu.memory_space<hbm>> -> memref<1x8x1x8x128xf32, #tpu.memory_space<hbm>>
    %dma_start3A_692 = tpu.memref_squeeze %dma_start3A_691 : memref<1x8x1x8x128xf32, #tpu.memory_space<hbm>> -> memref<8x8x128xf32, #tpu.memory_space<hbm>>
    %dma_start3A_693 = arith.constant 0 : i32
    %dma_start3A_694 = arith.constant 0 : i32
    %dma_start3A_695 = arith.constant 0 : i32
    %dma_start3A_696 = tpu.memref_slice %arg5[%dma_start3A_683, %dma_start3A_693, %add3A, %dma_start3A_694, %dma_start3A_695] : memref<200x8x32x8x128xf32, #tpu.memory_space<hbm>> -> memref<1x8x1x8x128xf32, #tpu.memory_space<hbm>>
    %dma_start3A_697 = tpu.memref_squeeze %dma_start3A_696 : memref<1x8x1x8x128xf32, #tpu.memory_space<hbm>> -> memref<8x8x128xf32, #tpu.memory_space<hbm>>
    %dma_start3A_698 = arith.constant 0 : i32
    %dma_start3A_699 = arith.constant 0 : i32
    %dma_start3A_700 = arith.constant 0 : i32
    %dma_start3A_701 = tpu.memref_slice %arg14[%dma_start3A_698, %dma_start3A_699, %dma_start3A_700] : memref<8x8x129xf32, #tpu.memory_space<vmem>> -> memref<8x8x128xf32, #tpu.memory_space<vmem>>
    tpu.enqueue_dma source(%dma_start3A_701 : memref<8x8x128xf32, #tpu.memory_space<vmem>>) target(%dma_start3A_697 : memref<8x8x128xf32, #tpu.memory_space<hbm>>) target_semaphore(%arg22 : memref<!tpu.dma_semaphore, #tpu.memory_space<semaphore_mem>>)
    %dma_wait3A_702 = arith.constant 199 : i32
    %dma_wait3A_703 = arith.constant 0 : i32
    %dma_wait3A_704 = tpu.memref_slice %arg6[%dma_wait3A_702, %dma_wait3A_703] : memref<200x128xi32, #tpu.memory_space<vmem>> -> memref<1x128xi32, #tpu.memory_space<vmem>>
    %dma_wait3A_705 = tpu.memref_squeeze %dma_wait3A_704 : memref<1x128xi32, #tpu.memory_space<vmem>> -> memref<128xi32, #tpu.memory_space<vmem>>
    %dma_wait3A_706 = arith.constant 0 : i32
    %dma_wait3A_707 = arith.constant 0 : i32
    %dma_wait3A_708 = tpu.memref_slice %arg3[%dma_wait3A_706, %dma_wait3A_707] : memref<100000x64xf32, #tpu.memory_space<hbm>> -> memref<100000x64xf32, #tpu.memory_space<hbm>>
    tpu.wait_indirect_dma semaphore(%arg19 : memref<!tpu.dma_semaphore, #tpu.memory_space<semaphore_mem>>) src(%dma_wait3A_708 : memref<100000x64xf32, #tpu.memory_space<hbm>>) dst(%arg11 : memref<128x64xf32, #tpu.memory_space<vmem>>)
    %iota3A_709 = tpu.iota {dimensions = array<i32: 0>} : vector<16xi32>
    %get3A_710 = arith.constant 199 : i32
    %get3A_711 = arith.index_cast %get3A_710 : i32 to index
    %get3A_712 = arith.constant 0 : index
    %get3A_713 = tpu.vector_load %arg7[%get3A_711, %get3A_712] {strides = array<i32>} : memref<200x64xf32, #tpu.memory_space<vmem>>, vector<16xf32>,
    %get3A_714 = arith.constant 199 : i32
    %get3A_715 = arith.index_cast %get3A_714 : i32 to index
    %get3A_716 = arith.constant 16 : index
    %get3A_717 = tpu.vector_load %arg7[%get3A_715, %get3A_716] {strides = array<i32>} : memref<200x64xf32, #tpu.memory_space<vmem>>, vector<16xf32>,
    %get3A_718 = arith.constant 199 : i32
    %get3A_719 = arith.index_cast %get3A_718 : i32 to index
    %get3A_720 = arith.constant 32 : index
    %get3A_721 = tpu.vector_load %arg7[%get3A_719, %get3A_720] {strides = array<i32>} : memref<200x64xf32, #tpu.memory_space<vmem>>, vector<16xf32>,
    %get3A_722 = arith.constant 199 : i32
    %get3A_723 = arith.index_cast %get3A_722 : i32 to index
    %get3A_724 = arith.constant 48 : index
    %get3A_725 = tpu.vector_load %arg7[%get3A_723, %get3A_724] {strides = array<i32>} : memref<200x64xf32, #tpu.memory_space<vmem>>, vector<16xf32>,
    %add3A_726 = arith.constant 0 : i32
    %add3A_727 = vector.broadcast %add3A_726 : i32 to vector<16xi32>
    %add3A_728 = arith.addi %iota3A_709, %add3A_727 : vector<16xi32>
    %add3A_729 = arith.constant 16 : i32
    %add3A_730 = vector.broadcast %add3A_729 : i32 to vector<16xi32>
    %add3A_731 = arith.addi %iota3A_709, %add3A_730 : vector<16xi32>
    %add3A_732 = arith.constant 32 : i32
    %add3A_733 = vector.broadcast %add3A_732 : i32 to vector<16xi32>
    %add3A_734 = arith.addi %iota3A_709, %add3A_733 : vector<16xi32>
    %add3A_735 = arith.constant 48 : i32
    %add3A_736 = vector.broadcast %add3A_735 : i32 to vector<16xi32>
    %add3A_737 = arith.addi %iota3A_709, %add3A_736 : vector<16xi32>
    %shift_right_arithmetic3A_738 = arith.constant 3 : i32
    %shift_right_arithmetic3A_739 = vector.broadcast %shift_right_arithmetic3A_738 : i32 to vector<16xi32>
    %shift_right_arithmetic3A_740 = arith.shrsi %add3A_728, %shift_right_arithmetic3A_739 : vector<16xi32>
    %shift_right_arithmetic3A_741 = arith.constant 3 : i32
    %shift_right_arithmetic3A_742 = vector.broadcast %shift_right_arithmetic3A_741 : i32 to vector<16xi32>
    %shift_right_arithmetic3A_743 = arith.shrsi %add3A_731, %shift_right_arithmetic3A_742 : vector<16xi32>
    %shift_right_arithmetic3A_744 = arith.constant 3 : i32
    %shift_right_arithmetic3A_745 = vector.broadcast %shift_right_arithmetic3A_744 : i32 to vector<16xi32>
    %shift_right_arithmetic3A_746 = arith.shrsi %add3A_734, %shift_right_arithmetic3A_745 : vector<16xi32>
    %shift_right_arithmetic3A_747 = arith.constant 3 : i32
    %shift_right_arithmetic3A_748 = vector.broadcast %shift_right_arithmetic3A_747 : i32 to vector<16xi32>
    %shift_right_arithmetic3A_749 = arith.shrsi %add3A_737, %shift_right_arithmetic3A_748 : vector<16xi32>
    %and3A_750 = arith.constant 7 : i32
    %and3A_751 = vector.broadcast %and3A_750 : i32 to vector<16xi32>
    %and3A_752 = arith.andi %add3A_728, %and3A_751 : vector<16xi32>
    %and3A_753 = arith.constant 7 : i32
    %and3A_754 = vector.broadcast %and3A_753 : i32 to vector<16xi32>
    %and3A_755 = arith.andi %add3A_731, %and3A_754 : vector<16xi32>
    %and3A_756 = arith.constant 7 : i32
    %and3A_757 = vector.broadcast %and3A_756 : i32 to vector<16xi32>
    %and3A_758 = arith.andi %add3A_734, %and3A_757 : vector<16xi32>
    %and3A_759 = arith.constant 7 : i32
    %and3A_760 = vector.broadcast %and3A_759 : i32 to vector<16xi32>
    %and3A_761 = arith.andi %add3A_737, %and3A_760 : vector<16xi32>
    %scan3A_762 = arith.constant 0 : i32
    %scan3A_763 = arith.constant 128 : i32
    %scan3A_764 = arith.addi %scan3A_762, %scan3A_763 : i32
    %scan3A_765 = arith.constant 4 : i32
    scf.for %scan3A_881 = %scan3A_762 to %scan3A_764 step %scan3A_765  : i32 {
      %mul3A_882 = arith.constant 1 : i32
      %mul3A_883 = arith.muli %scan3A_881, %mul3A_882 : i32
      %add3A_884 = arith.constant 0 : i32
      %add3A_885 = arith.addi %add3A_884, %mul3A_883 : i32
      %broadcast_in_dim3A = vector.broadcast %add3A_885 : i32 to vector<16xi32>
      %get3A_886 = arith.index_cast %add3A_885 : i32 to index
      %get3A_887 = arith.constant 0 : index
      %get3A_888 = tpu.vector_load %arg11[%get3A_886, %get3A_887] {strides = array<i32>} : memref<128x64xf32, #tpu.memory_space<vmem>>, vector<16xf32>,
      %add3A_889 = arith.addf %get3A_888, %get3A_713 : vector<16xf32>
      tpu.vector_store_idx %arg15[%shift_right_arithmetic3A_740, %and3A_752, %broadcast_in_dim3A], %add3A_889 : memref<8x8x129xf32, #tpu.memory_space<vmem>>[vector<16xi32>, vector<16xi32>, vector<16xi32>], vector<16xf32>,
      %get3A_890 = arith.index_cast %add3A_885 : i32 to index
      %get3A_891 = arith.constant 16 : index
      %get3A_892 = tpu.vector_load %arg11[%get3A_890, %get3A_891] {strides = array<i32>} : memref<128x64xf32, #tpu.memory_space<vmem>>, vector<16xf32>,
      %add3A_893 = arith.addf %get3A_892, %get3A_717 : vector<16xf32>
      tpu.vector_store_idx %arg15[%shift_right_arithmetic3A_743, %and3A_755, %broadcast_in_dim3A], %add3A_893 : memref<8x8x129xf32, #tpu.memory_space<vmem>>[vector<16xi32>, vector<16xi32>, vector<16xi32>], vector<16xf32>,
      %get3A_894 = arith.index_cast %add3A_885 : i32 to index
      %get3A_895 = arith.constant 32 : index
      %get3A_896 = tpu.vector_load %arg11[%get3A_894, %get3A_895] {strides = array<i32>} : memref<128x64xf32, #tpu.memory_space<vmem>>, vector<16xf32>,
      %add3A_897 = arith.addf %get3A_896, %get3A_721 : vector<16xf32>
      tpu.vector_store_idx %arg15[%shift_right_arithmetic3A_746, %and3A_758, %broadcast_in_dim3A], %add3A_897 : memref<8x8x129xf32, #tpu.memory_space<vmem>>[vector<16xi32>, vector<16xi32>, vector<16xi32>], vector<16xf32>,
      %get3A_898 = arith.index_cast %add3A_885 : i32 to index
      %get3A_899 = arith.constant 48 : index
      %get3A_900 = tpu.vector_load %arg11[%get3A_898, %get3A_899] {strides = array<i32>} : memref<128x64xf32, #tpu.memory_space<vmem>>, vector<16xf32>,
      %add3A_901 = arith.addf %get3A_900, %get3A_725 : vector<16xf32>
      tpu.vector_store_idx %arg15[%shift_right_arithmetic3A_749, %and3A_761, %broadcast_in_dim3A], %add3A_901 : memref<8x8x129xf32, #tpu.memory_space<vmem>>[vector<16xi32>, vector<16xi32>, vector<16xi32>], vector<16xf32>,
      %scan3A_902 = arith.constant 1 : i32
      %scan3A_903 = arith.addi %scan3A_881, %scan3A_902 : i32
      %mul3A_904 = arith.constant 1 : i32
      %mul3A_905 = arith.muli %scan3A_903, %mul3A_904 : i32
      %add3A_906 = arith.constant 0 : i32
      %add3A_907 = arith.addi %add3A_906, %mul3A_905 : i32
      %broadcast_in_dim3A_908 = vector.broadcast %add3A_907 : i32 to vector<16xi32>
      %get3A_909 = arith.index_cast %add3A_907 : i32 to index
      %get3A_910 = arith.constant 0 : index
      %get3A_911 = tpu.vector_load %arg11[%get3A_909, %get3A_910] {strides = array<i32>} : memref<128x64xf32, #tpu.memory_space<vmem>>, vector<16xf32>,
      %add3A_912 = arith.addf %get3A_911, %get3A_713 : vector<16xf32>
      tpu.vector_store_idx %arg15[%shift_right_arithmetic3A_740, %and3A_752, %broadcast_in_dim3A_908], %add3A_912 : memref<8x8x129xf32, #tpu.memory_space<vmem>>[vector<16xi32>, vector<16xi32>, vector<16xi32>], vector<16xf32>,
      %get3A_913 = arith.index_cast %add3A_907 : i32 to index
      %get3A_914 = arith.constant 16 : index
      %get3A_915 = tpu.vector_load %arg11[%get3A_913, %get3A_914] {strides = array<i32>} : memref<128x64xf32, #tpu.memory_space<vmem>>, vector<16xf32>,
      %add3A_916 = arith.addf %get3A_915, %get3A_717 : vector<16xf32>
      tpu.vector_store_idx %arg15[%shift_right_arithmetic3A_743, %and3A_755, %broadcast_in_dim3A_908], %add3A_916 : memref<8x8x129xf32, #tpu.memory_space<vmem>>[vector<16xi32>, vector<16xi32>, vector<16xi32>], vector<16xf32>,
      %get3A_917 = arith.index_cast %add3A_907 : i32 to index
      %get3A_918 = arith.constant 32 : index
      %get3A_919 = tpu.vector_load %arg11[%get3A_917, %get3A_918] {strides = array<i32>} : memref<128x64xf32, #tpu.memory_space<vmem>>, vector<16xf32>,
      %add3A_920 = arith.addf %get3A_919, %get3A_721 : vector<16xf32>
      tpu.vector_store_idx %arg15[%shift_right_arithmetic3A_746, %and3A_758, %broadcast_in_dim3A_908], %add3A_920 : memref<8x8x129xf32, #tpu.memory_space<vmem>>[vector<16xi32>, vector<16xi32>, vector<16xi32>], vector<16xf32>,
      %get3A_921 = arith.index_cast %add3A_907 : i32 to index
      %get3A_922 = arith.constant 48 : index
      %get3A_923 = tpu.vector_load %arg11[%get3A_921, %get3A_922] {strides = array<i32>} : memref<128x64xf32, #tpu.memory_space<vmem>>, vector<16xf32>,
      %add3A_924 = arith.addf %get3A_923, %get3A_725 : vector<16xf32>
      tpu.vector_store_idx %arg15[%shift_right_arithmetic3A_749, %and3A_761, %broadcast_in_dim3A_908], %add3A_924 : memref<8x8x129xf32, #tpu.memory_space<vmem>>[vector<16xi32>, vector<16xi32>, vector<16xi32>], vector<16xf32>,
      %scan3A_925 = arith.constant 2 : i32
      %scan3A_926 = arith.addi %scan3A_881, %scan3A_925 : i32
      %mul3A_927 = arith.constant 1 : i32
      %mul3A_928 = arith.muli %scan3A_926, %mul3A_927 : i32
      %add3A_929 = arith.constant 0 : i32
      %add3A_930 = arith.addi %add3A_929, %mul3A_928 : i32
      %broadcast_in_dim3A_931 = vector.broadcast %add3A_930 : i32 to vector<16xi32>
      %get3A_932 = arith.index_cast %add3A_930 : i32 to index
      %get3A_933 = arith.constant 0 : index
      %get3A_934 = tpu.vector_load %arg11[%get3A_932, %get3A_933] {strides = array<i32>} : memref<128x64xf32, #tpu.memory_space<vmem>>, vector<16xf32>,
      %add3A_935 = arith.addf %get3A_934, %get3A_713 : vector<16xf32>
      tpu.vector_store_idx %arg15[%shift_right_arithmetic3A_740, %and3A_752, %broadcast_in_dim3A_931], %add3A_935 : memref<8x8x129xf32, #tpu.memory_space<vmem>>[vector<16xi32>, vector<16xi32>, vector<16xi32>], vector<16xf32>,
      %get3A_936 = arith.index_cast %add3A_930 : i32 to index
      %get3A_937 = arith.constant 16 : index
      %get3A_938 = tpu.vector_load %arg11[%get3A_936, %get3A_937] {strides = array<i32>} : memref<128x64xf32, #tpu.memory_space<vmem>>, vector<16xf32>,
      %add3A_939 = arith.addf %get3A_938, %get3A_717 : vector<16xf32>
      tpu.vector_store_idx %arg15[%shift_right_arithmetic3A_743, %and3A_755, %broadcast_in_dim3A_931], %add3A_939 : memref<8x8x129xf32, #tpu.memory_space<vmem>>[vector<16xi32>, vector<16xi32>, vector<16xi32>], vector<16xf32>,
      %get3A_940 = arith.index_cast %add3A_930 : i32 to index
      %get3A_941 = arith.constant 32 : index
      %get3A_942 = tpu.vector_load %arg11[%get3A_940, %get3A_941] {strides = array<i32>} : memref<128x64xf32, #tpu.memory_space<vmem>>, vector<16xf32>,
      %add3A_943 = arith.addf %get3A_942, %get3A_721 : vector<16xf32>
      tpu.vector_store_idx %arg15[%shift_right_arithmetic3A_746, %and3A_758, %broadcast_in_dim3A_931], %add3A_943 : memref<8x8x129xf32, #tpu.memory_space<vmem>>[vector<16xi32>, vector<16xi32>, vector<16xi32>], vector<16xf32>,
      %get3A_944 = arith.index_cast %add3A_930 : i32 to index
      %get3A_945 = arith.constant 48 : index
      %get3A_946 = tpu.vector_load %arg11[%get3A_944, %get3A_945] {strides = array<i32>} : memref<128x64xf32, #tpu.memory_space<vmem>>, vector<16xf32>,
      %add3A_947 = arith.addf %get3A_946, %get3A_725 : vector<16xf32>
      tpu.vector_store_idx %arg15[%shift_right_arithmetic3A_749, %and3A_761, %broadcast_in_dim3A_931], %add3A_947 : memref<8x8x129xf32, #tpu.memory_space<vmem>>[vector<16xi32>, vector<16xi32>, vector<16xi32>], vector<16xf32>,
      %scan3A_948 = arith.constant 3 : i32
      %scan3A_949 = arith.addi %scan3A_881, %scan3A_948 : i32
      %mul3A_950 = arith.constant 1 : i32
      %mul3A_951 = arith.muli %scan3A_949, %mul3A_950 : i32
      %add3A_952 = arith.constant 0 : i32
      %add3A_953 = arith.addi %add3A_952, %mul3A_951 : i32
      %broadcast_in_dim3A_954 = vector.broadcast %add3A_953 : i32 to vector<16xi32>
      %get3A_955 = arith.index_cast %add3A_953 : i32 to index
      %get3A_956 = arith.constant 0 : index
      %get3A_957 = tpu.vector_load %arg11[%get3A_955, %get3A_956] {strides = array<i32>} : memref<128x64xf32, #tpu.memory_space<vmem>>, vector<16xf32>,
      %add3A_958 = arith.addf %get3A_957, %get3A_713 : vector<16xf32>
      tpu.vector_store_idx %arg15[%shift_right_arithmetic3A_740, %and3A_752, %broadcast_in_dim3A_954], %add3A_958 : memref<8x8x129xf32, #tpu.memory_space<vmem>>[vector<16xi32>, vector<16xi32>, vector<16xi32>], vector<16xf32>,
      %get3A_959 = arith.index_cast %add3A_953 : i32 to index
      %get3A_960 = arith.constant 16 : index
      %get3A_961 = tpu.vector_load %arg11[%get3A_959, %get3A_960] {strides = array<i32>} : memref<128x64xf32, #tpu.memory_space<vmem>>, vector<16xf32>,
      %add3A_962 = arith.addf %get3A_961, %get3A_717 : vector<16xf32>
      tpu.vector_store_idx %arg15[%shift_right_arithmetic3A_743, %and3A_755, %broadcast_in_dim3A_954], %add3A_962 : memref<8x8x129xf32, #tpu.memory_space<vmem>>[vector<16xi32>, vector<16xi32>, vector<16xi32>], vector<16xf32>,
      %get3A_963 = arith.index_cast %add3A_953 : i32 to index
      %get3A_964 = arith.constant 32 : index
      %get3A_965 = tpu.vector_load %arg11[%get3A_963, %get3A_964] {strides = array<i32>} : memref<128x64xf32, #tpu.memory_space<vmem>>, vector<16xf32>,
      %add3A_966 = arith.addf %get3A_965, %get3A_721 : vector<16xf32>
      tpu.vector_store_idx %arg15[%shift_right_arithmetic3A_746, %and3A_758, %broadcast_in_dim3A_954], %add3A_966 : memref<8x8x129xf32, #tpu.memory_space<vmem>>[vector<16xi32>, vector<16xi32>, vector<16xi32>], vector<16xf32>,
      %get3A_967 = arith.index_cast %add3A_953 : i32 to index
      %get3A_968 = arith.constant 48 : index
      %get3A_969 = tpu.vector_load %arg11[%get3A_967, %get3A_968] {strides = array<i32>} : memref<128x64xf32, #tpu.memory_space<vmem>>, vector<16xf32>,
      %add3A_970 = arith.addf %get3A_969, %get3A_725 : vector<16xf32>
      tpu.vector_store_idx %arg15[%shift_right_arithmetic3A_749, %and3A_761, %broadcast_in_dim3A_954], %add3A_970 : memref<8x8x129xf32, #tpu.memory_space<vmem>>[vector<16xi32>, vector<16xi32>, vector<16xi32>], vector<16xf32>,
    }
    %scan3A_766 = arith.constant 128 : i32
    %dma_wait3A_767 = arith.constant 195 : i32
    %dma_wait3A_768 = arith.constant 0 : i32
    %dma_wait3A_769 = arith.constant 0 : i32
    %dma_wait3A_770 = arith.constant 0 : i32
    %dma_wait3A_771 = tpu.memref_slice %arg15[%dma_wait3A_768, %dma_wait3A_769, %dma_wait3A_770] : memref<8x8x129xf32, #tpu.memory_space<vmem>> -> memref<8x8x128xf32, #tpu.memory_space<vmem>>
    %dma_wait3A_772 = arith.constant 0 : i32
    %dma_wait3A_773 = arith.constant 0 : i32
    %dma_wait3A_774 = arith.constant 0 : i32
    %dma_wait3A_775 = tpu.memref_slice %arg5[%dma_wait3A_767, %dma_wait3A_772, %add3A, %dma_wait3A_773, %dma_wait3A_774] : memref<200x8x32x8x128xf32, #tpu.memory_space<hbm>> -> memref<1x8x1x8x128xf32, #tpu.memory_space<hbm>>
    %dma_wait3A_776 = tpu.memref_squeeze %dma_wait3A_775 : memref<1x8x1x8x128xf32, #tpu.memory_space<hbm>> -> memref<8x8x128xf32, #tpu.memory_space<hbm>>
    %dma_wait3A_777 = arith.constant 0 : i32
    %dma_wait3A_778 = arith.constant 0 : i32
    %dma_wait3A_779 = arith.constant 0 : i32
    %dma_wait3A_780 = tpu.memref_slice %arg5[%dma_wait3A_767, %dma_wait3A_777, %add3A, %dma_wait3A_778, %dma_wait3A_779] : memref<200x8x32x8x128xf32, #tpu.memory_space<hbm>> -> memref<1x8x1x8x128xf32, #tpu.memory_space<hbm>>
    %dma_wait3A_781 = tpu.memref_squeeze %dma_wait3A_780 : memref<1x8x1x8x128xf32, #tpu.memory_space<hbm>> -> memref<8x8x128xf32, #tpu.memory_space<hbm>>
    %dma_wait3A_782 = arith.constant 0 : i32
    %dma_wait3A_783 = arith.constant 0 : i32
    %dma_wait3A_784 = arith.constant 0 : i32
    %dma_wait3A_785 = tpu.memref_slice %arg15[%dma_wait3A_782, %dma_wait3A_783, %dma_wait3A_784] : memref<8x8x129xf32, #tpu.memory_space<vmem>> -> memref<8x8x128xf32, #tpu.memory_space<vmem>>
    tpu.wait_dma2 semaphore(%arg23 : memref<!tpu.dma_semaphore, #tpu.memory_space<semaphore_mem>>) src(%dma_wait3A_785 : memref<8x8x128xf32, #tpu.memory_space<vmem>>) dst(%dma_wait3A_781 : memref<8x8x128xf32, #tpu.memory_space<hbm>>)
    %dma_start3A_786 = arith.constant 199 : i32
    %dma_start3A_787 = arith.constant 0 : i32
    %dma_start3A_788 = arith.constant 0 : i32
    %dma_start3A_789 = arith.constant 0 : i32
    %dma_start3A_790 = tpu.memref_slice %arg15[%dma_start3A_787, %dma_start3A_788, %dma_start3A_789] : memref<8x8x129xf32, #tpu.memory_space<vmem>> -> memref<8x8x128xf32, #tpu.memory_space<vmem>>
    %dma_start3A_791 = arith.constant 0 : i32
    %dma_start3A_792 = arith.constant 0 : i32
    %dma_start3A_793 = arith.constant 0 : i32
    %dma_start3A_794 = tpu.memref_slice %arg5[%dma_start3A_786, %dma_start3A_791, %add3A, %dma_start3A_792, %dma_start3A_793] : memref<200x8x32x8x128xf32, #tpu.memory_space<hbm>> -> memref<1x8x1x8x128xf32, #tpu.memory_space<hbm>>
    %dma_start3A_795 = tpu.memref_squeeze %dma_start3A_794 : memref<1x8x1x8x128xf32, #tpu.memory_space<hbm>> -> memref<8x8x128xf32, #tpu.memory_space<hbm>>
    %dma_start3A_796 = arith.constant 0 : i32
    %dma_start3A_797 = arith.constant 0 : i32
    %dma_start3A_798 = arith.constant 0 : i32
    %dma_start3A_799 = tpu.memref_slice %arg5[%dma_start3A_786, %dma_start3A_796, %add3A, %dma_start3A_797, %dma_start3A_798] : memref<200x8x32x8x128xf32, #tpu.memory_space<hbm>> -> memref<1x8x1x8x128xf32, #tpu.memory_space<hbm>>
    %dma_start3A_800 = tpu.memref_squeeze %dma_start3A_799 : memref<1x8x1x8x128xf32, #tpu.memory_space<hbm>> -> memref<8x8x128xf32, #tpu.memory_space<hbm>>
    %dma_start3A_801 = arith.constant 0 : i32
    %dma_start3A_802 = arith.constant 0 : i32
    %dma_start3A_803 = arith.constant 0 : i32
    %dma_start3A_804 = tpu.memref_slice %arg15[%dma_start3A_801, %dma_start3A_802, %dma_start3A_803] : memref<8x8x129xf32, #tpu.memory_space<vmem>> -> memref<8x8x128xf32, #tpu.memory_space<vmem>>
    tpu.enqueue_dma source(%dma_start3A_804 : memref<8x8x128xf32, #tpu.memory_space<vmem>>) target(%dma_start3A_800 : memref<8x8x128xf32, #tpu.memory_space<hbm>>) target_semaphore(%arg23 : memref<!tpu.dma_semaphore, #tpu.memory_space<semaphore_mem>>)
    %dma_wait3A_805 = arith.constant 196 : i32
    %dma_wait3A_806 = arith.constant 0 : i32
    %dma_wait3A_807 = arith.constant 0 : i32
    %dma_wait3A_808 = arith.constant 0 : i32
    %dma_wait3A_809 = tpu.memref_slice %arg12[%dma_wait3A_806, %dma_wait3A_807, %dma_wait3A_808] : memref<8x8x129xf32, #tpu.memory_space<vmem>> -> memref<8x8x128xf32, #tpu.memory_space<vmem>>
    %dma_wait3A_810 = arith.constant 0 : i32
    %dma_wait3A_811 = arith.constant 0 : i32
    %dma_wait3A_812 = arith.constant 0 : i32
    %dma_wait3A_813 = tpu.memref_slice %arg5[%dma_wait3A_805, %dma_wait3A_810, %add3A, %dma_wait3A_811, %dma_wait3A_812] : memref<200x8x32x8x128xf32, #tpu.memory_space<hbm>> -> memref<1x8x1x8x128xf32, #tpu.memory_space<hbm>>
    %dma_wait3A_814 = tpu.memref_squeeze %dma_wait3A_813 : memref<1x8x1x8x128xf32, #tpu.memory_space<hbm>> -> memref<8x8x128xf32, #tpu.memory_space<hbm>>
    %dma_wait3A_815 = arith.constant 0 : i32
    %dma_wait3A_816 = arith.constant 0 : i32
    %dma_wait3A_817 = arith.constant 0 : i32
    %dma_wait3A_818 = tpu.memref_slice %arg5[%dma_wait3A_805, %dma_wait3A_815, %add3A, %dma_wait3A_816, %dma_wait3A_817] : memref<200x8x32x8x128xf32, #tpu.memory_space<hbm>> -> memref<1x8x1x8x128xf32, #tpu.memory_space<hbm>>
    %dma_wait3A_819 = tpu.memref_squeeze %dma_wait3A_818 : memref<1x8x1x8x128xf32, #tpu.memory_space<hbm>> -> memref<8x8x128xf32, #tpu.memory_space<hbm>>
    %dma_wait3A_820 = arith.constant 0 : i32
    %dma_wait3A_821 = arith.constant 0 : i32
    %dma_wait3A_822 = arith.constant 0 : i32
    %dma_wait3A_823 = tpu.memref_slice %arg12[%dma_wait3A_820, %dma_wait3A_821, %dma_wait3A_822] : memref<8x8x129xf32, #tpu.memory_space<vmem>> -> memref<8x8x128xf32, #tpu.memory_space<vmem>>
    tpu.wait_dma2 semaphore(%arg20 : memref<!tpu.dma_semaphore, #tpu.memory_space<semaphore_mem>>) src(%dma_wait3A_823 : memref<8x8x128xf32, #tpu.memory_space<vmem>>) dst(%dma_wait3A_819 : memref<8x8x128xf32, #tpu.memory_space<hbm>>)
    %dma_wait3A_824 = arith.constant 197 : i32
    %dma_wait3A_825 = arith.constant 0 : i32
    %dma_wait3A_826 = arith.constant 0 : i32
    %dma_wait3A_827 = arith.constant 0 : i32
    %dma_wait3A_828 = tpu.memref_slice %arg13[%dma_wait3A_825, %dma_wait3A_826, %dma_wait3A_827] : memref<8x8x129xf32, #tpu.memory_space<vmem>> -> memref<8x8x128xf32, #tpu.memory_space<vmem>>
    %dma_wait3A_829 = arith.constant 0 : i32
    %dma_wait3A_830 = arith.constant 0 : i32
    %dma_wait3A_831 = arith.constant 0 : i32
    %dma_wait3A_832 = tpu.memref_slice %arg5[%dma_wait3A_824, %dma_wait3A_829, %add3A, %dma_wait3A_830, %dma_wait3A_831] : memref<200x8x32x8x128xf32, #tpu.memory_space<hbm>> -> memref<1x8x1x8x128xf32, #tpu.memory_space<hbm>>
    %dma_wait3A_833 = tpu.memref_squeeze %dma_wait3A_832 : memref<1x8x1x8x128xf32, #tpu.memory_space<hbm>> -> memref<8x8x128xf32, #tpu.memory_space<hbm>>
    %dma_wait3A_834 = arith.constant 0 : i32
    %dma_wait3A_835 = arith.constant 0 : i32
    %dma_wait3A_836 = arith.constant 0 : i32
    %dma_wait3A_837 = tpu.memref_slice %arg5[%dma_wait3A_824, %dma_wait3A_834, %add3A, %dma_wait3A_835, %dma_wait3A_836] : memref<200x8x32x8x128xf32, #tpu.memory_space<hbm>> -> memref<1x8x1x8x128xf32, #tpu.memory_space<hbm>>
    %dma_wait3A_838 = tpu.memref_squeeze %dma_wait3A_837 : memref<1x8x1x8x128xf32, #tpu.memory_space<hbm>> -> memref<8x8x128xf32, #tpu.memory_space<hbm>>
    %dma_wait3A_839 = arith.constant 0 : i32
    %dma_wait3A_840 = arith.constant 0 : i32
    %dma_wait3A_841 = arith.constant 0 : i32
    %dma_wait3A_842 = tpu.memref_slice %arg13[%dma_wait3A_839, %dma_wait3A_840, %dma_wait3A_841] : memref<8x8x129xf32, #tpu.memory_space<vmem>> -> memref<8x8x128xf32, #tpu.memory_space<vmem>>
    tpu.wait_dma2 semaphore(%arg21 : memref<!tpu.dma_semaphore, #tpu.memory_space<semaphore_mem>>) src(%dma_wait3A_842 : memref<8x8x128xf32, #tpu.memory_space<vmem>>) dst(%dma_wait3A_838 : memref<8x8x128xf32, #tpu.memory_space<hbm>>)
    %dma_wait3A_843 = arith.constant 198 : i32
    %dma_wait3A_844 = arith.constant 0 : i32
    %dma_wait3A_845 = arith.constant 0 : i32
    %dma_wait3A_846 = arith.constant 0 : i32
    %dma_wait3A_847 = tpu.memref_slice %arg14[%dma_wait3A_844, %dma_wait3A_845, %dma_wait3A_846] : memref<8x8x129xf32, #tpu.memory_space<vmem>> -> memref<8x8x128xf32, #tpu.memory_space<vmem>>
    %dma_wait3A_848 = arith.constant 0 : i32
    %dma_wait3A_849 = arith.constant 0 : i32
    %dma_wait3A_850 = arith.constant 0 : i32
    %dma_wait3A_851 = tpu.memref_slice %arg5[%dma_wait3A_843, %dma_wait3A_848, %add3A, %dma_wait3A_849, %dma_wait3A_850] : memref<200x8x32x8x128xf32, #tpu.memory_space<hbm>> -> memref<1x8x1x8x128xf32, #tpu.memory_space<hbm>>
    %dma_wait3A_852 = tpu.memref_squeeze %dma_wait3A_851 : memref<1x8x1x8x128xf32, #tpu.memory_space<hbm>> -> memref<8x8x128xf32, #tpu.memory_space<hbm>>
    %dma_wait3A_853 = arith.constant 0 : i32
    %dma_wait3A_854 = arith.constant 0 : i32
    %dma_wait3A_855 = arith.constant 0 : i32
    %dma_wait3A_856 = tpu.memref_slice %arg5[%dma_wait3A_843, %dma_wait3A_853, %add3A, %dma_wait3A_854, %dma_wait3A_855] : memref<200x8x32x8x128xf32, #tpu.memory_space<hbm>> -> memref<1x8x1x8x128xf32, #tpu.memory_space<hbm>>
    %dma_wait3A_857 = tpu.memref_squeeze %dma_wait3A_856 : memref<1x8x1x8x128xf32, #tpu.memory_space<hbm>> -> memref<8x8x128xf32, #tpu.memory_space<hbm>>
    %dma_wait3A_858 = arith.constant 0 : i32
    %dma_wait3A_859 = arith.constant 0 : i32
    %dma_wait3A_860 = arith.constant 0 : i32
    %dma_wait3A_861 = tpu.memref_slice %arg14[%dma_wait3A_858, %dma_wait3A_859, %dma_wait3A_860] : memref<8x8x129xf32, #tpu.memory_space<vmem>> -> memref<8x8x128xf32, #tpu.memory_space<vmem>>
    tpu.wait_dma2 semaphore(%arg22 : memref<!tpu.dma_semaphore, #tpu.memory_space<semaphore_mem>>) src(%dma_wait3A_861 : memref<8x8x128xf32, #tpu.memory_space<vmem>>) dst(%dma_wait3A_857 : memref<8x8x128xf32, #tpu.memory_space<hbm>>)
    %dma_wait3A_862 = arith.constant 199 : i32
    %dma_wait3A_863 = arith.constant 0 : i32
    %dma_wait3A_864 = arith.constant 0 : i32
    %dma_wait3A_865 = arith.constant 0 : i32
    %dma_wait3A_866 = tpu.memref_slice %arg15[%dma_wait3A_863, %dma_wait3A_864, %dma_wait3A_865] : memref<8x8x129xf32, #tpu.memory_space<vmem>> -> memref<8x8x128xf32, #tpu.memory_space<vmem>>
    %dma_wait3A_867 = arith.constant 0 : i32
    %dma_wait3A_868 = arith.constant 0 : i32
    %dma_wait3A_869 = arith.constant 0 : i32
    %dma_wait3A_870 = tpu.memref_slice %arg5[%dma_wait3A_862, %dma_wait3A_867, %add3A, %dma_wait3A_868, %dma_wait3A_869] : memref<200x8x32x8x128xf32, #tpu.memory_space<hbm>> -> memref<1x8x1x8x128xf32, #tpu.memory_space<hbm>>
    %dma_wait3A_871 = tpu.memref_squeeze %dma_wait3A_870 : memref<1x8x1x8x128xf32, #tpu.memory_space<hbm>> -> memref<8x8x128xf32, #tpu.memory_space<hbm>>
    %dma_wait3A_872 = arith.constant 0 : i32
    %dma_wait3A_873 = arith.constant 0 : i32
    %dma_wait3A_874 = arith.constant 0 : i32
    %dma_wait3A_875 = tpu.memref_slice %arg5[%dma_wait3A_862, %dma_wait3A_872, %add3A, %dma_wait3A_873, %dma_wait3A_874] : memref<200x8x32x8x128xf32, #tpu.memory_space<hbm>> -> memref<1x8x1x8x128xf32, #tpu.memory_space<hbm>>
    %dma_wait3A_876 = tpu.memref_squeeze %dma_wait3A_875 : memref<1x8x1x8x128xf32, #tpu.memory_space<hbm>> -> memref<8x8x128xf32, #tpu.memory_space<hbm>>
    %dma_wait3A_877 = arith.constant 0 : i32
    %dma_wait3A_878 = arith.constant 0 : i32
    %dma_wait3A_879 = arith.constant 0 : i32
    %dma_wait3A_880 = tpu.memref_slice %arg15[%dma_wait3A_877, %dma_wait3A_878, %dma_wait3A_879] : memref<8x8x129xf32, #tpu.memory_space<vmem>> -> memref<8x8x128xf32, #tpu.memory_space<vmem>>
    tpu.wait_dma2 semaphore(%arg23 : memref<!tpu.dma_semaphore, #tpu.memory_space<semaphore_mem>>) src(%dma_wait3A_880 : memref<8x8x128xf32, #tpu.memory_space<vmem>>) dst(%dma_wait3A_876 : memref<8x8x128xf32, #tpu.memory_space<hbm>>)
    return
  }
}

</mosaic_0001>

<sc_bundles>
// kernel: _sc_embed_add.3.cloned.1.call-start
scs
__scs_entry_jumppad:
0x0: {  	(pc) =	sbr.rel $0x88, $3  }
0x1: {  	(tag) =	ssettag $0x0;
	lr =	simm.s32 $0x1  }
0x2: {  	[smem:$0x3F9E] =	sst lr;
	_ =	strace $0xD0000000  }
0x3: {  	_ = 	snop  }
0x4: {  	_ = 	snop  }
0x5: {  	_ = 	snop  }
0x6: {  	_ = 	snop  }
0x7: {  	_ = 	snop  }
__scs_overlays_trampoline_lowered:
0x8: {  	[smem:$0x3FAD] =	sst s0  }
0x9: {  	[smem:$0x3FAE] =	sst s1  }
0xa: {  	[smem:$0x3FAF] =	sst s2  }
0xb: {  	[smem:$0x3FB0] =	sst s3  }
0xc: {  	[smem:$0x3FB1] =	sst s4  }
0xd: {  	[smem:$0x3FB2] =	sst s5  }
0xe: {  	[smem:$0x3FB3] =	sst s6  }
0xf: {  	[smem:$0x3FB4] =	sst s7  }
0x10: {  	[smem:$0x3FB5] =	sst s8  }
0x11: {  	[smem:$0x3FB6] =	sst s9;
	s0 =	simm.s32 @!p0 $0x0  }
0x12: {  	s1 =	sld [smem:$0x3F9C];
	s0 =	simm.s32 @p0 $0x1  }
0x13: {  	[smem:$0x3FB7] =	sst s0;
	s0 =	simm.s32 @!p1 $0x0  }
0x14: {  	s2 =	sld [smem:$0x3F9B];
	s0 =	simm.s32 @p1 $0x1  }
0x15: {  	[smem:$0x3FB8] =	sst s0;
	s0 =	simm.s32 @!p2 $0x0  }
0x16: {  	s3 =	sld [smem:$0x3FDB];
	s0 =	simm.s32 @p2 $0x1  }
0x17: {  	s4 =	simm.s32 $0x1BF5;
	[smem:$0x3FBA] =	sst s0  }
0x18: {  	s0 =	sld [smem:$0x3F9D];
	_ =	swait.ge [sflag:s4], $0x0  }
0x19: {  	s7 =	sld [smem:$0x3F9E]  }
0x1a: {  	s8 =	sadd.s32 $0xFFFFE003, lr  }
0x1b: {  	s9 =	sadd.s32 $0xFFFFFEF7, lr;
	s5 =	simm.s32 $0xFFFFFFFF;
	p2 =	slt.u32 s8, $0xFFFFF086  }
0x1c: {  	p1 =	slt.u32 s9, $0xF7A;
	s5 =	simm.s32 @!p2 $0x0  }
0x1d: {  	s5 =	simm.s32 @p1 $0x1;
	p0 =	seq.s32 s7, s2  }
0x1e: {  	s7 =	smul.u32 @!p0 $0xF7A, s2;
	p2 =	seq.s32 @!p0 s5, $0x0  }
0x1f: {  	s9 =	smul.u32 $0xF7A, s1;
	s8 =	simm.s32 @!p0 $0x1BF5;
	p2 =	por !p2, p0  }
0x20: {  	[sflag:s8] =	ssyncset.s32 @!p0 $0xFFFFF086;
	s6 =	sadd.s32 @!p0 s3, s7;
	s7 =	simm.s32 @!p0 $0x108  }
0x21: {  	s3 =	sadd.s32 s3, s9;
	s6 =	sadd.s32 @!p0 $0x88, s6;
	s7 =	simm.s32 @p2 $0x1082  }
0x22: {  	[simem:s7], [sflag:s8] =	dma.local @!p0 [hbm:s6], $0xF7A  }
0x23: {  	s9 =	sor.u32 $0xD0000000, s2;
	s6 =	simm.s32 $0x108;
	_ =	swait.ge @!p0 [sflag:s8], $0x0  }
0x24: {  	s3 =	sadd.s32 $0x88, s3;
	s6 =	simm.s32 @!p1 $0x1082;
	[sflag:s4] =	ssyncset.s32 $0xFFFFF086  }
0x25: {  	[simem:s6], [sflag:s4] =	dma.local [hbm:s3], $0xF7A  }
0x26: {  	[smem:$0x3F9E] =	sst s1;
	(tag) =	ssettag s2;
	_ =	strace s9  }
0x27: {  	s1 =	sld [smem:$0x3FAE]  }
0x28: {  	s2 =	sld [smem:$0x3FAF]  }
0x29: {  	s4 =	sld [smem:$0x3FB1]  }
0x2a: {  	p0 =	seq.s32 s5, $0x0;
	s5 =	sld [smem:$0x3FB2]  }
0x2b: {  	s6 =	sld [smem:$0x3FB3]  }
0x2c: {  	s7 =	sld [smem:$0x3FB4]  }
0x2d: {  	s3 =	simm.s32 $0x108;
	s8 =	sld [smem:$0x3FB5]  }
0x2e: {  	s3 =	simm.s32 @!p0 $0x1082;
	s9 =	sld [smem:$0x3FB6]  }
0x2f: {  	lr =	sadd.s32 s0, s3;
	s0 =	sld [smem:$0x3FAD]  }
0x30: {  	s3 =	sld [smem:$0x3FB0]  }
0x31: {  	[smem:$0x3FB9] =	sst s10  }
0x32: {  	s10 =	sld [smem:$0x3FB7];
	_ =	sdelay $0x3  }
0x33: {  	p0 =	seq.s32 s10, $0x1;
	s10 =	sld [smem:$0x3FB9];
	_ =	sdelay $0x3  }
0x34: {  	[smem:$0x3FB9] =	sst s10  }
0x35: {  	s10 =	sld [smem:$0x3FB8];
	_ =	sdelay $0x3  }
0x36: {  	p1 =	seq.s32 s10, $0x1;
	s10 =	sld [smem:$0x3FB9];
	_ =	sdelay $0x3  }
0x37: {  	[smem:$0x3FB9] =	sst s10  }
0x38: {  	s10 =	sld [smem:$0x3FBA]  }
0x39: {  	_ = 	snop;
	(pc) =	sbr.ind lr, $3  }
0x3a: {  	_ = 	snop  }
0x3b: {  	_ = 	snop  }
0x3c: {  	p2 =	seq.s32 s10, $0x1;
	s10 =	sld [smem:$0x3FB9]  }
0x3d: {  	_ =	shalt  }
0x3e: {  	_ =	shalt  }
0x3f: {  	_ =	shalt  }
0x40: {  	_ =	shalt  }
0x41: {  	_ =	shalt  }
0x42: {  	_ =	shalt  }
0x43: {  	_ =	shalt  }
0x44: {  	_ =	shalt  }
0x45: {  	_ =	shalt  }
0x46: {  	_ =	shalt  }
0x47: {  	_ =	shalt  }
0x48: {  	_ =	shalt  }
0x49: {  	_ =	shalt  }
0x4a: {  	_ =	shalt  }
0x4b: {  	_ =	shalt  }
0x4c: {  	_ =	shalt  }
0x4d: {  	_ =	shalt  }
0x4e: {  	_ =	shalt  }
0x4f: {  	_ =	shalt  }
0x50: {  	_ =	shalt  }
0x51: {  	_ =	shalt  }
0x52: {  	_ =	shalt  }
0x53: {  	_ =	shalt  }
0x54: {  	_ =	shalt  }
0x55: {  	_ =	shalt  }
0x56: {  	_ =	shalt  }
0x57: {  	_ =	shalt  }
0x58: {  	_ =	shalt  }
0x59: {  	_ =	shalt  }
0x5a: {  	_ =	shalt  }
0x5b: {  	_ =	shalt  }
0x5c: {  	_ =	shalt  }
0x5d: {  	_ =	shalt  }
0x5e: {  	_ =	shalt  }
0x5f: {  	_ =	shalt  }
0x60: {  	_ =	shalt  }
0x61: {  	_ =	shalt  }
0x62: {  	_ =	shalt  }
0x63: {  	_ =	shalt  }
0x64: {  	_ =	shalt  }
0x65: {  	_ =	shalt  }
0x66: {  	_ =	shalt  }
0x67: {  	_ =	shalt  }
0x68: {  	_ =	shalt  }
0x69: {  	_ =	shalt  }
0x6a: {  	_ =	shalt  }
0x6b: {  	_ =	shalt  }
0x6c: {  	_ =	shalt  }
0x6d: {  	_ =	shalt  }
0x6e: {  	_ =	shalt  }
0x6f: {  	_ =	shalt  }
0x70: {  	_ =	shalt  }
0x71: {  	_ =	shalt  }
0x72: {  	_ =	shalt  }
0x73: {  	_ =	shalt  }
0x74: {  	_ =	shalt  }
0x75: {  	_ =	shalt  }
0x76: {  	_ =	shalt  }
0x77: {  	_ =	shalt  }
0x78: {  	_ =	shalt  }
0x79: {  	_ =	shalt  }
0x7a: {  	_ =	shalt  }
0x7b: {  	_ =	shalt  }
0x7c: {  	_ =	shalt  }
0x7d: {  	_ =	shalt  }
0x7e: {  	_ =	shalt  }
0x7f: {  	_ =	shalt  }
0x80: {  	_ =	shalt  }
0x81: {  	_ =	shalt  }
0x82: {  	_ =	shalt  }
0x83: {  	_ =	shalt  }
0x84: {  	_ =	shalt  }
0x85: {  	_ =	shalt  }
0x86: {  	_ =	shalt  }
0x87: {  	_ =	shalt  }
.Lfunc_end0:
.L_simem_size_0:
called_computation_lowered:
.L_overlay_start_0:
0x88: {  	s2 =	sld [smem:$0x3FD9]  }
0x89: {  	s3 =	sld [smem:$0x3FFE];
	_ =	sdelay $0x1  }
0x8a: {  	s1 =	srdreg.scid  }
0x8b: {  	s0 =	sand.u32 $0x1, s1  }
0x8c: {  	s17 =	sshll.u32 s0, $0xA;
	s2 =	sadd.s32 s3, s2  }
0x8d: {  	s2 =	sadd.s32 s2, s17  }
0x8e: {  	[smem:$0x3FC5] =	sst s2  }
0x8f: {  	_ = 	snop  }
0x90: {  	s2 =	sld [smem:$0x3FD0];
	(tm) =	ssettm $0x1  }
0x91: {  	s18 =	sld [smem:$0x3FFB];
	_ =	sdelay $0x3  }
0x92: {  	_ =	strace s18  }
0x93: {  	s3 =	sld [smem:$0x3FFC];
	_ =	sdelay $0x3  }
0x94: {  	_ =	strace s3  }
0x95: {  	s3 =	sld [smem:$0x3FFD];
	_ =	sdelay $0x3  }
0x96: {  	_ =	strace s3  }
0x97: {  	_ =	strace $0x8FFFFFFF  }
0x98: {  	s19 =	sld [smem:$0x3FDB];
	_ =	sdelay $0x1  }
0x99: {  	s4 =	simm.s32 $_scs_section_size  }
0x9a: {  	s5 =	simm.s32 $_size__tile_overlayer_lowered;
	s6 =	simm.s32 $_tile_overlayer_lowered  }
0x9b: {  	s22 =	simm.s32 $0x1BFF;
	s21 =	sshll.u32 s6, $0x1;
	s3 =	sadd.s32 s4, s19  }
0x9c: {  	s7 =	simm.s32 $0x0;
	s20 =	sshll.u32 s5, $0x1;
	s5 =	sadd.s32 s21, s3  }
0x9d: {  	[timem:s7], [sflag:s22] =	dma.local [hbm:s5], s20  }
0x9e: {  	_ =	swait.ge [sflag:s22], s20  }
0x9f: {  	s4 =	ssub.s32 $0x0, s20;
	[sflag:s22] =	ssyncset.done $0x0  }
0xa0: {  	[sflag:s22] =	ssyncadd.s32 s4;
	_ =	sdelay $0x1  }
0xa1: {  	s23 =	simm.s32 $0x1B8B  }
0xa2: {  	_ =	swait.ge [sflag:s23], $0x1  }
0xa3: {  	[sflag:s23] =	ssyncset.done $0x0  }
0xa4: {  	s25 =	simm.s32 $0x1B8E;
	s24 =	sld [smem:$0x3FFE];
	[sflag:s23] =	ssyncadd.s32 $0xFFFFFFFF  }
0xa5: {  	s26 =	simm.s32 $execute0_lowered;
	[smem:$0x3FD2] =	sst s25  }
0xa6: {  	s5 =	sshll.u32 s26, $0x1;
	_ =	strace $0x80000046;
	[dreg:$0x1] =	wrdreg $0xFFFFFFFF  }
0xa7: {  	s28 =	simm.s32 $_size_execute0_lowered;
	s3 =	sadd.s32 s3, s5;
	[dreg:$0x0] =	wrdreg $0x0  }
0xa8: {  	s5 =	sshll.u32 s28, $0x1;
	[dreg:$0x2] =	wrdreg s3  }
0xa9: {  	[dreg:$0x3] =	wrdreg s5  }
0xaa: {  	[dreg:$0x4] =	wrdreg $0xC0  }
0xab: {  	_ =	task [dreg:s7], $0x5FFFF  }
0xac: {  	[dreg:$0x1] =	wrdreg $0xFFFFFFFF  }
0xad: {  	[dreg:$0x0] =	wrdreg $0x60  }
0xae: {  	[dreg:$0x2] =	wrdreg s24  }
0xaf: {  	[dreg:$0x3] =	wrdreg s2  }
0xb0: {  	[dreg:$0x4] =	wrdreg $0x9  }
0xb1: {  	_ =	task.clear_ibuf [dreg:s7], $0x5FFFF;
	_ =	strace $0x90000046  }
0xb2: {  	s29 =	simm.s32 $0x9;
	_ =	strace $0x80000048  }
0xb3: {  	_ =	swait.ge [sflag:s29], $0x1  }
0xb4: {  	[sflag:s29] =	ssyncadd.s32 $0xFFFFFFFF  }
0xb5: {  	_ =	strace $0x90000048  }
0xb6: {  	_ =	sfence  }
0xb7: {  	s30 =	sld [smem:$0x0];
	_ =	sdelay $0x2  }
0xb8: {  	s31 =	sshll.u32 s1, $0xD;
	s1 =	sshrl.u32 s1, $0x2  }
0xb9: {  	s3 =	sand.u32 $0x4000, s31;
	s1 =	sadd.s32 s1, s30  }
0xba: {  	s0 =	sor.u32 s3, s0;
	s1 =	sshll.u32 s1, $0x11  }
0xbb: {  	s0 =	sor.u32 s1, s0  }
0xbc: {  	s0 =	sadd.s32 $0x8F2B, s0  }
0xbd: {  	[sflag:s0] =	ssyncadd.remote.s32 $0x1  }
0xbe: {  	_ =	sfence.sel $0xFFFF  }
0xbf: {  	[dreg:$0x0] =	wrdreg $0xFFFFFFFF;
	(pc) =	sbr.abs _section_cstart, $3  }
0xc0: {  	[dreg:$0x1] =	wrdreg $0xFFFFFFFF  }
0xc1: {  	_ =	task.clear_ibuf [dreg:s7], $0x2FFFF;
	_ =	strace $0x9FFFFFFF  }
0xc2: {  	(tm) =	ssettm $0x7FFFFFFF  }
0xc3: {  	_ =	shalt  }
tec
execute0_lowered:
.L_overlay_start_1:
0x0: {  	(tag) =	ssettag $0x1  }
0x1: {  	s0 =	rddreg [dreg:$0x0]  }
0x2: {  	s2 =	rddreg [dreg:$0x1]  }
0x3: {  	s1 =	srdreg.scid;
	s4 =	stileid.u32  }
0x4: {  	s3 =	simm.s32 $0x0;
	s17 =	simm.s32 $0x80;
	s28 =	simm.s32 $0x1  }
0x5: {  	s29 =	simm.s32 $0x11600;
	s1 =	sand.u32 $0x1, s1;
	s4 =	sshll.u32 s4, $0x1  }
0x6: {  	s31 =	simm.s32 $0x2;
	s30 =	simm.s32 $0x17C00;
	s5 =	sor.u32 s1, s4  }
0x7: {  	[smem:$0x7FF] =	sst s3;
	s4 =	sshll.u32 s5, $0x4;
	s7 =	sshll.u32 s5, $0x7  }
0x8: {  	s6 =	sadd.s32 s4, s0;
	s4 =	sadd.s32 $0x19C00, s0;
	s0 =	sadd.s32 $0x400, s0  }
0x9: {  	_ =	strace $0x80000047;
	s20 =	sadd.s32 s2, s7;
	[dreg:$0x3] =	wrdreg s0  }
0xa: {  	s9 =	simm.s32 $0x0;
	s19 =	sadd.s32 $0xC00, s6;
	[dreg:$0x5] =	wrdreg s20  }
0xb: {  	s1 =	ssub.s32 $0x2, s1;
	s21 =	sadd.s32 $0x8000, s20;
	[dreg:$0x4] =	wrdreg s19  }
0xc: {  	s18 =	sshrl.u32 s1, $0x1;
	s22 =	sadd.s32 $0x10000, s20;
	[dreg:$0x6] =	wrdreg s21  }
0xd: {  	s8 =	sshll.u32 s5, $0xA;
	s23 =	sadd.s32 $0x18000, s20;
	[dreg:$0x7] =	wrdreg s22  }
0xe: {  	s5 =	simm.s32 $0x7;
	s24 =	sadd.s32 $0x620000, s20;
	[dreg:$0x8] =	wrdreg s23  }
0xf: {  	s0 =	ssub.s32 s1, s18;
	s25 =	sadd.s32 $0x628000, s20;
	[dreg:$0x9] =	wrdreg s24  }
0x10: {  	s26 =	sadd.s32 $0x630000, s20;
	s1 =	sadd.s32 $0x638000, s20;
	[dreg:$0xa] =	wrdreg s25  }
0x11: {  	s18 =	simm.s32 $0x3;
	s20 =	simm.s32 $0x15A00;
	[dreg:$0xb] =	wrdreg s26  }
0x12: {  	v0 =	vlaneseq.u32;
	s6 =	simm.s32 $0x8;
	[dreg:$0xc] =	wrdreg s1;
	s0 =	smax.u32 s0, $0x1  }
0x13: {  	v0 =	vmul.u32 $0x88, v0;
	s22 =	simm.s32 $0xB600;
	s24 =	simm.s32 $0xD600;
	s26 =	simm.s32 $0xF600  }
0x14: {  	s25 =	simm.s32 $0x4;
	s23 =	simm.s32 $0x5;
	s1 =	simm.s32 $0x6  }
0x15: {  	v1 =	vadd.s32 $0x880, v0;
	v2 =	vadd.s32 $0x1100, v0;
	v3 =	vadd.s32 $0x1980, v0;
	s19 =	simm.s32 $0x0;
	[dreg:$0xd] =	wrdreg s0;
	s0 =	simm.s32 $0x13800  }
.LBB2_1:
0x16: {  	[dreg:$0xe] =	wrdreg s9  }
0x17: {  	s7 =	rddreg [dreg:$0x4];
	s16 =	simm.s32 $0x1000;
	s21 =	simm.s32 $0x9  }
0x18: {  	[tilespmem:s3], [sflag:$0x9] =	stream.strided.gather [hbm4b:s7+s17], $0x6400, s16, s17, $0x38;
	[tilespmem:$0x19E00] =	vst v63  }
0x19: {  	_ =	swait.ge [sflag:s21], $0x6400  }
0x1a: {  	[sflag:s21] =	ssyncset.done $0x0  }
0x1b: {  	s10 =	simm.s32 $0x6400;
	s11 =	rddreg [dreg:$0x3];
	[sflag:s21] =	ssyncadd.s32 $0xFFFF9C00  }
0x1c: {  	[tilespmem:s10], [sflag:$0x9] =	stream.linear.gather [hbm4b:s11+s3], $0x3200, $0x38;
	[tilespmem:$0x19E00] =	vst v63  }
0x1d: {  	_ =	swait.ge [sflag:s21], $0x3200  }
0x1e: {  	[sflag:s21] =	ssyncset.done $0x0  }
0x1f: {  	s12 =	simm.s32 $0x9600;
	[sflag:s21] =	ssyncadd.s32 $0xFFFFCE00  }
0x20: {  	[tilespmem:s12], [sflag:$0x1] =	stream.indirect.gather [hbm4b:s4+s17], $0x40, s3, s17, $0xb8;
	[tilespmem:$0x19E00] =	vst v63  }
0x21: {  	_ = 	snop  }
0x22: {  	[tilespmem:s22], [sflag:$0x2] =	stream.indirect.gather [hbm4b:s4+s17], $0x40, s17, s17, $0xb8;
	[tilespmem:$0x19E00] =	vst v63  }
0x23: {  	s13 =	simm.s32 $0x100  }
0x24: {  	[tilespmem:s24], [sflag:$0x3] =	stream.indirect.gather [hbm4b:s4+s17], $0x40, s13, s17, $0xb8;
	[tilespmem:$0x19E00] =	vst v63  }
0x25: {  	s14 =	simm.s32 $0x180  }
0x26: {  	[tilespmem:s26], [sflag:$0x4] =	stream.indirect.gather [hbm4b:s4+s17], $0x40, s14, s17, $0xb8;
	[tilespmem:$0x19E00] =	vst v63  }
0x27: {  	_ =	swait.ge [sflag:s28], $0x2000  }
0x28: {  	[sflag:s28] =	ssyncset.done $0x0  }
0x29: {  	[sflag:s28] =	ssyncadd.s32 $0xFFFFE000  }
0x2a: {  	s9 =	simm.s32 $0x9680;
	v4 =	vld [tilespmem:$0x6400]  }
0x2b: {  	v5 =	vmov s3;
	v7 =	vld [tilespmem:s9+$0xFFFFFF80]  }
0x2c: {  	v8 =	vand.u32 $0x7C, v5  }
0x2d: {  	v9 =	vadd.s32 v0, v8;
	_ =	sdelay $0x2  }
0x2e: {  	v5 =	vld [tilespmem:$0x6410];
	v10 =	vadd.f32 v7, v4  }
0x2f: {  	v6 =	vld [tilespmem:$0x6420]  }
0x30: {  	v7 =	vld [tilespmem:$0x6430];
	[tilespmem:v9+s29+$0x0] =	vst.idx.msk $0xffff, v10  }
0x31: {  	v9 =	vld [tilespmem:s9+$0xFFFFFF90];
	_ =	sdelay $0x1  }
0x32: {  	v10 =	vadd.s32 v1, v8;
	_ =	sdelay $0x2  }
0x33: {  	v9 =	vadd.f32 v9, v5;
	_ =	sdelay $0x1  }
0x34: {  	[tilespmem:v10+s29+$0x0] =	vst.idx.msk $0xffff, v9  }
0x35: {  	v9 =	vld [tilespmem:s9+$0xFFFFFFA0];
	_ =	sdelay $0x1  }
0x36: {  	v10 =	vadd.s32 v2, v8;
	_ =	sdelay $0x2  }
0x37: {  	v9 =	vadd.f32 v9, v6;
	_ =	sdelay $0x1  }
0x38: {  	[tilespmem:v10+s29+$0x0] =	vst.idx.msk $0xffff, v9  }
0x39: {  	v9 =	vld [tilespmem:s9+$0xFFFFFFB0];
	_ =	sdelay $0x1  }
0x3a: {  	v8 =	vadd.s32 v3, v8;
	_ =	sdelay $0x2  }
0x3b: {  	v9 =	vadd.f32 v9, v7;
	_ =	sdelay $0x1  }
0x3c: {  	s15 =	simm.s32 $0x1;
	[tilespmem:v8+s29+$0x0] =	vst.idx.msk $0xffff, v9  }
0x3d: {  	v8 =	vmov s15;
	v9 =	vld [tilespmem:s9+$0xFFFFFFC0]  }
0x3e: {  	v8 =	vand.u32 $0x7D, v8  }
0x3f: {  	v10 =	vadd.s32 v0, v8;
	_ =	sdelay $0x2  }
0x40: {  	v9 =	vadd.f32 v9, v4;
	_ =	sdelay $0x1  }
0x41: {  	[tilespmem:v10+s29+$0x0] =	vst.idx.msk $0xffff, v9  }
0x42: {  	v9 =	vld [tilespmem:s9+$0xFFFFFFD0];
	_ =	sdelay $0x1  }
0x43: {  	v10 =	vadd.s32 v1, v8;
	_ =	sdelay $0x2  }
0x44: {  	v9 =	vadd.f32 v9, v5;
	_ =	sdelay $0x1  }
0x45: {  	[tilespmem:v10+s29+$0x0] =	vst.idx.msk $0xffff, v9  }
0x46: {  	v9 =	vld [tilespmem:s9+$0xFFFFFFE0];
	_ =	sdelay $0x1  }
0x47: {  	v10 =	vadd.s32 v2, v8;
	_ =	sdelay $0x2  }
0x48: {  	v9 =	vadd.f32 v9, v6;
	_ =	sdelay $0x1  }
0x49: {  	[tilespmem:v10+s29+$0x0] =	vst.idx.msk $0xffff, v9  }
0x4a: {  	v9 =	vld [tilespmem:s9+$0xFFFFFFF0];
	_ =	sdelay $0x1  }
0x4b: {  	v8 =	vadd.s32 v3, v8;
	_ =	sdelay $0x2  }
0x4c: {  	v9 =	vadd.f32 v9, v7;
	_ =	sdelay $0x1  }
0x4d: {  	s16 =	simm.s32 $0x2;
	[tilespmem:v8+s29+$0x0] =	vst.idx.msk $0xffff, v9  }
0x4e: {  	v8 =	vmov s16;
	v9 =	vld [tilespmem:s9+$0x0]  }
0x4f: {  	v8 =	vand.u32 $0x7E, v8  }
0x50: {  	v10 =	vadd.s32 v0, v8;
	_ =	sdelay $0x2  }
0x51: {  	v9 =	vadd.f32 v9, v4;
	_ =	sdelay $0x1  }
0x52: {  	[tilespmem:v10+s29+$0x0] =	vst.idx.msk $0xffff, v9  }
0x53: {  	v9 =	vld [tilespmem:s9+$0x10];
	_ =	sdelay $0x1  }
0x54: {  	v10 =	vadd.s32 v1, v8;
	_ =	sdelay $0x2  }
0x55: {  	v9 =	vadd.f32 v9, v5;
	_ =	sdelay $0x1  }
0x56: {  	[tilespmem:v10+s29+$0x0] =	vst.idx.msk $0xffff, v9  }
0x57: {  	v9 =	vld [tilespmem:s9+$0x20];
	_ =	sdelay $0x1  }
0x58: {  	v10 =	vadd.s32 v2, v8;
	_ =	sdelay $0x2  }
0x59: {  	v9 =	vadd.f32 v9, v6;
	_ =	sdelay $0x1  }
0x5a: {  	[tilespmem:v10+s29+$0x0] =	vst.idx.msk $0xffff, v9  }
0x5b: {  	v9 =	vld [tilespmem:s9+$0x30];
	_ =	sdelay $0x1  }
0x5c: {  	v8 =	vadd.s32 v3, v8;
	_ =	sdelay $0x2  }
0x5d: {  	v9 =	vadd.f32 v9, v7;
	_ =	sdelay $0x1  }
0x5e: {  	s21 =	simm.s32 $0x3;
	[tilespmem:v8+s29+$0x0] =	vst.idx.msk $0xffff, v9  }
0x5f: {  	v8 =	vmov s21;
	v9 =	vld [tilespmem:s9+$0x40]  }
0x60: {  	v8 =	vand.u32 $0x7F, v8  }
0x61: {  	v10 =	vadd.s32 v0, v8;
	_ =	sdelay $0x2  }
0x62: {  	v9 =	vadd.f32 v9, v4;
	_ =	sdelay $0x1  }
0x63: {  	[tilespmem:v10+s29+$0x0] =	vst.idx.msk $0xffff, v9  }
0x64: {  	v9 =	vld [tilespmem:s9+$0x50];
	_ =	sdelay $0x1  }
0x65: {  	v10 =	vadd.s32 v1, v8;
	_ =	sdelay $0x2  }
0x66: {  	v9 =	vadd.f32 v9, v5;
	_ =	sdelay $0x1  }
0x67: {  	[tilespmem:v10+s29+$0x0] =	vst.idx.msk $0xffff, v9  }
0x68: {  	v9 =	vld [tilespmem:s9+$0x60];
	_ =	sdelay $0x1  }
0x69: {  	v10 =	vadd.s32 v2, v8;
	_ =	sdelay $0x2  }
0x6a: {  	v9 =	vadd.f32 v9, v6;
	_ =	sdelay $0x1  }
0x6b: {  	[tilespmem:v10+s29+$0x0] =	vst.idx.msk $0xffff, v9  }
0x6c: {  	v9 =	vld [tilespmem:s9+$0x70];
	_ =	sdelay $0x1  }
0x6d: {  	v8 =	vadd.s32 v3, v8;
	_ =	sdelay $0x2  }
0x6e: {  	s10 =	simm.s32 $0x4;
	v9 =	vadd.f32 v9, v7  }
.LBB2_2:
0x6f: {  	p0 =	slt.u32 s10, $0x7C  }
0x70: {  	s9 =	sadd.s32 $0x100, s9;
	s11 =	smov.u32 s10;
	s10 =	sadd.s32 $0x4, s10;
	[tilespmem:v8+s29+$0x0] =	vst.idx.msk $0xffff, v9  }
0x71: {  	v8 =	vmov s11;
	v9 =	vld [tilespmem:s9+$0xFFFFFF80]  }
0x72: {  	v8 =	vand.u32 $0x7C, v8  }
0x73: {  	v10 =	vadd.s32 v0, v8;
	_ =	sdelay $0x2  }
0x74: {  	v9 =	vadd.f32 v9, v4;
	_ =	sdelay $0x1  }
0x75: {  	[tilespmem:v10+s29+$0x0] =	vst.idx.msk $0xffff, v9  }
0x76: {  	v9 =	vld [tilespmem:s9+$0xFFFFFF90];
	_ =	sdelay $0x1  }
0x77: {  	v10 =	vadd.s32 v1, v8;
	_ =	sdelay $0x2  }
0x78: {  	v9 =	vadd.f32 v9, v5;
	_ =	sdelay $0x1  }
0x79: {  	[tilespmem:v10+s29+$0x0] =	vst.idx.msk $0xffff, v9  }
0x7a: {  	v9 =	vld [tilespmem:s9+$0xFFFFFFA0];
	_ =	sdelay $0x1  }
0x7b: {  	v10 =	vadd.s32 v2, v8;
	_ =	sdelay $0x2  }
0x7c: {  	v9 =	vadd.f32 v9, v6;
	_ =	sdelay $0x1  }
0x7d: {  	[tilespmem:v10+s29+$0x0] =	vst.idx.msk $0xffff, v9  }
0x7e: {  	v9 =	vld [tilespmem:s9+$0xFFFFFFB0];
	_ =	sdelay $0x1  }
0x7f: {  	v8 =	vadd.s32 v3, v8;
	_ =	sdelay $0x2  }
0x80: {  	v9 =	vadd.f32 v9, v7;
	_ =	sdelay $0x1  }
0x81: {  	s12 =	sadd.s32 $0x1, s11;
	[tilespmem:v8+s29+$0x0] =	vst.idx.msk $0xffff, v9  }
0x82: {  	v8 =	vmov s12;
	v9 =	vld [tilespmem:s9+$0xFFFFFFC0]  }
0x83: {  	v8 =	vand.u32 $0x7D, v8  }
0x84: {  	v10 =	vadd.s32 v0, v8;
	_ =	sdelay $0x2  }
0x85: {  	v9 =	vadd.f32 v9, v4;
	_ =	sdelay $0x1  }
0x86: {  	[tilespmem:v10+s29+$0x0] =	vst.idx.msk $0xffff, v9  }
0x87: {  	v9 =	vld [tilespmem:s9+$0xFFFFFFD0];
	_ =	sdelay $0x1  }
0x88: {  	v10 =	vadd.s32 v1, v8;
	_ =	sdelay $0x2  }
0x89: {  	v9 =	vadd.f32 v9, v5;
	_ =	sdelay $0x1  }
0x8a: {  	[tilespmem:v10+s29+$0x0] =	vst.idx.msk $0xffff, v9  }
0x8b: {  	v9 =	vld [tilespmem:s9+$0xFFFFFFE0];
	_ =	sdelay $0x1  }
0x8c: {  	v10 =	vadd.s32 v2, v8;
	_ =	sdelay $0x2  }
0x8d: {  	v9 =	vadd.f32 v9, v6;
	_ =	sdelay $0x1  }
0x8e: {  	[tilespmem:v10+s29+$0x0] =	vst.idx.msk $0xffff, v9  }
0x8f: {  	v9 =	vld [tilespmem:s9+$0xFFFFFFF0];
	_ =	sdelay $0x1  }
0x90: {  	v8 =	vadd.s32 v3, v8;
	_ =	sdelay $0x2  }
0x91: {  	v9 =	vadd.f32 v9, v7;
	_ =	sdelay $0x1  }
0x92: {  	s12 =	sadd.s32 $0x2, s11;
	[tilespmem:v8+s29+$0x0] =	vst.idx.msk $0xffff, v9  }
0x93: {  	v8 =	vmov s12;
	v9 =	vld [tilespmem:s9+$0x0]  }
0x94: {  	v8 =	vand.u32 $0x7E, v8  }
0x95: {  	v10 =	vadd.s32 v0, v8;
	_ =	sdelay $0x2  }
0x96: {  	v9 =	vadd.f32 v9, v4;
	_ =	sdelay $0x1  }
0x97: {  	[tilespmem:v10+s29+$0x0] =	vst.idx.msk $0xffff, v9  }
0x98: {  	v9 =	vld [tilespmem:s9+$0x10];
	_ =	sdelay $0x1  }
0x99: {  	v10 =	vadd.s32 v1, v8;
	_ =	sdelay $0x2  }
0x9a: {  	v9 =	vadd.f32 v9, v5;
	_ =	sdelay $0x1  }
0x9b: {  	[tilespmem:v10+s29+$0x0] =	vst.idx.msk $0xffff, v9  }
0x9c: {  	v9 =	vld [tilespmem:s9+$0x20];
	_ =	sdelay $0x1  }
0x9d: {  	v10 =	vadd.s32 v2, v8;
	_ =	sdelay $0x2  }
0x9e: {  	v9 =	vadd.f32 v9, v6;
	_ =	sdelay $0x1  }
0x9f: {  	[tilespmem:v10+s29+$0x0] =	vst.idx.msk $0xffff, v9  }
0xa0: {  	v9 =	vld [tilespmem:s9+$0x30];
	_ =	sdelay $0x1  }
0xa1: {  	v8 =	vadd.s32 v3, v8;
	_ =	sdelay $0x2  }
0xa2: {  	v9 =	vadd.f32 v9, v7;
	_ =	sdelay $0x1  }
0xa3: {  	s11 =	sadd.s32 $0x3, s11;
	[tilespmem:v8+s29+$0x0] =	vst.idx.msk $0xffff, v9  }
0xa4: {  	v8 =	vmov s11;
	v9 =	vld [tilespmem:s9+$0x40]  }
0xa5: {  	v8 =	vand.u32 $0x7F, v8  }
0xa6: {  	v10 =	vadd.s32 v0, v8;
	_ =	sdelay $0x2  }
0xa7: {  	v9 =	vadd.f32 v9, v4;
	_ =	sdelay $0x1  }
0xa8: {  	[tilespmem:v10+s29+$0x0] =	vst.idx.msk $0xffff, v9  }
0xa9: {  	v9 =	vld [tilespmem:s9+$0x50];
	_ =	sdelay $0x1  }
0xaa: {  	v10 =	vadd.s32 v1, v8;
	_ =	sdelay $0x2  }
0xab: {  	v9 =	vadd.f32 v9, v5;
	_ =	sdelay $0x1  }
0xac: {  	[tilespmem:v10+s29+$0x0] =	vst.idx.msk $0xffff, v9  }
0xad: {  	v9 =	vld [tilespmem:s9+$0x60];
	_ =	sdelay $0x1  }
0xae: {  	v10 =	vadd.s32 v2, v8;
	_ =	sdelay $0x2  }
0xaf: {  	v9 =	vadd.f32 v9, v6;
	_ =	sdelay $0x1  }
0xb0: {  	[tilespmem:v10+s29+$0x0] =	vst.idx.msk $0xffff, v9  }
0xb1: {  	v9 =	vld [tilespmem:s9+$0x70]  }
.Ltmp0:
0xb2: {  	(pc) =	sbr.rel @p0 .LBB2_2-.Ltmp0, $2  }
0xb3: {  	v8 =	vadd.s32 v3, v8;
	_ =	sdelay $0x2  }
0xb4: {  	v9 =	vadd.f32 v9, v7  }
0xb5: {  	_ =	sdelay $0x3  }
0xb6: {  	s9 =	simm.s32 $0x11600;
	s7 =	rddreg [dreg:$0x5];
	[tilespmem:v8+s29+$0x0] =	vst.idx.msk $0xffff, v9  }
0xb7: {  	[hbm4b:s7+s3] =	stream.linear.scatter [tilespmem:s9], [sflag:$0x5], $0x80, $0x38;
	[tilespmem:$0x19E00] =	vst v63  }
0xb8: {  	s15 =	simm.s32 $0x11688;
	s10 =	sadd.s32 $0x10, s7  }
0xb9: {  	[hbm4b:s10+s3] =	stream.linear.scatter [tilespmem:s15], [sflag:$0x5], $0x80, $0x38;
	[tilespmem:$0x19E00] =	vst v63  }
0xba: {  	s16 =	simm.s32 $0x11710;
	s12 =	simm.s32 $0x11820;
	s21 =	sadd.s32 $0x20, s7  }
0xbb: {  	[hbm4b:s21+s3] =	stream.linear.scatter [tilespmem:s16], [sflag:$0x5], $0x80, $0x38;
	[tilespmem:$0x19E00] =	vst v63  }
0xbc: {  	s14 =	simm.s32 $0x118A8;
	s11 =	sadd.s32 $0x30, s7;
	s10 =	simm.s32 $0x11798  }
0xbd: {  	[hbm4b:s11+s3] =	stream.linear.scatter [tilespmem:s10], [sflag:$0x5], $0x80, $0x38;
	[tilespmem:$0x19E00] =	vst v63  }
0xbe: {  	s13 =	sadd.s32 $0x40, s7;
	s9 =	simm.s32 $0x440;
	s15 =	sadd.s32 $0x50, s7  }
0xbf: {  	[hbm4b:s13+s3] =	stream.linear.scatter [tilespmem:s12], [sflag:$0x5], $0x80, $0x38;
	[tilespmem:$0x19E00] =	vst v63  }
0xc0: {  	s16 =	simm.s32 $0x11930;
	s21 =	sadd.s32 $0x60, s7;
	s11 =	simm.s32 $0x2200  }
0xc1: {  	[hbm4b:s15+s3] =	stream.linear.scatter [tilespmem:s14], [sflag:$0x5], $0x80, $0x38;
	[tilespmem:$0x19E00] =	vst v63  }
0xc2: {  	s10 =	sadd.s32 $0x1000, s7;
	s12 =	simm.s32 $0x119B8;
	s13 =	sadd.s32 $0x70, s7  }
0xc3: {  	[hbm4b:s21+s3] =	stream.linear.scatter [tilespmem:s16], [sflag:$0x5], $0x80, $0x38;
	[tilespmem:$0x19E00] =	vst v63  }
.LBB2_4:
0xc4: {  	[hbm4b:s13+s3] =	stream.linear.scatter [tilespmem:s12], [sflag:$0x5], $0x80, $0x38;
	[tilespmem:$0x19E00] =	vst v63  }
0xc5: {  	s12 =	smov.u32 s9;
	s9 =	smov.u32 s11  }
0xc6: {  	s14 =	sadd.s32 $0x1100, s11;
	s9 =	sshra.s32 s9, $0x2;
	s13 =	sadd.s32 $0x11600, s12  }
0xc7: {  	[hbm4b:s10+s3] =	stream.linear.scatter [tilespmem:s13], [sflag:$0x5], $0x80, $0x38;
	[tilespmem:$0x19E00] =	vst v63  }
0xc8: {  	p0 =	sne.s32 s11, $0x7700;
	s11 =	sadd.s32 $0x11688, s12;
	s13 =	sadd.s32 $0x10, s10  }
0xc9: {  	[hbm4b:s13+s3] =	stream.linear.scatter [tilespmem:s11], [sflag:$0x5], $0x80, $0x38;
	[tilespmem:$0x19E00] =	vst v63  }
0xca: {  	s11 =	sadd.s32 $0x11710, s12;
	s13 =	sadd.s32 $0x20, s10  }
0xcb: {  	[hbm4b:s13+s3] =	stream.linear.scatter [tilespmem:s11], [sflag:$0x5], $0x80, $0x38;
	[tilespmem:$0x19E00] =	vst v63  }
0xcc: {  	s11 =	sadd.s32 $0x11798, s12;
	s13 =	sadd.s32 $0x30, s10  }
0xcd: {  	[hbm4b:s13+s3] =	stream.linear.scatter [tilespmem:s11], [sflag:$0x5], $0x80, $0x38;
	[tilespmem:$0x19E00] =	vst v63  }
0xce: {  	s11 =	sadd.s32 $0x11820, s12;
	s13 =	sadd.s32 $0x40, s10  }
0xcf: {  	[hbm4b:s13+s3] =	stream.linear.scatter [tilespmem:s11], [sflag:$0x5], $0x80, $0x38;
	[tilespmem:$0x19E00] =	vst v63  }
.Ltmp1:
0xd0: {  	s11 =	sadd.s32 $0x118A8, s12;
	s13 =	sadd.s32 $0x50, s10;
	(pc) =	sbr.rel @p0 .LBB2_4-.Ltmp1, $4  }
0xd1: {  	[hbm4b:s13+s3] =	stream.linear.scatter [tilespmem:s11], [sflag:$0x5], $0x80, $0x38;
	[tilespmem:$0x19E00] =	vst v63  }
0xd2: {  	s11 =	sadd.s32 $0x11930, s12;
	s13 =	sadd.s32 $0x60, s10;
	s12 =	sadd.s32 $0x119B8, s12  }
0xd3: {  	[hbm4b:s13+s3] =	stream.linear.scatter [tilespmem:s11], [sflag:$0x5], $0x80, $0x38;
	[tilespmem:$0x19E00] =	vst v63  }
0xd4: {  	s13 =	sadd.s32 $0x70, s10;
	s10 =	sadd.s32 $0x1000, s10;
	s11 =	smov.u32 s14  }
0xd5: {  	[hbm4b:s13+s3] =	stream.linear.scatter [tilespmem:s12], [sflag:$0x5], $0x80, $0x38;
	[tilespmem:$0x19E00] =	vst v63  }
0xd6: {  	s11 =	sadd.s32 $0x11600, s9  }
0xd7: {  	[hbm4b:s10+s3] =	stream.linear.scatter [tilespmem:s11], [sflag:$0x5], $0x80, $0x38;
	[tilespmem:$0x19E00] =	vst v63  }
0xd8: {  	s13 =	sadd.s32 $0x11688, s9;
	s14 =	sadd.s32 $0x10, s10  }
0xd9: {  	[hbm4b:s14+s3] =	stream.linear.scatter [tilespmem:s13], [sflag:$0x5], $0x80, $0x38;
	[tilespmem:$0x19E00] =	vst v63  }
0xda: {  	s15 =	sadd.s32 $0x11710, s9;
	s16 =	sadd.s32 $0x20, s10  }
0xdb: {  	[hbm4b:s16+s3] =	stream.linear.scatter [tilespmem:s15], [sflag:$0x5], $0x80, $0x38;
	[tilespmem:$0x19E00] =	vst v63  }
0xdc: {  	s21 =	sadd.s32 $0x11798, s9;
	s7 =	sadd.s32 $0x30, s10  }
0xdd: {  	[hbm4b:s7+s3] =	stream.linear.scatter [tilespmem:s21], [sflag:$0x5], $0x80, $0x38;
	[tilespmem:$0x19E00] =	vst v63  }
0xde: {  	s13 =	sadd.s32 $0x11820, s9;
	s14 =	sadd.s32 $0x40, s10  }
0xdf: {  	[hbm4b:s14+s3] =	stream.linear.scatter [tilespmem:s13], [sflag:$0x5], $0x80, $0x38;
	[tilespmem:$0x19E00] =	vst v63  }
0xe0: {  	s15 =	sadd.s32 $0x118A8, s9;
	s16 =	sadd.s32 $0x50, s10  }
0xe1: {  	[hbm4b:s16+s3] =	stream.linear.scatter [tilespmem:s15], [sflag:$0x5], $0x80, $0x38;
	[tilespmem:$0x19E00] =	vst v63  }
0xe2: {  	s21 =	sadd.s32 $0x11930, s9;
	s7 =	sadd.s32 $0x60, s10  }
0xe3: {  	[hbm4b:s7+s3] =	stream.linear.scatter [tilespmem:s21], [sflag:$0x5], $0x80, $0x38;
	[tilespmem:$0x19E00] =	vst v63  }
0xe4: {  	s12 =	sadd.s32 $0x70, s10;
	s11 =	sadd.s32 $0x119B8, s9  }
0xe5: {  	[hbm4b:s12+s3] =	stream.linear.scatter [tilespmem:s11], [sflag:$0x5], $0x80, $0x38;
	[tilespmem:$0x19E00] =	vst v63  }
0xe6: {  	s13 =	simm.s32 $0x200;
	s7 =	simm.s32 $0x9600  }
0xe7: {  	[tilespmem:s7], [sflag:$0x1] =	stream.indirect.gather [hbm4b:s4+s17], $0x40, s13, s17, $0xb8;
	[tilespmem:$0x19E00] =	vst v63  }
0xe8: {  	_ =	swait.ge [sflag:s31], $0x2000  }
0xe9: {  	[sflag:s31] =	ssyncset.done $0x0  }
0xea: {  	[sflag:s31] =	ssyncadd.s32 $0xFFFFE000  }
0xeb: {  	s9 =	simm.s32 $0xB680;
	s14 =	simm.s32 $0x0;
	v4 =	vld [tilespmem:$0x6440]  }
0xec: {  	v5 =	vmov s14;
	v7 =	vld [tilespmem:s9+$0xFFFFFF80]  }
0xed: {  	v8 =	vand.u32 $0x7C, v5  }
0xee: {  	v9 =	vadd.s32 v0, v8;
	_ =	sdelay $0x2  }
0xef: {  	v5 =	vld [tilespmem:$0x6450];
	v10 =	vadd.f32 v7, v4  }
0xf0: {  	v6 =	vld [tilespmem:$0x6460]  }
0xf1: {  	v7 =	vld [tilespmem:$0x6470];
	[tilespmem:v9+s0+$0x0] =	vst.idx.msk $0xffff, v10  }
0xf2: {  	v9 =	vld [tilespmem:s9+$0xFFFFFF90];
	_ =	sdelay $0x1  }
0xf3: {  	v10 =	vadd.s32 v1, v8;
	_ =	sdelay $0x2  }
0xf4: {  	v9 =	vadd.f32 v9, v5;
	_ =	sdelay $0x1  }
0xf5: {  	[tilespmem:v10+s0+$0x0] =	vst.idx.msk $0xffff, v9  }
0xf6: {  	v9 =	vld [tilespmem:s9+$0xFFFFFFA0];
	_ =	sdelay $0x1  }
0xf7: {  	v10 =	vadd.s32 v2, v8;
	_ =	sdelay $0x2  }
0xf8: {  	v9 =	vadd.f32 v9, v6;
	_ =	sdelay $0x1  }
0xf9: {  	[tilespmem:v10+s0+$0x0] =	vst.idx.msk $0xffff, v9  }
0xfa: {  	v9 =	vld [tilespmem:s9+$0xFFFFFFB0];
	_ =	sdelay $0x1  }
0xfb: {  	v8 =	vadd.s32 v3, v8;
	_ =	sdelay $0x2  }
0xfc: {  	v9 =	vadd.f32 v9, v7;
	_ =	sdelay $0x1  }
0xfd: {  	s15 =	simm.s32 $0x1;
	[tilespmem:v8+s0+$0x0] =	vst.idx.msk $0xffff, v9  }
0xfe: {  	v8 =	vmov s15;
	v9 =	vld [tilespmem:s9+$0xFFFFFFC0]  }
0xff: {  	v8 =	vand.u32 $0x7D, v8  }
0x100: {  	v10 =	vadd.s32 v0, v8;
	_ =	sdelay $0x2  }
0x101: {  	v9 =	vadd.f32 v9, v4;
	_ =	sdelay $0x1  }
0x102: {  	[tilespmem:v10+s0+$0x0] =	vst.idx.msk $0xffff, v9  }
0x103: {  	v9 =	vld [tilespmem:s9+$0xFFFFFFD0];
	_ =	sdelay $0x1  }
0x104: {  	v10 =	vadd.s32 v1, v8;
	_ =	sdelay $0x2  }
0x105: {  	v9 =	vadd.f32 v9, v5;
	_ =	sdelay $0x1  }
0x106: {  	[tilespmem:v10+s0+$0x0] =	vst.idx.msk $0xffff, v9  }
0x107: {  	v9 =	vld [tilespmem:s9+$0xFFFFFFE0];
	_ =	sdelay $0x1  }
0x108: {  	v10 =	vadd.s32 v2, v8;
	_ =	sdelay $0x2  }
0x109: {  	v9 =	vadd.f32 v9, v6;
	_ =	sdelay $0x1  }
0x10a: {  	[tilespmem:v10+s0+$0x0] =	vst.idx.msk $0xffff, v9  }
0x10b: {  	v9 =	vld [tilespmem:s9+$0xFFFFFFF0];
	_ =	sdelay $0x1  }
0x10c: {  	v8 =	vadd.s32 v3, v8;
	_ =	sdelay $0x2  }
0x10d: {  	v9 =	vadd.f32 v9, v7;
	_ =	sdelay $0x1  }
0x10e: {  	s16 =	simm.s32 $0x2;
	[tilespmem:v8+s0+$0x0] =	vst.idx.msk $0xffff, v9  }
0x10f: {  	v8 =	vmov s16;
	v9 =	vld [tilespmem:s9+$0x0]  }
0x110: {  	v8 =	vand.u32 $0x7E, v8  }
0x111: {  	v10 =	vadd.s32 v0, v8;
	_ =	sdelay $0x2  }
0x112: {  	v9 =	vadd.f32 v9, v4;
	_ =	sdelay $0x1  }
0x113: {  	[tilespmem:v10+s0+$0x0] =	vst.idx.msk $0xffff, v9  }
0x114: {  	v9 =	vld [tilespmem:s9+$0x10];
	_ =	sdelay $0x1  }
0x115: {  	v10 =	vadd.s32 v1, v8;
	_ =	sdelay $0x2  }
0x116: {  	v9 =	vadd.f32 v9, v5;
	_ =	sdelay $0x1  }
0x117: {  	[tilespmem:v10+s0+$0x0] =	vst.idx.msk $0xffff, v9  }
0x118: {  	v9 =	vld [tilespmem:s9+$0x20];
	_ =	sdelay $0x1  }
0x119: {  	v10 =	vadd.s32 v2, v8;
	_ =	sdelay $0x2  }
0x11a: {  	v9 =	vadd.f32 v9, v6;
	_ =	sdelay $0x1  }
0x11b: {  	[tilespmem:v10+s0+$0x0] =	vst.idx.msk $0xffff, v9  }
0x11c: {  	v9 =	vld [tilespmem:s9+$0x30];
	_ =	sdelay $0x1  }
0x11d: {  	v8 =	vadd.s32 v3, v8;
	_ =	sdelay $0x2  }
0x11e: {  	v9 =	vadd.f32 v9, v7;
	_ =	sdelay $0x1  }
0x11f: {  	s21 =	simm.s32 $0x3;
	[tilespmem:v8+s0+$0x0] =	vst.idx.msk $0xffff, v9  }
0x120: {  	v8 =	vmov s21;
	v9 =	vld [tilespmem:s9+$0x40]  }
0x121: {  	v8 =	vand.u32 $0x7F, v8  }
0x122: {  	v10 =	vadd.s32 v0, v8;
	_ =	sdelay $0x2  }
0x123: {  	v9 =	vadd.f32 v9, v4;
	_ =	sdelay $0x1  }
0x124: {  	[tilespmem:v10+s0+$0x0] =	vst.idx.msk $0xffff, v9  }
0x125: {  	v9 =	vld [tilespmem:s9+$0x50];
	_ =	sdelay $0x1  }
0x126: {  	v10 =	vadd.s32 v1, v8;
	_ =	sdelay $0x2  }
0x127: {  	v9 =	vadd.f32 v9, v5;
	_ =	sdelay $0x1  }
0x128: {  	[tilespmem:v10+s0+$0x0] =	vst.idx.msk $0xffff, v9  }
0x129: {  	v9 =	vld [tilespmem:s9+$0x60];
	_ =	sdelay $0x1  }
0x12a: {  	v10 =	vadd.s32 v2, v8;
	_ =	sdelay $0x2  }
0x12b: {  	v9 =	vadd.f32 v9, v6;
	_ =	sdelay $0x1  }
0x12c: {  	[tilespmem:v10+s0+$0x0] =	vst.idx.msk $0xffff, v9  }
0x12d: {  	v9 =	vld [tilespmem:s9+$0x70];
	_ =	sdelay $0x1  }
0x12e: {  	v8 =	vadd.s32 v3, v8;
	_ =	sdelay $0x2  }
0x12f: {  	s10 =	simm.s32 $0x4;
	v9 =	vadd.f32 v9, v7  }
.LBB2_6:
0x130: {  	p0 =	slt.u32 s10, $0x7C  }
0x131: {  	s9 =	sadd.s32 $0x100, s9;
	s11 =	smov.u32 s10;
	s10 =	sadd.s32 $0x4, s10;
	[tilespmem:v8+s0+$0x0] =	vst.idx.msk $0xffff, v9  }
0x132: {  	v8 =	vmov s11;
	v9 =	vld [tilespmem:s9+$0xFFFFFF80]  }
0x133: {  	v8 =	vand.u32 $0x7C, v8  }
0x134: {  	v10 =	vadd.s32 v0, v8;
	_ =	sdelay $0x2  }
0x135: {  	v9 =	vadd.f32 v9, v4;
	_ =	sdelay $0x1  }
0x136: {  	[tilespmem:v10+s0+$0x0] =	vst.idx.msk $0xffff, v9  }
0x137: {  	v9 =	vld [tilespmem:s9+$0xFFFFFF90];
	_ =	sdelay $0x1  }
0x138: {  	v10 =	vadd.s32 v1, v8;
	_ =	sdelay $0x2  }
0x139: {  	v9 =	vadd.f32 v9, v5;
	_ =	sdelay $0x1  }
0x13a: {  	[tilespmem:v10+s0+$0x0] =	vst.idx.msk $0xffff, v9  }
0x13b: {  	v9 =	vld [tilespmem:s9+$0xFFFFFFA0];
	_ =	sdelay $0x1  }
0x13c: {  	v10 =	vadd.s32 v2, v8;
	_ =	sdelay $0x2  }
0x13d: {  	v9 =	vadd.f32 v9, v6;
	_ =	sdelay $0x1  }
0x13e: {  	[tilespmem:v10+s0+$0x0] =	vst.idx.msk $0xffff, v9  }
0x13f: {  	v9 =	vld [tilespmem:s9+$0xFFFFFFB0];
	_ =	sdelay $0x1  }
0x140: {  	v8 =	vadd.s32 v3, v8;
	_ =	sdelay $0x2  }
0x141: {  	v9 =	vadd.f32 v9, v7;
	_ =	sdelay $0x1  }
0x142: {  	s12 =	sadd.s32 $0x1, s11;
	[tilespmem:v8+s0+$0x0] =	vst.idx.msk $0xffff, v9  }
0x143: {  	v8 =	vmov s12;
	v9 =	vld [tilespmem:s9+$0xFFFFFFC0]  }
0x144: {  	v8 =	vand.u32 $0x7D, v8  }
0x145: {  	v10 =	vadd.s32 v0, v8;
	_ =	sdelay $0x2  }
0x146: {  	v9 =	vadd.f32 v9, v4;
	_ =	sdelay $0x1  }
0x147: {  	[tilespmem:v10+s0+$0x0] =	vst.idx.msk $0xffff, v9  }
0x148: {  	v9 =	vld [tilespmem:s9+$0xFFFFFFD0];
	_ =	sdelay $0x1  }
0x149: {  	v10 =	vadd.s32 v1, v8;
	_ =	sdelay $0x2  }
0x14a: {  	v9 =	vadd.f32 v9, v5;
	_ =	sdelay $0x1  }
0x14b: {  	[tilespmem:v10+s0+$0x0] =	vst.idx.msk $0xffff, v9  }
0x14c: {  	v9 =	vld [tilespmem:s9+$0xFFFFFFE0];
	_ =	sdelay $0x1  }
0x14d: {  	v10 =	vadd.s32 v2, v8;
	_ =	sdelay $0x2  }
0x14e: {  	v9 =	vadd.f32 v9, v6;
	_ =	sdelay $0x1  }
0x14f: {  	[tilespmem:v10+s0+$0x0] =	vst.idx.msk $0xffff, v9  }
0x150: {  	v9 =	vld [tilespmem:s9+$0xFFFFFFF0];
	_ =	sdelay $0x1  }
0x151: {  	v8 =	vadd.s32 v3, v8;
	_ =	sdelay $0x2  }
0x152: {  	v9 =	vadd.f32 v9, v7;
	_ =	sdelay $0x1  }
0x153: {  	s12 =	sadd.s32 $0x2, s11;
	[tilespmem:v8+s0+$0x0] =	vst.idx.msk $0xffff, v9  }
0x154: {  	v8 =	vmov s12;
	v9 =	vld [tilespmem:s9+$0x0]  }
0x155: {  	v8 =	vand.u32 $0x7E, v8  }
0x156: {  	v10 =	vadd.s32 v0, v8;
	_ =	sdelay $0x2  }
0x157: {  	v9 =	vadd.f32 v9, v4;
	_ =	sdelay $0x1  }
0x158: {  	[tilespmem:v10+s0+$0x0] =	vst.idx.msk $0xffff, v9  }
0x159: {  	v9 =	vld [tilespmem:s9+$0x10];
	_ =	sdelay $0x1  }
0x15a: {  	v10 =	vadd.s32 v1, v8;
	_ =	sdelay $0x2  }
0x15b: {  	v9 =	vadd.f32 v9, v5;
	_ =	sdelay $0x1  }
0x15c: {  	[tilespmem:v10+s0+$0x0] =	vst.idx.msk $0xffff, v9  }
0x15d: {  	v9 =	vld [tilespmem:s9+$0x20];
	_ =	sdelay $0x1  }
0x15e: {  	v10 =	vadd.s32 v2, v8;
	_ =	sdelay $0x2  }
0x15f: {  	v9 =	vadd.f32 v9, v6;
	_ =	sdelay $0x1  }
0x160: {  	[tilespmem:v10+s0+$0x0] =	vst.idx.msk $0xffff, v9  }
0x161: {  	v9 =	vld [tilespmem:s9+$0x30];
	_ =	sdelay $0x1  }
0x162: {  	v8 =	vadd.s32 v3, v8;
	_ =	sdelay $0x2  }
0x163: {  	v9 =	vadd.f32 v9, v7;
	_ =	sdelay $0x1  }
0x164: {  	s11 =	sadd.s32 $0x3, s11;
	[tilespmem:v8+s0+$0x0] =	vst.idx.msk $0xffff, v9  }
0x165: {  	v8 =	vmov s11;
	v9 =	vld [tilespmem:s9+$0x40]  }
0x166: {  	v8 =	vand.u32 $0x7F, v8  }
0x167: {  	v10 =	vadd.s32 v0, v8;
	_ =	sdelay $0x2  }
0x168: {  	v9 =	vadd.f32 v9, v4;
	_ =	sdelay $0x1  }
0x169: {  	[tilespmem:v10+s0+$0x0] =	vst.idx.msk $0xffff, v9  }
0x16a: {  	v9 =	vld [tilespmem:s9+$0x50];
	_ =	sdelay $0x1  }
0x16b: {  	v10 =	vadd.s32 v1, v8;
	_ =	sdelay $0x2  }
0x16c: {  	v9 =	vadd.f32 v9, v5;
	_ =	sdelay $0x1  }
0x16d: {  	[tilespmem:v10+s0+$0x0] =	vst.idx.msk $0xffff, v9  }
0x16e: {  	v9 =	vld [tilespmem:s9+$0x60];
	_ =	sdelay $0x1  }
0x16f: {  	v10 =	vadd.s32 v2, v8;
	_ =	sdelay $0x2  }
0x170: {  	v9 =	vadd.f32 v9, v6;
	_ =	sdelay $0x1  }
0x171: {  	[tilespmem:v10+s0+$0x0] =	vst.idx.msk $0xffff, v9  }
0x172: {  	v9 =	vld [tilespmem:s9+$0x70]  }
.Ltmp2:
0x173: {  	(pc) =	sbr.rel @p0 .LBB2_6-.Ltmp2, $2  }
0x174: {  	v8 =	vadd.s32 v3, v8;
	_ =	sdelay $0x2  }
0x175: {  	v9 =	vadd.f32 v9, v7  }
0x176: {  	_ =	sdelay $0x3  }
0x177: {  	s9 =	simm.s32 $0x13800;
	s7 =	rddreg [dreg:$0x6];
	[tilespmem:v8+s0+$0x0] =	vst.idx.msk $0xffff, v9  }
0x178: {  	[hbm4b:s7+s3] =	stream.linear.scatter [tilespmem:s9], [sflag:$0x6], $0x80, $0x38;
	[tilespmem:$0x19E00] =	vst v63  }
0x179: {  	s15 =	simm.s32 $0x13888;
	s10 =	sadd.s32 $0x10, s7  }
0x17a: {  	[hbm4b:s10+s3] =	stream.linear.scatter [tilespmem:s15], [sflag:$0x6], $0x80, $0x38;
	[tilespmem:$0x19E00] =	vst v63  }
0x17b: {  	s16 =	simm.s32 $0x13910;
	s12 =	simm.s32 $0x13A20;
	s21 =	sadd.s32 $0x20, s7  }
0x17c: {  	[hbm4b:s21+s3] =	stream.linear.scatter [tilespmem:s16], [sflag:$0x6], $0x80, $0x38;
	[tilespmem:$0x19E00] =	vst v63  }
0x17d: {  	s14 =	simm.s32 $0x13AA8;
	s11 =	sadd.s32 $0x30, s7;
	s10 =	simm.s32 $0x13998  }
0x17e: {  	[hbm4b:s11+s3] =	stream.linear.scatter [tilespmem:s10], [sflag:$0x6], $0x80, $0x38;
	[tilespmem:$0x19E00] =	vst v63  }
0x17f: {  	s13 =	sadd.s32 $0x40, s7;
	s9 =	simm.s32 $0x440;
	s15 =	sadd.s32 $0x50, s7  }
0x180: {  	[hbm4b:s13+s3] =	stream.linear.scatter [tilespmem:s12], [sflag:$0x6], $0x80, $0x38;
	[tilespmem:$0x19E00] =	vst v63  }
0x181: {  	s16 =	simm.s32 $0x13B30;
	s21 =	sadd.s32 $0x60, s7;
	s11 =	simm.s32 $0x2200  }
0x182: {  	[hbm4b:s15+s3] =	stream.linear.scatter [tilespmem:s14], [sflag:$0x6], $0x80, $0x38;
	[tilespmem:$0x19E00] =	vst v63  }
0x183: {  	s10 =	sadd.s32 $0x1000, s7;
	s12 =	simm.s32 $0x13BB8;
	s13 =	sadd.s32 $0x70, s7  }
0x184: {  	[hbm4b:s21+s3] =	stream.linear.scatter [tilespmem:s16], [sflag:$0x6], $0x80, $0x38;
	[tilespmem:$0x19E00] =	vst v63  }
.LBB2_8:
0x185: {  	[hbm4b:s13+s3] =	stream.linear.scatter [tilespmem:s12], [sflag:$0x6], $0x80, $0x38;
	[tilespmem:$0x19E00] =	vst v63  }
0x186: {  	s12 =	smov.u32 s9;
	s9 =	smov.u32 s11  }
0x187: {  	s14 =	sadd.s32 $0x1100, s11;
	s9 =	sshra.s32 s9, $0x2;
	s13 =	sadd.s32 $0x13800, s12  }
0x188: {  	[hbm4b:s10+s3] =	stream.linear.scatter [tilespmem:s13], [sflag:$0x6], $0x80, $0x38;
	[tilespmem:$0x19E00] =	vst v63  }
0x189: {  	p0 =	sne.s32 s11, $0x7700;
	s11 =	sadd.s32 $0x13888, s12;
	s13 =	sadd.s32 $0x10, s10  }
0x18a: {  	[hbm4b:s13+s3] =	stream.linear.scatter [tilespmem:s11], [sflag:$0x6], $0x80, $0x38;
	[tilespmem:$0x19E00] =	vst v63  }
0x18b: {  	s11 =	sadd.s32 $0x13910, s12;
	s13 =	sadd.s32 $0x20, s10  }
0x18c: {  	[hbm4b:s13+s3] =	stream.linear.scatter [tilespmem:s11], [sflag:$0x6], $0x80, $0x38;
	[tilespmem:$0x19E00] =	vst v63  }
0x18d: {  	s11 =	sadd.s32 $0x13998, s12;
	s13 =	sadd.s32 $0x30, s10  }
0x18e: {  	[hbm4b:s13+s3] =	stream.linear.scatter [tilespmem:s11], [sflag:$0x6], $0x80, $0x38;
	[tilespmem:$0x19E00] =	vst v63  }
0x18f: {  	s11 =	sadd.s32 $0x13A20, s12;
	s13 =	sadd.s32 $0x40, s10  }
0x190: {  	[hbm4b:s13+s3] =	stream.linear.scatter [tilespmem:s11], [sflag:$0x6], $0x80, $0x38;
	[tilespmem:$0x19E00] =	vst v63  }
.Ltmp3:
0x191: {  	s11 =	sadd.s32 $0x13AA8, s12;
	s13 =	sadd.s32 $0x50, s10;
	(pc) =	sbr.rel @p0 .LBB2_8-.Ltmp3, $4  }
0x192: {  	[hbm4b:s13+s3] =	stream.linear.scatter [tilespmem:s11], [sflag:$0x6], $0x80, $0x38;
	[tilespmem:$0x19E00] =	vst v63  }
0x193: {  	s11 =	sadd.s32 $0x13B30, s12;
	s13 =	sadd.s32 $0x60, s10;
	s12 =	sadd.s32 $0x13BB8, s12  }
0x194: {  	[hbm4b:s13+s3] =	stream.linear.scatter [tilespmem:s11], [sflag:$0x6], $0x80, $0x38;
	[tilespmem:$0x19E00] =	vst v63  }
0x195: {  	s13 =	sadd.s32 $0x70, s10;
	s10 =	sadd.s32 $0x1000, s10;
	s11 =	smov.u32 s14  }
0x196: {  	[hbm4b:s13+s3] =	stream.linear.scatter [tilespmem:s12], [sflag:$0x6], $0x80, $0x38;
	[tilespmem:$0x19E00] =	vst v63  }
0x197: {  	s11 =	sadd.s32 $0x13800, s9  }
0x198: {  	[hbm4b:s10+s3] =	stream.linear.scatter [tilespmem:s11], [sflag:$0x6], $0x80, $0x38;
	[tilespmem:$0x19E00] =	vst v63  }
0x199: {  	s13 =	sadd.s32 $0x13888, s9;
	s14 =	sadd.s32 $0x10, s10  }
0x19a: {  	[hbm4b:s14+s3] =	stream.linear.scatter [tilespmem:s13], [sflag:$0x6], $0x80, $0x38;
	[tilespmem:$0x19E00] =	vst v63  }
0x19b: {  	s15 =	sadd.s32 $0x13910, s9;
	s16 =	sadd.s32 $0x20, s10  }
0x19c: {  	[hbm4b:s16+s3] =	stream.linear.scatter [tilespmem:s15], [sflag:$0x6], $0x80, $0x38;
	[tilespmem:$0x19E00] =	vst v63  }
0x19d: {  	s21 =	sadd.s32 $0x13998, s9;
	s7 =	sadd.s32 $0x30, s10  }
0x19e: {  	[hbm4b:s7+s3] =	stream.linear.scatter [tilespmem:s21], [sflag:$0x6], $0x80, $0x38;
	[tilespmem:$0x19E00] =	vst v63  }
0x19f: {  	s13 =	sadd.s32 $0x13A20, s9;
	s14 =	sadd.s32 $0x40, s10  }
0x1a0: {  	[hbm4b:s14+s3] =	stream.linear.scatter [tilespmem:s13], [sflag:$0x6], $0x80, $0x38;
	[tilespmem:$0x19E00] =	vst v63  }
0x1a1: {  	s15 =	sadd.s32 $0x13AA8, s9;
	s16 =	sadd.s32 $0x50, s10  }
0x1a2: {  	[hbm4b:s16+s3] =	stream.linear.scatter [tilespmem:s15], [sflag:$0x6], $0x80, $0x38;
	[tilespmem:$0x19E00] =	vst v63  }
0x1a3: {  	s21 =	sadd.s32 $0x13B30, s9;
	s7 =	sadd.s32 $0x60, s10  }
0x1a4: {  	[hbm4b:s7+s3] =	stream.linear.scatter [tilespmem:s21], [sflag:$0x6], $0x80, $0x38;
	[tilespmem:$0x19E00] =	vst v63  }
0x1a5: {  	s12 =	sadd.s32 $0x13BB8, s9;
	s13 =	sadd.s32 $0x70, s10  }
0x1a6: {  	[hbm4b:s13+s3] =	stream.linear.scatter [tilespmem:s12], [sflag:$0x6], $0x80, $0x38;
	[tilespmem:$0x19E00] =	vst v63  }
0x1a7: {  	s7 =	simm.s32 $0x280  }
0x1a8: {  	[tilespmem:s22], [sflag:$0x2] =	stream.indirect.gather [hbm4b:s4+s17], $0x40, s7, s17, $0xb8;
	[tilespmem:$0x19E00] =	vst v63  }
0x1a9: {  	_ =	swait.ge [sflag:s18], $0x2000  }
0x1aa: {  	[sflag:s18] =	ssyncset.done $0x0  }
0x1ab: {  	[sflag:s18] =	ssyncadd.s32 $0xFFFFE000  }
0x1ac: {  	s9 =	simm.s32 $0xD680;
	s14 =	simm.s32 $0x0;
	v4 =	vld [tilespmem:$0x6480]  }
0x1ad: {  	v5 =	vmov s14;
	v7 =	vld [tilespmem:s9+$0xFFFFFF80]  }
0x1ae: {  	v8 =	vand.u32 $0x7C, v5  }
0x1af: {  	v9 =	vadd.s32 v0, v8;
	_ =	sdelay $0x2  }
0x1b0: {  	v5 =	vld [tilespmem:$0x6490];
	v10 =	vadd.f32 v7, v4  }
0x1b1: {  	v6 =	vld [tilespmem:$0x64A0]  }
0x1b2: {  	v7 =	vld [tilespmem:$0x64B0];
	[tilespmem:v9+s20+$0x0] =	vst.idx.msk $0xffff, v10  }
0x1b3: {  	v9 =	vld [tilespmem:s9+$0xFFFFFF90];
	_ =	sdelay $0x1  }
0x1b4: {  	v10 =	vadd.s32 v1, v8;
	_ =	sdelay $0x2  }
0x1b5: {  	v9 =	vadd.f32 v9, v5;
	_ =	sdelay $0x1  }
0x1b6: {  	[tilespmem:v10+s20+$0x0] =	vst.idx.msk $0xffff, v9  }
0x1b7: {  	v9 =	vld [tilespmem:s9+$0xFFFFFFA0];
	_ =	sdelay $0x1  }
0x1b8: {  	v10 =	vadd.s32 v2, v8;
	_ =	sdelay $0x2  }
0x1b9: {  	v9 =	vadd.f32 v9, v6;
	_ =	sdelay $0x1  }
0x1ba: {  	[tilespmem:v10+s20+$0x0] =	vst.idx.msk $0xffff, v9  }
0x1bb: {  	v9 =	vld [tilespmem:s9+$0xFFFFFFB0];
	_ =	sdelay $0x1  }
0x1bc: {  	v8 =	vadd.s32 v3, v8;
	_ =	sdelay $0x2  }
0x1bd: {  	v9 =	vadd.f32 v9, v7;
	_ =	sdelay $0x1  }
0x1be: {  	s15 =	simm.s32 $0x1;
	[tilespmem:v8+s20+$0x0] =	vst.idx.msk $0xffff, v9  }
0x1bf: {  	v8 =	vmov s15;
	v9 =	vld [tilespmem:s9+$0xFFFFFFC0]  }
0x1c0: {  	v8 =	vand.u32 $0x7D, v8  }
0x1c1: {  	v10 =	vadd.s32 v0, v8;
	_ =	sdelay $0x2  }
0x1c2: {  	v9 =	vadd.f32 v9, v4;
	_ =	sdelay $0x1  }
0x1c3: {  	[tilespmem:v10+s20+$0x0] =	vst.idx.msk $0xffff, v9  }
0x1c4: {  	v9 =	vld [tilespmem:s9+$0xFFFFFFD0];
	_ =	sdelay $0x1  }
0x1c5: {  	v10 =	vadd.s32 v1, v8;
	_ =	sdelay $0x2  }
0x1c6: {  	v9 =	vadd.f32 v9, v5;
	_ =	sdelay $0x1  }
0x1c7: {  	[tilespmem:v10+s20+$0x0] =	vst.idx.msk $0xffff, v9  }
0x1c8: {  	v9 =	vld [tilespmem:s9+$0xFFFFFFE0];
	_ =	sdelay $0x1  }
0x1c9: {  	v10 =	vadd.s32 v2, v8;
	_ =	sdelay $0x2  }
0x1ca: {  	v9 =	vadd.f32 v9, v6;
	_ =	sdelay $0x1  }
0x1cb: {  	[tilespmem:v10+s20+$0x0] =	vst.idx.msk $0xffff, v9  }
0x1cc: {  	v9 =	vld [tilespmem:s9+$0xFFFFFFF0];
	_ =	sdelay $0x1  }
0x1cd: {  	v8 =	vadd.s32 v3, v8;
	_ =	sdelay $0x2  }
0x1ce: {  	v9 =	vadd.f32 v9, v7;
	_ =	sdelay $0x1  }
0x1cf: {  	s16 =	simm.s32 $0x2;
	[tilespmem:v8+s20+$0x0] =	vst.idx.msk $0xffff, v9  }
0x1d0: {  	v8 =	vmov s16;
	v9 =	vld [tilespmem:s9+$0x0]  }
0x1d1: {  	v8 =	vand.u32 $0x7E, v8  }
0x1d2: {  	v10 =	vadd.s32 v0, v8;
	_ =	sdelay $0x2  }
0x1d3: {  	v9 =	vadd.f32 v9, v4;
	_ =	sdelay $0x1  }
0x1d4: {  	[tilespmem:v10+s20+$0x0] =	vst.idx.msk $0xffff, v9  }
0x1d5: {  	v9 =	vld [tilespmem:s9+$0x10];
	_ =	sdelay $0x1  }
0x1d6: {  	v10 =	vadd.s32 v1, v8;
	_ =	sdelay $0x2  }
0x1d7: {  	v9 =	vadd.f32 v9, v5;
	_ =	sdelay $0x1  }
0x1d8: {  	[tilespmem:v10+s20+$0x0] =	vst.idx.msk $0xffff, v9  }
0x1d9: {  	v9 =	vld [tilespmem:s9+$0x20];
	_ =	sdelay $0x1  }
0x1da: {  	v10 =	vadd.s32 v2, v8;
	_ =	sdelay $0x2  }
0x1db: {  	v9 =	vadd.f32 v9, v6;
	_ =	sdelay $0x1  }
0x1dc: {  	[tilespmem:v10+s20+$0x0] =	vst.idx.msk $0xffff, v9  }
0x1dd: {  	v9 =	vld [tilespmem:s9+$0x30];
	_ =	sdelay $0x1  }
0x1de: {  	v8 =	vadd.s32 v3, v8;
	_ =	sdelay $0x2  }
0x1df: {  	v9 =	vadd.f32 v9, v7;
	_ =	sdelay $0x1  }
0x1e0: {  	s21 =	simm.s32 $0x3;
	[tilespmem:v8+s20+$0x0] =	vst.idx.msk $0xffff, v9  }
0x1e1: {  	v8 =	vmov s21;
	v9 =	vld [tilespmem:s9+$0x40]  }
0x1e2: {  	v8 =	vand.u32 $0x7F, v8  }
0x1e3: {  	v10 =	vadd.s32 v0, v8;
	_ =	sdelay $0x2  }
0x1e4: {  	v9 =	vadd.f32 v9, v4;
	_ =	sdelay $0x1  }
0x1e5: {  	[tilespmem:v10+s20+$0x0] =	vst.idx.msk $0xffff, v9  }
0x1e6: {  	v9 =	vld [tilespmem:s9+$0x50];
	_ =	sdelay $0x1  }
0x1e7: {  	v10 =	vadd.s32 v1, v8;
	_ =	sdelay $0x2  }
0x1e8: {  	v9 =	vadd.f32 v9, v5;
	_ =	sdelay $0x1  }
0x1e9: {  	[tilespmem:v10+s20+$0x0] =	vst.idx.msk $0xffff, v9  }
0x1ea: {  	v9 =	vld [tilespmem:s9+$0x60];
	_ =	sdelay $0x1  }
0x1eb: {  	v10 =	vadd.s32 v2, v8;
	_ =	sdelay $0x2  }
0x1ec: {  	v9 =	vadd.f32 v9, v6;
	_ =	sdelay $0x1  }
0x1ed: {  	[tilespmem:v10+s20+$0x0] =	vst.idx.msk $0xffff, v9  }
0x1ee: {  	v9 =	vld [tilespmem:s9+$0x70];
	_ =	sdelay $0x1  }
0x1ef: {  	v8 =	vadd.s32 v3, v8;
	_ =	sdelay $0x2  }
0x1f0: {  	s10 =	simm.s32 $0x4;
	v9 =	vadd.f32 v9, v7  }
.LBB2_10:
0x1f1: {  	p0 =	slt.u32 s10, $0x7C  }
0x1f2: {  	s9 =	sadd.s32 $0x100, s9;
	s11 =	smov.u32 s10;
	s10 =	sadd.s32 $0x4, s10;
	[tilespmem:v8+s20+$0x0] =	vst.idx.msk $0xffff, v9  }
0x1f3: {  	v8 =	vmov s11;
	v9 =	vld [tilespmem:s9+$0xFFFFFF80]  }
0x1f4: {  	v8 =	vand.u32 $0x7C, v8  }
0x1f5: {  	v10 =	vadd.s32 v0, v8;
	_ =	sdelay $0x2  }
0x1f6: {  	v9 =	vadd.f32 v9, v4;
	_ =	sdelay $0x1  }
0x1f7: {  	[tilespmem:v10+s20+$0x0] =	vst.idx.msk $0xffff, v9  }
0x1f8: {  	v9 =	vld [tilespmem:s9+$0xFFFFFF90];
	_ =	sdelay $0x1  }
0x1f9: {  	v10 =	vadd.s32 v1, v8;
	_ =	sdelay $0x2  }
0x1fa: {  	v9 =	vadd.f32 v9, v5;
	_ =	sdelay $0x1  }
0x1fb: {  	[tilespmem:v10+s20+$0x0] =	vst.idx.msk $0xffff, v9  }
0x1fc: {  	v9 =	vld [tilespmem:s9+$0xFFFFFFA0];
	_ =	sdelay $0x1  }
0x1fd: {  	v10 =	vadd.s32 v2, v8;
	_ =	sdelay $0x2  }
0x1fe: {  	v9 =	vadd.f32 v9, v6;
	_ =	sdelay $0x1  }
0x1ff: {  	[tilespmem:v10+s20+$0x0] =	vst.idx.msk $0xffff, v9  }
0x200: {  	v9 =	vld [tilespmem:s9+$0xFFFFFFB0];
	_ =	sdelay $0x1  }
0x201: {  	v8 =	vadd.s32 v3, v8;
	_ =	sdelay $0x2  }
0x202: {  	v9 =	vadd.f32 v9, v7;
	_ =	sdelay $0x1  }
0x203: {  	s12 =	sadd.s32 $0x1, s11;
	[tilespmem:v8+s20+$0x0] =	vst.idx.msk $0xffff, v9  }
0x204: {  	v8 =	vmov s12;
	v9 =	vld [tilespmem:s9+$0xFFFFFFC0]  }
0x205: {  	v8 =	vand.u32 $0x7D, v8  }
0x206: {  	v10 =	vadd.s32 v0, v8;
	_ =	sdelay $0x2  }
0x207: {  	v9 =	vadd.f32 v9, v4;
	_ =	sdelay $0x1  }
0x208: {  	[tilespmem:v10+s20+$0x0] =	vst.idx.msk $0xffff, v9  }
0x209: {  	v9 =	vld [tilespmem:s9+$0xFFFFFFD0];
	_ =	sdelay $0x1  }
0x20a: {  	v10 =	vadd.s32 v1, v8;
	_ =	sdelay $0x2  }
0x20b: {  	v9 =	vadd.f32 v9, v5;
	_ =	sdelay $0x1  }
0x20c: {  	[tilespmem:v10+s20+$0x0] =	vst.idx.msk $0xffff, v9  }
0x20d: {  	v9 =	vld [tilespmem:s9+$0xFFFFFFE0];
	_ =	sdelay $0x1  }
0x20e: {  	v10 =	vadd.s32 v2, v8;
	_ =	sdelay $0x2  }
0x20f: {  	v9 =	vadd.f32 v9, v6;
	_ =	sdelay $0x1  }
0x210: {  	[tilespmem:v10+s20+$0x0] =	vst.idx.msk $0xffff, v9  }
0x211: {  	v9 =	vld [tilespmem:s9+$0xFFFFFFF0];
	_ =	sdelay $0x1  }
0x212: {  	v8 =	vadd.s32 v3, v8;
	_ =	sdelay $0x2  }
0x213: {  	v9 =	vadd.f32 v9, v7;
	_ =	sdelay $0x1  }
0x214: {  	s12 =	sadd.s32 $0x2, s11;
	[tilespmem:v8+s20+$0x0] =	vst.idx.msk $0xffff, v9  }
0x215: {  	v8 =	vmov s12;
	v9 =	vld [tilespmem:s9+$0x0]  }
0x216: {  	v8 =	vand.u32 $0x7E, v8  }
0x217: {  	v10 =	vadd.s32 v0, v8;
	_ =	sdelay $0x2  }
0x218: {  	v9 =	vadd.f32 v9, v4;
	_ =	sdelay $0x1  }
0x219: {  	[tilespmem:v10+s20+$0x0] =	vst.idx.msk $0xffff, v9  }
0x21a: {  	v9 =	vld [tilespmem:s9+$0x10];
	_ =	sdelay $0x1  }
0x21b: {  	v10 =	vadd.s32 v1, v8;
	_ =	sdelay $0x2  }
0x21c: {  	v9 =	vadd.f32 v9, v5;
	_ =	sdelay $0x1  }
0x21d: {  	[tilespmem:v10+s20+$0x0] =	vst.idx.msk $0xffff, v9  }
0x21e: {  	v9 =	vld [tilespmem:s9+$0x20];
	_ =	sdelay $0x1  }
0x21f: {  	v10 =	vadd.s32 v2, v8;
	_ =	sdelay $0x2  }
0x220: {  	v9 =	vadd.f32 v9, v6;
	_ =	sdelay $0x1  }
0x221: {  	[tilespmem:v10+s20+$0x0] =	vst.idx.msk $0xffff, v9  }
0x222: {  	v9 =	vld [tilespmem:s9+$0x30];
	_ =	sdelay $0x1  }
0x223: {  	v8 =	vadd.s32 v3, v8;
	_ =	sdelay $0x2  }
0x224: {  	v9 =	vadd.f32 v9, v7;
	_ =	sdelay $0x1  }
0x225: {  	s11 =	sadd.s32 $0x3, s11;
	[tilespmem:v8+s20+$0x0] =	vst.idx.msk $0xffff, v9  }
0x226: {  	v8 =	vmov s11;
	v9 =	vld [tilespmem:s9+$0x40]  }
0x227: {  	v8 =	vand.u32 $0x7F, v8  }
0x228: {  	v10 =	vadd.s32 v0, v8;
	_ =	sdelay $0x2  }
0x229: {  	v9 =	vadd.f32 v9, v4;
	_ =	sdelay $0x1  }
0x22a: {  	[tilespmem:v10+s20+$0x0] =	vst.idx.msk $0xffff, v9  }
0x22b: {  	v9 =	vld [tilespmem:s9+$0x50];
	_ =	sdelay $0x1  }
0x22c: {  	v10 =	vadd.s32 v1, v8;
	_ =	sdelay $0x2  }
0x22d: {  	v9 =	vadd.f32 v9, v5;
	_ =	sdelay $0x1  }
0x22e: {  	[tilespmem:v10+s20+$0x0] =	vst.idx.msk $0xffff, v9  }
0x22f: {  	v9 =	vld [tilespmem:s9+$0x60];
	_ =	sdelay $0x1  }
0x230: {  	v10 =	vadd.s32 v2, v8;
	_ =	sdelay $0x2  }
0x231: {  	v9 =	vadd.f32 v9, v6;
	_ =	sdelay $0x1  }
0x232: {  	[tilespmem:v10+s20+$0x0] =	vst.idx.msk $0xffff, v9  }
0x233: {  	v9 =	vld [tilespmem:s9+$0x70]  }
.Ltmp4:
0x234: {  	(pc) =	sbr.rel @p0 .LBB2_10-.Ltmp4, $2  }
0x235: {  	v8 =	vadd.s32 v3, v8;
	_ =	sdelay $0x2  }
0x236: {  	v9 =	vadd.f32 v9, v7  }
0x237: {  	_ =	sdelay $0x3  }
0x238: {  	s9 =	simm.s32 $0x15A00;
	s7 =	rddreg [dreg:$0x7];
	[tilespmem:v8+s20+$0x0] =	vst.idx.msk $0xffff, v9  }
0x239: {  	[hbm4b:s7+s3] =	stream.linear.scatter [tilespmem:s9], [sflag:$0x7], $0x80, $0x38;
	[tilespmem:$0x19E00] =	vst v63  }
0x23a: {  	s15 =	simm.s32 $0x15A88;
	s10 =	sadd.s32 $0x10, s7  }
0x23b: {  	[hbm4b:s10+s3] =	stream.linear.scatter [tilespmem:s15], [sflag:$0x7], $0x80, $0x38;
	[tilespmem:$0x19E00] =	vst v63  }
0x23c: {  	s16 =	simm.s32 $0x15B10;
	s12 =	simm.s32 $0x15C20;
	s21 =	sadd.s32 $0x20, s7  }
0x23d: {  	[hbm4b:s21+s3] =	stream.linear.scatter [tilespmem:s16], [sflag:$0x7], $0x80, $0x38;
	[tilespmem:$0x19E00] =	vst v63  }
0x23e: {  	s14 =	simm.s32 $0x15CA8;
	s11 =	sadd.s32 $0x30, s7;
	s10 =	simm.s32 $0x15B98  }
0x23f: {  	[hbm4b:s11+s3] =	stream.linear.scatter [tilespmem:s10], [sflag:$0x7], $0x80, $0x38;
	[tilespmem:$0x19E00] =	vst v63  }
0x240: {  	s13 =	sadd.s32 $0x40, s7;
	s9 =	simm.s32 $0x440;
	s15 =	sadd.s32 $0x50, s7  }
0x241: {  	[hbm4b:s13+s3] =	stream.linear.scatter [tilespmem:s12], [sflag:$0x7], $0x80, $0x38;
	[tilespmem:$0x19E00] =	vst v63  }
0x242: {  	s16 =	simm.s32 $0x15D30;
	s21 =	sadd.s32 $0x60, s7;
	s11 =	simm.s32 $0x2200  }
0x243: {  	[hbm4b:s15+s3] =	stream.linear.scatter [tilespmem:s14], [sflag:$0x7], $0x80, $0x38;
	[tilespmem:$0x19E00] =	vst v63  }
0x244: {  	s10 =	sadd.s32 $0x1000, s7;
	s12 =	simm.s32 $0x15DB8;
	s13 =	sadd.s32 $0x70, s7  }
0x245: {  	[hbm4b:s21+s3] =	stream.linear.scatter [tilespmem:s16], [sflag:$0x7], $0x80, $0x38;
	[tilespmem:$0x19E00] =	vst v63  }
.LBB2_12:
0x246: {  	[hbm4b:s13+s3] =	stream.linear.scatter [tilespmem:s12], [sflag:$0x7], $0x80, $0x38;
	[tilespmem:$0x19E00] =	vst v63  }
0x247: {  	s12 =	smov.u32 s9;
	s9 =	smov.u32 s11  }
0x248: {  	s14 =	sadd.s32 $0x1100, s11;
	s9 =	sshra.s32 s9, $0x2;
	s13 =	sadd.s32 $0x15A00, s12  }
0x249: {  	[hbm4b:s10+s3] =	stream.linear.scatter [tilespmem:s13], [sflag:$0x7], $0x80, $0x38;
	[tilespmem:$0x19E00] =	vst v63  }
0x24a: {  	p0 =	sne.s32 s11, $0x7700;
	s11 =	sadd.s32 $0x15A88, s12;
	s13 =	sadd.s32 $0x10, s10  }
0x24b: {  	[hbm4b:s13+s3] =	stream.linear.scatter [tilespmem:s11], [sflag:$0x7], $0x80, $0x38;
	[tilespmem:$0x19E00] =	vst v63  }
0x24c: {  	s11 =	sadd.s32 $0x15B10, s12;
	s13 =	sadd.s32 $0x20, s10  }
0x24d: {  	[hbm4b:s13+s3] =	stream.linear.scatter [tilespmem:s11], [sflag:$0x7], $0x80, $0x38;
	[tilespmem:$0x19E00] =	vst v63  }
0x24e: {  	s11 =	sadd.s32 $0x15B98, s12;
	s13 =	sadd.s32 $0x30, s10  }
0x24f: {  	[hbm4b:s13+s3] =	stream.linear.scatter [tilespmem:s11], [sflag:$0x7], $0x80, $0x38;
	[tilespmem:$0x19E00] =	vst v63  }
0x250: {  	s11 =	sadd.s32 $0x15C20, s12;
	s13 =	sadd.s32 $0x40, s10  }
0x251: {  	[hbm4b:s13+s3] =	stream.linear.scatter [tilespmem:s11], [sflag:$0x7], $0x80, $0x38;
	[tilespmem:$0x19E00] =	vst v63  }
.Ltmp5:
0x252: {  	s11 =	sadd.s32 $0x15CA8, s12;
	s13 =	sadd.s32 $0x50, s10;
	(pc) =	sbr.rel @p0 .LBB2_12-.Ltmp5, $4  }
0x253: {  	[hbm4b:s13+s3] =	stream.linear.scatter [tilespmem:s11], [sflag:$0x7], $0x80, $0x38;
	[tilespmem:$0x19E00] =	vst v63  }
0x254: {  	s11 =	sadd.s32 $0x15D30, s12;
	s13 =	sadd.s32 $0x60, s10;
	s12 =	sadd.s32 $0x15DB8, s12  }
0x255: {  	[hbm4b:s13+s3] =	stream.linear.scatter [tilespmem:s11], [sflag:$0x7], $0x80, $0x38;
	[tilespmem:$0x19E00] =	vst v63  }
0x256: {  	s13 =	sadd.s32 $0x70, s10;
	s10 =	sadd.s32 $0x1000, s10;
	s11 =	smov.u32 s14  }
0x257: {  	[hbm4b:s13+s3] =	stream.linear.scatter [tilespmem:s12], [sflag:$0x7], $0x80, $0x38;
	[tilespmem:$0x19E00] =	vst v63  }
0x258: {  	s11 =	sadd.s32 $0x15A00, s9  }
0x259: {  	[hbm4b:s10+s3] =	stream.linear.scatter [tilespmem:s11], [sflag:$0x7], $0x80, $0x38;
	[tilespmem:$0x19E00] =	vst v63  }
0x25a: {  	s13 =	sadd.s32 $0x15A88, s9;
	s14 =	sadd.s32 $0x10, s10  }
0x25b: {  	[hbm4b:s14+s3] =	stream.linear.scatter [tilespmem:s13], [sflag:$0x7], $0x80, $0x38;
	[tilespmem:$0x19E00] =	vst v63  }
0x25c: {  	s15 =	sadd.s32 $0x15B10, s9;
	s16 =	sadd.s32 $0x20, s10  }
0x25d: {  	[hbm4b:s16+s3] =	stream.linear.scatter [tilespmem:s15], [sflag:$0x7], $0x80, $0x38;
	[tilespmem:$0x19E00] =	vst v63  }
0x25e: {  	s21 =	sadd.s32 $0x15B98, s9;
	s7 =	sadd.s32 $0x30, s10  }
0x25f: {  	[hbm4b:s7+s3] =	stream.linear.scatter [tilespmem:s21], [sflag:$0x7], $0x80, $0x38;
	[tilespmem:$0x19E00] =	vst v63  }
0x260: {  	s13 =	sadd.s32 $0x15C20, s9;
	s14 =	sadd.s32 $0x40, s10  }
0x261: {  	[hbm4b:s14+s3] =	stream.linear.scatter [tilespmem:s13], [sflag:$0x7], $0x80, $0x38;
	[tilespmem:$0x19E00] =	vst v63  }
0x262: {  	s15 =	sadd.s32 $0x15CA8, s9;
	s16 =	sadd.s32 $0x50, s10  }
0x263: {  	[hbm4b:s16+s3] =	stream.linear.scatter [tilespmem:s15], [sflag:$0x7], $0x80, $0x38;
	[tilespmem:$0x19E00] =	vst v63  }
0x264: {  	s21 =	sadd.s32 $0x15D30, s9;
	s7 =	sadd.s32 $0x60, s10  }
0x265: {  	[hbm4b:s7+s3] =	stream.linear.scatter [tilespmem:s21], [sflag:$0x7], $0x80, $0x38;
	[tilespmem:$0x19E00] =	vst v63  }
0x266: {  	s12 =	sadd.s32 $0x15DB8, s9;
	s13 =	sadd.s32 $0x70, s10  }
0x267: {  	[hbm4b:s13+s3] =	stream.linear.scatter [tilespmem:s12], [sflag:$0x7], $0x80, $0x38;
	[tilespmem:$0x19E00] =	vst v63  }
0x268: {  	s7 =	simm.s32 $0x300  }
0x269: {  	[tilespmem:s24], [sflag:$0x3] =	stream.indirect.gather [hbm4b:s4+s17], $0x40, s7, s17, $0xb8;
	[tilespmem:$0x19E00] =	vst v63  }
0x26a: {  	_ =	swait.ge [sflag:s25], $0x2000  }
0x26b: {  	[sflag:s25] =	ssyncset.done $0x0  }
0x26c: {  	[sflag:s25] =	ssyncadd.s32 $0xFFFFE000  }
0x26d: {  	s9 =	simm.s32 $0xF680;
	s14 =	simm.s32 $0x0;
	v4 =	vld [tilespmem:$0x64C0]  }
0x26e: {  	v5 =	vmov s14;
	v7 =	vld [tilespmem:s9+$0xFFFFFF80]  }
0x26f: {  	v8 =	vand.u32 $0x7C, v5  }
0x270: {  	v9 =	vadd.s32 v0, v8;
	_ =	sdelay $0x2  }
0x271: {  	v5 =	vld [tilespmem:$0x64D0];
	v10 =	vadd.f32 v7, v4  }
0x272: {  	v6 =	vld [tilespmem:$0x64E0]  }
0x273: {  	v7 =	vld [tilespmem:$0x64F0];
	[tilespmem:v9+s30+$0x0] =	vst.idx.msk $0xffff, v10  }
0x274: {  	v9 =	vld [tilespmem:s9+$0xFFFFFF90];
	_ =	sdelay $0x1  }
0x275: {  	v10 =	vadd.s32 v1, v8;
	_ =	sdelay $0x2  }
0x276: {  	v9 =	vadd.f32 v9, v5;
	_ =	sdelay $0x1  }
0x277: {  	[tilespmem:v10+s30+$0x0] =	vst.idx.msk $0xffff, v9  }
0x278: {  	v9 =	vld [tilespmem:s9+$0xFFFFFFA0];
	_ =	sdelay $0x1  }
0x279: {  	v10 =	vadd.s32 v2, v8;
	_ =	sdelay $0x2  }
0x27a: {  	v9 =	vadd.f32 v9, v6;
	_ =	sdelay $0x1  }
0x27b: {  	[tilespmem:v10+s30+$0x0] =	vst.idx.msk $0xffff, v9  }
0x27c: {  	v9 =	vld [tilespmem:s9+$0xFFFFFFB0];
	_ =	sdelay $0x1  }
0x27d: {  	v8 =	vadd.s32 v3, v8;
	_ =	sdelay $0x2  }
0x27e: {  	v9 =	vadd.f32 v9, v7;
	_ =	sdelay $0x1  }
0x27f: {  	s15 =	simm.s32 $0x1;
	[tilespmem:v8+s30+$0x0] =	vst.idx.msk $0xffff, v9  }
0x280: {  	v8 =	vmov s15;
	v9 =	vld [tilespmem:s9+$0xFFFFFFC0]  }
0x281: {  	v8 =	vand.u32 $0x7D, v8  }
0x282: {  	v10 =	vadd.s32 v0, v8;
	_ =	sdelay $0x2  }
0x283: {  	v9 =	vadd.f32 v9, v4;
	_ =	sdelay $0x1  }
0x284: {  	[tilespmem:v10+s30+$0x0] =	vst.idx.msk $0xffff, v9  }
0x285: {  	v9 =	vld [tilespmem:s9+$0xFFFFFFD0];
	_ =	sdelay $0x1  }
0x286: {  	v10 =	vadd.s32 v1, v8;
	_ =	sdelay $0x2  }
0x287: {  	v9 =	vadd.f32 v9, v5;
	_ =	sdelay $0x1  }
0x288: {  	[tilespmem:v10+s30+$0x0] =	vst.idx.msk $0xffff, v9  }
0x289: {  	v9 =	vld [tilespmem:s9+$0xFFFFFFE0];
	_ =	sdelay $0x1  }
0x28a: {  	v10 =	vadd.s32 v2, v8;
	_ =	sdelay $0x2  }
0x28b: {  	v9 =	vadd.f32 v9, v6;
	_ =	sdelay $0x1  }
0x28c: {  	[tilespmem:v10+s30+$0x0] =	vst.idx.msk $0xffff, v9  }
0x28d: {  	v9 =	vld [tilespmem:s9+$0xFFFFFFF0];
	_ =	sdelay $0x1  }
0x28e: {  	v8 =	vadd.s32 v3, v8;
	_ =	sdelay $0x2  }
0x28f: {  	v9 =	vadd.f32 v9, v7;
	_ =	sdelay $0x1  }
0x290: {  	s16 =	simm.s32 $0x2;
	[tilespmem:v8+s30+$0x0] =	vst.idx.msk $0xffff, v9  }
0x291: {  	v8 =	vmov s16;
	v9 =	vld [tilespmem:s9+$0x0]  }
0x292: {  	v8 =	vand.u32 $0x7E, v8  }
0x293: {  	v10 =	vadd.s32 v0, v8;
	_ =	sdelay $0x2  }
0x294: {  	v9 =	vadd.f32 v9, v4;
	_ =	sdelay $0x1  }
0x295: {  	[tilespmem:v10+s30+$0x0] =	vst.idx.msk $0xffff, v9  }
0x296: {  	v9 =	vld [tilespmem:s9+$0x10];
	_ =	sdelay $0x1  }
0x297: {  	v10 =	vadd.s32 v1, v8;
	_ =	sdelay $0x2  }
0x298: {  	v9 =	vadd.f32 v9, v5;
	_ =	sdelay $0x1  }
0x299: {  	[tilespmem:v10+s30+$0x0] =	vst.idx.msk $0xffff, v9  }
0x29a: {  	v9 =	vld [tilespmem:s9+$0x20];
	_ =	sdelay $0x1  }
0x29b: {  	v10 =	vadd.s32 v2, v8;
	_ =	sdelay $0x2  }
0x29c: {  	v9 =	vadd.f32 v9, v6;
	_ =	sdelay $0x1  }
0x29d: {  	[tilespmem:v10+s30+$0x0] =	vst.idx.msk $0xffff, v9  }
0x29e: {  	v9 =	vld [tilespmem:s9+$0x30];
	_ =	sdelay $0x1  }
0x29f: {  	v8 =	vadd.s32 v3, v8;
	_ =	sdelay $0x2  }
0x2a0: {  	v9 =	vadd.f32 v9, v7;
	_ =	sdelay $0x1  }
0x2a1: {  	s21 =	simm.s32 $0x3;
	[tilespmem:v8+s30+$0x0] =	vst.idx.msk $0xffff, v9  }
0x2a2: {  	v8 =	vmov s21;
	v9 =	vld [tilespmem:s9+$0x40]  }
0x2a3: {  	v8 =	vand.u32 $0x7F, v8  }
0x2a4: {  	v10 =	vadd.s32 v0, v8;
	_ =	sdelay $0x2  }
0x2a5: {  	v9 =	vadd.f32 v9, v4;
	_ =	sdelay $0x1  }
0x2a6: {  	[tilespmem:v10+s30+$0x0] =	vst.idx.msk $0xffff, v9  }
0x2a7: {  	v9 =	vld [tilespmem:s9+$0x50];
	_ =	sdelay $0x1  }
0x2a8: {  	v10 =	vadd.s32 v1, v8;
	_ =	sdelay $0x2  }
0x2a9: {  	v9 =	vadd.f32 v9, v5;
	_ =	sdelay $0x1  }
0x2aa: {  	[tilespmem:v10+s30+$0x0] =	vst.idx.msk $0xffff, v9  }
0x2ab: {  	v9 =	vld [tilespmem:s9+$0x60];
	_ =	sdelay $0x1  }
0x2ac: {  	v10 =	vadd.s32 v2, v8;
	_ =	sdelay $0x2  }
0x2ad: {  	v9 =	vadd.f32 v9, v6;
	_ =	sdelay $0x1  }
0x2ae: {  	[tilespmem:v10+s30+$0x0] =	vst.idx.msk $0xffff, v9  }
0x2af: {  	v9 =	vld [tilespmem:s9+$0x70];
	_ =	sdelay $0x1  }
0x2b0: {  	v8 =	vadd.s32 v3, v8;
	_ =	sdelay $0x2  }
0x2b1: {  	s10 =	simm.s32 $0x4;
	v9 =	vadd.f32 v9, v7  }
.LBB2_14:
0x2b2: {  	p0 =	slt.u32 s10, $0x7C  }
0x2b3: {  	s9 =	sadd.s32 $0x100, s9;
	s11 =	smov.u32 s10;
	s10 =	sadd.s32 $0x4, s10;
	[tilespmem:v8+s30+$0x0] =	vst.idx.msk $0xffff, v9  }
0x2b4: {  	v8 =	vmov s11;
	v9 =	vld [tilespmem:s9+$0xFFFFFF80]  }
0x2b5: {  	v8 =	vand.u32 $0x7C, v8  }
0x2b6: {  	v10 =	vadd.s32 v0, v8;
	_ =	sdelay $0x2  }
0x2b7: {  	v9 =	vadd.f32 v9, v4;
	_ =	sdelay $0x1  }
0x2b8: {  	[tilespmem:v10+s30+$0x0] =	vst.idx.msk $0xffff, v9  }
0x2b9: {  	v9 =	vld [tilespmem:s9+$0xFFFFFF90];
	_ =	sdelay $0x1  }
0x2ba: {  	v10 =	vadd.s32 v1, v8;
	_ =	sdelay $0x2  }
0x2bb: {  	v9 =	vadd.f32 v9, v5;
	_ =	sdelay $0x1  }
0x2bc: {  	[tilespmem:v10+s30+$0x0] =	vst.idx.msk $0xffff, v9  }
0x2bd: {  	v9 =	vld [tilespmem:s9+$0xFFFFFFA0];
	_ =	sdelay $0x1  }
0x2be: {  	v10 =	vadd.s32 v2, v8;
	_ =	sdelay $0x2  }
0x2bf: {  	v9 =	vadd.f32 v9, v6;
	_ =	sdelay $0x1  }
0x2c0: {  	[tilespmem:v10+s30+$0x0] =	vst.idx.msk $0xffff, v9  }
0x2c1: {  	v9 =	vld [tilespmem:s9+$0xFFFFFFB0];
	_ =	sdelay $0x1  }
0x2c2: {  	v8 =	vadd.s32 v3, v8;
	_ =	sdelay $0x2  }
0x2c3: {  	v9 =	vadd.f32 v9, v7;
	_ =	sdelay $0x1  }
0x2c4: {  	s12 =	sadd.s32 $0x1, s11;
	[tilespmem:v8+s30+$0x0] =	vst.idx.msk $0xffff, v9  }
0x2c5: {  	v8 =	vmov s12;
	v9 =	vld [tilespmem:s9+$0xFFFFFFC0]  }
0x2c6: {  	v8 =	vand.u32 $0x7D, v8  }
0x2c7: {  	v10 =	vadd.s32 v0, v8;
	_ =	sdelay $0x2  }
0x2c8: {  	v9 =	vadd.f32 v9, v4;
	_ =	sdelay $0x1  }
0x2c9: {  	[tilespmem:v10+s30+$0x0] =	vst.idx.msk $0xffff, v9  }
0x2ca: {  	v9 =	vld [tilespmem:s9+$0xFFFFFFD0];
	_ =	sdelay $0x1  }
0x2cb: {  	v10 =	vadd.s32 v1, v8;
	_ =	sdelay $0x2  }
0x2cc: {  	v9 =	vadd.f32 v9, v5;
	_ =	sdelay $0x1  }
0x2cd: {  	[tilespmem:v10+s30+$0x0] =	vst.idx.msk $0xffff, v9  }
0x2ce: {  	v9 =	vld [tilespmem:s9+$0xFFFFFFE0];
	_ =	sdelay $0x1  }
0x2cf: {  	v10 =	vadd.s32 v2, v8;
	_ =	sdelay $0x2  }
0x2d0: {  	v9 =	vadd.f32 v9, v6;
	_ =	sdelay $0x1  }
0x2d1: {  	[tilespmem:v10+s30+$0x0] =	vst.idx.msk $0xffff, v9  }
0x2d2: {  	v9 =	vld [tilespmem:s9+$0xFFFFFFF0];
	_ =	sdelay $0x1  }
0x2d3: {  	v8 =	vadd.s32 v3, v8;
	_ =	sdelay $0x2  }
0x2d4: {  	v9 =	vadd.f32 v9, v7;
	_ =	sdelay $0x1  }
0x2d5: {  	s12 =	sadd.s32 $0x2, s11;
	[tilespmem:v8+s30+$0x0] =	vst.idx.msk $0xffff, v9  }
0x2d6: {  	v8 =	vmov s12;
	v9 =	vld [tilespmem:s9+$0x0]  }
0x2d7: {  	v8 =	vand.u32 $0x7E, v8  }
0x2d8: {  	v10 =	vadd.s32 v0, v8;
	_ =	sdelay $0x2  }
0x2d9: {  	v9 =	vadd.f32 v9, v4;
	_ =	sdelay $0x1  }
0x2da: {  	[tilespmem:v10+s30+$0x0] =	vst.idx.msk $0xffff, v9  }
0x2db: {  	v9 =	vld [tilespmem:s9+$0x10];
	_ =	sdelay $0x1  }
0x2dc: {  	v10 =	vadd.s32 v1, v8;
	_ =	sdelay $0x2  }
0x2dd: {  	v9 =	vadd.f32 v9, v5;
	_ =	sdelay $0x1  }
0x2de: {  	[tilespmem:v10+s30+$0x0] =	vst.idx.msk $0xffff, v9  }
0x2df: {  	v9 =	vld [tilespmem:s9+$0x20];
	_ =	sdelay $0x1  }
0x2e0: {  	v10 =	vadd.s32 v2, v8;
	_ =	sdelay $0x2  }
0x2e1: {  	v9 =	vadd.f32 v9, v6;
	_ =	sdelay $0x1  }
0x2e2: {  	[tilespmem:v10+s30+$0x0] =	vst.idx.msk $0xffff, v9  }
0x2e3: {  	v9 =	vld [tilespmem:s9+$0x30];
	_ =	sdelay $0x1  }
0x2e4: {  	v8 =	vadd.s32 v3, v8;
	_ =	sdelay $0x2  }
0x2e5: {  	v9 =	vadd.f32 v9, v7;
	_ =	sdelay $0x1  }
0x2e6: {  	s11 =	sadd.s32 $0x3, s11;
	[tilespmem:v8+s30+$0x0] =	vst.idx.msk $0xffff, v9  }
0x2e7: {  	v8 =	vmov s11;
	v9 =	vld [tilespmem:s9+$0x40]  }
0x2e8: {  	v8 =	vand.u32 $0x7F, v8  }
0x2e9: {  	v10 =	vadd.s32 v0, v8;
	_ =	sdelay $0x2  }
0x2ea: {  	v9 =	vadd.f32 v9, v4;
	_ =	sdelay $0x1  }
0x2eb: {  	[tilespmem:v10+s30+$0x0] =	vst.idx.msk $0xffff, v9  }
0x2ec: {  	v9 =	vld [tilespmem:s9+$0x50];
	_ =	sdelay $0x1  }
0x2ed: {  	v10 =	vadd.s32 v1, v8;
	_ =	sdelay $0x2  }
0x2ee: {  	v9 =	vadd.f32 v9, v5;
	_ =	sdelay $0x1  }
0x2ef: {  	[tilespmem:v10+s30+$0x0] =	vst.idx.msk $0xffff, v9  }
0x2f0: {  	v9 =	vld [tilespmem:s9+$0x60];
	_ =	sdelay $0x1  }
0x2f1: {  	v10 =	vadd.s32 v2, v8;
	_ =	sdelay $0x2  }
0x2f2: {  	v9 =	vadd.f32 v9, v6;
	_ =	sdelay $0x1  }
0x2f3: {  	[tilespmem:v10+s30+$0x0] =	vst.idx.msk $0xffff, v9  }
0x2f4: {  	v9 =	vld [tilespmem:s9+$0x70]  }
.Ltmp6:
0x2f5: {  	(pc) =	sbr.rel @p0 .LBB2_14-.Ltmp6, $2  }
0x2f6: {  	v8 =	vadd.s32 v3, v8;
	_ =	sdelay $0x2  }
0x2f7: {  	v9 =	vadd.f32 v9, v7  }
0x2f8: {  	_ =	sdelay $0x3  }
0x2f9: {  	s9 =	simm.s32 $0x17C00;
	s7 =	rddreg [dreg:$0x8];
	[tilespmem:v8+s30+$0x0] =	vst.idx.msk $0xffff, v9  }
0x2fa: {  	[hbm4b:s7+s3] =	stream.linear.scatter [tilespmem:s9], [sflag:$0x8], $0x80, $0x38;
	[tilespmem:$0x19E00] =	vst v63  }
0x2fb: {  	s15 =	simm.s32 $0x17C88;
	s10 =	sadd.s32 $0x10, s7  }
0x2fc: {  	[hbm4b:s10+s3] =	stream.linear.scatter [tilespmem:s15], [sflag:$0x8], $0x80, $0x38;
	[tilespmem:$0x19E00] =	vst v63  }
0x2fd: {  	s16 =	simm.s32 $0x17D10;
	s12 =	simm.s32 $0x17E20;
	s21 =	sadd.s32 $0x20, s7  }
0x2fe: {  	[hbm4b:s21+s3] =	stream.linear.scatter [tilespmem:s16], [sflag:$0x8], $0x80, $0x38;
	[tilespmem:$0x19E00] =	vst v63  }
0x2ff: {  	s14 =	simm.s32 $0x17EA8;
	s11 =	sadd.s32 $0x30, s7;
	s10 =	simm.s32 $0x17D98  }
0x300: {  	[hbm4b:s11+s3] =	stream.linear.scatter [tilespmem:s10], [sflag:$0x8], $0x80, $0x38;
	[tilespmem:$0x19E00] =	vst v63  }
0x301: {  	s13 =	sadd.s32 $0x40, s7;
	s9 =	simm.s32 $0x440;
	s15 =	sadd.s32 $0x50, s7  }
0x302: {  	[hbm4b:s13+s3] =	stream.linear.scatter [tilespmem:s12], [sflag:$0x8], $0x80, $0x38;
	[tilespmem:$0x19E00] =	vst v63  }
0x303: {  	s16 =	simm.s32 $0x17F30;
	s21 =	sadd.s32 $0x60, s7;
	s11 =	simm.s32 $0x2200  }
0x304: {  	[hbm4b:s15+s3] =	stream.linear.scatter [tilespmem:s14], [sflag:$0x8], $0x80, $0x38;
	[tilespmem:$0x19E00] =	vst v63  }
0x305: {  	s10 =	sadd.s32 $0x1000, s7;
	s12 =	simm.s32 $0x17FB8;
	s13 =	sadd.s32 $0x70, s7  }
0x306: {  	[hbm4b:s21+s3] =	stream.linear.scatter [tilespmem:s16], [sflag:$0x8], $0x80, $0x38;
	[tilespmem:$0x19E00] =	vst v63  }
.LBB2_16:
0x307: {  	[hbm4b:s13+s3] =	stream.linear.scatter [tilespmem:s12], [sflag:$0x8], $0x80, $0x38;
	[tilespmem:$0x19E00] =	vst v63  }
0x308: {  	s12 =	smov.u32 s9;
	s9 =	smov.u32 s11  }
0x309: {  	s14 =	sadd.s32 $0x1100, s11;
	s9 =	sshra.s32 s9, $0x2;
	s13 =	sadd.s32 $0x17C00, s12  }
0x30a: {  	[hbm4b:s10+s3] =	stream.linear.scatter [tilespmem:s13], [sflag:$0x8], $0x80, $0x38;
	[tilespmem:$0x19E00] =	vst v63  }
0x30b: {  	p0 =	sne.s32 s11, $0x7700;
	s11 =	sadd.s32 $0x17C88, s12;
	s13 =	sadd.s32 $0x10, s10  }
0x30c: {  	[hbm4b:s13+s3] =	stream.linear.scatter [tilespmem:s11], [sflag:$0x8], $0x80, $0x38;
	[tilespmem:$0x19E00] =	vst v63  }
0x30d: {  	s11 =	sadd.s32 $0x17D10, s12;
	s13 =	sadd.s32 $0x20, s10  }
0x30e: {  	[hbm4b:s13+s3] =	stream.linear.scatter [tilespmem:s11], [sflag:$0x8], $0x80, $0x38;
	[tilespmem:$0x19E00] =	vst v63  }
0x30f: {  	s11 =	sadd.s32 $0x17D98, s12;
	s13 =	sadd.s32 $0x30, s10  }
0x310: {  	[hbm4b:s13+s3] =	stream.linear.scatter [tilespmem:s11], [sflag:$0x8], $0x80, $0x38;
	[tilespmem:$0x19E00] =	vst v63  }
0x311: {  	s11 =	sadd.s32 $0x17E20, s12;
	s13 =	sadd.s32 $0x40, s10  }
0x312: {  	[hbm4b:s13+s3] =	stream.linear.scatter [tilespmem:s11], [sflag:$0x8], $0x80, $0x38;
	[tilespmem:$0x19E00] =	vst v63  }
.Ltmp7:
0x313: {  	s11 =	sadd.s32 $0x17EA8, s12;
	s13 =	sadd.s32 $0x50, s10;
	(pc) =	sbr.rel @p0 .LBB2_16-.Ltmp7, $4  }
0x314: {  	[hbm4b:s13+s3] =	stream.linear.scatter [tilespmem:s11], [sflag:$0x8], $0x80, $0x38;
	[tilespmem:$0x19E00] =	vst v63  }
0x315: {  	s11 =	sadd.s32 $0x17F30, s12;
	s13 =	sadd.s32 $0x60, s10;
	s12 =	sadd.s32 $0x17FB8, s12  }
0x316: {  	[hbm4b:s13+s3] =	stream.linear.scatter [tilespmem:s11], [sflag:$0x8], $0x80, $0x38;
	[tilespmem:$0x19E00] =	vst v63  }
0x317: {  	s13 =	sadd.s32 $0x70, s10;
	s10 =	sadd.s32 $0x1000, s10;
	s11 =	smov.u32 s14  }
0x318: {  	[hbm4b:s13+s3] =	stream.linear.scatter [tilespmem:s12], [sflag:$0x8], $0x80, $0x38;
	[tilespmem:$0x19E00] =	vst v63  }
0x319: {  	s11 =	sadd.s32 $0x17C00, s9  }
0x31a: {  	[hbm4b:s10+s3] =	stream.linear.scatter [tilespmem:s11], [sflag:$0x8], $0x80, $0x38;
	[tilespmem:$0x19E00] =	vst v63  }
0x31b: {  	s21 =	sadd.s32 $0x17C88, s9;
	s7 =	sadd.s32 $0x10, s10  }
0x31c: {  	[hbm4b:s7+s3] =	stream.linear.scatter [tilespmem:s21], [sflag:$0x8], $0x80, $0x38;
	[tilespmem:$0x19E00] =	vst v63  }
0x31d: {  	s13 =	sadd.s32 $0x17D10, s9;
	s14 =	sadd.s32 $0x20, s10  }
0x31e: {  	[hbm4b:s14+s3] =	stream.linear.scatter [tilespmem:s13], [sflag:$0x8], $0x80, $0x38;
	[tilespmem:$0x19E00] =	vst v63  }
0x31f: {  	s15 =	sadd.s32 $0x17D98, s9;
	s16 =	sadd.s32 $0x30, s10  }
0x320: {  	[hbm4b:s16+s3] =	stream.linear.scatter [tilespmem:s15], [sflag:$0x8], $0x80, $0x38;
	[tilespmem:$0x19E00] =	vst v63  }
0x321: {  	s21 =	sadd.s32 $0x17E20, s9;
	s7 =	sadd.s32 $0x40, s10  }
0x322: {  	[hbm4b:s7+s3] =	stream.linear.scatter [tilespmem:s21], [sflag:$0x8], $0x80, $0x38;
	[tilespmem:$0x19E00] =	vst v63  }
0x323: {  	s12 =	sadd.s32 $0x17EA8, s9;
	s13 =	sadd.s32 $0x50, s10  }
0x324: {  	[hbm4b:s13+s3] =	stream.linear.scatter [tilespmem:s12], [sflag:$0x8], $0x80, $0x38;
	[tilespmem:$0x19E00] =	vst v63  }
0x325: {  	s14 =	sadd.s32 $0x17F30, s9;
	s15 =	sadd.s32 $0x60, s10  }
0x326: {  	[hbm4b:s15+s3] =	stream.linear.scatter [tilespmem:s14], [sflag:$0x8], $0x80, $0x38;
	[tilespmem:$0x19E00] =	vst v63  }
0x327: {  	s16 =	sadd.s32 $0x17FB8, s9;
	s21 =	sadd.s32 $0x70, s10  }
0x328: {  	[hbm4b:s21+s3] =	stream.linear.scatter [tilespmem:s16], [sflag:$0x8], $0x80, $0x38;
	[tilespmem:$0x19E00] =	vst v63  }
0x329: {  	s7 =	simm.s32 $0x380;
	s16 =	simm.s32 $0x0  }
0x32a: {  	[tilespmem:s26], [sflag:$0x4] =	stream.indirect.gather [hbm4b:s4+s17], $0x40, s7, s17, $0xb8;
	[tilespmem:$0x19E00] =	vst v63  }
.LBB2_18:
0x32b: {  	s9 =	sshll.u32 s16, $0x2  }
0x32c: {  	_ =	swait.ge [sflag:s28], $0x2000;
	s10 =	sadd.s32 $0x4, s9  }
0x32d: {  	[sflag:s28] =	ssyncset.done $0x0;
	s11 =	sshll.u32 s10, $0x6  }
0x32e: {  	[sflag:s28] =	ssyncadd.s32 $0xFFFFE000;
	s12 =	sand.u32 $0x3FFFFF00, s11  }
0x32f: {  	s11 =	simm.s32 $0x9680;
	v4 =	vld [tilespmem:s12+$0x6400]  }
0x330: {  	v5 =	vmov s19;
	v7 =	vld [tilespmem:s11+$0xFFFFFF80]  }
0x331: {  	v8 =	vand.u32 $0x7C, v5  }
0x332: {  	v9 =	vadd.s32 v0, v8;
	_ =	sdelay $0x2  }
0x333: {  	v5 =	vld [tilespmem:s12+$0x6410];
	v10 =	vadd.f32 v7, v4  }
0x334: {  	v6 =	vld [tilespmem:s12+$0x6420]  }
0x335: {  	v7 =	vld [tilespmem:s12+$0x6430];
	[tilespmem:v9+s29+$0x0] =	vst.idx.msk $0xffff, v10  }
0x336: {  	v9 =	vld [tilespmem:s11+$0xFFFFFF90];
	_ =	sdelay $0x1  }
0x337: {  	v10 =	vadd.s32 v1, v8;
	_ =	sdelay $0x2  }
0x338: {  	v9 =	vadd.f32 v9, v5;
	_ =	sdelay $0x1  }
0x339: {  	[tilespmem:v10+s29+$0x0] =	vst.idx.msk $0xffff, v9  }
0x33a: {  	v9 =	vld [tilespmem:s11+$0xFFFFFFA0];
	_ =	sdelay $0x1  }
0x33b: {  	v10 =	vadd.s32 v2, v8;
	_ =	sdelay $0x2  }
0x33c: {  	v9 =	vadd.f32 v9, v6;
	_ =	sdelay $0x1  }
0x33d: {  	[tilespmem:v10+s29+$0x0] =	vst.idx.msk $0xffff, v9  }
0x33e: {  	v9 =	vld [tilespmem:s11+$0xFFFFFFB0];
	_ =	sdelay $0x1  }
0x33f: {  	v8 =	vadd.s32 v3, v8;
	_ =	sdelay $0x2  }
0x340: {  	v9 =	vadd.f32 v9, v7;
	_ =	sdelay $0x1  }
0x341: {  	s14 =	simm.s32 $0x1;
	[tilespmem:v8+s29+$0x0] =	vst.idx.msk $0xffff, v9  }
0x342: {  	v8 =	vmov s14;
	v9 =	vld [tilespmem:s11+$0xFFFFFFC0]  }
0x343: {  	v8 =	vand.u32 $0x7D, v8  }
0x344: {  	v10 =	vadd.s32 v0, v8;
	_ =	sdelay $0x2  }
0x345: {  	v9 =	vadd.f32 v9, v4;
	_ =	sdelay $0x1  }
0x346: {  	[tilespmem:v10+s29+$0x0] =	vst.idx.msk $0xffff, v9  }
0x347: {  	v9 =	vld [tilespmem:s11+$0xFFFFFFD0];
	_ =	sdelay $0x1  }
0x348: {  	v10 =	vadd.s32 v1, v8;
	_ =	sdelay $0x2  }
0x349: {  	v9 =	vadd.f32 v9, v5;
	_ =	sdelay $0x1  }
0x34a: {  	[tilespmem:v10+s29+$0x0] =	vst.idx.msk $0xffff, v9  }
0x34b: {  	v9 =	vld [tilespmem:s11+$0xFFFFFFE0];
	_ =	sdelay $0x1  }
0x34c: {  	v10 =	vadd.s32 v2, v8;
	_ =	sdelay $0x2  }
0x34d: {  	v9 =	vadd.f32 v9, v6;
	_ =	sdelay $0x1  }
0x34e: {  	[tilespmem:v10+s29+$0x0] =	vst.idx.msk $0xffff, v9  }
0x34f: {  	v9 =	vld [tilespmem:s11+$0xFFFFFFF0];
	_ =	sdelay $0x1  }
0x350: {  	v8 =	vadd.s32 v3, v8;
	_ =	sdelay $0x2  }
0x351: {  	v9 =	vadd.f32 v9, v7;
	_ =	sdelay $0x1  }
0x352: {  	s15 =	simm.s32 $0x2;
	[tilespmem:v8+s29+$0x0] =	vst.idx.msk $0xffff, v9  }
0x353: {  	v8 =	vmov s15;
	v9 =	vld [tilespmem:s11+$0x0]  }
0x354: {  	v8 =	vand.u32 $0x7E, v8  }
0x355: {  	v10 =	vadd.s32 v0, v8;
	_ =	sdelay $0x2  }
0x356: {  	v9 =	vadd.f32 v9, v4;
	_ =	sdelay $0x1  }
0x357: {  	[tilespmem:v10+s29+$0x0] =	vst.idx.msk $0xffff, v9  }
0x358: {  	v9 =	vld [tilespmem:s11+$0x10];
	_ =	sdelay $0x1  }
0x359: {  	v10 =	vadd.s32 v1, v8;
	_ =	sdelay $0x2  }
0x35a: {  	v9 =	vadd.f32 v9, v5;
	_ =	sdelay $0x1  }
0x35b: {  	[tilespmem:v10+s29+$0x0] =	vst.idx.msk $0xffff, v9  }
0x35c: {  	v9 =	vld [tilespmem:s11+$0x20];
	_ =	sdelay $0x1  }
0x35d: {  	v10 =	vadd.s32 v2, v8;
	_ =	sdelay $0x2  }
0x35e: {  	v9 =	vadd.f32 v9, v6;
	_ =	sdelay $0x1  }
0x35f: {  	[tilespmem:v10+s29+$0x0] =	vst.idx.msk $0xffff, v9  }
0x360: {  	v9 =	vld [tilespmem:s11+$0x30];
	_ =	sdelay $0x1  }
0x361: {  	v8 =	vadd.s32 v3, v8;
	_ =	sdelay $0x2  }
0x362: {  	v9 =	vadd.f32 v9, v7;
	_ =	sdelay $0x1  }
0x363: {  	s21 =	simm.s32 $0x3;
	[tilespmem:v8+s29+$0x0] =	vst.idx.msk $0xffff, v9  }
0x364: {  	v8 =	vmov s21;
	v9 =	vld [tilespmem:s11+$0x40]  }
0x365: {  	v8 =	vand.u32 $0x7F, v8  }
0x366: {  	v10 =	vadd.s32 v0, v8;
	_ =	sdelay $0x2  }
0x367: {  	v9 =	vadd.f32 v9, v4;
	_ =	sdelay $0x1  }
0x368: {  	[tilespmem:v10+s29+$0x0] =	vst.idx.msk $0xffff, v9  }
0x369: {  	v9 =	vld [tilespmem:s11+$0x50];
	_ =	sdelay $0x1  }
0x36a: {  	v10 =	vadd.s32 v1, v8;
	_ =	sdelay $0x2  }
0x36b: {  	v9 =	vadd.f32 v9, v5;
	_ =	sdelay $0x1  }
0x36c: {  	[tilespmem:v10+s29+$0x0] =	vst.idx.msk $0xffff, v9  }
0x36d: {  	v9 =	vld [tilespmem:s11+$0x60];
	_ =	sdelay $0x1  }
0x36e: {  	v10 =	vadd.s32 v2, v8;
	_ =	sdelay $0x2  }
0x36f: {  	v9 =	vadd.f32 v9, v6;
	_ =	sdelay $0x1  }
0x370: {  	[tilespmem:v10+s29+$0x0] =	vst.idx.msk $0xffff, v9  }
0x371: {  	v9 =	vld [tilespmem:s11+$0x70];
	_ =	sdelay $0x1  }
0x372: {  	v8 =	vadd.s32 v3, v8;
	_ =	sdelay $0x2  }
0x373: {  	s12 =	simm.s32 $0x4;
	v9 =	vadd.f32 v9, v7  }
.LBB2_19:
0x374: {  	p0 =	slt.u32 s12, $0x7C  }
0x375: {  	s11 =	sadd.s32 $0x100, s11;
	s13 =	smov.u32 s12;
	s12 =	sadd.s32 $0x4, s12;
	[tilespmem:v8+s29+$0x0] =	vst.idx.msk $0xffff, v9  }
0x376: {  	v8 =	vmov s13;
	v9 =	vld [tilespmem:s11+$0xFFFFFF80]  }
0x377: {  	v8 =	vand.u32 $0x7C, v8  }
0x378: {  	v10 =	vadd.s32 v0, v8;
	_ =	sdelay $0x2  }
0x379: {  	v9 =	vadd.f32 v9, v4;
	_ =	sdelay $0x1  }
0x37a: {  	[tilespmem:v10+s29+$0x0] =	vst.idx.msk $0xffff, v9  }
0x37b: {  	v9 =	vld [tilespmem:s11+$0xFFFFFF90];
	_ =	sdelay $0x1  }
0x37c: {  	v10 =	vadd.s32 v1, v8;
	_ =	sdelay $0x2  }
0x37d: {  	v9 =	vadd.f32 v9, v5;
	_ =	sdelay $0x1  }
0x37e: {  	[tilespmem:v10+s29+$0x0] =	vst.idx.msk $0xffff, v9  }
0x37f: {  	v9 =	vld [tilespmem:s11+$0xFFFFFFA0];
	_ =	sdelay $0x1  }
0x380: {  	v10 =	vadd.s32 v2, v8;
	_ =	sdelay $0x2  }
0x381: {  	v9 =	vadd.f32 v9, v6;
	_ =	sdelay $0x1  }
0x382: {  	[tilespmem:v10+s29+$0x0] =	vst.idx.msk $0xffff, v9  }
0x383: {  	v9 =	vld [tilespmem:s11+$0xFFFFFFB0];
	_ =	sdelay $0x1  }
0x384: {  	v8 =	vadd.s32 v3, v8;
	_ =	sdelay $0x2  }
0x385: {  	v9 =	vadd.f32 v9, v7;
	_ =	sdelay $0x1  }
0x386: {  	s14 =	sadd.s32 $0x1, s13;
	[tilespmem:v8+s29+$0x0] =	vst.idx.msk $0xffff, v9  }
0x387: {  	v8 =	vmov s14;
	v9 =	vld [tilespmem:s11+$0xFFFFFFC0]  }
0x388: {  	v8 =	vand.u32 $0x7D, v8  }
0x389: {  	v10 =	vadd.s32 v0, v8;
	_ =	sdelay $0x2  }
0x38a: {  	v9 =	vadd.f32 v9, v4;
	_ =	sdelay $0x1  }
0x38b: {  	[tilespmem:v10+s29+$0x0] =	vst.idx.msk $0xffff, v9  }
0x38c: {  	v9 =	vld [tilespmem:s11+$0xFFFFFFD0];
	_ =	sdelay $0x1  }
0x38d: {  	v10 =	vadd.s32 v1, v8;
	_ =	sdelay $0x2  }
0x38e: {  	v9 =	vadd.f32 v9, v5;
	_ =	sdelay $0x1  }
0x38f: {  	[tilespmem:v10+s29+$0x0] =	vst.idx.msk $0xffff, v9  }
0x390: {  	v9 =	vld [tilespmem:s11+$0xFFFFFFE0];
	_ =	sdelay $0x1  }
0x391: {  	v10 =	vadd.s32 v2, v8;
	_ =	sdelay $0x2  }
0x392: {  	v9 =	vadd.f32 v9, v6;
	_ =	sdelay $0x1  }
0x393: {  	[tilespmem:v10+s29+$0x0] =	vst.idx.msk $0xffff, v9  }
0x394: {  	v9 =	vld [tilespmem:s11+$0xFFFFFFF0];
	_ =	sdelay $0x1  }
0x395: {  	v8 =	vadd.s32 v3, v8;
	_ =	sdelay $0x2  }
0x396: {  	v9 =	vadd.f32 v9, v7;
	_ =	sdelay $0x1  }
0x397: {  	s14 =	sadd.s32 $0x2, s13;
	[tilespmem:v8+s29+$0x0] =	vst.idx.msk $0xffff, v9  }
0x398: {  	v8 =	vmov s14;
	v9 =	vld [tilespmem:s11+$0x0]  }
0x399: {  	v8 =	vand.u32 $0x7E, v8  }
0x39a: {  	v10 =	vadd.s32 v0, v8;
	_ =	sdelay $0x2  }
0x39b: {  	v9 =	vadd.f32 v9, v4;
	_ =	sdelay $0x1  }
0x39c: {  	[tilespmem:v10+s29+$0x0] =	vst.idx.msk $0xffff, v9  }
0x39d: {  	v9 =	vld [tilespmem:s11+$0x10];
	_ =	sdelay $0x1  }
0x39e: {  	v10 =	vadd.s32 v1, v8;
	_ =	sdelay $0x2  }
0x39f: {  	v9 =	vadd.f32 v9, v5;
	_ =	sdelay $0x1  }
0x3a0: {  	[tilespmem:v10+s29+$0x0] =	vst.idx.msk $0xffff, v9  }
0x3a1: {  	v9 =	vld [tilespmem:s11+$0x20];
	_ =	sdelay $0x1  }
0x3a2: {  	v10 =	vadd.s32 v2, v8;
	_ =	sdelay $0x2  }
0x3a3: {  	v9 =	vadd.f32 v9, v6;
	_ =	sdelay $0x1  }
0x3a4: {  	[tilespmem:v10+s29+$0x0] =	vst.idx.msk $0xffff, v9  }
0x3a5: {  	v9 =	vld [tilespmem:s11+$0x30];
	_ =	sdelay $0x1  }
0x3a6: {  	v8 =	vadd.s32 v3, v8;
	_ =	sdelay $0x2  }
0x3a7: {  	v9 =	vadd.f32 v9, v7;
	_ =	sdelay $0x1  }
0x3a8: {  	s13 =	sadd.s32 $0x3, s13;
	[tilespmem:v8+s29+$0x0] =	vst.idx.msk $0xffff, v9  }
0x3a9: {  	v8 =	vmov s13;
	v9 =	vld [tilespmem:s11+$0x40]  }
0x3aa: {  	v8 =	vand.u32 $0x7F, v8  }
0x3ab: {  	v10 =	vadd.s32 v0, v8;
	_ =	sdelay $0x2  }
0x3ac: {  	v9 =	vadd.f32 v9, v4;
	_ =	sdelay $0x1  }
0x3ad: {  	[tilespmem:v10+s29+$0x0] =	vst.idx.msk $0xffff, v9  }
0x3ae: {  	v9 =	vld [tilespmem:s11+$0x50];
	_ =	sdelay $0x1  }
0x3af: {  	v10 =	vadd.s32 v1, v8;
	_ =	sdelay $0x2  }
0x3b0: {  	v9 =	vadd.f32 v9, v5;
	_ =	sdelay $0x1  }
0x3b1: {  	[tilespmem:v10+s29+$0x0] =	vst.idx.msk $0xffff, v9  }
0x3b2: {  	v9 =	vld [tilespmem:s11+$0x60];
	_ =	sdelay $0x1  }
0x3b3: {  	v10 =	vadd.s32 v2, v8;
	_ =	sdelay $0x2  }
0x3b4: {  	v9 =	vadd.f32 v9, v6;
	_ =	sdelay $0x1  }
0x3b5: {  	[tilespmem:v10+s29+$0x0] =	vst.idx.msk $0xffff, v9  }
0x3b6: {  	v9 =	vld [tilespmem:s11+$0x70]  }
.Ltmp8:
0x3b7: {  	(pc) =	sbr.rel @p0 .LBB2_19-.Ltmp8, $2  }
0x3b8: {  	v8 =	vadd.s32 v3, v8;
	_ =	sdelay $0x2  }
0x3b9: {  	v9 =	vadd.f32 v9, v7  }
0x3ba: {  	_ =	sdelay $0x3  }
0x3bb: {  	s10 =	sshll.u32 s10, $0x12;
	[tilespmem:v8+s29+$0x0] =	vst.idx.msk $0xffff, v9  }
0x3bc: {  	s10 =	sor.u32 s8, s10;
	_ =	swait.ge [sflag:s23], $0x2000  }
0x3bd: {  	s10 =	sshrl.u32 s10, $0x3;
	[sflag:s23] =	ssyncset.done $0x0  }
0x3be: {  	s21 =	simm.s32 $0x11600;
	s11 =	sadd.s32 s2, s10;
	[sflag:s23] =	ssyncadd.s32 $0xFFFFE000  }
0x3bf: {  	[hbm4b:s11+s3] =	stream.linear.scatter [tilespmem:s21], [sflag:$0x5], $0x80, $0x38;
	[tilespmem:$0x19E00] =	vst v63  }
0x3c0: {  	s7 =	simm.s32 $0x11688;
	s12 =	sadd.s32 $0x10, s11  }
0x3c1: {  	[hbm4b:s12+s3] =	stream.linear.scatter [tilespmem:s7], [sflag:$0x5], $0x80, $0x38;
	[tilespmem:$0x19E00] =	vst v63  }
0x3c2: {  	s14 =	simm.s32 $0x11798;
	s13 =	sadd.s32 $0x20, s11;
	s12 =	simm.s32 $0x11710  }
0x3c3: {  	[hbm4b:s13+s3] =	stream.linear.scatter [tilespmem:s12], [sflag:$0x5], $0x80, $0x38;
	[tilespmem:$0x19E00] =	vst v63  }
0x3c4: {  	s10 =	simm.s32 $0x440;
	s15 =	sadd.s32 $0x30, s11;
	s21 =	simm.s32 $0x11820  }
0x3c5: {  	[hbm4b:s15+s3] =	stream.linear.scatter [tilespmem:s14], [sflag:$0x5], $0x80, $0x38;
	[tilespmem:$0x19E00] =	vst v63  }
0x3c6: {  	s7 =	sadd.s32 $0x40, s11;
	s13 =	simm.s32 $0x118A8;
	s12 =	simm.s32 $0x2200  }
0x3c7: {  	[hbm4b:s7+s3] =	stream.linear.scatter [tilespmem:s21], [sflag:$0x5], $0x80, $0x38;
	[tilespmem:$0x19E00] =	vst v63  }
0x3c8: {  	s14 =	sadd.s32 $0x50, s11;
	s15 =	simm.s32 $0x11930;
	s21 =	sadd.s32 $0x60, s11  }
0x3c9: {  	[hbm4b:s14+s3] =	stream.linear.scatter [tilespmem:s13], [sflag:$0x5], $0x80, $0x38;
	[tilespmem:$0x19E00] =	vst v63  }
0x3ca: {  	s13 =	simm.s32 $0x119B8;
	s14 =	sadd.s32 $0x70, s11;
	s11 =	sadd.s32 $0x1000, s11  }
0x3cb: {  	[hbm4b:s21+s3] =	stream.linear.scatter [tilespmem:s15], [sflag:$0x5], $0x80, $0x38;
	[tilespmem:$0x19E00] =	vst v63  }
.LBB2_21:
0x3cc: {  	[hbm4b:s14+s3] =	stream.linear.scatter [tilespmem:s13], [sflag:$0x5], $0x80, $0x38;
	[tilespmem:$0x19E00] =	vst v63  }
0x3cd: {  	s13 =	smov.u32 s10;
	s10 =	smov.u32 s12  }
0x3ce: {  	s15 =	sadd.s32 $0x1100, s12;
	s10 =	sshra.s32 s10, $0x2;
	s14 =	sadd.s32 $0x11600, s13  }
0x3cf: {  	[hbm4b:s11+s3] =	stream.linear.scatter [tilespmem:s14], [sflag:$0x5], $0x80, $0x38;
	[tilespmem:$0x19E00] =	vst v63  }
0x3d0: {  	p0 =	sne.s32 s12, $0x7700;
	s12 =	sadd.s32 $0x11688, s13;
	s14 =	sadd.s32 $0x10, s11  }
0x3d1: {  	[hbm4b:s14+s3] =	stream.linear.scatter [tilespmem:s12], [sflag:$0x5], $0x80, $0x38;
	[tilespmem:$0x19E00] =	vst v63  }
0x3d2: {  	s12 =	sadd.s32 $0x11710, s13;
	s14 =	sadd.s32 $0x20, s11  }
0x3d3: {  	[hbm4b:s14+s3] =	stream.linear.scatter [tilespmem:s12], [sflag:$0x5], $0x80, $0x38;
	[tilespmem:$0x19E00] =	vst v63  }
0x3d4: {  	s12 =	sadd.s32 $0x11798, s13;
	s14 =	sadd.s32 $0x30, s11  }
0x3d5: {  	[hbm4b:s14+s3] =	stream.linear.scatter [tilespmem:s12], [sflag:$0x5], $0x80, $0x38;
	[tilespmem:$0x19E00] =	vst v63  }
0x3d6: {  	s12 =	sadd.s32 $0x11820, s13;
	s14 =	sadd.s32 $0x40, s11  }
0x3d7: {  	[hbm4b:s14+s3] =	stream.linear.scatter [tilespmem:s12], [sflag:$0x5], $0x80, $0x38;
	[tilespmem:$0x19E00] =	vst v63  }
.Ltmp9:
0x3d8: {  	s12 =	sadd.s32 $0x118A8, s13;
	s14 =	sadd.s32 $0x50, s11;
	(pc) =	sbr.rel @p0 .LBB2_21-.Ltmp9, $4  }
0x3d9: {  	[hbm4b:s14+s3] =	stream.linear.scatter [tilespmem:s12], [sflag:$0x5], $0x80, $0x38;
	[tilespmem:$0x19E00] =	vst v63  }
0x3da: {  	s12 =	sadd.s32 $0x11930, s13;
	s14 =	sadd.s32 $0x60, s11;
	s13 =	sadd.s32 $0x119B8, s13  }
0x3db: {  	[hbm4b:s14+s3] =	stream.linear.scatter [tilespmem:s12], [sflag:$0x5], $0x80, $0x38;
	[tilespmem:$0x19E00] =	vst v63  }
0x3dc: {  	s14 =	sadd.s32 $0x70, s11;
	s11 =	sadd.s32 $0x1000, s11;
	s12 =	smov.u32 s15  }
0x3dd: {  	[hbm4b:s14+s3] =	stream.linear.scatter [tilespmem:s13], [sflag:$0x5], $0x80, $0x38;
	[tilespmem:$0x19E00] =	vst v63  }
0x3de: {  	s12 =	sadd.s32 $0x11600, s10  }
0x3df: {  	[hbm4b:s11+s3] =	stream.linear.scatter [tilespmem:s12], [sflag:$0x5], $0x80, $0x38;
	[tilespmem:$0x19E00] =	vst v63  }
0x3e0: {  	s14 =	sadd.s32 $0x11688, s10;
	s15 =	sadd.s32 $0x10, s11  }
0x3e1: {  	[hbm4b:s15+s3] =	stream.linear.scatter [tilespmem:s14], [sflag:$0x5], $0x80, $0x38;
	[tilespmem:$0x19E00] =	vst v63  }
0x3e2: {  	s21 =	sadd.s32 $0x11710, s10;
	s7 =	sadd.s32 $0x20, s11  }
0x3e3: {  	[hbm4b:s7+s3] =	stream.linear.scatter [tilespmem:s21], [sflag:$0x5], $0x80, $0x38;
	[tilespmem:$0x19E00] =	vst v63  }
0x3e4: {  	s14 =	sadd.s32 $0x11798, s10;
	s15 =	sadd.s32 $0x30, s11  }
0x3e5: {  	[hbm4b:s15+s3] =	stream.linear.scatter [tilespmem:s14], [sflag:$0x5], $0x80, $0x38;
	[tilespmem:$0x19E00] =	vst v63  }
0x3e6: {  	s21 =	sadd.s32 $0x11820, s10;
	s7 =	sadd.s32 $0x40, s11  }
0x3e7: {  	[hbm4b:s7+s3] =	stream.linear.scatter [tilespmem:s21], [sflag:$0x5], $0x80, $0x38;
	[tilespmem:$0x19E00] =	vst v63  }
0x3e8: {  	s13 =	sadd.s32 $0x118A8, s10;
	s14 =	sadd.s32 $0x50, s11  }
0x3e9: {  	[hbm4b:s14+s3] =	stream.linear.scatter [tilespmem:s13], [sflag:$0x5], $0x80, $0x38;
	[tilespmem:$0x19E00] =	vst v63  }
0x3ea: {  	s15 =	sadd.s32 $0x11930, s10;
	s21 =	sadd.s32 $0x60, s11;
	s13 =	sshll.u32 s16, $0x9  }
0x3eb: {  	[hbm4b:s21+s3] =	stream.linear.scatter [tilespmem:s15], [sflag:$0x5], $0x80, $0x38;
	[tilespmem:$0x19E00] =	vst v63  }
0x3ec: {  	s12 =	sadd.s32 $0x70, s11;
	s7 =	sadd.s32 $0x119B8, s10;
	s10 =	sand.u32 $0x3FFFFE00, s13  }
0x3ed: {  	[hbm4b:s12+s3] =	stream.linear.scatter [tilespmem:s7], [sflag:$0x5], $0x80, $0x38;
	[tilespmem:$0x19E00] =	vst v63  }
0x3ee: {  	s14 =	sadd.s32 $0x400, s10;
	s7 =	simm.s32 $0x9600  }
0x3ef: {  	[tilespmem:s7], [sflag:$0x1] =	stream.indirect.gather [hbm4b:s4+s17], $0x40, s14, s17, $0xb8;
	[tilespmem:$0x19E00] =	vst v63  }
0x3f0: {  	s11 =	sadd.s32 $0x5, s9;
	_ =	swait.ge [sflag:s31], $0x2000  }
0x3f1: {  	s15 =	sshll.u32 s11, $0x6;
	[sflag:s31] =	ssyncset.done $0x0  }
0x3f2: {  	s21 =	sand.u32 $0x3FFFFFC0, s15;
	[sflag:s31] =	ssyncadd.s32 $0xFFFFE000  }
0x3f3: {  	s12 =	simm.s32 $0xB680;
	s7 =	simm.s32 $0x0;
	v4 =	vld [tilespmem:s21+$0x6400]  }
0x3f4: {  	v5 =	vmov s7;
	v7 =	vld [tilespmem:s12+$0xFFFFFF80]  }
0x3f5: {  	v8 =	vand.u32 $0x7C, v5  }
0x3f6: {  	v9 =	vadd.s32 v0, v8;
	_ =	sdelay $0x2  }
0x3f7: {  	v5 =	vld [tilespmem:s21+$0x6410];
	v10 =	vadd.f32 v7, v4  }
0x3f8: {  	v6 =	vld [tilespmem:s21+$0x6420]  }
0x3f9: {  	v7 =	vld [tilespmem:s21+$0x6430];
	[tilespmem:v9+s0+$0x0] =	vst.idx.msk $0xffff, v10  }
0x3fa: {  	v9 =	vld [tilespmem:s12+$0xFFFFFF90];
	_ =	sdelay $0x1  }
0x3fb: {  	v10 =	vadd.s32 v1, v8;
	_ =	sdelay $0x2  }
0x3fc: {  	v9 =	vadd.f32 v9, v5;
	_ =	sdelay $0x1  }
0x3fd: {  	[tilespmem:v10+s0+$0x0] =	vst.idx.msk $0xffff, v9  }
0x3fe: {  	v9 =	vld [tilespmem:s12+$0xFFFFFFA0];
	_ =	sdelay $0x1  }
0x3ff: {  	v10 =	vadd.s32 v2, v8;
	_ =	sdelay $0x2  }
0x400: {  	v9 =	vadd.f32 v9, v6;
	_ =	sdelay $0x1  }
0x401: {  	[tilespmem:v10+s0+$0x0] =	vst.idx.msk $0xffff, v9  }
0x402: {  	v9 =	vld [tilespmem:s12+$0xFFFFFFB0];
	_ =	sdelay $0x1  }
0x403: {  	v8 =	vadd.s32 v3, v8;
	_ =	sdelay $0x2  }
0x404: {  	v9 =	vadd.f32 v9, v7;
	_ =	sdelay $0x1  }
0x405: {  	s14 =	simm.s32 $0x1;
	[tilespmem:v8+s0+$0x0] =	vst.idx.msk $0xffff, v9  }
0x406: {  	v8 =	vmov s14;
	v9 =	vld [tilespmem:s12+$0xFFFFFFC0]  }
0x407: {  	v8 =	vand.u32 $0x7D, v8  }
0x408: {  	v10 =	vadd.s32 v0, v8;
	_ =	sdelay $0x2  }
0x409: {  	v9 =	vadd.f32 v9, v4;
	_ =	sdelay $0x1  }
0x40a: {  	[tilespmem:v10+s0+$0x0] =	vst.idx.msk $0xffff, v9  }
0x40b: {  	v9 =	vld [tilespmem:s12+$0xFFFFFFD0];
	_ =	sdelay $0x1  }
0x40c: {  	v10 =	vadd.s32 v1, v8;
	_ =	sdelay $0x2  }
0x40d: {  	v9 =	vadd.f32 v9, v5;
	_ =	sdelay $0x1  }
0x40e: {  	[tilespmem:v10+s0+$0x0] =	vst.idx.msk $0xffff, v9  }
0x40f: {  	v9 =	vld [tilespmem:s12+$0xFFFFFFE0];
	_ =	sdelay $0x1  }
0x410: {  	v10 =	vadd.s32 v2, v8;
	_ =	sdelay $0x2  }
0x411: {  	v9 =	vadd.f32 v9, v6;
	_ =	sdelay $0x1  }
0x412: {  	[tilespmem:v10+s0+$0x0] =	vst.idx.msk $0xffff, v9  }
0x413: {  	v9 =	vld [tilespmem:s12+$0xFFFFFFF0];
	_ =	sdelay $0x1  }
0x414: {  	v8 =	vadd.s32 v3, v8;
	_ =	sdelay $0x2  }
0x415: {  	v9 =	vadd.f32 v9, v7;
	_ =	sdelay $0x1  }
0x416: {  	s15 =	simm.s32 $0x2;
	[tilespmem:v8+s0+$0x0] =	vst.idx.msk $0xffff, v9  }
0x417: {  	v8 =	vmov s15;
	v9 =	vld [tilespmem:s12+$0x0]  }
0x418: {  	v8 =	vand.u32 $0x7E, v8  }
0x419: {  	v10 =	vadd.s32 v0, v8;
	_ =	sdelay $0x2  }
0x41a: {  	v9 =	vadd.f32 v9, v4;
	_ =	sdelay $0x1  }
0x41b: {  	[tilespmem:v10+s0+$0x0] =	vst.idx.msk $0xffff, v9  }
0x41c: {  	v9 =	vld [tilespmem:s12+$0x10];
	_ =	sdelay $0x1  }
0x41d: {  	v10 =	vadd.s32 v1, v8;
	_ =	sdelay $0x2  }
0x41e: {  	v9 =	vadd.f32 v9, v5;
	_ =	sdelay $0x1  }
0x41f: {  	[tilespmem:v10+s0+$0x0] =	vst.idx.msk $0xffff, v9  }
0x420: {  	v9 =	vld [tilespmem:s12+$0x20];
	_ =	sdelay $0x1  }
0x421: {  	v10 =	vadd.s32 v2, v8;
	_ =	sdelay $0x2  }
0x422: {  	v9 =	vadd.f32 v9, v6;
	_ =	sdelay $0x1  }
0x423: {  	[tilespmem:v10+s0+$0x0] =	vst.idx.msk $0xffff, v9  }
0x424: {  	v9 =	vld [tilespmem:s12+$0x30];
	_ =	sdelay $0x1  }
0x425: {  	v8 =	vadd.s32 v3, v8;
	_ =	sdelay $0x2  }
0x426: {  	v9 =	vadd.f32 v9, v7;
	_ =	sdelay $0x1  }
0x427: {  	s21 =	simm.s32 $0x3;
	[tilespmem:v8+s0+$0x0] =	vst.idx.msk $0xffff, v9  }
0x428: {  	v8 =	vmov s21;
	v9 =	vld [tilespmem:s12+$0x40]  }
0x429: {  	v8 =	vand.u32 $0x7F, v8  }
0x42a: {  	v10 =	vadd.s32 v0, v8;
	_ =	sdelay $0x2  }
0x42b: {  	v9 =	vadd.f32 v9, v4;
	_ =	sdelay $0x1  }
0x42c: {  	[tilespmem:v10+s0+$0x0] =	vst.idx.msk $0xffff, v9  }
0x42d: {  	v9 =	vld [tilespmem:s12+$0x50];
	_ =	sdelay $0x1  }
0x42e: {  	v10 =	vadd.s32 v1, v8;
	_ =	sdelay $0x2  }
0x42f: {  	v9 =	vadd.f32 v9, v5;
	_ =	sdelay $0x1  }
0x430: {  	[tilespmem:v10+s0+$0x0] =	vst.idx.msk $0xffff, v9  }
0x431: {  	v9 =	vld [tilespmem:s12+$0x60];
	_ =	sdelay $0x1  }
0x432: {  	v10 =	vadd.s32 v2, v8;
	_ =	sdelay $0x2  }
0x433: {  	v9 =	vadd.f32 v9, v6;
	_ =	sdelay $0x1  }
0x434: {  	[tilespmem:v10+s0+$0x0] =	vst.idx.msk $0xffff, v9  }
0x435: {  	v9 =	vld [tilespmem:s12+$0x70];
	_ =	sdelay $0x1  }
0x436: {  	v8 =	vadd.s32 v3, v8;
	_ =	sdelay $0x2  }
0x437: {  	s13 =	simm.s32 $0x4;
	v9 =	vadd.f32 v9, v7  }
.LBB2_23:
0x438: {  	p0 =	slt.u32 s13, $0x7C  }
0x439: {  	s12 =	sadd.s32 $0x100, s12;
	s14 =	smov.u32 s13;
	s13 =	sadd.s32 $0x4, s13;
	[tilespmem:v8+s0+$0x0] =	vst.idx.msk $0xffff, v9  }
0x43a: {  	v8 =	vmov s14;
	v9 =	vld [tilespmem:s12+$0xFFFFFF80]  }
0x43b: {  	v8 =	vand.u32 $0x7C, v8  }
0x43c: {  	v10 =	vadd.s32 v0, v8;
	_ =	sdelay $0x2  }
0x43d: {  	v9 =	vadd.f32 v9, v4;
	_ =	sdelay $0x1  }
0x43e: {  	[tilespmem:v10+s0+$0x0] =	vst.idx.msk $0xffff, v9  }
0x43f: {  	v9 =	vld [tilespmem:s12+$0xFFFFFF90];
	_ =	sdelay $0x1  }
0x440: {  	v10 =	vadd.s32 v1, v8;
	_ =	sdelay $0x2  }
0x441: {  	v9 =	vadd.f32 v9, v5;
	_ =	sdelay $0x1  }
0x442: {  	[tilespmem:v10+s0+$0x0] =	vst.idx.msk $0xffff, v9  }
0x443: {  	v9 =	vld [tilespmem:s12+$0xFFFFFFA0];
	_ =	sdelay $0x1  }
0x444: {  	v10 =	vadd.s32 v2, v8;
	_ =	sdelay $0x2  }
0x445: {  	v9 =	vadd.f32 v9, v6;
	_ =	sdelay $0x1  }
0x446: {  	[tilespmem:v10+s0+$0x0] =	vst.idx.msk $0xffff, v9  }
0x447: {  	v9 =	vld [tilespmem:s12+$0xFFFFFFB0];
	_ =	sdelay $0x1  }
0x448: {  	v8 =	vadd.s32 v3, v8;
	_ =	sdelay $0x2  }
0x449: {  	v9 =	vadd.f32 v9, v7;
	_ =	sdelay $0x1  }
0x44a: {  	s15 =	sadd.s32 $0x1, s14;
	[tilespmem:v8+s0+$0x0] =	vst.idx.msk $0xffff, v9  }
0x44b: {  	v8 =	vmov s15;
	v9 =	vld [tilespmem:s12+$0xFFFFFFC0]  }
0x44c: {  	v8 =	vand.u32 $0x7D, v8  }
0x44d: {  	v10 =	vadd.s32 v0, v8;
	_ =	sdelay $0x2  }
0x44e: {  	v9 =	vadd.f32 v9, v4;
	_ =	sdelay $0x1  }
0x44f: {  	[tilespmem:v10+s0+$0x0] =	vst.idx.msk $0xffff, v9  }
0x450: {  	v9 =	vld [tilespmem:s12+$0xFFFFFFD0];
	_ =	sdelay $0x1  }
0x451: {  	v10 =	vadd.s32 v1, v8;
	_ =	sdelay $0x2  }
0x452: {  	v9 =	vadd.f32 v9, v5;
	_ =	sdelay $0x1  }
0x453: {  	[tilespmem:v10+s0+$0x0] =	vst.idx.msk $0xffff, v9  }
0x454: {  	v9 =	vld [tilespmem:s12+$0xFFFFFFE0];
	_ =	sdelay $0x1  }
0x455: {  	v10 =	vadd.s32 v2, v8;
	_ =	sdelay $0x2  }
0x456: {  	v9 =	vadd.f32 v9, v6;
	_ =	sdelay $0x1  }
0x457: {  	[tilespmem:v10+s0+$0x0] =	vst.idx.msk $0xffff, v9  }
0x458: {  	v9 =	vld [tilespmem:s12+$0xFFFFFFF0];
	_ =	sdelay $0x1  }
0x459: {  	v8 =	vadd.s32 v3, v8;
	_ =	sdelay $0x2  }
0x45a: {  	v9 =	vadd.f32 v9, v7;
	_ =	sdelay $0x1  }
0x45b: {  	s15 =	sadd.s32 $0x2, s14;
	[tilespmem:v8+s0+$0x0] =	vst.idx.msk $0xffff, v9  }
0x45c: {  	v8 =	vmov s15;
	v9 =	vld [tilespmem:s12+$0x0]  }
0x45d: {  	v8 =	vand.u32 $0x7E, v8  }
0x45e: {  	v10 =	vadd.s32 v0, v8;
	_ =	sdelay $0x2  }
0x45f: {  	v9 =	vadd.f32 v9, v4;
	_ =	sdelay $0x1  }
0x460: {  	[tilespmem:v10+s0+$0x0] =	vst.idx.msk $0xffff, v9  }
0x461: {  	v9 =	vld [tilespmem:s12+$0x10];
	_ =	sdelay $0x1  }
0x462: {  	v10 =	vadd.s32 v1, v8;
	_ =	sdelay $0x2  }
0x463: {  	v9 =	vadd.f32 v9, v5;
	_ =	sdelay $0x1  }
0x464: {  	[tilespmem:v10+s0+$0x0] =	vst.idx.msk $0xffff, v9  }
0x465: {  	v9 =	vld [tilespmem:s12+$0x20];
	_ =	sdelay $0x1  }
0x466: {  	v10 =	vadd.s32 v2, v8;
	_ =	sdelay $0x2  }
0x467: {  	v9 =	vadd.f32 v9, v6;
	_ =	sdelay $0x1  }
0x468: {  	[tilespmem:v10+s0+$0x0] =	vst.idx.msk $0xffff, v9  }
0x469: {  	v9 =	vld [tilespmem:s12+$0x30];
	_ =	sdelay $0x1  }
0x46a: {  	v8 =	vadd.s32 v3, v8;
	_ =	sdelay $0x2  }
0x46b: {  	v9 =	vadd.f32 v9, v7;
	_ =	sdelay $0x1  }
0x46c: {  	s14 =	sadd.s32 $0x3, s14;
	[tilespmem:v8+s0+$0x0] =	vst.idx.msk $0xffff, v9  }
0x46d: {  	v8 =	vmov s14;
	v9 =	vld [tilespmem:s12+$0x40]  }
0x46e: {  	v8 =	vand.u32 $0x7F, v8  }
0x46f: {  	v10 =	vadd.s32 v0, v8;
	_ =	sdelay $0x2  }
0x470: {  	v9 =	vadd.f32 v9, v4;
	_ =	sdelay $0x1  }
0x471: {  	[tilespmem:v10+s0+$0x0] =	vst.idx.msk $0xffff, v9  }
0x472: {  	v9 =	vld [tilespmem:s12+$0x50];
	_ =	sdelay $0x1  }
0x473: {  	v10 =	vadd.s32 v1, v8;
	_ =	sdelay $0x2  }
0x474: {  	v9 =	vadd.f32 v9, v5;
	_ =	sdelay $0x1  }
0x475: {  	[tilespmem:v10+s0+$0x0] =	vst.idx.msk $0xffff, v9  }
0x476: {  	v9 =	vld [tilespmem:s12+$0x60];
	_ =	sdelay $0x1  }
0x477: {  	v10 =	vadd.s32 v2, v8;
	_ =	sdelay $0x2  }
0x478: {  	v9 =	vadd.f32 v9, v6;
	_ =	sdelay $0x1  }
0x479: {  	[tilespmem:v10+s0+$0x0] =	vst.idx.msk $0xffff, v9  }
0x47a: {  	v9 =	vld [tilespmem:s12+$0x70]  }
.Ltmp10:
0x47b: {  	(pc) =	sbr.rel @p0 .LBB2_23-.Ltmp10, $2  }
0x47c: {  	v8 =	vadd.s32 v3, v8;
	_ =	sdelay $0x2  }
0x47d: {  	v9 =	vadd.f32 v9, v7  }
0x47e: {  	_ =	sdelay $0x3  }
0x47f: {  	s11 =	sshll.u32 s11, $0x12;
	[tilespmem:v8+s0+$0x0] =	vst.idx.msk $0xffff, v9  }
0x480: {  	s11 =	sor.u32 s8, s11;
	_ =	swait.ge [sflag:s1], $0x2000  }
0x481: {  	s11 =	sshrl.u32 s11, $0x3;
	[sflag:s1] =	ssyncset.done $0x0  }
0x482: {  	s14 =	simm.s32 $0x13800;
	s12 =	sadd.s32 s2, s11;
	[sflag:s1] =	ssyncadd.s32 $0xFFFFE000  }
0x483: {  	[hbm4b:s12+s3] =	stream.linear.scatter [tilespmem:s14], [sflag:$0x6], $0x80, $0x38;
	[tilespmem:$0x19E00] =	vst v63  }
0x484: {  	s15 =	simm.s32 $0x13888;
	s13 =	sadd.s32 $0x10, s12  }
0x485: {  	[hbm4b:s13+s3] =	stream.linear.scatter [tilespmem:s15], [sflag:$0x6], $0x80, $0x38;
	[tilespmem:$0x19E00] =	vst v63  }
0x486: {  	s21 =	simm.s32 $0x13910;
	s7 =	sadd.s32 $0x20, s12  }
0x487: {  	[hbm4b:s7+s3] =	stream.linear.scatter [tilespmem:s21], [sflag:$0x6], $0x80, $0x38;
	[tilespmem:$0x19E00] =	vst v63  }
0x488: {  	s14 =	simm.s32 $0x13998;
	s15 =	sadd.s32 $0x30, s12  }
0x489: {  	[hbm4b:s15+s3] =	stream.linear.scatter [tilespmem:s14], [sflag:$0x6], $0x80, $0x38;
	[tilespmem:$0x19E00] =	vst v63  }
0x48a: {  	s21 =	simm.s32 $0x13A20;
	s7 =	sadd.s32 $0x40, s12  }
0x48b: {  	[hbm4b:s7+s3] =	stream.linear.scatter [tilespmem:s21], [sflag:$0x6], $0x80, $0x38;
	[tilespmem:$0x19E00] =	vst v63  }
0x48c: {  	s11 =	simm.s32 $0x440;
	s13 =	simm.s32 $0x13AA8;
	s14 =	sadd.s32 $0x50, s12  }
0x48d: {  	[hbm4b:s14+s3] =	stream.linear.scatter [tilespmem:s13], [sflag:$0x6], $0x80, $0x38;
	[tilespmem:$0x19E00] =	vst v63  }
0x48e: {  	s15 =	simm.s32 $0x13B30;
	s21 =	sadd.s32 $0x60, s12;
	s13 =	simm.s32 $0x2200  }
0x48f: {  	[hbm4b:s21+s3] =	stream.linear.scatter [tilespmem:s15], [sflag:$0x6], $0x80, $0x38;
	[tilespmem:$0x19E00] =	vst v63  }
0x490: {  	s14 =	simm.s32 $0x13BB8;
	s15 =	sadd.s32 $0x70, s12;
	s12 =	sadd.s32 $0x1000, s12  }
.LBB2_25:
0x491: {  	[hbm4b:s15+s3] =	stream.linear.scatter [tilespmem:s14], [sflag:$0x6], $0x80, $0x38;
	[tilespmem:$0x19E00] =	vst v63  }
0x492: {  	s14 =	smov.u32 s11;
	s11 =	smov.u32 s13  }
0x493: {  	s7 =	sadd.s32 $0x1100, s13;
	s11 =	sshra.s32 s11, $0x2;
	s15 =	sadd.s32 $0x13800, s14  }
0x494: {  	[hbm4b:s12+s3] =	stream.linear.scatter [tilespmem:s15], [sflag:$0x6], $0x80, $0x38;
	[tilespmem:$0x19E00] =	vst v63  }
0x495: {  	p0 =	sne.s32 s13, $0x7700;
	s13 =	sadd.s32 $0x13888, s14;
	s15 =	sadd.s32 $0x10, s12  }
0x496: {  	[hbm4b:s15+s3] =	stream.linear.scatter [tilespmem:s13], [sflag:$0x6], $0x80, $0x38;
	[tilespmem:$0x19E00] =	vst v63  }
0x497: {  	s13 =	sadd.s32 $0x13910, s14;
	s15 =	sadd.s32 $0x20, s12  }
0x498: {  	[hbm4b:s15+s3] =	stream.linear.scatter [tilespmem:s13], [sflag:$0x6], $0x80, $0x38;
	[tilespmem:$0x19E00] =	vst v63  }
0x499: {  	s13 =	sadd.s32 $0x13998, s14;
	s15 =	sadd.s32 $0x30, s12  }
0x49a: {  	[hbm4b:s15+s3] =	stream.linear.scatter [tilespmem:s13], [sflag:$0x6], $0x80, $0x38;
	[tilespmem:$0x19E00] =	vst v63  }
0x49b: {  	s13 =	sadd.s32 $0x13A20, s14;
	s15 =	sadd.s32 $0x40, s12  }
0x49c: {  	[hbm4b:s15+s3] =	stream.linear.scatter [tilespmem:s13], [sflag:$0x6], $0x80, $0x38;
	[tilespmem:$0x19E00] =	vst v63  }
.Ltmp11:
0x49d: {  	s13 =	sadd.s32 $0x13AA8, s14;
	s15 =	sadd.s32 $0x50, s12;
	(pc) =	sbr.rel @p0 .LBB2_25-.Ltmp11, $4  }
0x49e: {  	[hbm4b:s15+s3] =	stream.linear.scatter [tilespmem:s13], [sflag:$0x6], $0x80, $0x38;
	[tilespmem:$0x19E00] =	vst v63  }
0x49f: {  	s13 =	sadd.s32 $0x13B30, s14;
	s15 =	sadd.s32 $0x60, s12;
	s14 =	sadd.s32 $0x13BB8, s14  }
0x4a0: {  	[hbm4b:s15+s3] =	stream.linear.scatter [tilespmem:s13], [sflag:$0x6], $0x80, $0x38;
	[tilespmem:$0x19E00] =	vst v63  }
0x4a1: {  	s15 =	sadd.s32 $0x70, s12;
	s12 =	sadd.s32 $0x1000, s12;
	s13 =	smov.u32 s7  }
0x4a2: {  	[hbm4b:s15+s3] =	stream.linear.scatter [tilespmem:s14], [sflag:$0x6], $0x80, $0x38;
	[tilespmem:$0x19E00] =	vst v63  }
0x4a3: {  	s7 =	sadd.s32 $0x13800, s11  }
0x4a4: {  	[hbm4b:s12+s3] =	stream.linear.scatter [tilespmem:s7], [sflag:$0x6], $0x80, $0x38;
	[tilespmem:$0x19E00] =	vst v63  }
0x4a5: {  	s14 =	sadd.s32 $0x13888, s11;
	s13 =	sadd.s32 $0x10, s12  }
0x4a6: {  	[hbm4b:s13+s3] =	stream.linear.scatter [tilespmem:s14], [sflag:$0x6], $0x80, $0x38;
	[tilespmem:$0x19E00] =	vst v63  }
0x4a7: {  	s15 =	sadd.s32 $0x13910, s11;
	s21 =	sadd.s32 $0x20, s12  }
0x4a8: {  	[hbm4b:s21+s3] =	stream.linear.scatter [tilespmem:s15], [sflag:$0x6], $0x80, $0x38;
	[tilespmem:$0x19E00] =	vst v63  }
0x4a9: {  	s13 =	sadd.s32 $0x13998, s11;
	s14 =	sadd.s32 $0x30, s12  }
0x4aa: {  	[hbm4b:s14+s3] =	stream.linear.scatter [tilespmem:s13], [sflag:$0x6], $0x80, $0x38;
	[tilespmem:$0x19E00] =	vst v63  }
0x4ab: {  	s15 =	sadd.s32 $0x13A20, s11;
	s21 =	sadd.s32 $0x40, s12  }
0x4ac: {  	[hbm4b:s21+s3] =	stream.linear.scatter [tilespmem:s15], [sflag:$0x6], $0x80, $0x38;
	[tilespmem:$0x19E00] =	vst v63  }
0x4ad: {  	s13 =	sadd.s32 $0x13AA8, s11;
	s14 =	sadd.s32 $0x50, s12  }
0x4ae: {  	[hbm4b:s14+s3] =	stream.linear.scatter [tilespmem:s13], [sflag:$0x6], $0x80, $0x38;
	[tilespmem:$0x19E00] =	vst v63  }
0x4af: {  	s15 =	sadd.s32 $0x13B30, s11;
	s21 =	sadd.s32 $0x60, s12  }
0x4b0: {  	[hbm4b:s21+s3] =	stream.linear.scatter [tilespmem:s15], [sflag:$0x6], $0x80, $0x38;
	[tilespmem:$0x19E00] =	vst v63  }
0x4b1: {  	s11 =	sadd.s32 $0x13BB8, s11;
	s13 =	sadd.s32 $0x70, s12  }
0x4b2: {  	[hbm4b:s13+s3] =	stream.linear.scatter [tilespmem:s11], [sflag:$0x6], $0x80, $0x38;
	[tilespmem:$0x19E00] =	vst v63  }
0x4b3: {  	s14 =	sadd.s32 $0x480, s10  }
0x4b4: {  	[tilespmem:s22], [sflag:$0x2] =	stream.indirect.gather [hbm4b:s4+s17], $0x40, s14, s17, $0xb8;
	[tilespmem:$0x19E00] =	vst v63  }
0x4b5: {  	s11 =	sadd.s32 $0x6, s9;
	_ =	swait.ge [sflag:s18], $0x2000  }
0x4b6: {  	s15 =	sshll.u32 s11, $0x6;
	[sflag:s18] =	ssyncset.done $0x0  }
0x4b7: {  	s7 =	sand.u32 $0x3FFFFFC0, s15;
	[sflag:s18] =	ssyncadd.s32 $0xFFFFE000  }
0x4b8: {  	s12 =	simm.s32 $0xD680;
	s21 =	simm.s32 $0x0;
	v4 =	vld [tilespmem:s7+$0x6400]  }
0x4b9: {  	v5 =	vmov s21;
	v7 =	vld [tilespmem:s12+$0xFFFFFF80]  }
0x4ba: {  	v8 =	vand.u32 $0x7C, v5  }
0x4bb: {  	v9 =	vadd.s32 v0, v8;
	_ =	sdelay $0x2  }
0x4bc: {  	v5 =	vld [tilespmem:s7+$0x6410];
	v10 =	vadd.f32 v7, v4  }
0x4bd: {  	v6 =	vld [tilespmem:s7+$0x6420]  }
0x4be: {  	v7 =	vld [tilespmem:s7+$0x6430];
	[tilespmem:v9+s20+$0x0] =	vst.idx.msk $0xffff, v10  }
0x4bf: {  	v9 =	vld [tilespmem:s12+$0xFFFFFF90];
	_ =	sdelay $0x1  }
0x4c0: {  	v10 =	vadd.s32 v1, v8;
	_ =	sdelay $0x2  }
0x4c1: {  	v9 =	vadd.f32 v9, v5;
	_ =	sdelay $0x1  }
0x4c2: {  	[tilespmem:v10+s20+$0x0] =	vst.idx.msk $0xffff, v9  }
0x4c3: {  	v9 =	vld [tilespmem:s12+$0xFFFFFFA0];
	_ =	sdelay $0x1  }
0x4c4: {  	v10 =	vadd.s32 v2, v8;
	_ =	sdelay $0x2  }
0x4c5: {  	v9 =	vadd.f32 v9, v6;
	_ =	sdelay $0x1  }
0x4c6: {  	[tilespmem:v10+s20+$0x0] =	vst.idx.msk $0xffff, v9  }
0x4c7: {  	v9 =	vld [tilespmem:s12+$0xFFFFFFB0];
	_ =	sdelay $0x1  }
0x4c8: {  	v8 =	vadd.s32 v3, v8;
	_ =	sdelay $0x2  }
0x4c9: {  	v9 =	vadd.f32 v9, v7;
	_ =	sdelay $0x1  }
0x4ca: {  	s14 =	simm.s32 $0x1;
	[tilespmem:v8+s20+$0x0] =	vst.idx.msk $0xffff, v9  }
0x4cb: {  	v8 =	vmov s14;
	v9 =	vld [tilespmem:s12+$0xFFFFFFC0]  }
0x4cc: {  	v8 =	vand.u32 $0x7D, v8  }
0x4cd: {  	v10 =	vadd.s32 v0, v8;
	_ =	sdelay $0x2  }
0x4ce: {  	v9 =	vadd.f32 v9, v4;
	_ =	sdelay $0x1  }
0x4cf: {  	[tilespmem:v10+s20+$0x0] =	vst.idx.msk $0xffff, v9  }
0x4d0: {  	v9 =	vld [tilespmem:s12+$0xFFFFFFD0];
	_ =	sdelay $0x1  }
0x4d1: {  	v10 =	vadd.s32 v1, v8;
	_ =	sdelay $0x2  }
0x4d2: {  	v9 =	vadd.f32 v9, v5;
	_ =	sdelay $0x1  }
0x4d3: {  	[tilespmem:v10+s20+$0x0] =	vst.idx.msk $0xffff, v9  }
0x4d4: {  	v9 =	vld [tilespmem:s12+$0xFFFFFFE0];
	_ =	sdelay $0x1  }
0x4d5: {  	v10 =	vadd.s32 v2, v8;
	_ =	sdelay $0x2  }
0x4d6: {  	v9 =	vadd.f32 v9, v6;
	_ =	sdelay $0x1  }
0x4d7: {  	[tilespmem:v10+s20+$0x0] =	vst.idx.msk $0xffff, v9  }
0x4d8: {  	v9 =	vld [tilespmem:s12+$0xFFFFFFF0];
	_ =	sdelay $0x1  }
0x4d9: {  	v8 =	vadd.s32 v3, v8;
	_ =	sdelay $0x2  }
0x4da: {  	v9 =	vadd.f32 v9, v7;
	_ =	sdelay $0x1  }
0x4db: {  	s15 =	simm.s32 $0x2;
	[tilespmem:v8+s20+$0x0] =	vst.idx.msk $0xffff, v9  }
0x4dc: {  	v8 =	vmov s15;
	v9 =	vld [tilespmem:s12+$0x0]  }
0x4dd: {  	v8 =	vand.u32 $0x7E, v8  }
0x4de: {  	v10 =	vadd.s32 v0, v8;
	_ =	sdelay $0x2  }
0x4df: {  	v9 =	vadd.f32 v9, v4;
	_ =	sdelay $0x1  }
0x4e0: {  	[tilespmem:v10+s20+$0x0] =	vst.idx.msk $0xffff, v9  }
0x4e1: {  	v9 =	vld [tilespmem:s12+$0x10];
	_ =	sdelay $0x1  }
0x4e2: {  	v10 =	vadd.s32 v1, v8;
	_ =	sdelay $0x2  }
0x4e3: {  	v9 =	vadd.f32 v9, v5;
	_ =	sdelay $0x1  }
0x4e4: {  	[tilespmem:v10+s20+$0x0] =	vst.idx.msk $0xffff, v9  }
0x4e5: {  	v9 =	vld [tilespmem:s12+$0x20];
	_ =	sdelay $0x1  }
0x4e6: {  	v10 =	vadd.s32 v2, v8;
	_ =	sdelay $0x2  }
0x4e7: {  	v9 =	vadd.f32 v9, v6;
	_ =	sdelay $0x1  }
0x4e8: {  	[tilespmem:v10+s20+$0x0] =	vst.idx.msk $0xffff, v9  }
0x4e9: {  	v9 =	vld [tilespmem:s12+$0x30];
	_ =	sdelay $0x1  }
0x4ea: {  	v8 =	vadd.s32 v3, v8;
	_ =	sdelay $0x2  }
0x4eb: {  	v9 =	vadd.f32 v9, v7;
	_ =	sdelay $0x1  }
0x4ec: {  	s21 =	simm.s32 $0x3;
	[tilespmem:v8+s20+$0x0] =	vst.idx.msk $0xffff, v9  }
0x4ed: {  	v8 =	vmov s21;
	v9 =	vld [tilespmem:s12+$0x40]  }
0x4ee: {  	v8 =	vand.u32 $0x7F, v8  }
0x4ef: {  	v10 =	vadd.s32 v0, v8;
	_ =	sdelay $0x2  }
0x4f0: {  	v9 =	vadd.f32 v9, v4;
	_ =	sdelay $0x1  }
0x4f1: {  	[tilespmem:v10+s20+$0x0] =	vst.idx.msk $0xffff, v9  }
0x4f2: {  	v9 =	vld [tilespmem:s12+$0x50];
	_ =	sdelay $0x1  }
0x4f3: {  	v10 =	vadd.s32 v1, v8;
	_ =	sdelay $0x2  }
0x4f4: {  	v9 =	vadd.f32 v9, v5;
	_ =	sdelay $0x1  }
0x4f5: {  	[tilespmem:v10+s20+$0x0] =	vst.idx.msk $0xffff, v9  }
0x4f6: {  	v9 =	vld [tilespmem:s12+$0x60];
	_ =	sdelay $0x1  }
0x4f7: {  	v10 =	vadd.s32 v2, v8;
	_ =	sdelay $0x2  }
0x4f8: {  	v9 =	vadd.f32 v9, v6;
	_ =	sdelay $0x1  }
0x4f9: {  	[tilespmem:v10+s20+$0x0] =	vst.idx.msk $0xffff, v9  }
0x4fa: {  	v9 =	vld [tilespmem:s12+$0x70];
	_ =	sdelay $0x1  }
0x4fb: {  	v8 =	vadd.s32 v3, v8;
	_ =	sdelay $0x2  }
0x4fc: {  	s13 =	simm.s32 $0x4;
	v9 =	vadd.f32 v9, v7  }
.LBB2_27:
0x4fd: {  	p0 =	slt.u32 s13, $0x7C  }
0x4fe: {  	s12 =	sadd.s32 $0x100, s12;
	s14 =	smov.u32 s13;
	s13 =	sadd.s32 $0x4, s13;
	[tilespmem:v8+s20+$0x0] =	vst.idx.msk $0xffff, v9  }
0x4ff: {  	v8 =	vmov s14;
	v9 =	vld [tilespmem:s12+$0xFFFFFF80]  }
0x500: {  	v8 =	vand.u32 $0x7C, v8  }
0x501: {  	v10 =	vadd.s32 v0, v8;
	_ =	sdelay $0x2  }
0x502: {  	v9 =	vadd.f32 v9, v4;
	_ =	sdelay $0x1  }
0x503: {  	[tilespmem:v10+s20+$0x0] =	vst.idx.msk $0xffff, v9  }
0x504: {  	v9 =	vld [tilespmem:s12+$0xFFFFFF90];
	_ =	sdelay $0x1  }
0x505: {  	v10 =	vadd.s32 v1, v8;
	_ =	sdelay $0x2  }
0x506: {  	v9 =	vadd.f32 v9, v5;
	_ =	sdelay $0x1  }
0x507: {  	[tilespmem:v10+s20+$0x0] =	vst.idx.msk $0xffff, v9  }
0x508: {  	v9 =	vld [tilespmem:s12+$0xFFFFFFA0];
	_ =	sdelay $0x1  }
0x509: {  	v10 =	vadd.s32 v2, v8;
	_ =	sdelay $0x2  }
0x50a: {  	v9 =	vadd.f32 v9, v6;
	_ =	sdelay $0x1  }
0x50b: {  	[tilespmem:v10+s20+$0x0] =	vst.idx.msk $0xffff, v9  }
0x50c: {  	v9 =	vld [tilespmem:s12+$0xFFFFFFB0];
	_ =	sdelay $0x1  }
0x50d: {  	v8 =	vadd.s32 v3, v8;
	_ =	sdelay $0x2  }
0x50e: {  	v9 =	vadd.f32 v9, v7;
	_ =	sdelay $0x1  }
0x50f: {  	s7 =	sadd.s32 $0x1, s14;
	[tilespmem:v8+s20+$0x0] =	vst.idx.msk $0xffff, v9  }
0x510: {  	v8 =	vmov s7;
	v9 =	vld [tilespmem:s12+$0xFFFFFFC0]  }
0x511: {  	v8 =	vand.u32 $0x7D, v8  }
0x512: {  	v10 =	vadd.s32 v0, v8;
	_ =	sdelay $0x2  }
0x513: {  	v9 =	vadd.f32 v9, v4;
	_ =	sdelay $0x1  }
0x514: {  	[tilespmem:v10+s20+$0x0] =	vst.idx.msk $0xffff, v9  }
0x515: {  	v9 =	vld [tilespmem:s12+$0xFFFFFFD0];
	_ =	sdelay $0x1  }
0x516: {  	v10 =	vadd.s32 v1, v8;
	_ =	sdelay $0x2  }
0x517: {  	v9 =	vadd.f32 v9, v5;
	_ =	sdelay $0x1  }
0x518: {  	[tilespmem:v10+s20+$0x0] =	vst.idx.msk $0xffff, v9  }
0x519: {  	v9 =	vld [tilespmem:s12+$0xFFFFFFE0];
	_ =	sdelay $0x1  }
0x51a: {  	v10 =	vadd.s32 v2, v8;
	_ =	sdelay $0x2  }
0x51b: {  	v9 =	vadd.f32 v9, v6;
	_ =	sdelay $0x1  }
0x51c: {  	[tilespmem:v10+s20+$0x0] =	vst.idx.msk $0xffff, v9  }
0x51d: {  	v9 =	vld [tilespmem:s12+$0xFFFFFFF0];
	_ =	sdelay $0x1  }
0x51e: {  	v8 =	vadd.s32 v3, v8;
	_ =	sdelay $0x2  }
0x51f: {  	v9 =	vadd.f32 v9, v7;
	_ =	sdelay $0x1  }
0x520: {  	s7 =	sadd.s32 $0x2, s14;
	[tilespmem:v8+s20+$0x0] =	vst.idx.msk $0xffff, v9  }
0x521: {  	v8 =	vmov s7;
	v9 =	vld [tilespmem:s12+$0x0]  }
0x522: {  	v8 =	vand.u32 $0x7E, v8  }
0x523: {  	v10 =	vadd.s32 v0, v8;
	_ =	sdelay $0x2  }
0x524: {  	v9 =	vadd.f32 v9, v4;
	_ =	sdelay $0x1  }
0x525: {  	[tilespmem:v10+s20+$0x0] =	vst.idx.msk $0xffff, v9  }
0x526: {  	v9 =	vld [tilespmem:s12+$0x10];
	_ =	sdelay $0x1  }
0x527: {  	v10 =	vadd.s32 v1, v8;
	_ =	sdelay $0x2  }
0x528: {  	v9 =	vadd.f32 v9, v5;
	_ =	sdelay $0x1  }
0x529: {  	[tilespmem:v10+s20+$0x0] =	vst.idx.msk $0xffff, v9  }
0x52a: {  	v9 =	vld [tilespmem:s12+$0x20];
	_ =	sdelay $0x1  }
0x52b: {  	v10 =	vadd.s32 v2, v8;
	_ =	sdelay $0x2  }
0x52c: {  	v9 =	vadd.f32 v9, v6;
	_ =	sdelay $0x1  }
0x52d: {  	[tilespmem:v10+s20+$0x0] =	vst.idx.msk $0xffff, v9  }
0x52e: {  	v9 =	vld [tilespmem:s12+$0x30];
	_ =	sdelay $0x1  }
0x52f: {  	v8 =	vadd.s32 v3, v8;
	_ =	sdelay $0x2  }
0x530: {  	v9 =	vadd.f32 v9, v7;
	_ =	sdelay $0x1  }
0x531: {  	s7 =	sadd.s32 $0x3, s14;
	[tilespmem:v8+s20+$0x0] =	vst.idx.msk $0xffff, v9  }
0x532: {  	v8 =	vmov s7;
	v9 =	vld [tilespmem:s12+$0x40]  }
0x533: {  	v8 =	vand.u32 $0x7F, v8  }
0x534: {  	v10 =	vadd.s32 v0, v8;
	_ =	sdelay $0x2  }
0x535: {  	v9 =	vadd.f32 v9, v4;
	_ =	sdelay $0x1  }
0x536: {  	[tilespmem:v10+s20+$0x0] =	vst.idx.msk $0xffff, v9  }
0x537: {  	v9 =	vld [tilespmem:s12+$0x50];
	_ =	sdelay $0x1  }
0x538: {  	v10 =	vadd.s32 v1, v8;
	_ =	sdelay $0x2  }
0x539: {  	v9 =	vadd.f32 v9, v5;
	_ =	sdelay $0x1  }
0x53a: {  	[tilespmem:v10+s20+$0x0] =	vst.idx.msk $0xffff, v9  }
0x53b: {  	v9 =	vld [tilespmem:s12+$0x60];
	_ =	sdelay $0x1  }
0x53c: {  	v10 =	vadd.s32 v2, v8;
	_ =	sdelay $0x2  }
0x53d: {  	v9 =	vadd.f32 v9, v6;
	_ =	sdelay $0x1  }
0x53e: {  	[tilespmem:v10+s20+$0x0] =	vst.idx.msk $0xffff, v9  }
0x53f: {  	v9 =	vld [tilespmem:s12+$0x70]  }
.Ltmp12:
0x540: {  	(pc) =	sbr.rel @p0 .LBB2_27-.Ltmp12, $2  }
0x541: {  	v8 =	vadd.s32 v3, v8;
	_ =	sdelay $0x2  }
0x542: {  	v9 =	vadd.f32 v9, v7  }
0x543: {  	_ =	sdelay $0x3  }
0x544: {  	s7 =	sshll.u32 s11, $0x12;
	[tilespmem:v8+s20+$0x0] =	vst.idx.msk $0xffff, v9  }
0x545: {  	s7 =	sor.u32 s8, s7;
	_ =	swait.ge [sflag:s5], $0x2000  }
0x546: {  	s7 =	sshrl.u32 s7, $0x3;
	[sflag:s5] =	ssyncset.done $0x0  }
0x547: {  	s13 =	simm.s32 $0x15A00;
	s7 =	sadd.s32 s2, s7;
	[sflag:s5] =	ssyncadd.s32 $0xFFFFE000  }
0x548: {  	[hbm4b:s7+s3] =	stream.linear.scatter [tilespmem:s13], [sflag:$0x7], $0x80, $0x38;
	[tilespmem:$0x19E00] =	vst v63  }
0x549: {  	s14 =	simm.s32 $0x15A88;
	s12 =	sadd.s32 $0x10, s7  }
0x54a: {  	[hbm4b:s12+s3] =	stream.linear.scatter [tilespmem:s14], [sflag:$0x7], $0x80, $0x38;
	[tilespmem:$0x19E00] =	vst v63  }
0x54b: {  	s15 =	simm.s32 $0x15B10;
	s21 =	sadd.s32 $0x20, s7  }
0x54c: {  	[hbm4b:s21+s3] =	stream.linear.scatter [tilespmem:s15], [sflag:$0x7], $0x80, $0x38;
	[tilespmem:$0x19E00] =	vst v63  }
0x54d: {  	s13 =	simm.s32 $0x15B98;
	s14 =	sadd.s32 $0x30, s7  }
0x54e: {  	[hbm4b:s14+s3] =	stream.linear.scatter [tilespmem:s13], [sflag:$0x7], $0x80, $0x38;
	[tilespmem:$0x19E00] =	vst v63  }
0x54f: {  	s15 =	simm.s32 $0x15C20;
	s21 =	sadd.s32 $0x40, s7  }
0x550: {  	[hbm4b:s21+s3] =	stream.linear.scatter [tilespmem:s15], [sflag:$0x7], $0x80, $0x38;
	[tilespmem:$0x19E00] =	vst v63  }
0x551: {  	s11 =	simm.s32 $0x440;
	s13 =	simm.s32 $0x15CA8;
	s14 =	sadd.s32 $0x50, s7  }
0x552: {  	[hbm4b:s14+s3] =	stream.linear.scatter [tilespmem:s13], [sflag:$0x7], $0x80, $0x38;
	[tilespmem:$0x19E00] =	vst v63  }
0x553: {  	s12 =	sadd.s32 $0x1000, s7;
	s15 =	simm.s32 $0x15D30;
	s21 =	sadd.s32 $0x60, s7  }
0x554: {  	[hbm4b:s21+s3] =	stream.linear.scatter [tilespmem:s15], [sflag:$0x7], $0x80, $0x38;
	[tilespmem:$0x19E00] =	vst v63  }
0x555: {  	s13 =	simm.s32 $0x2200;
	s14 =	simm.s32 $0x15DB8;
	s15 =	sadd.s32 $0x70, s7  }
.LBB2_29:
0x556: {  	[hbm4b:s15+s3] =	stream.linear.scatter [tilespmem:s14], [sflag:$0x7], $0x80, $0x38;
	[tilespmem:$0x19E00] =	vst v63  }
0x557: {  	s7 =	smov.u32 s11;
	s11 =	smov.u32 s13  }
0x558: {  	s21 =	sadd.s32 $0x1100, s13;
	s11 =	sshra.s32 s11, $0x2;
	s14 =	sadd.s32 $0x15A00, s7  }
0x559: {  	[hbm4b:s12+s3] =	stream.linear.scatter [tilespmem:s14], [sflag:$0x7], $0x80, $0x38;
	[tilespmem:$0x19E00] =	vst v63  }
0x55a: {  	p0 =	sne.s32 s13, $0x7700;
	s13 =	sadd.s32 $0x15A88, s7;
	s14 =	sadd.s32 $0x10, s12  }
0x55b: {  	[hbm4b:s14+s3] =	stream.linear.scatter [tilespmem:s13], [sflag:$0x7], $0x80, $0x38;
	[tilespmem:$0x19E00] =	vst v63  }
0x55c: {  	s13 =	sadd.s32 $0x15B10, s7;
	s14 =	sadd.s32 $0x20, s12  }
0x55d: {  	[hbm4b:s14+s3] =	stream.linear.scatter [tilespmem:s13], [sflag:$0x7], $0x80, $0x38;
	[tilespmem:$0x19E00] =	vst v63  }
0x55e: {  	s13 =	sadd.s32 $0x15B98, s7;
	s14 =	sadd.s32 $0x30, s12  }
0x55f: {  	[hbm4b:s14+s3] =	stream.linear.scatter [tilespmem:s13], [sflag:$0x7], $0x80, $0x38;
	[tilespmem:$0x19E00] =	vst v63  }
0x560: {  	s13 =	sadd.s32 $0x15C20, s7;
	s14 =	sadd.s32 $0x40, s12  }
0x561: {  	[hbm4b:s14+s3] =	stream.linear.scatter [tilespmem:s13], [sflag:$0x7], $0x80, $0x38;
	[tilespmem:$0x19E00] =	vst v63  }
.Ltmp13:
0x562: {  	s13 =	sadd.s32 $0x15CA8, s7;
	s14 =	sadd.s32 $0x50, s12;
	(pc) =	sbr.rel @p0 .LBB2_29-.Ltmp13, $4  }
0x563: {  	[hbm4b:s14+s3] =	stream.linear.scatter [tilespmem:s13], [sflag:$0x7], $0x80, $0x38;
	[tilespmem:$0x19E00] =	vst v63  }
0x564: {  	s15 =	sadd.s32 $0x70, s12;
	s13 =	sadd.s32 $0x15D30, s7;
	s14 =	sadd.s32 $0x60, s12  }
0x565: {  	[hbm4b:s14+s3] =	stream.linear.scatter [tilespmem:s13], [sflag:$0x7], $0x80, $0x38;
	[tilespmem:$0x19E00] =	vst v63  }
0x566: {  	s12 =	sadd.s32 $0x1000, s12;
	s14 =	sadd.s32 $0x15DB8, s7;
	s13 =	smov.u32 s21  }
0x567: {  	[hbm4b:s15+s3] =	stream.linear.scatter [tilespmem:s14], [sflag:$0x7], $0x80, $0x38;
	[tilespmem:$0x19E00] =	vst v63  }
0x568: {  	s7 =	sadd.s32 $0x15A00, s11  }
0x569: {  	[hbm4b:s12+s3] =	stream.linear.scatter [tilespmem:s7], [sflag:$0x7], $0x80, $0x38;
	[tilespmem:$0x19E00] =	vst v63  }
0x56a: {  	s21 =	sadd.s32 $0x15A88, s11;
	s13 =	sadd.s32 $0x10, s12  }
0x56b: {  	[hbm4b:s13+s3] =	stream.linear.scatter [tilespmem:s21], [sflag:$0x7], $0x80, $0x38;
	[tilespmem:$0x19E00] =	vst v63  }
0x56c: {  	s14 =	sadd.s32 $0x20, s12;
	s13 =	sadd.s32 $0x15B10, s11  }
0x56d: {  	[hbm4b:s14+s3] =	stream.linear.scatter [tilespmem:s13], [sflag:$0x7], $0x80, $0x38;
	[tilespmem:$0x19E00] =	vst v63  }
0x56e: {  	s15 =	sadd.s32 $0x15B98, s11;
	s21 =	sadd.s32 $0x30, s12  }
0x56f: {  	[hbm4b:s21+s3] =	stream.linear.scatter [tilespmem:s15], [sflag:$0x7], $0x80, $0x38;
	[tilespmem:$0x19E00] =	vst v63  }
0x570: {  	s13 =	sadd.s32 $0x15C20, s11;
	s14 =	sadd.s32 $0x40, s12  }
0x571: {  	[hbm4b:s14+s3] =	stream.linear.scatter [tilespmem:s13], [sflag:$0x7], $0x80, $0x38;
	[tilespmem:$0x19E00] =	vst v63  }
0x572: {  	s15 =	sadd.s32 $0x15CA8, s11;
	s21 =	sadd.s32 $0x50, s12  }
0x573: {  	[hbm4b:s21+s3] =	stream.linear.scatter [tilespmem:s15], [sflag:$0x7], $0x80, $0x38;
	[tilespmem:$0x19E00] =	vst v63  }
0x574: {  	s13 =	sadd.s32 $0x15D30, s11;
	s14 =	sadd.s32 $0x60, s12  }
0x575: {  	[hbm4b:s14+s3] =	stream.linear.scatter [tilespmem:s13], [sflag:$0x7], $0x80, $0x38;
	[tilespmem:$0x19E00] =	vst v63  }
0x576: {  	s15 =	sadd.s32 $0x15DB8, s11;
	s21 =	sadd.s32 $0x70, s12  }
0x577: {  	[hbm4b:s21+s3] =	stream.linear.scatter [tilespmem:s15], [sflag:$0x7], $0x80, $0x38;
	[tilespmem:$0x19E00] =	vst v63  }
0x578: {  	s11 =	sadd.s32 $0x500, s10  }
0x579: {  	[tilespmem:s24], [sflag:$0x3] =	stream.indirect.gather [hbm4b:s4+s17], $0x40, s11, s17, $0xb8;
	[tilespmem:$0x19E00] =	vst v63  }
0x57a: {  	s9 =	sadd.s32 $0x7, s9;
	_ =	swait.ge [sflag:s25], $0x2000  }
0x57b: {  	s12 =	sshll.u32 s9, $0x6;
	[sflag:s25] =	ssyncset.done $0x0  }
0x57c: {  	s7 =	sand.u32 $0x3FFFFFC0, s12;
	[sflag:s25] =	ssyncadd.s32 $0xFFFFE000  }
0x57d: {  	s13 =	simm.s32 $0x0;
	s11 =	simm.s32 $0xF680;
	v4 =	vld [tilespmem:s7+$0x6400]  }
0x57e: {  	v5 =	vmov s13;
	v7 =	vld [tilespmem:s11+$0xFFFFFF80]  }
0x57f: {  	v8 =	vand.u32 $0x7C, v5  }
0x580: {  	v9 =	vadd.s32 v0, v8;
	_ =	sdelay $0x2  }
0x581: {  	v5 =	vld [tilespmem:s7+$0x6410];
	v10 =	vadd.f32 v7, v4  }
0x582: {  	v6 =	vld [tilespmem:s7+$0x6420]  }
0x583: {  	v7 =	vld [tilespmem:s7+$0x6430];
	[tilespmem:v9+s30+$0x0] =	vst.idx.msk $0xffff, v10  }
0x584: {  	v9 =	vld [tilespmem:s11+$0xFFFFFF90];
	_ =	sdelay $0x1  }
0x585: {  	v10 =	vadd.s32 v1, v8;
	_ =	sdelay $0x2  }
0x586: {  	v9 =	vadd.f32 v9, v5;
	_ =	sdelay $0x1  }
0x587: {  	[tilespmem:v10+s30+$0x0] =	vst.idx.msk $0xffff, v9  }
0x588: {  	v9 =	vld [tilespmem:s11+$0xFFFFFFA0];
	_ =	sdelay $0x1  }
0x589: {  	v10 =	vadd.s32 v2, v8;
	_ =	sdelay $0x2  }
0x58a: {  	v9 =	vadd.f32 v9, v6;
	_ =	sdelay $0x1  }
0x58b: {  	[tilespmem:v10+s30+$0x0] =	vst.idx.msk $0xffff, v9  }
0x58c: {  	v9 =	vld [tilespmem:s11+$0xFFFFFFB0];
	_ =	sdelay $0x1  }
0x58d: {  	v8 =	vadd.s32 v3, v8;
	_ =	sdelay $0x2  }
0x58e: {  	v9 =	vadd.f32 v9, v7;
	_ =	sdelay $0x1  }
0x58f: {  	s14 =	simm.s32 $0x1;
	[tilespmem:v8+s30+$0x0] =	vst.idx.msk $0xffff, v9  }
0x590: {  	v8 =	vmov s14;
	v9 =	vld [tilespmem:s11+$0xFFFFFFC0]  }
0x591: {  	v8 =	vand.u32 $0x7D, v8  }
0x592: {  	v10 =	vadd.s32 v0, v8;
	_ =	sdelay $0x2  }
0x593: {  	v9 =	vadd.f32 v9, v4;
	_ =	sdelay $0x1  }
0x594: {  	[tilespmem:v10+s30+$0x0] =	vst.idx.msk $0xffff, v9  }
0x595: {  	v9 =	vld [tilespmem:s11+$0xFFFFFFD0];
	_ =	sdelay $0x1  }
0x596: {  	v10 =	vadd.s32 v1, v8;
	_ =	sdelay $0x2  }
0x597: {  	v9 =	vadd.f32 v9, v5;
	_ =	sdelay $0x1  }
0x598: {  	[tilespmem:v10+s30+$0x0] =	vst.idx.msk $0xffff, v9  }
0x599: {  	v9 =	vld [tilespmem:s11+$0xFFFFFFE0];
	_ =	sdelay $0x1  }
0x59a: {  	v10 =	vadd.s32 v2, v8;
	_ =	sdelay $0x2  }
0x59b: {  	v9 =	vadd.f32 v9, v6;
	_ =	sdelay $0x1  }
0x59c: {  	[tilespmem:v10+s30+$0x0] =	vst.idx.msk $0xffff, v9  }
0x59d: {  	v9 =	vld [tilespmem:s11+$0xFFFFFFF0];
	_ =	sdelay $0x1  }
0x59e: {  	v8 =	vadd.s32 v3, v8;
	_ =	sdelay $0x2  }
0x59f: {  	v9 =	vadd.f32 v9, v7;
	_ =	sdelay $0x1  }
0x5a0: {  	s15 =	simm.s32 $0x2;
	[tilespmem:v8+s30+$0x0] =	vst.idx.msk $0xffff, v9  }
0x5a1: {  	v8 =	vmov s15;
	v9 =	vld [tilespmem:s11+$0x0]  }
0x5a2: {  	v8 =	vand.u32 $0x7E, v8  }
0x5a3: {  	v10 =	vadd.s32 v0, v8;
	_ =	sdelay $0x2  }
0x5a4: {  	v9 =	vadd.f32 v9, v4;
	_ =	sdelay $0x1  }
0x5a5: {  	[tilespmem:v10+s30+$0x0] =	vst.idx.msk $0xffff, v9  }
0x5a6: {  	v9 =	vld [tilespmem:s11+$0x10];
	_ =	sdelay $0x1  }
0x5a7: {  	v10 =	vadd.s32 v1, v8;
	_ =	sdelay $0x2  }
0x5a8: {  	v9 =	vadd.f32 v9, v5;
	_ =	sdelay $0x1  }
0x5a9: {  	[tilespmem:v10+s30+$0x0] =	vst.idx.msk $0xffff, v9  }
0x5aa: {  	v9 =	vld [tilespmem:s11+$0x20];
	_ =	sdelay $0x1  }
0x5ab: {  	v10 =	vadd.s32 v2, v8;
	_ =	sdelay $0x2  }
0x5ac: {  	v9 =	vadd.f32 v9, v6;
	_ =	sdelay $0x1  }
0x5ad: {  	[tilespmem:v10+s30+$0x0] =	vst.idx.msk $0xffff, v9  }
0x5ae: {  	v9 =	vld [tilespmem:s11+$0x30];
	_ =	sdelay $0x1  }
0x5af: {  	v8 =	vadd.s32 v3, v8;
	_ =	sdelay $0x2  }
0x5b0: {  	v9 =	vadd.f32 v9, v7;
	_ =	sdelay $0x1  }
0x5b1: {  	s21 =	simm.s32 $0x3;
	[tilespmem:v8+s30+$0x0] =	vst.idx.msk $0xffff, v9  }
0x5b2: {  	v8 =	vmov s21;
	v9 =	vld [tilespmem:s11+$0x40]  }
0x5b3: {  	v8 =	vand.u32 $0x7F, v8  }
0x5b4: {  	v10 =	vadd.s32 v0, v8;
	_ =	sdelay $0x2  }
0x5b5: {  	v9 =	vadd.f32 v9, v4;
	_ =	sdelay $0x1  }
0x5b6: {  	[tilespmem:v10+s30+$0x0] =	vst.idx.msk $0xffff, v9  }
0x5b7: {  	v9 =	vld [tilespmem:s11+$0x50];
	_ =	sdelay $0x1  }
0x5b8: {  	v10 =	vadd.s32 v1, v8;
	_ =	sdelay $0x2  }
0x5b9: {  	v9 =	vadd.f32 v9, v5;
	_ =	sdelay $0x1  }
0x5ba: {  	[tilespmem:v10+s30+$0x0] =	vst.idx.msk $0xffff, v9  }
0x5bb: {  	v9 =	vld [tilespmem:s11+$0x60];
	_ =	sdelay $0x1  }
0x5bc: {  	v10 =	vadd.s32 v2, v8;
	_ =	sdelay $0x2  }
0x5bd: {  	v9 =	vadd.f32 v9, v6;
	_ =	sdelay $0x1  }
0x5be: {  	[tilespmem:v10+s30+$0x0] =	vst.idx.msk $0xffff, v9  }
0x5bf: {  	v9 =	vld [tilespmem:s11+$0x70];
	_ =	sdelay $0x1  }
0x5c0: {  	v8 =	vadd.s32 v3, v8;
	_ =	sdelay $0x2  }
0x5c1: {  	s12 =	simm.s32 $0x4;
	v9 =	vadd.f32 v9, v7  }
.LBB2_31:
0x5c2: {  	p0 =	slt.u32 s12, $0x7C  }
0x5c3: {  	s11 =	sadd.s32 $0x100, s11;
	s13 =	smov.u32 s12;
	s12 =	sadd.s32 $0x4, s12;
	[tilespmem:v8+s30+$0x0] =	vst.idx.msk $0xffff, v9  }
0x5c4: {  	v8 =	vmov s13;
	v9 =	vld [tilespmem:s11+$0xFFFFFF80]  }
0x5c5: {  	v8 =	vand.u32 $0x7C, v8  }
0x5c6: {  	v10 =	vadd.s32 v0, v8;
	_ =	sdelay $0x2  }
0x5c7: {  	v9 =	vadd.f32 v9, v4;
	_ =	sdelay $0x1  }
0x5c8: {  	[tilespmem:v10+s30+$0x0] =	vst.idx.msk $0xffff, v9  }
0x5c9: {  	v9 =	vld [tilespmem:s11+$0xFFFFFF90];
	_ =	sdelay $0x1  }
0x5ca: {  	v10 =	vadd.s32 v1, v8;
	_ =	sdelay $0x2  }
0x5cb: {  	v9 =	vadd.f32 v9, v5;
	_ =	sdelay $0x1  }
0x5cc: {  	[tilespmem:v10+s30+$0x0] =	vst.idx.msk $0xffff, v9  }
0x5cd: {  	v9 =	vld [tilespmem:s11+$0xFFFFFFA0];
	_ =	sdelay $0x1  }
0x5ce: {  	v10 =	vadd.s32 v2, v8;
	_ =	sdelay $0x2  }
0x5cf: {  	v9 =	vadd.f32 v9, v6;
	_ =	sdelay $0x1  }
0x5d0: {  	[tilespmem:v10+s30+$0x0] =	vst.idx.msk $0xffff, v9  }
0x5d1: {  	v9 =	vld [tilespmem:s11+$0xFFFFFFB0];
	_ =	sdelay $0x1  }
0x5d2: {  	v8 =	vadd.s32 v3, v8;
	_ =	sdelay $0x2  }
0x5d3: {  	v9 =	vadd.f32 v9, v7;
	_ =	sdelay $0x1  }
0x5d4: {  	s7 =	sadd.s32 $0x1, s13;
	[tilespmem:v8+s30+$0x0] =	vst.idx.msk $0xffff, v9  }
0x5d5: {  	v8 =	vmov s7;
	v9 =	vld [tilespmem:s11+$0xFFFFFFC0]  }
0x5d6: {  	v8 =	vand.u32 $0x7D, v8  }
0x5d7: {  	v10 =	vadd.s32 v0, v8;
	_ =	sdelay $0x2  }
0x5d8: {  	v9 =	vadd.f32 v9, v4;
	_ =	sdelay $0x1  }
0x5d9: {  	[tilespmem:v10+s30+$0x0] =	vst.idx.msk $0xffff, v9  }
0x5da: {  	v9 =	vld [tilespmem:s11+$0xFFFFFFD0];
	_ =	sdelay $0x1  }
0x5db: {  	v10 =	vadd.s32 v1, v8;
	_ =	sdelay $0x2  }
0x5dc: {  	v9 =	vadd.f32 v9, v5;
	_ =	sdelay $0x1  }
0x5dd: {  	[tilespmem:v10+s30+$0x0] =	vst.idx.msk $0xffff, v9  }
0x5de: {  	v9 =	vld [tilespmem:s11+$0xFFFFFFE0];
	_ =	sdelay $0x1  }
0x5df: {  	v10 =	vadd.s32 v2, v8;
	_ =	sdelay $0x2  }
0x5e0: {  	v9 =	vadd.f32 v9, v6;
	_ =	sdelay $0x1  }
0x5e1: {  	[tilespmem:v10+s30+$0x0] =	vst.idx.msk $0xffff, v9  }
0x5e2: {  	v9 =	vld [tilespmem:s11+$0xFFFFFFF0];
	_ =	sdelay $0x1  }
0x5e3: {  	v8 =	vadd.s32 v3, v8;
	_ =	sdelay $0x2  }
0x5e4: {  	v9 =	vadd.f32 v9, v7;
	_ =	sdelay $0x1  }
0x5e5: {  	s7 =	sadd.s32 $0x2, s13;
	[tilespmem:v8+s30+$0x0] =	vst.idx.msk $0xffff, v9  }
0x5e6: {  	v8 =	vmov s7;
	v9 =	vld [tilespmem:s11+$0x0]  }
0x5e7: {  	v8 =	vand.u32 $0x7E, v8  }
0x5e8: {  	v10 =	vadd.s32 v0, v8;
	_ =	sdelay $0x2  }
0x5e9: {  	v9 =	vadd.f32 v9, v4;
	_ =	sdelay $0x1  }
0x5ea: {  	[tilespmem:v10+s30+$0x0] =	vst.idx.msk $0xffff, v9  }
0x5eb: {  	v9 =	vld [tilespmem:s11+$0x10];
	_ =	sdelay $0x1  }
0x5ec: {  	v10 =	vadd.s32 v1, v8;
	_ =	sdelay $0x2  }
0x5ed: {  	v9 =	vadd.f32 v9, v5;
	_ =	sdelay $0x1  }
0x5ee: {  	[tilespmem:v10+s30+$0x0] =	vst.idx.msk $0xffff, v9  }
0x5ef: {  	v9 =	vld [tilespmem:s11+$0x20];
	_ =	sdelay $0x1  }
0x5f0: {  	v10 =	vadd.s32 v2, v8;
	_ =	sdelay $0x2  }
0x5f1: {  	v9 =	vadd.f32 v9, v6;
	_ =	sdelay $0x1  }
0x5f2: {  	[tilespmem:v10+s30+$0x0] =	vst.idx.msk $0xffff, v9  }
0x5f3: {  	v9 =	vld [tilespmem:s11+$0x30];
	_ =	sdelay $0x1  }
0x5f4: {  	v8 =	vadd.s32 v3, v8;
	_ =	sdelay $0x2  }
0x5f5: {  	v9 =	vadd.f32 v9, v7;
	_ =	sdelay $0x1  }
0x5f6: {  	s7 =	sadd.s32 $0x3, s13;
	[tilespmem:v8+s30+$0x0] =	vst.idx.msk $0xffff, v9  }
0x5f7: {  	v8 =	vmov s7;
	v9 =	vld [tilespmem:s11+$0x40]  }
0x5f8: {  	v8 =	vand.u32 $0x7F, v8  }
0x5f9: {  	v10 =	vadd.s32 v0, v8;
	_ =	sdelay $0x2  }
0x5fa: {  	v9 =	vadd.f32 v9, v4;
	_ =	sdelay $0x1  }
0x5fb: {  	[tilespmem:v10+s30+$0x0] =	vst.idx.msk $0xffff, v9  }
0x5fc: {  	v9 =	vld [tilespmem:s11+$0x50];
	_ =	sdelay $0x1  }
0x5fd: {  	v10 =	vadd.s32 v1, v8;
	_ =	sdelay $0x2  }
0x5fe: {  	v9 =	vadd.f32 v9, v5;
	_ =	sdelay $0x1  }
0x5ff: {  	[tilespmem:v10+s30+$0x0] =	vst.idx.msk $0xffff, v9  }
0x600: {  	v9 =	vld [tilespmem:s11+$0x60];
	_ =	sdelay $0x1  }
0x601: {  	v10 =	vadd.s32 v2, v8;
	_ =	sdelay $0x2  }
0x602: {  	v9 =	vadd.f32 v9, v6;
	_ =	sdelay $0x1  }
0x603: {  	[tilespmem:v10+s30+$0x0] =	vst.idx.msk $0xffff, v9  }
0x604: {  	v9 =	vld [tilespmem:s11+$0x70]  }
.Ltmp14:
0x605: {  	(pc) =	sbr.rel @p0 .LBB2_31-.Ltmp14, $2  }
0x606: {  	v8 =	vadd.s32 v3, v8;
	_ =	sdelay $0x2  }
0x607: {  	v9 =	vadd.f32 v9, v7  }
0x608: {  	_ =	sdelay $0x3  }
0x609: {  	s7 =	sshll.u32 s9, $0x12;
	[tilespmem:v8+s30+$0x0] =	vst.idx.msk $0xffff, v9  }
0x60a: {  	s7 =	sor.u32 s8, s7;
	_ =	swait.ge [sflag:s6], $0x2000  }
0x60b: {  	s7 =	sshrl.u32 s7, $0x3;
	[sflag:s6] =	ssyncset.done $0x0  }
0x60c: {  	s11 =	simm.s32 $0x17C00;
	s7 =	sadd.s32 s2, s7;
	[sflag:s6] =	ssyncadd.s32 $0xFFFFE000  }
0x60d: {  	[hbm4b:s7+s3] =	stream.linear.scatter [tilespmem:s11], [sflag:$0x8], $0x80, $0x38;
	[tilespmem:$0x19E00] =	vst v63  }
0x60e: {  	s12 =	simm.s32 $0x17C88;
	s11 =	sadd.s32 $0x10, s7  }
0x60f: {  	[hbm4b:s11+s3] =	stream.linear.scatter [tilespmem:s12], [sflag:$0x8], $0x80, $0x38;
	[tilespmem:$0x19E00] =	vst v63  }
0x610: {  	s13 =	simm.s32 $0x17D10;
	s15 =	simm.s32 $0x17D98;
	s14 =	sadd.s32 $0x20, s7  }
0x611: {  	[hbm4b:s14+s3] =	stream.linear.scatter [tilespmem:s13], [sflag:$0x8], $0x80, $0x38;
	[tilespmem:$0x19E00] =	vst v63  }
0x612: {  	s9 =	simm.s32 $0x440;
	s21 =	sadd.s32 $0x30, s7;
	s11 =	simm.s32 $0x17E20  }
0x613: {  	[hbm4b:s21+s3] =	stream.linear.scatter [tilespmem:s15], [sflag:$0x8], $0x80, $0x38;
	[tilespmem:$0x19E00] =	vst v63  }
0x614: {  	s12 =	sadd.s32 $0x40, s7;
	s13 =	simm.s32 $0x17EA8;
	s14 =	sadd.s32 $0x50, s7  }
0x615: {  	[hbm4b:s12+s3] =	stream.linear.scatter [tilespmem:s11], [sflag:$0x8], $0x80, $0x38;
	[tilespmem:$0x19E00] =	vst v63  }
0x616: {  	s15 =	simm.s32 $0x17F30;
	s21 =	sadd.s32 $0x60, s7;
	s12 =	simm.s32 $0x2200  }
0x617: {  	[hbm4b:s14+s3] =	stream.linear.scatter [tilespmem:s13], [sflag:$0x8], $0x80, $0x38;
	[tilespmem:$0x19E00] =	vst v63  }
0x618: {  	s11 =	sadd.s32 $0x1000, s7;
	s13 =	simm.s32 $0x17FB8;
	s14 =	sadd.s32 $0x70, s7  }
0x619: {  	[hbm4b:s21+s3] =	stream.linear.scatter [tilespmem:s15], [sflag:$0x8], $0x80, $0x38;
	[tilespmem:$0x19E00] =	vst v63  }
.LBB2_33:
0x61a: {  	[hbm4b:s14+s3] =	stream.linear.scatter [tilespmem:s13], [sflag:$0x8], $0x80, $0x38;
	[tilespmem:$0x19E00] =	vst v63  }
0x61b: {  	s7 =	smov.u32 s9;
	s9 =	smov.u32 s12  }
0x61c: {  	s15 =	sadd.s32 $0x1100, s12;
	s9 =	sshra.s32 s9, $0x2;
	s13 =	sadd.s32 $0x17C00, s7  }
0x61d: {  	[hbm4b:s11+s3] =	stream.linear.scatter [tilespmem:s13], [sflag:$0x8], $0x80, $0x38;
	[tilespmem:$0x19E00] =	vst v63  }
0x61e: {  	p0 =	sne.s32 s12, $0x7700;
	s12 =	sadd.s32 $0x17C88, s7;
	s13 =	sadd.s32 $0x10, s11  }
0x61f: {  	[hbm4b:s13+s3] =	stream.linear.scatter [tilespmem:s12], [sflag:$0x8], $0x80, $0x38;
	[tilespmem:$0x19E00] =	vst v63  }
0x620: {  	s12 =	sadd.s32 $0x17D10, s7;
	s13 =	sadd.s32 $0x20, s11  }
0x621: {  	[hbm4b:s13+s3] =	stream.linear.scatter [tilespmem:s12], [sflag:$0x8], $0x80, $0x38;
	[tilespmem:$0x19E00] =	vst v63  }
0x622: {  	s12 =	sadd.s32 $0x17D98, s7;
	s13 =	sadd.s32 $0x30, s11  }
0x623: {  	[hbm4b:s13+s3] =	stream.linear.scatter [tilespmem:s12], [sflag:$0x8], $0x80, $0x38;
	[tilespmem:$0x19E00] =	vst v63  }
0x624: {  	s12 =	sadd.s32 $0x17E20, s7;
	s13 =	sadd.s32 $0x40, s11  }
0x625: {  	[hbm4b:s13+s3] =	stream.linear.scatter [tilespmem:s12], [sflag:$0x8], $0x80, $0x38;
	[tilespmem:$0x19E00] =	vst v63  }
.Ltmp15:
0x626: {  	s12 =	sadd.s32 $0x17EA8, s7;
	s13 =	sadd.s32 $0x50, s11;
	(pc) =	sbr.rel @p0 .LBB2_33-.Ltmp15, $4  }
0x627: {  	[hbm4b:s13+s3] =	stream.linear.scatter [tilespmem:s12], [sflag:$0x8], $0x80, $0x38;
	[tilespmem:$0x19E00] =	vst v63  }
0x628: {  	s14 =	sadd.s32 $0x70, s11;
	s12 =	sadd.s32 $0x17F30, s7;
	s13 =	sadd.s32 $0x60, s11  }
0x629: {  	[hbm4b:s13+s3] =	stream.linear.scatter [tilespmem:s12], [sflag:$0x8], $0x80, $0x38;
	[tilespmem:$0x19E00] =	vst v63  }
0x62a: {  	s11 =	sadd.s32 $0x1000, s11;
	s13 =	sadd.s32 $0x17FB8, s7;
	s12 =	smov.u32 s15  }
0x62b: {  	[hbm4b:s14+s3] =	stream.linear.scatter [tilespmem:s13], [sflag:$0x8], $0x80, $0x38;
	[tilespmem:$0x19E00] =	vst v63  }
0x62c: {  	s7 =	sadd.s32 $0x17C00, s9  }
0x62d: {  	[hbm4b:s11+s3] =	stream.linear.scatter [tilespmem:s7], [sflag:$0x8], $0x80, $0x38;
	[tilespmem:$0x19E00] =	vst v63  }
0x62e: {  	s21 =	sadd.s32 $0x17C88, s9;
	s12 =	sadd.s32 $0x10, s11  }
0x62f: {  	[hbm4b:s12+s3] =	stream.linear.scatter [tilespmem:s21], [sflag:$0x8], $0x80, $0x38;
	[tilespmem:$0x19E00] =	vst v63  }
0x630: {  	s13 =	sadd.s32 $0x17D10, s9;
	s14 =	sadd.s32 $0x20, s11  }
0x631: {  	[hbm4b:s14+s3] =	stream.linear.scatter [tilespmem:s13], [sflag:$0x8], $0x80, $0x38;
	[tilespmem:$0x19E00] =	vst v63  }
0x632: {  	s15 =	sadd.s32 $0x17D98, s9;
	s21 =	sadd.s32 $0x30, s11  }
0x633: {  	[hbm4b:s21+s3] =	stream.linear.scatter [tilespmem:s15], [sflag:$0x8], $0x80, $0x38;
	[tilespmem:$0x19E00] =	vst v63  }
0x634: {  	s13 =	sadd.s32 $0x17E20, s9;
	s14 =	sadd.s32 $0x40, s11  }
0x635: {  	[hbm4b:s14+s3] =	stream.linear.scatter [tilespmem:s13], [sflag:$0x8], $0x80, $0x38;
	[tilespmem:$0x19E00] =	vst v63  }
0x636: {  	s16 =	sadd.s32 $0x1, s16;
	s15 =	sadd.s32 $0x17EA8, s9;
	s21 =	sadd.s32 $0x50, s11  }
0x637: {  	[hbm4b:s21+s3] =	stream.linear.scatter [tilespmem:s15], [sflag:$0x8], $0x80, $0x38;
	[tilespmem:$0x19E00] =	vst v63  }
0x638: {  	p0 =	sne.s32 s16, $0x30;
	s12 =	sadd.s32 $0x17F30, s9;
	s13 =	sadd.s32 $0x60, s11  }
0x639: {  	[hbm4b:s13+s3] =	stream.linear.scatter [tilespmem:s12], [sflag:$0x8], $0x80, $0x38;
	[tilespmem:$0x19E00] =	vst v63  }
.Ltmp16:
0x63a: {  	_ = 	snop;
	(pc) =	sbr.rel @p0 .LBB2_18-.Ltmp16, $4  }
0x63b: {  	s14 =	sadd.s32 $0x17FB8, s9;
	s15 =	sadd.s32 $0x70, s11  }
0x63c: {  	[hbm4b:s15+s3] =	stream.linear.scatter [tilespmem:s14], [sflag:$0x8], $0x80, $0x38;
	[tilespmem:$0x19E00] =	vst v63  }
0x63d: {  	s21 =	sadd.s32 $0x580, s10  }
0x63e: {  	[tilespmem:s26], [sflag:$0x4] =	stream.indirect.gather [hbm4b:s4+s17], $0x40, s21, s17, $0xb8;
	[tilespmem:$0x19E00] =	vst v63  }
0x63f: {  	_ =	swait.ge [sflag:s28], $0x2000  }
0x640: {  	[sflag:s28] =	ssyncset.done $0x0  }
0x641: {  	[sflag:s28] =	ssyncadd.s32 $0xFFFFE000  }
0x642: {  	s7 =	simm.s32 $0x0;
	s9 =	simm.s32 $0x9680;
	v4 =	vld [tilespmem:$0x9500]  }
0x643: {  	v5 =	vmov s7;
	v7 =	vld [tilespmem:s9+$0xFFFFFF80]  }
0x644: {  	v8 =	vand.u32 $0x7C, v5  }
0x645: {  	v9 =	vadd.s32 v0, v8;
	_ =	sdelay $0x2  }
0x646: {  	v5 =	vld [tilespmem:$0x9510];
	v10 =	vadd.f32 v7, v4  }
0x647: {  	v6 =	vld [tilespmem:$0x9520]  }
0x648: {  	v7 =	vld [tilespmem:$0x9530];
	[tilespmem:v9+s29+$0x0] =	vst.idx.msk $0xffff, v10  }
0x649: {  	v9 =	vld [tilespmem:s9+$0xFFFFFF90];
	_ =	sdelay $0x1  }
0x64a: {  	v10 =	vadd.s32 v1, v8;
	_ =	sdelay $0x2  }
0x64b: {  	v9 =	vadd.f32 v9, v5;
	_ =	sdelay $0x1  }
0x64c: {  	[tilespmem:v10+s29+$0x0] =	vst.idx.msk $0xffff, v9  }
0x64d: {  	v9 =	vld [tilespmem:s9+$0xFFFFFFA0];
	_ =	sdelay $0x1  }
0x64e: {  	v10 =	vadd.s32 v2, v8;
	_ =	sdelay $0x2  }
0x64f: {  	v9 =	vadd.f32 v9, v6;
	_ =	sdelay $0x1  }
0x650: {  	[tilespmem:v10+s29+$0x0] =	vst.idx.msk $0xffff, v9  }
0x651: {  	v9 =	vld [tilespmem:s9+$0xFFFFFFB0];
	_ =	sdelay $0x1  }
0x652: {  	v8 =	vadd.s32 v3, v8;
	_ =	sdelay $0x2  }
0x653: {  	v9 =	vadd.f32 v9, v7;
	_ =	sdelay $0x1  }
0x654: {  	s15 =	simm.s32 $0x1;
	[tilespmem:v8+s29+$0x0] =	vst.idx.msk $0xffff, v9  }
0x655: {  	v8 =	vmov s15;
	v9 =	vld [tilespmem:s9+$0xFFFFFFC0]  }
0x656: {  	v8 =	vand.u32 $0x7D, v8  }
0x657: {  	v10 =	vadd.s32 v0, v8;
	_ =	sdelay $0x2  }
0x658: {  	v9 =	vadd.f32 v9, v4;
	_ =	sdelay $0x1  }
0x659: {  	[tilespmem:v10+s29+$0x0] =	vst.idx.msk $0xffff, v9  }
0x65a: {  	v9 =	vld [tilespmem:s9+$0xFFFFFFD0];
	_ =	sdelay $0x1  }
0x65b: {  	v10 =	vadd.s32 v1, v8;
	_ =	sdelay $0x2  }
0x65c: {  	v9 =	vadd.f32 v9, v5;
	_ =	sdelay $0x1  }
0x65d: {  	[tilespmem:v10+s29+$0x0] =	vst.idx.msk $0xffff, v9  }
0x65e: {  	v9 =	vld [tilespmem:s9+$0xFFFFFFE0];
	_ =	sdelay $0x1  }
0x65f: {  	v10 =	vadd.s32 v2, v8;
	_ =	sdelay $0x2  }
0x660: {  	v9 =	vadd.f32 v9, v6;
	_ =	sdelay $0x1  }
0x661: {  	[tilespmem:v10+s29+$0x0] =	vst.idx.msk $0xffff, v9  }
0x662: {  	v9 =	vld [tilespmem:s9+$0xFFFFFFF0];
	_ =	sdelay $0x1  }
0x663: {  	v8 =	vadd.s32 v3, v8;
	_ =	sdelay $0x2  }
0x664: {  	v9 =	vadd.f32 v9, v7;
	_ =	sdelay $0x1  }
0x665: {  	s16 =	simm.s32 $0x2;
	[tilespmem:v8+s29+$0x0] =	vst.idx.msk $0xffff, v9  }
0x666: {  	v8 =	vmov s16;
	v9 =	vld [tilespmem:s9+$0x0]  }
0x667: {  	v8 =	vand.u32 $0x7E, v8  }
0x668: {  	v10 =	vadd.s32 v0, v8;
	_ =	sdelay $0x2  }
0x669: {  	v9 =	vadd.f32 v9, v4;
	_ =	sdelay $0x1  }
0x66a: {  	[tilespmem:v10+s29+$0x0] =	vst.idx.msk $0xffff, v9  }
0x66b: {  	v9 =	vld [tilespmem:s9+$0x10];
	_ =	sdelay $0x1  }
0x66c: {  	v10 =	vadd.s32 v1, v8;
	_ =	sdelay $0x2  }
0x66d: {  	v9 =	vadd.f32 v9, v5;
	_ =	sdelay $0x1  }
0x66e: {  	[tilespmem:v10+s29+$0x0] =	vst.idx.msk $0xffff, v9  }
0x66f: {  	v9 =	vld [tilespmem:s9+$0x20];
	_ =	sdelay $0x1  }
0x670: {  	v10 =	vadd.s32 v2, v8;
	_ =	sdelay $0x2  }
0x671: {  	v9 =	vadd.f32 v9, v6;
	_ =	sdelay $0x1  }
0x672: {  	[tilespmem:v10+s29+$0x0] =	vst.idx.msk $0xffff, v9  }
0x673: {  	v9 =	vld [tilespmem:s9+$0x30];
	_ =	sdelay $0x1  }
0x674: {  	v8 =	vadd.s32 v3, v8;
	_ =	sdelay $0x2  }
0x675: {  	v9 =	vadd.f32 v9, v7;
	_ =	sdelay $0x1  }
0x676: {  	s21 =	simm.s32 $0x3;
	[tilespmem:v8+s29+$0x0] =	vst.idx.msk $0xffff, v9  }
0x677: {  	v8 =	vmov s21;
	v9 =	vld [tilespmem:s9+$0x40]  }
0x678: {  	v8 =	vand.u32 $0x7F, v8  }
0x679: {  	v10 =	vadd.s32 v0, v8;
	_ =	sdelay $0x2  }
0x67a: {  	v9 =	vadd.f32 v9, v4;
	_ =	sdelay $0x1  }
0x67b: {  	[tilespmem:v10+s29+$0x0] =	vst.idx.msk $0xffff, v9  }
0x67c: {  	v9 =	vld [tilespmem:s9+$0x50];
	_ =	sdelay $0x1  }
0x67d: {  	v10 =	vadd.s32 v1, v8;
	_ =	sdelay $0x2  }
0x67e: {  	v9 =	vadd.f32 v9, v5;
	_ =	sdelay $0x1  }
0x67f: {  	[tilespmem:v10+s29+$0x0] =	vst.idx.msk $0xffff, v9  }
0x680: {  	v9 =	vld [tilespmem:s9+$0x60];
	_ =	sdelay $0x1  }
0x681: {  	v10 =	vadd.s32 v2, v8;
	_ =	sdelay $0x2  }
0x682: {  	v9 =	vadd.f32 v9, v6;
	_ =	sdelay $0x1  }
0x683: {  	[tilespmem:v10+s29+$0x0] =	vst.idx.msk $0xffff, v9  }
0x684: {  	v9 =	vld [tilespmem:s9+$0x70];
	_ =	sdelay $0x1  }
0x685: {  	v8 =	vadd.s32 v3, v8;
	_ =	sdelay $0x2  }
0x686: {  	s10 =	simm.s32 $0x4;
	v9 =	vadd.f32 v9, v7  }
.LBB2_36:
0x687: {  	p0 =	slt.u32 s10, $0x7C  }
0x688: {  	s9 =	sadd.s32 $0x100, s9;
	s11 =	smov.u32 s10;
	s10 =	sadd.s32 $0x4, s10;
	[tilespmem:v8+s29+$0x0] =	vst.idx.msk $0xffff, v9  }
0x689: {  	v8 =	vmov s11;
	v9 =	vld [tilespmem:s9+$0xFFFFFF80]  }
0x68a: {  	v8 =	vand.u32 $0x7C, v8  }
0x68b: {  	v10 =	vadd.s32 v0, v8;
	_ =	sdelay $0x2  }
0x68c: {  	v9 =	vadd.f32 v9, v4;
	_ =	sdelay $0x1  }
0x68d: {  	[tilespmem:v10+s29+$0x0] =	vst.idx.msk $0xffff, v9  }
0x68e: {  	v9 =	vld [tilespmem:s9+$0xFFFFFF90];
	_ =	sdelay $0x1  }
0x68f: {  	v10 =	vadd.s32 v1, v8;
	_ =	sdelay $0x2  }
0x690: {  	v9 =	vadd.f32 v9, v5;
	_ =	sdelay $0x1  }
0x691: {  	[tilespmem:v10+s29+$0x0] =	vst.idx.msk $0xffff, v9  }
0x692: {  	v9 =	vld [tilespmem:s9+$0xFFFFFFA0];
	_ =	sdelay $0x1  }
0x693: {  	v10 =	vadd.s32 v2, v8;
	_ =	sdelay $0x2  }
0x694: {  	v9 =	vadd.f32 v9, v6;
	_ =	sdelay $0x1  }
0x695: {  	[tilespmem:v10+s29+$0x0] =	vst.idx.msk $0xffff, v9  }
0x696: {  	v9 =	vld [tilespmem:s9+$0xFFFFFFB0];
	_ =	sdelay $0x1  }
0x697: {  	v8 =	vadd.s32 v3, v8;
	_ =	sdelay $0x2  }
0x698: {  	v9 =	vadd.f32 v9, v7;
	_ =	sdelay $0x1  }
0x699: {  	s7 =	sadd.s32 $0x1, s11;
	[tilespmem:v8+s29+$0x0] =	vst.idx.msk $0xffff, v9  }
0x69a: {  	v8 =	vmov s7;
	v9 =	vld [tilespmem:s9+$0xFFFFFFC0]  }
0x69b: {  	v8 =	vand.u32 $0x7D, v8  }
0x69c: {  	v10 =	vadd.s32 v0, v8;
	_ =	sdelay $0x2  }
0x69d: {  	v9 =	vadd.f32 v9, v4;
	_ =	sdelay $0x1  }
0x69e: {  	[tilespmem:v10+s29+$0x0] =	vst.idx.msk $0xffff, v9  }
0x69f: {  	v9 =	vld [tilespmem:s9+$0xFFFFFFD0];
	_ =	sdelay $0x1  }
0x6a0: {  	v10 =	vadd.s32 v1, v8;
	_ =	sdelay $0x2  }
0x6a1: {  	v9 =	vadd.f32 v9, v5;
	_ =	sdelay $0x1  }
0x6a2: {  	[tilespmem:v10+s29+$0x0] =	vst.idx.msk $0xffff, v9  }
0x6a3: {  	v9 =	vld [tilespmem:s9+$0xFFFFFFE0];
	_ =	sdelay $0x1  }
0x6a4: {  	v10 =	vadd.s32 v2, v8;
	_ =	sdelay $0x2  }
0x6a5: {  	v9 =	vadd.f32 v9, v6;
	_ =	sdelay $0x1  }
0x6a6: {  	[tilespmem:v10+s29+$0x0] =	vst.idx.msk $0xffff, v9  }
0x6a7: {  	v9 =	vld [tilespmem:s9+$0xFFFFFFF0];
	_ =	sdelay $0x1  }
0x6a8: {  	v8 =	vadd.s32 v3, v8;
	_ =	sdelay $0x2  }
0x6a9: {  	v9 =	vadd.f32 v9, v7;
	_ =	sdelay $0x1  }
0x6aa: {  	s7 =	sadd.s32 $0x2, s11;
	[tilespmem:v8+s29+$0x0] =	vst.idx.msk $0xffff, v9  }
0x6ab: {  	v8 =	vmov s7;
	v9 =	vld [tilespmem:s9+$0x0]  }
0x6ac: {  	v8 =	vand.u32 $0x7E, v8  }
0x6ad: {  	v10 =	vadd.s32 v0, v8;
	_ =	sdelay $0x2  }
0x6ae: {  	v9 =	vadd.f32 v9, v4;
	_ =	sdelay $0x1  }
0x6af: {  	[tilespmem:v10+s29+$0x0] =	vst.idx.msk $0xffff, v9  }
0x6b0: {  	v9 =	vld [tilespmem:s9+$0x10];
	_ =	sdelay $0x1  }
0x6b1: {  	v10 =	vadd.s32 v1, v8;
	_ =	sdelay $0x2  }
0x6b2: {  	v9 =	vadd.f32 v9, v5;
	_ =	sdelay $0x1  }
0x6b3: {  	[tilespmem:v10+s29+$0x0] =	vst.idx.msk $0xffff, v9  }
0x6b4: {  	v9 =	vld [tilespmem:s9+$0x20];
	_ =	sdelay $0x1  }
0x6b5: {  	v10 =	vadd.s32 v2, v8;
	_ =	sdelay $0x2  }
0x6b6: {  	v9 =	vadd.f32 v9, v6;
	_ =	sdelay $0x1  }
0x6b7: {  	[tilespmem:v10+s29+$0x0] =	vst.idx.msk $0xffff, v9  }
0x6b8: {  	v9 =	vld [tilespmem:s9+$0x30];
	_ =	sdelay $0x1  }
0x6b9: {  	v8 =	vadd.s32 v3, v8;
	_ =	sdelay $0x2  }
0x6ba: {  	v9 =	vadd.f32 v9, v7;
	_ =	sdelay $0x1  }
0x6bb: {  	s7 =	sadd.s32 $0x3, s11;
	[tilespmem:v8+s29+$0x0] =	vst.idx.msk $0xffff, v9  }
0x6bc: {  	v8 =	vmov s7;
	v9 =	vld [tilespmem:s9+$0x40]  }
0x6bd: {  	v8 =	vand.u32 $0x7F, v8  }
0x6be: {  	v10 =	vadd.s32 v0, v8;
	_ =	sdelay $0x2  }
0x6bf: {  	v9 =	vadd.f32 v9, v4;
	_ =	sdelay $0x1  }
0x6c0: {  	[tilespmem:v10+s29+$0x0] =	vst.idx.msk $0xffff, v9  }
0x6c1: {  	v9 =	vld [tilespmem:s9+$0x50];
	_ =	sdelay $0x1  }
0x6c2: {  	v10 =	vadd.s32 v1, v8;
	_ =	sdelay $0x2  }
0x6c3: {  	v9 =	vadd.f32 v9, v5;
	_ =	sdelay $0x1  }
0x6c4: {  	[tilespmem:v10+s29+$0x0] =	vst.idx.msk $0xffff, v9  }
0x6c5: {  	v9 =	vld [tilespmem:s9+$0x60];
	_ =	sdelay $0x1  }
0x6c6: {  	v10 =	vadd.s32 v2, v8;
	_ =	sdelay $0x2  }
0x6c7: {  	v9 =	vadd.f32 v9, v6;
	_ =	sdelay $0x1  }
0x6c8: {  	[tilespmem:v10+s29+$0x0] =	vst.idx.msk $0xffff, v9  }
0x6c9: {  	v9 =	vld [tilespmem:s9+$0x70]  }
.Ltmp17:
0x6ca: {  	(pc) =	sbr.rel @p0 .LBB2_36-.Ltmp17, $2  }
0x6cb: {  	v8 =	vadd.s32 v3, v8;
	_ =	sdelay $0x2  }
0x6cc: {  	v9 =	vadd.f32 v9, v7  }
0x6cd: {  	_ =	sdelay $0x3  }
0x6ce: {  	[tilespmem:v8+s29+$0x0] =	vst.idx.msk $0xffff, v9  }
0x6cf: {  	_ =	swait.ge [sflag:s23], $0x2000  }
0x6d0: {  	[sflag:s23] =	ssyncset.done $0x0  }
0x6d1: {  	s7 =	simm.s32 $0x11600;
	s10 =	rddreg [dreg:$0x9];
	[sflag:s23] =	ssyncadd.s32 $0xFFFFE000  }
0x6d2: {  	[hbm4b:s10+s3] =	stream.linear.scatter [tilespmem:s7], [sflag:$0x5], $0x80, $0x38;
	[tilespmem:$0x19E00] =	vst v63  }
0x6d3: {  	s15 =	simm.s32 $0x11688;
	s9 =	sadd.s32 $0x10, s10  }
0x6d4: {  	[hbm4b:s9+s3] =	stream.linear.scatter [tilespmem:s15], [sflag:$0x5], $0x80, $0x38;
	[tilespmem:$0x19E00] =	vst v63  }
0x6d5: {  	s16 =	simm.s32 $0x11710;
	s12 =	simm.s32 $0x11820;
	s21 =	sadd.s32 $0x20, s10  }
0x6d6: {  	[hbm4b:s21+s3] =	stream.linear.scatter [tilespmem:s16], [sflag:$0x5], $0x80, $0x38;
	[tilespmem:$0x19E00] =	vst v63  }
0x6d7: {  	s14 =	simm.s32 $0x118A8;
	s11 =	sadd.s32 $0x30, s10;
	s9 =	simm.s32 $0x11798  }
0x6d8: {  	[hbm4b:s11+s3] =	stream.linear.scatter [tilespmem:s9], [sflag:$0x5], $0x80, $0x38;
	[tilespmem:$0x19E00] =	vst v63  }
0x6d9: {  	s13 =	sadd.s32 $0x40, s10;
	s15 =	sadd.s32 $0x50, s10;
	s16 =	simm.s32 $0x11930  }
0x6da: {  	[hbm4b:s13+s3] =	stream.linear.scatter [tilespmem:s12], [sflag:$0x5], $0x80, $0x38;
	[tilespmem:$0x19E00] =	vst v63  }
0x6db: {  	s21 =	sadd.s32 $0x60, s10;
	s9 =	simm.s32 $0x440;
	s11 =	simm.s32 $0x2200  }
0x6dc: {  	[hbm4b:s15+s3] =	stream.linear.scatter [tilespmem:s14], [sflag:$0x5], $0x80, $0x38;
	[tilespmem:$0x19E00] =	vst v63  }
0x6dd: {  	s12 =	simm.s32 $0x119B8;
	s13 =	sadd.s32 $0x70, s10;
	s10 =	sadd.s32 $0x1000, s10  }
0x6de: {  	[hbm4b:s21+s3] =	stream.linear.scatter [tilespmem:s16], [sflag:$0x5], $0x80, $0x38;
	[tilespmem:$0x19E00] =	vst v63  }
.LBB2_38:
0x6df: {  	[hbm4b:s13+s3] =	stream.linear.scatter [tilespmem:s12], [sflag:$0x5], $0x80, $0x38;
	[tilespmem:$0x19E00] =	vst v63  }
0x6e0: {  	s7 =	smov.u32 s9;
	s9 =	smov.u32 s11  }
0x6e1: {  	s14 =	sadd.s32 $0x1100, s11;
	s9 =	sshra.s32 s9, $0x2;
	s12 =	sadd.s32 $0x11600, s7  }
0x6e2: {  	[hbm4b:s10+s3] =	stream.linear.scatter [tilespmem:s12], [sflag:$0x5], $0x80, $0x38;
	[tilespmem:$0x19E00] =	vst v63  }
0x6e3: {  	p0 =	sne.s32 s11, $0x7700;
	s11 =	sadd.s32 $0x11688, s7;
	s12 =	sadd.s32 $0x10, s10  }
0x6e4: {  	[hbm4b:s12+s3] =	stream.linear.scatter [tilespmem:s11], [sflag:$0x5], $0x80, $0x38;
	[tilespmem:$0x19E00] =	vst v63  }
0x6e5: {  	s11 =	sadd.s32 $0x11710, s7;
	s12 =	sadd.s32 $0x20, s10  }
0x6e6: {  	[hbm4b:s12+s3] =	stream.linear.scatter [tilespmem:s11], [sflag:$0x5], $0x80, $0x38;
	[tilespmem:$0x19E00] =	vst v63  }
0x6e7: {  	s11 =	sadd.s32 $0x11798, s7;
	s12 =	sadd.s32 $0x30, s10  }
0x6e8: {  	[hbm4b:s12+s3] =	stream.linear.scatter [tilespmem:s11], [sflag:$0x5], $0x80, $0x38;
	[tilespmem:$0x19E00] =	vst v63  }
0x6e9: {  	s11 =	sadd.s32 $0x11820, s7;
	s12 =	sadd.s32 $0x40, s10  }
0x6ea: {  	[hbm4b:s12+s3] =	stream.linear.scatter [tilespmem:s11], [sflag:$0x5], $0x80, $0x38;
	[tilespmem:$0x19E00] =	vst v63  }
.Ltmp18:
0x6eb: {  	s11 =	sadd.s32 $0x118A8, s7;
	s12 =	sadd.s32 $0x50, s10;
	(pc) =	sbr.rel @p0 .LBB2_38-.Ltmp18, $4  }
0x6ec: {  	[hbm4b:s12+s3] =	stream.linear.scatter [tilespmem:s11], [sflag:$0x5], $0x80, $0x38;
	[tilespmem:$0x19E00] =	vst v63  }
0x6ed: {  	s13 =	sadd.s32 $0x70, s10;
	s11 =	sadd.s32 $0x11930, s7;
	s12 =	sadd.s32 $0x60, s10  }
0x6ee: {  	[hbm4b:s12+s3] =	stream.linear.scatter [tilespmem:s11], [sflag:$0x5], $0x80, $0x38;
	[tilespmem:$0x19E00] =	vst v63  }
0x6ef: {  	s10 =	sadd.s32 $0x1000, s10;
	s12 =	sadd.s32 $0x119B8, s7;
	s11 =	smov.u32 s14  }
0x6f0: {  	[hbm4b:s13+s3] =	stream.linear.scatter [tilespmem:s12], [sflag:$0x5], $0x80, $0x38;
	[tilespmem:$0x19E00] =	vst v63  }
0x6f1: {  	s7 =	sadd.s32 $0x11600, s9  }
0x6f2: {  	[hbm4b:s10+s3] =	stream.linear.scatter [tilespmem:s7], [sflag:$0x5], $0x80, $0x38;
	[tilespmem:$0x19E00] =	vst v63  }
0x6f3: {  	s13 =	sadd.s32 $0x11688, s9;
	s11 =	sadd.s32 $0x10, s10  }
0x6f4: {  	[hbm4b:s11+s3] =	stream.linear.scatter [tilespmem:s13], [sflag:$0x5], $0x80, $0x38;
	[tilespmem:$0x19E00] =	vst v63  }
0x6f5: {  	s14 =	sadd.s32 $0x11710, s9;
	s15 =	sadd.s32 $0x20, s10  }
0x6f6: {  	[hbm4b:s15+s3] =	stream.linear.scatter [tilespmem:s14], [sflag:$0x5], $0x80, $0x38;
	[tilespmem:$0x19E00] =	vst v63  }
0x6f7: {  	s16 =	sadd.s32 $0x11798, s9;
	s21 =	sadd.s32 $0x30, s10  }
0x6f8: {  	[hbm4b:s21+s3] =	stream.linear.scatter [tilespmem:s16], [sflag:$0x5], $0x80, $0x38;
	[tilespmem:$0x19E00] =	vst v63  }
0x6f9: {  	s12 =	sadd.s32 $0x11820, s9;
	s13 =	sadd.s32 $0x40, s10  }
0x6fa: {  	[hbm4b:s13+s3] =	stream.linear.scatter [tilespmem:s12], [sflag:$0x5], $0x80, $0x38;
	[tilespmem:$0x19E00] =	vst v63  }
0x6fb: {  	s14 =	sadd.s32 $0x118A8, s9;
	s15 =	sadd.s32 $0x50, s10  }
0x6fc: {  	[hbm4b:s15+s3] =	stream.linear.scatter [tilespmem:s14], [sflag:$0x5], $0x80, $0x38;
	[tilespmem:$0x19E00] =	vst v63  }
0x6fd: {  	s16 =	sadd.s32 $0x11930, s9;
	s21 =	sadd.s32 $0x60, s10  }
0x6fe: {  	[hbm4b:s21+s3] =	stream.linear.scatter [tilespmem:s16], [sflag:$0x5], $0x80, $0x38;
	[tilespmem:$0x19E00] =	vst v63  }
0x6ff: {  	s12 =	sadd.s32 $0x119B8, s9;
	s13 =	sadd.s32 $0x70, s10  }
0x700: {  	[hbm4b:s13+s3] =	stream.linear.scatter [tilespmem:s12], [sflag:$0x5], $0x80, $0x38;
	[tilespmem:$0x19E00] =	vst v63  }
0x701: {  	_ =	swait.ge [sflag:s31], $0x2000  }
0x702: {  	[sflag:s31] =	ssyncset.done $0x0  }
0x703: {  	[sflag:s31] =	ssyncadd.s32 $0xFFFFE000  }
0x704: {  	s9 =	simm.s32 $0xB680;
	s14 =	simm.s32 $0x0;
	v4 =	vld [tilespmem:$0x9540]  }
0x705: {  	v5 =	vmov s14;
	v7 =	vld [tilespmem:s9+$0xFFFFFF80]  }
0x706: {  	v8 =	vand.u32 $0x7C, v5  }
0x707: {  	v9 =	vadd.s32 v0, v8;
	_ =	sdelay $0x2  }
0x708: {  	v5 =	vld [tilespmem:$0x9550];
	v10 =	vadd.f32 v7, v4  }
0x709: {  	v6 =	vld [tilespmem:$0x9560]  }
0x70a: {  	v7 =	vld [tilespmem:$0x9570];
	[tilespmem:v9+s0+$0x0] =	vst.idx.msk $0xffff, v10  }
0x70b: {  	v9 =	vld [tilespmem:s9+$0xFFFFFF90];
	_ =	sdelay $0x1  }
0x70c: {  	v10 =	vadd.s32 v1, v8;
	_ =	sdelay $0x2  }
0x70d: {  	v9 =	vadd.f32 v9, v5;
	_ =	sdelay $0x1  }
0x70e: {  	[tilespmem:v10+s0+$0x0] =	vst.idx.msk $0xffff, v9  }
0x70f: {  	v9 =	vld [tilespmem:s9+$0xFFFFFFA0];
	_ =	sdelay $0x1  }
0x710: {  	v10 =	vadd.s32 v2, v8;
	_ =	sdelay $0x2  }
0x711: {  	v9 =	vadd.f32 v9, v6;
	_ =	sdelay $0x1  }
0x712: {  	[tilespmem:v10+s0+$0x0] =	vst.idx.msk $0xffff, v9  }
0x713: {  	v9 =	vld [tilespmem:s9+$0xFFFFFFB0];
	_ =	sdelay $0x1  }
0x714: {  	v8 =	vadd.s32 v3, v8;
	_ =	sdelay $0x2  }
0x715: {  	v9 =	vadd.f32 v9, v7;
	_ =	sdelay $0x1  }
0x716: {  	s15 =	simm.s32 $0x1;
	[tilespmem:v8+s0+$0x0] =	vst.idx.msk $0xffff, v9  }
0x717: {  	v8 =	vmov s15;
	v9 =	vld [tilespmem:s9+$0xFFFFFFC0]  }
0x718: {  	v8 =	vand.u32 $0x7D, v8  }
0x719: {  	v10 =	vadd.s32 v0, v8;
	_ =	sdelay $0x2  }
0x71a: {  	v9 =	vadd.f32 v9, v4;
	_ =	sdelay $0x1  }
0x71b: {  	[tilespmem:v10+s0+$0x0] =	vst.idx.msk $0xffff, v9  }
0x71c: {  	v9 =	vld [tilespmem:s9+$0xFFFFFFD0];
	_ =	sdelay $0x1  }
0x71d: {  	v10 =	vadd.s32 v1, v8;
	_ =	sdelay $0x2  }
0x71e: {  	v9 =	vadd.f32 v9, v5;
	_ =	sdelay $0x1  }
0x71f: {  	[tilespmem:v10+s0+$0x0] =	vst.idx.msk $0xffff, v9  }
0x720: {  	v9 =	vld [tilespmem:s9+$0xFFFFFFE0];
	_ =	sdelay $0x1  }
0x721: {  	v10 =	vadd.s32 v2, v8;
	_ =	sdelay $0x2  }
0x722: {  	v9 =	vadd.f32 v9, v6;
	_ =	sdelay $0x1  }
0x723: {  	[tilespmem:v10+s0+$0x0] =	vst.idx.msk $0xffff, v9  }
0x724: {  	v9 =	vld [tilespmem:s9+$0xFFFFFFF0];
	_ =	sdelay $0x1  }
0x725: {  	v8 =	vadd.s32 v3, v8;
	_ =	sdelay $0x2  }
0x726: {  	v9 =	vadd.f32 v9, v7;
	_ =	sdelay $0x1  }
0x727: {  	s16 =	simm.s32 $0x2;
	[tilespmem:v8+s0+$0x0] =	vst.idx.msk $0xffff, v9  }
0x728: {  	v8 =	vmov s16;
	v9 =	vld [tilespmem:s9+$0x0]  }
0x729: {  	v8 =	vand.u32 $0x7E, v8  }
0x72a: {  	v10 =	vadd.s32 v0, v8;
	_ =	sdelay $0x2  }
0x72b: {  	v9 =	vadd.f32 v9, v4;
	_ =	sdelay $0x1  }
0x72c: {  	[tilespmem:v10+s0+$0x0] =	vst.idx.msk $0xffff, v9  }
0x72d: {  	v9 =	vld [tilespmem:s9+$0x10];
	_ =	sdelay $0x1  }
0x72e: {  	v10 =	vadd.s32 v1, v8;
	_ =	sdelay $0x2  }
0x72f: {  	v9 =	vadd.f32 v9, v5;
	_ =	sdelay $0x1  }
0x730: {  	[tilespmem:v10+s0+$0x0] =	vst.idx.msk $0xffff, v9  }
0x731: {  	v9 =	vld [tilespmem:s9+$0x20];
	_ =	sdelay $0x1  }
0x732: {  	v10 =	vadd.s32 v2, v8;
	_ =	sdelay $0x2  }
0x733: {  	v9 =	vadd.f32 v9, v6;
	_ =	sdelay $0x1  }
0x734: {  	[tilespmem:v10+s0+$0x0] =	vst.idx.msk $0xffff, v9  }
0x735: {  	v9 =	vld [tilespmem:s9+$0x30];
	_ =	sdelay $0x1  }
0x736: {  	v8 =	vadd.s32 v3, v8;
	_ =	sdelay $0x2  }
0x737: {  	v9 =	vadd.f32 v9, v7;
	_ =	sdelay $0x1  }
0x738: {  	s21 =	simm.s32 $0x3;
	[tilespmem:v8+s0+$0x0] =	vst.idx.msk $0xffff, v9  }
0x739: {  	v8 =	vmov s21;
	v9 =	vld [tilespmem:s9+$0x40]  }
0x73a: {  	v8 =	vand.u32 $0x7F, v8  }
0x73b: {  	v10 =	vadd.s32 v0, v8;
	_ =	sdelay $0x2  }
0x73c: {  	v9 =	vadd.f32 v9, v4;
	_ =	sdelay $0x1  }
0x73d: {  	[tilespmem:v10+s0+$0x0] =	vst.idx.msk $0xffff, v9  }
0x73e: {  	v9 =	vld [tilespmem:s9+$0x50];
	_ =	sdelay $0x1  }
0x73f: {  	v10 =	vadd.s32 v1, v8;
	_ =	sdelay $0x2  }
0x740: {  	v9 =	vadd.f32 v9, v5;
	_ =	sdelay $0x1  }
0x741: {  	[tilespmem:v10+s0+$0x0] =	vst.idx.msk $0xffff, v9  }
0x742: {  	v9 =	vld [tilespmem:s9+$0x60];
	_ =	sdelay $0x1  }
0x743: {  	v10 =	vadd.s32 v2, v8;
	_ =	sdelay $0x2  }
0x744: {  	v9 =	vadd.f32 v9, v6;
	_ =	sdelay $0x1  }
0x745: {  	[tilespmem:v10+s0+$0x0] =	vst.idx.msk $0xffff, v9  }
0x746: {  	v9 =	vld [tilespmem:s9+$0x70];
	_ =	sdelay $0x1  }
0x747: {  	v8 =	vadd.s32 v3, v8;
	_ =	sdelay $0x2  }
0x748: {  	s10 =	simm.s32 $0x4;
	v9 =	vadd.f32 v9, v7  }
.LBB2_40:
0x749: {  	p0 =	slt.u32 s10, $0x7C  }
0x74a: {  	s9 =	sadd.s32 $0x100, s9;
	s11 =	smov.u32 s10;
	s10 =	sadd.s32 $0x4, s10;
	[tilespmem:v8+s0+$0x0] =	vst.idx.msk $0xffff, v9  }
0x74b: {  	v8 =	vmov s11;
	v9 =	vld [tilespmem:s9+$0xFFFFFF80]  }
0x74c: {  	v8 =	vand.u32 $0x7C, v8  }
0x74d: {  	v10 =	vadd.s32 v0, v8;
	_ =	sdelay $0x2  }
0x74e: {  	v9 =	vadd.f32 v9, v4;
	_ =	sdelay $0x1  }
0x74f: {  	[tilespmem:v10+s0+$0x0] =	vst.idx.msk $0xffff, v9  }
0x750: {  	v9 =	vld [tilespmem:s9+$0xFFFFFF90];
	_ =	sdelay $0x1  }
0x751: {  	v10 =	vadd.s32 v1, v8;
	_ =	sdelay $0x2  }
0x752: {  	v9 =	vadd.f32 v9, v5;
	_ =	sdelay $0x1  }
0x753: {  	[tilespmem:v10+s0+$0x0] =	vst.idx.msk $0xffff, v9  }
0x754: {  	v9 =	vld [tilespmem:s9+$0xFFFFFFA0];
	_ =	sdelay $0x1  }
0x755: {  	v10 =	vadd.s32 v2, v8;
	_ =	sdelay $0x2  }
0x756: {  	v9 =	vadd.f32 v9, v6;
	_ =	sdelay $0x1  }
0x757: {  	[tilespmem:v10+s0+$0x0] =	vst.idx.msk $0xffff, v9  }
0x758: {  	v9 =	vld [tilespmem:s9+$0xFFFFFFB0];
	_ =	sdelay $0x1  }
0x759: {  	v8 =	vadd.s32 v3, v8;
	_ =	sdelay $0x2  }
0x75a: {  	v9 =	vadd.f32 v9, v7;
	_ =	sdelay $0x1  }
0x75b: {  	s7 =	sadd.s32 $0x1, s11;
	[tilespmem:v8+s0+$0x0] =	vst.idx.msk $0xffff, v9  }
0x75c: {  	v8 =	vmov s7;
	v9 =	vld [tilespmem:s9+$0xFFFFFFC0]  }
0x75d: {  	v8 =	vand.u32 $0x7D, v8  }
0x75e: {  	v10 =	vadd.s32 v0, v8;
	_ =	sdelay $0x2  }
0x75f: {  	v9 =	vadd.f32 v9, v4;
	_ =	sdelay $0x1  }
0x760: {  	[tilespmem:v10+s0+$0x0] =	vst.idx.msk $0xffff, v9  }
0x761: {  	v9 =	vld [tilespmem:s9+$0xFFFFFFD0];
	_ =	sdelay $0x1  }
0x762: {  	v10 =	vadd.s32 v1, v8;
	_ =	sdelay $0x2  }
0x763: {  	v9 =	vadd.f32 v9, v5;
	_ =	sdelay $0x1  }
0x764: {  	[tilespmem:v10+s0+$0x0] =	vst.idx.msk $0xffff, v9  }
0x765: {  	v9 =	vld [tilespmem:s9+$0xFFFFFFE0];
	_ =	sdelay $0x1  }
0x766: {  	v10 =	vadd.s32 v2, v8;
	_ =	sdelay $0x2  }
0x767: {  	v9 =	vadd.f32 v9, v6;
	_ =	sdelay $0x1  }
0x768: {  	[tilespmem:v10+s0+$0x0] =	vst.idx.msk $0xffff, v9  }
0x769: {  	v9 =	vld [tilespmem:s9+$0xFFFFFFF0];
	_ =	sdelay $0x1  }
0x76a: {  	v8 =	vadd.s32 v3, v8;
	_ =	sdelay $0x2  }
0x76b: {  	v9 =	vadd.f32 v9, v7;
	_ =	sdelay $0x1  }
0x76c: {  	s7 =	sadd.s32 $0x2, s11;
	[tilespmem:v8+s0+$0x0] =	vst.idx.msk $0xffff, v9  }
0x76d: {  	v8 =	vmov s7;
	v9 =	vld [tilespmem:s9+$0x0]  }
0x76e: {  	v8 =	vand.u32 $0x7E, v8  }
0x76f: {  	v10 =	vadd.s32 v0, v8;
	_ =	sdelay $0x2  }
0x770: {  	v9 =	vadd.f32 v9, v4;
	_ =	sdelay $0x1  }
0x771: {  	[tilespmem:v10+s0+$0x0] =	vst.idx.msk $0xffff, v9  }
0x772: {  	v9 =	vld [tilespmem:s9+$0x10];
	_ =	sdelay $0x1  }
0x773: {  	v10 =	vadd.s32 v1, v8;
	_ =	sdelay $0x2  }
0x774: {  	v9 =	vadd.f32 v9, v5;
	_ =	sdelay $0x1  }
0x775: {  	[tilespmem:v10+s0+$0x0] =	vst.idx.msk $0xffff, v9  }
0x776: {  	v9 =	vld [tilespmem:s9+$0x20];
	_ =	sdelay $0x1  }
0x777: {  	v10 =	vadd.s32 v2, v8;
	_ =	sdelay $0x2  }
0x778: {  	v9 =	vadd.f32 v9, v6;
	_ =	sdelay $0x1  }
0x779: {  	[tilespmem:v10+s0+$0x0] =	vst.idx.msk $0xffff, v9  }
0x77a: {  	v9 =	vld [tilespmem:s9+$0x30];
	_ =	sdelay $0x1  }
0x77b: {  	v8 =	vadd.s32 v3, v8;
	_ =	sdelay $0x2  }
0x77c: {  	v9 =	vadd.f32 v9, v7;
	_ =	sdelay $0x1  }
0x77d: {  	s7 =	sadd.s32 $0x3, s11;
	[tilespmem:v8+s0+$0x0] =	vst.idx.msk $0xffff, v9  }
0x77e: {  	v8 =	vmov s7;
	v9 =	vld [tilespmem:s9+$0x40]  }
0x77f: {  	v8 =	vand.u32 $0x7F, v8  }
0x780: {  	v10 =	vadd.s32 v0, v8;
	_ =	sdelay $0x2  }
0x781: {  	v9 =	vadd.f32 v9, v4;
	_ =	sdelay $0x1  }
0x782: {  	[tilespmem:v10+s0+$0x0] =	vst.idx.msk $0xffff, v9  }
0x783: {  	v9 =	vld [tilespmem:s9+$0x50];
	_ =	sdelay $0x1  }
0x784: {  	v10 =	vadd.s32 v1, v8;
	_ =	sdelay $0x2  }
0x785: {  	v9 =	vadd.f32 v9, v5;
	_ =	sdelay $0x1  }
0x786: {  	[tilespmem:v10+s0+$0x0] =	vst.idx.msk $0xffff, v9  }
0x787: {  	v9 =	vld [tilespmem:s9+$0x60];
	_ =	sdelay $0x1  }
0x788: {  	v10 =	vadd.s32 v2, v8;
	_ =	sdelay $0x2  }
0x789: {  	v9 =	vadd.f32 v9, v6;
	_ =	sdelay $0x1  }
0x78a: {  	[tilespmem:v10+s0+$0x0] =	vst.idx.msk $0xffff, v9  }
0x78b: {  	v9 =	vld [tilespmem:s9+$0x70]  }
.Ltmp19:
0x78c: {  	(pc) =	sbr.rel @p0 .LBB2_40-.Ltmp19, $2  }
0x78d: {  	v8 =	vadd.s32 v3, v8;
	_ =	sdelay $0x2  }
0x78e: {  	v9 =	vadd.f32 v9, v7  }
0x78f: {  	_ =	sdelay $0x3  }
0x790: {  	[tilespmem:v8+s0+$0x0] =	vst.idx.msk $0xffff, v9  }
0x791: {  	_ =	swait.ge [sflag:s1], $0x2000  }
0x792: {  	[sflag:s1] =	ssyncset.done $0x0  }
0x793: {  	s7 =	simm.s32 $0x13800;
	s10 =	rddreg [dreg:$0xa];
	[sflag:s1] =	ssyncadd.s32 $0xFFFFE000  }
0x794: {  	[hbm4b:s10+s3] =	stream.linear.scatter [tilespmem:s7], [sflag:$0x6], $0x80, $0x38;
	[tilespmem:$0x19E00] =	vst v63  }
0x795: {  	s15 =	simm.s32 $0x13888;
	s9 =	sadd.s32 $0x10, s10  }
0x796: {  	[hbm4b:s9+s3] =	stream.linear.scatter [tilespmem:s15], [sflag:$0x6], $0x80, $0x38;
	[tilespmem:$0x19E00] =	vst v63  }
0x797: {  	s16 =	simm.s32 $0x13910;
	s12 =	simm.s32 $0x13A20;
	s21 =	sadd.s32 $0x20, s10  }
0x798: {  	[hbm4b:s21+s3] =	stream.linear.scatter [tilespmem:s16], [sflag:$0x6], $0x80, $0x38;
	[tilespmem:$0x19E00] =	vst v63  }
0x799: {  	s14 =	simm.s32 $0x13AA8;
	s11 =	sadd.s32 $0x30, s10;
	s9 =	simm.s32 $0x13998  }
0x79a: {  	[hbm4b:s11+s3] =	stream.linear.scatter [tilespmem:s9], [sflag:$0x6], $0x80, $0x38;
	[tilespmem:$0x19E00] =	vst v63  }
0x79b: {  	s13 =	sadd.s32 $0x40, s10;
	s15 =	sadd.s32 $0x50, s10;
	s16 =	simm.s32 $0x13B30  }
0x79c: {  	[hbm4b:s13+s3] =	stream.linear.scatter [tilespmem:s12], [sflag:$0x6], $0x80, $0x38;
	[tilespmem:$0x19E00] =	vst v63  }
0x79d: {  	s21 =	sadd.s32 $0x60, s10;
	s9 =	simm.s32 $0x440;
	s11 =	simm.s32 $0x2200  }
0x79e: {  	[hbm4b:s15+s3] =	stream.linear.scatter [tilespmem:s14], [sflag:$0x6], $0x80, $0x38;
	[tilespmem:$0x19E00] =	vst v63  }
0x79f: {  	s12 =	simm.s32 $0x13BB8;
	s13 =	sadd.s32 $0x70, s10;
	s10 =	sadd.s32 $0x1000, s10  }
0x7a0: {  	[hbm4b:s21+s3] =	stream.linear.scatter [tilespmem:s16], [sflag:$0x6], $0x80, $0x38;
	[tilespmem:$0x19E00] =	vst v63  }
.LBB2_42:
0x7a1: {  	[hbm4b:s13+s3] =	stream.linear.scatter [tilespmem:s12], [sflag:$0x6], $0x80, $0x38;
	[tilespmem:$0x19E00] =	vst v63  }
0x7a2: {  	s7 =	smov.u32 s9;
	s9 =	smov.u32 s11  }
0x7a3: {  	s14 =	sadd.s32 $0x1100, s11;
	s9 =	sshra.s32 s9, $0x2;
	s12 =	sadd.s32 $0x13800, s7  }
0x7a4: {  	[hbm4b:s10+s3] =	stream.linear.scatter [tilespmem:s12], [sflag:$0x6], $0x80, $0x38;
	[tilespmem:$0x19E00] =	vst v63  }
0x7a5: {  	p0 =	sne.s32 s11, $0x7700;
	s11 =	sadd.s32 $0x13888, s7;
	s12 =	sadd.s32 $0x10, s10  }
0x7a6: {  	[hbm4b:s12+s3] =	stream.linear.scatter [tilespmem:s11], [sflag:$0x6], $0x80, $0x38;
	[tilespmem:$0x19E00] =	vst v63  }
0x7a7: {  	s11 =	sadd.s32 $0x13910, s7;
	s12 =	sadd.s32 $0x20, s10  }
0x7a8: {  	[hbm4b:s12+s3] =	stream.linear.scatter [tilespmem:s11], [sflag:$0x6], $0x80, $0x38;
	[tilespmem:$0x19E00] =	vst v63  }
0x7a9: {  	s11 =	sadd.s32 $0x13998, s7;
	s12 =	sadd.s32 $0x30, s10  }
0x7aa: {  	[hbm4b:s12+s3] =	stream.linear.scatter [tilespmem:s11], [sflag:$0x6], $0x80, $0x38;
	[tilespmem:$0x19E00] =	vst v63  }
0x7ab: {  	s11 =	sadd.s32 $0x13A20, s7;
	s12 =	sadd.s32 $0x40, s10  }
0x7ac: {  	[hbm4b:s12+s3] =	stream.linear.scatter [tilespmem:s11], [sflag:$0x6], $0x80, $0x38;
	[tilespmem:$0x19E00] =	vst v63  }
.Ltmp20:
0x7ad: {  	s11 =	sadd.s32 $0x13AA8, s7;
	s12 =	sadd.s32 $0x50, s10;
	(pc) =	sbr.rel @p0 .LBB2_42-.Ltmp20, $4  }
0x7ae: {  	[hbm4b:s12+s3] =	stream.linear.scatter [tilespmem:s11], [sflag:$0x6], $0x80, $0x38;
	[tilespmem:$0x19E00] =	vst v63  }
0x7af: {  	s13 =	sadd.s32 $0x70, s10;
	s11 =	sadd.s32 $0x13B30, s7;
	s12 =	sadd.s32 $0x60, s10  }
0x7b0: {  	[hbm4b:s12+s3] =	stream.linear.scatter [tilespmem:s11], [sflag:$0x6], $0x80, $0x38;
	[tilespmem:$0x19E00] =	vst v63  }
0x7b1: {  	s10 =	sadd.s32 $0x1000, s10;
	s12 =	sadd.s32 $0x13BB8, s7;
	s11 =	smov.u32 s14  }
0x7b2: {  	[hbm4b:s13+s3] =	stream.linear.scatter [tilespmem:s12], [sflag:$0x6], $0x80, $0x38;
	[tilespmem:$0x19E00] =	vst v63  }
0x7b3: {  	s7 =	sadd.s32 $0x13800, s9  }
0x7b4: {  	[hbm4b:s10+s3] =	stream.linear.scatter [tilespmem:s7], [sflag:$0x6], $0x80, $0x38;
	[tilespmem:$0x19E00] =	vst v63  }
0x7b5: {  	s13 =	sadd.s32 $0x13888, s9;
	s11 =	sadd.s32 $0x10, s10  }
0x7b6: {  	[hbm4b:s11+s3] =	stream.linear.scatter [tilespmem:s13], [sflag:$0x6], $0x80, $0x38;
	[tilespmem:$0x19E00] =	vst v63  }
0x7b7: {  	s14 =	sadd.s32 $0x13910, s9;
	s15 =	sadd.s32 $0x20, s10  }
0x7b8: {  	[hbm4b:s15+s3] =	stream.linear.scatter [tilespmem:s14], [sflag:$0x6], $0x80, $0x38;
	[tilespmem:$0x19E00] =	vst v63  }
0x7b9: {  	s16 =	sadd.s32 $0x13998, s9;
	s21 =	sadd.s32 $0x30, s10  }
0x7ba: {  	[hbm4b:s21+s3] =	stream.linear.scatter [tilespmem:s16], [sflag:$0x6], $0x80, $0x38;
	[tilespmem:$0x19E00] =	vst v63  }
0x7bb: {  	s12 =	sadd.s32 $0x13A20, s9;
	s13 =	sadd.s32 $0x40, s10  }
0x7bc: {  	[hbm4b:s13+s3] =	stream.linear.scatter [tilespmem:s12], [sflag:$0x6], $0x80, $0x38;
	[tilespmem:$0x19E00] =	vst v63  }
0x7bd: {  	s14 =	sadd.s32 $0x13AA8, s9;
	s15 =	sadd.s32 $0x50, s10  }
0x7be: {  	[hbm4b:s15+s3] =	stream.linear.scatter [tilespmem:s14], [sflag:$0x6], $0x80, $0x38;
	[tilespmem:$0x19E00] =	vst v63  }
0x7bf: {  	s16 =	sadd.s32 $0x13B30, s9;
	s21 =	sadd.s32 $0x60, s10  }
0x7c0: {  	[hbm4b:s21+s3] =	stream.linear.scatter [tilespmem:s16], [sflag:$0x6], $0x80, $0x38;
	[tilespmem:$0x19E00] =	vst v63  }
0x7c1: {  	s12 =	sadd.s32 $0x13BB8, s9;
	s13 =	sadd.s32 $0x70, s10  }
0x7c2: {  	[hbm4b:s13+s3] =	stream.linear.scatter [tilespmem:s12], [sflag:$0x6], $0x80, $0x38;
	[tilespmem:$0x19E00] =	vst v63  }
0x7c3: {  	_ =	swait.ge [sflag:s18], $0x2000  }
0x7c4: {  	[sflag:s18] =	ssyncset.done $0x0  }
0x7c5: {  	[sflag:s18] =	ssyncadd.s32 $0xFFFFE000  }
0x7c6: {  	s9 =	simm.s32 $0xD680;
	s14 =	simm.s32 $0x0;
	v4 =	vld [tilespmem:$0x9580]  }
0x7c7: {  	v5 =	vmov s14;
	v7 =	vld [tilespmem:s9+$0xFFFFFF80]  }
0x7c8: {  	v8 =	vand.u32 $0x7C, v5  }
0x7c9: {  	v9 =	vadd.s32 v0, v8;
	_ =	sdelay $0x2  }
0x7ca: {  	v5 =	vld [tilespmem:$0x9590];
	v10 =	vadd.f32 v7, v4  }
0x7cb: {  	v6 =	vld [tilespmem:$0x95A0]  }
0x7cc: {  	v7 =	vld [tilespmem:$0x95B0];
	[tilespmem:v9+s20+$0x0] =	vst.idx.msk $0xffff, v10  }
0x7cd: {  	v9 =	vld [tilespmem:s9+$0xFFFFFF90];
	_ =	sdelay $0x1  }
0x7ce: {  	v10 =	vadd.s32 v1, v8;
	_ =	sdelay $0x2  }
0x7cf: {  	v9 =	vadd.f32 v9, v5;
	_ =	sdelay $0x1  }
0x7d0: {  	[tilespmem:v10+s20+$0x0] =	vst.idx.msk $0xffff, v9  }
0x7d1: {  	v9 =	vld [tilespmem:s9+$0xFFFFFFA0];
	_ =	sdelay $0x1  }
0x7d2: {  	v10 =	vadd.s32 v2, v8;
	_ =	sdelay $0x2  }
0x7d3: {  	v9 =	vadd.f32 v9, v6;
	_ =	sdelay $0x1  }
0x7d4: {  	[tilespmem:v10+s20+$0x0] =	vst.idx.msk $0xffff, v9  }
0x7d5: {  	v9 =	vld [tilespmem:s9+$0xFFFFFFB0];
	_ =	sdelay $0x1  }
0x7d6: {  	v8 =	vadd.s32 v3, v8;
	_ =	sdelay $0x2  }
0x7d7: {  	v9 =	vadd.f32 v9, v7;
	_ =	sdelay $0x1  }
0x7d8: {  	s15 =	simm.s32 $0x1;
	[tilespmem:v8+s20+$0x0] =	vst.idx.msk $0xffff, v9  }
0x7d9: {  	v8 =	vmov s15;
	v9 =	vld [tilespmem:s9+$0xFFFFFFC0]  }
0x7da: {  	v8 =	vand.u32 $0x7D, v8  }
0x7db: {  	v10 =	vadd.s32 v0, v8;
	_ =	sdelay $0x2  }
0x7dc: {  	v9 =	vadd.f32 v9, v4;
	_ =	sdelay $0x1  }
0x7dd: {  	[tilespmem:v10+s20+$0x0] =	vst.idx.msk $0xffff, v9  }
0x7de: {  	v9 =	vld [tilespmem:s9+$0xFFFFFFD0];
	_ =	sdelay $0x1  }
0x7df: {  	v10 =	vadd.s32 v1, v8;
	_ =	sdelay $0x2  }
0x7e0: {  	v9 =	vadd.f32 v9, v5;
	_ =	sdelay $0x1  }
0x7e1: {  	[tilespmem:v10+s20+$0x0] =	vst.idx.msk $0xffff, v9  }
0x7e2: {  	v9 =	vld [tilespmem:s9+$0xFFFFFFE0];
	_ =	sdelay $0x1  }
0x7e3: {  	v10 =	vadd.s32 v2, v8;
	_ =	sdelay $0x2  }
0x7e4: {  	v9 =	vadd.f32 v9, v6;
	_ =	sdelay $0x1  }
0x7e5: {  	[tilespmem:v10+s20+$0x0] =	vst.idx.msk $0xffff, v9  }
0x7e6: {  	v9 =	vld [tilespmem:s9+$0xFFFFFFF0];
	_ =	sdelay $0x1  }
0x7e7: {  	v8 =	vadd.s32 v3, v8;
	_ =	sdelay $0x2  }
0x7e8: {  	v9 =	vadd.f32 v9, v7;
	_ =	sdelay $0x1  }
0x7e9: {  	s16 =	simm.s32 $0x2;
	[tilespmem:v8+s20+$0x0] =	vst.idx.msk $0xffff, v9  }
0x7ea: {  	v8 =	vmov s16;
	v9 =	vld [tilespmem:s9+$0x0]  }
0x7eb: {  	v8 =	vand.u32 $0x7E, v8  }
0x7ec: {  	v10 =	vadd.s32 v0, v8;
	_ =	sdelay $0x2  }
0x7ed: {  	v9 =	vadd.f32 v9, v4;
	_ =	sdelay $0x1  }
0x7ee: {  	[tilespmem:v10+s20+$0x0] =	vst.idx.msk $0xffff, v9  }
0x7ef: {  	v9 =	vld [tilespmem:s9+$0x10];
	_ =	sdelay $0x1  }
0x7f0: {  	v10 =	vadd.s32 v1, v8;
	_ =	sdelay $0x2  }
0x7f1: {  	v9 =	vadd.f32 v9, v5;
	_ =	sdelay $0x1  }
0x7f2: {  	[tilespmem:v10+s20+$0x0] =	vst.idx.msk $0xffff, v9  }
0x7f3: {  	v9 =	vld [tilespmem:s9+$0x20];
	_ =	sdelay $0x1  }
0x7f4: {  	v10 =	vadd.s32 v2, v8;
	_ =	sdelay $0x2  }
0x7f5: {  	v9 =	vadd.f32 v9, v6;
	_ =	sdelay $0x1  }
0x7f6: {  	[tilespmem:v10+s20+$0x0] =	vst.idx.msk $0xffff, v9  }
0x7f7: {  	v9 =	vld [tilespmem:s9+$0x30];
	_ =	sdelay $0x1  }
0x7f8: {  	v8 =	vadd.s32 v3, v8;
	_ =	sdelay $0x2  }
0x7f9: {  	v9 =	vadd.f32 v9, v7;
	_ =	sdelay $0x1  }
0x7fa: {  	s21 =	simm.s32 $0x3;
	[tilespmem:v8+s20+$0x0] =	vst.idx.msk $0xffff, v9  }
0x7fb: {  	v8 =	vmov s21;
	v9 =	vld [tilespmem:s9+$0x40]  }
0x7fc: {  	v8 =	vand.u32 $0x7F, v8  }
0x7fd: {  	v10 =	vadd.s32 v0, v8;
	_ =	sdelay $0x2  }
0x7fe: {  	v9 =	vadd.f32 v9, v4;
	_ =	sdelay $0x1  }
0x7ff: {  	[tilespmem:v10+s20+$0x0] =	vst.idx.msk $0xffff, v9  }
0x800: {  	v9 =	vld [tilespmem:s9+$0x50];
	_ =	sdelay $0x1  }
0x801: {  	v10 =	vadd.s32 v1, v8;
	_ =	sdelay $0x2  }
0x802: {  	v9 =	vadd.f32 v9, v5;
	_ =	sdelay $0x1  }
0x803: {  	[tilespmem:v10+s20+$0x0] =	vst.idx.msk $0xffff, v9  }
0x804: {  	v9 =	vld [tilespmem:s9+$0x60];
	_ =	sdelay $0x1  }
0x805: {  	v10 =	vadd.s32 v2, v8;
	_ =	sdelay $0x2  }
0x806: {  	v9 =	vadd.f32 v9, v6;
	_ =	sdelay $0x1  }
0x807: {  	[tilespmem:v10+s20+$0x0] =	vst.idx.msk $0xffff, v9  }
0x808: {  	v9 =	vld [tilespmem:s9+$0x70];
	_ =	sdelay $0x1  }
0x809: {  	v8 =	vadd.s32 v3, v8;
	_ =	sdelay $0x2  }
0x80a: {  	s10 =	simm.s32 $0x4;
	v9 =	vadd.f32 v9, v7  }
.LBB2_44:
0x80b: {  	p0 =	slt.u32 s10, $0x7C  }
0x80c: {  	s9 =	sadd.s32 $0x100, s9;
	s11 =	smov.u32 s10;
	s10 =	sadd.s32 $0x4, s10;
	[tilespmem:v8+s20+$0x0] =	vst.idx.msk $0xffff, v9  }
0x80d: {  	v8 =	vmov s11;
	v9 =	vld [tilespmem:s9+$0xFFFFFF80]  }
0x80e: {  	v8 =	vand.u32 $0x7C, v8  }
0x80f: {  	v10 =	vadd.s32 v0, v8;
	_ =	sdelay $0x2  }
0x810: {  	v9 =	vadd.f32 v9, v4;
	_ =	sdelay $0x1  }
0x811: {  	[tilespmem:v10+s20+$0x0] =	vst.idx.msk $0xffff, v9  }
0x812: {  	v9 =	vld [tilespmem:s9+$0xFFFFFF90];
	_ =	sdelay $0x1  }
0x813: {  	v10 =	vadd.s32 v1, v8;
	_ =	sdelay $0x2  }
0x814: {  	v9 =	vadd.f32 v9, v5;
	_ =	sdelay $0x1  }
0x815: {  	[tilespmem:v10+s20+$0x0] =	vst.idx.msk $0xffff, v9  }
0x816: {  	v9 =	vld [tilespmem:s9+$0xFFFFFFA0];
	_ =	sdelay $0x1  }
0x817: {  	v10 =	vadd.s32 v2, v8;
	_ =	sdelay $0x2  }
0x818: {  	v9 =	vadd.f32 v9, v6;
	_ =	sdelay $0x1  }
0x819: {  	[tilespmem:v10+s20+$0x0] =	vst.idx.msk $0xffff, v9  }
0x81a: {  	v9 =	vld [tilespmem:s9+$0xFFFFFFB0];
	_ =	sdelay $0x1  }
0x81b: {  	v8 =	vadd.s32 v3, v8;
	_ =	sdelay $0x2  }
0x81c: {  	v9 =	vadd.f32 v9, v7;
	_ =	sdelay $0x1  }
0x81d: {  	s7 =	sadd.s32 $0x1, s11;
	[tilespmem:v8+s20+$0x0] =	vst.idx.msk $0xffff, v9  }
0x81e: {  	v8 =	vmov s7;
	v9 =	vld [tilespmem:s9+$0xFFFFFFC0]  }
0x81f: {  	v8 =	vand.u32 $0x7D, v8  }
0x820: {  	v10 =	vadd.s32 v0, v8;
	_ =	sdelay $0x2  }
0x821: {  	v9 =	vadd.f32 v9, v4;
	_ =	sdelay $0x1  }
0x822: {  	[tilespmem:v10+s20+$0x0] =	vst.idx.msk $0xffff, v9  }
0x823: {  	v9 =	vld [tilespmem:s9+$0xFFFFFFD0];
	_ =	sdelay $0x1  }
0x824: {  	v10 =	vadd.s32 v1, v8;
	_ =	sdelay $0x2  }
0x825: {  	v9 =	vadd.f32 v9, v5;
	_ =	sdelay $0x1  }
0x826: {  	[tilespmem:v10+s20+$0x0] =	vst.idx.msk $0xffff, v9  }
0x827: {  	v9 =	vld [tilespmem:s9+$0xFFFFFFE0];
	_ =	sdelay $0x1  }
0x828: {  	v10 =	vadd.s32 v2, v8;
	_ =	sdelay $0x2  }
0x829: {  	v9 =	vadd.f32 v9, v6;
	_ =	sdelay $0x1  }
0x82a: {  	[tilespmem:v10+s20+$0x0] =	vst.idx.msk $0xffff, v9  }
0x82b: {  	v9 =	vld [tilespmem:s9+$0xFFFFFFF0];
	_ =	sdelay $0x1  }
0x82c: {  	v8 =	vadd.s32 v3, v8;
	_ =	sdelay $0x2  }
0x82d: {  	v9 =	vadd.f32 v9, v7;
	_ =	sdelay $0x1  }
0x82e: {  	s7 =	sadd.s32 $0x2, s11;
	[tilespmem:v8+s20+$0x0] =	vst.idx.msk $0xffff, v9  }
0x82f: {  	v8 =	vmov s7;
	v9 =	vld [tilespmem:s9+$0x0]  }
0x830: {  	v8 =	vand.u32 $0x7E, v8  }
0x831: {  	v10 =	vadd.s32 v0, v8;
	_ =	sdelay $0x2  }
0x832: {  	v9 =	vadd.f32 v9, v4;
	_ =	sdelay $0x1  }
0x833: {  	[tilespmem:v10+s20+$0x0] =	vst.idx.msk $0xffff, v9  }
0x834: {  	v9 =	vld [tilespmem:s9+$0x10];
	_ =	sdelay $0x1  }
0x835: {  	v10 =	vadd.s32 v1, v8;
	_ =	sdelay $0x2  }
0x836: {  	v9 =	vadd.f32 v9, v5;
	_ =	sdelay $0x1  }
0x837: {  	[tilespmem:v10+s20+$0x0] =	vst.idx.msk $0xffff, v9  }
0x838: {  	v9 =	vld [tilespmem:s9+$0x20];
	_ =	sdelay $0x1  }
0x839: {  	v10 =	vadd.s32 v2, v8;
	_ =	sdelay $0x2  }
0x83a: {  	v9 =	vadd.f32 v9, v6;
	_ =	sdelay $0x1  }
0x83b: {  	[tilespmem:v10+s20+$0x0] =	vst.idx.msk $0xffff, v9  }
0x83c: {  	v9 =	vld [tilespmem:s9+$0x30];
	_ =	sdelay $0x1  }
0x83d: {  	v8 =	vadd.s32 v3, v8;
	_ =	sdelay $0x2  }
0x83e: {  	v9 =	vadd.f32 v9, v7;
	_ =	sdelay $0x1  }
0x83f: {  	s7 =	sadd.s32 $0x3, s11;
	[tilespmem:v8+s20+$0x0] =	vst.idx.msk $0xffff, v9  }
0x840: {  	v8 =	vmov s7;
	v9 =	vld [tilespmem:s9+$0x40]  }
0x841: {  	v8 =	vand.u32 $0x7F, v8  }
0x842: {  	v10 =	vadd.s32 v0, v8;
	_ =	sdelay $0x2  }
0x843: {  	v9 =	vadd.f32 v9, v4;
	_ =	sdelay $0x1  }
0x844: {  	[tilespmem:v10+s20+$0x0] =	vst.idx.msk $0xffff, v9  }
0x845: {  	v9 =	vld [tilespmem:s9+$0x50];
	_ =	sdelay $0x1  }
0x846: {  	v10 =	vadd.s32 v1, v8;
	_ =	sdelay $0x2  }
0x847: {  	v9 =	vadd.f32 v9, v5;
	_ =	sdelay $0x1  }
0x848: {  	[tilespmem:v10+s20+$0x0] =	vst.idx.msk $0xffff, v9  }
0x849: {  	v9 =	vld [tilespmem:s9+$0x60];
	_ =	sdelay $0x1  }
0x84a: {  	v10 =	vadd.s32 v2, v8;
	_ =	sdelay $0x2  }
0x84b: {  	v9 =	vadd.f32 v9, v6;
	_ =	sdelay $0x1  }
0x84c: {  	[tilespmem:v10+s20+$0x0] =	vst.idx.msk $0xffff, v9  }
0x84d: {  	v9 =	vld [tilespmem:s9+$0x70]  }
.Ltmp21:
0x84e: {  	(pc) =	sbr.rel @p0 .LBB2_44-.Ltmp21, $2  }
0x84f: {  	v8 =	vadd.s32 v3, v8;
	_ =	sdelay $0x2  }
0x850: {  	v9 =	vadd.f32 v9, v7  }
0x851: {  	_ =	sdelay $0x3  }
0x852: {  	[tilespmem:v8+s20+$0x0] =	vst.idx.msk $0xffff, v9  }
0x853: {  	_ =	swait.ge [sflag:s5], $0x2000  }
0x854: {  	[sflag:s5] =	ssyncset.done $0x0  }
0x855: {  	s7 =	simm.s32 $0x15A00;
	s10 =	rddreg [dreg:$0xb];
	[sflag:s5] =	ssyncadd.s32 $0xFFFFE000  }
0x856: {  	[hbm4b:s10+s3] =	stream.linear.scatter [tilespmem:s7], [sflag:$0x7], $0x80, $0x38;
	[tilespmem:$0x19E00] =	vst v63  }
0x857: {  	s15 =	simm.s32 $0x15A88;
	s9 =	sadd.s32 $0x10, s10  }
0x858: {  	[hbm4b:s9+s3] =	stream.linear.scatter [tilespmem:s15], [sflag:$0x7], $0x80, $0x38;
	[tilespmem:$0x19E00] =	vst v63  }
0x859: {  	s16 =	simm.s32 $0x15B10;
	s12 =	simm.s32 $0x15C20;
	s21 =	sadd.s32 $0x20, s10  }
0x85a: {  	[hbm4b:s21+s3] =	stream.linear.scatter [tilespmem:s16], [sflag:$0x7], $0x80, $0x38;
	[tilespmem:$0x19E00] =	vst v63  }
0x85b: {  	s14 =	simm.s32 $0x15CA8;
	s11 =	sadd.s32 $0x30, s10;
	s9 =	simm.s32 $0x15B98  }
0x85c: {  	[hbm4b:s11+s3] =	stream.linear.scatter [tilespmem:s9], [sflag:$0x7], $0x80, $0x38;
	[tilespmem:$0x19E00] =	vst v63  }
0x85d: {  	s13 =	sadd.s32 $0x40, s10;
	s15 =	sadd.s32 $0x50, s10;
	s16 =	simm.s32 $0x15D30  }
0x85e: {  	[hbm4b:s13+s3] =	stream.linear.scatter [tilespmem:s12], [sflag:$0x7], $0x80, $0x38;
	[tilespmem:$0x19E00] =	vst v63  }
0x85f: {  	s21 =	sadd.s32 $0x60, s10;
	s9 =	simm.s32 $0x440;
	s11 =	simm.s32 $0x2200  }
0x860: {  	[hbm4b:s15+s3] =	stream.linear.scatter [tilespmem:s14], [sflag:$0x7], $0x80, $0x38;
	[tilespmem:$0x19E00] =	vst v63  }
0x861: {  	s12 =	simm.s32 $0x15DB8;
	s13 =	sadd.s32 $0x70, s10;
	s10 =	sadd.s32 $0x1000, s10  }
0x862: {  	[hbm4b:s21+s3] =	stream.linear.scatter [tilespmem:s16], [sflag:$0x7], $0x80, $0x38;
	[tilespmem:$0x19E00] =	vst v63  }
.LBB2_46:
0x863: {  	[hbm4b:s13+s3] =	stream.linear.scatter [tilespmem:s12], [sflag:$0x7], $0x80, $0x38;
	[tilespmem:$0x19E00] =	vst v63  }
0x864: {  	s7 =	smov.u32 s9;
	s9 =	smov.u32 s11  }
0x865: {  	s14 =	sadd.s32 $0x1100, s11;
	s9 =	sshra.s32 s9, $0x2;
	s12 =	sadd.s32 $0x15A00, s7  }
0x866: {  	[hbm4b:s10+s3] =	stream.linear.scatter [tilespmem:s12], [sflag:$0x7], $0x80, $0x38;
	[tilespmem:$0x19E00] =	vst v63  }
0x867: {  	p0 =	sne.s32 s11, $0x7700;
	s11 =	sadd.s32 $0x15A88, s7;
	s12 =	sadd.s32 $0x10, s10  }
0x868: {  	[hbm4b:s12+s3] =	stream.linear.scatter [tilespmem:s11], [sflag:$0x7], $0x80, $0x38;
	[tilespmem:$0x19E00] =	vst v63  }
0x869: {  	s11 =	sadd.s32 $0x15B10, s7;
	s12 =	sadd.s32 $0x20, s10  }
0x86a: {  	[hbm4b:s12+s3] =	stream.linear.scatter [tilespmem:s11], [sflag:$0x7], $0x80, $0x38;
	[tilespmem:$0x19E00] =	vst v63  }
0x86b: {  	s11 =	sadd.s32 $0x15B98, s7;
	s12 =	sadd.s32 $0x30, s10  }
0x86c: {  	[hbm4b:s12+s3] =	stream.linear.scatter [tilespmem:s11], [sflag:$0x7], $0x80, $0x38;
	[tilespmem:$0x19E00] =	vst v63  }
0x86d: {  	s11 =	sadd.s32 $0x15C20, s7;
	s12 =	sadd.s32 $0x40, s10  }
0x86e: {  	[hbm4b:s12+s3] =	stream.linear.scatter [tilespmem:s11], [sflag:$0x7], $0x80, $0x38;
	[tilespmem:$0x19E00] =	vst v63  }
.Ltmp22:
0x86f: {  	s11 =	sadd.s32 $0x15CA8, s7;
	s12 =	sadd.s32 $0x50, s10;
	(pc) =	sbr.rel @p0 .LBB2_46-.Ltmp22, $4  }
0x870: {  	[hbm4b:s12+s3] =	stream.linear.scatter [tilespmem:s11], [sflag:$0x7], $0x80, $0x38;
	[tilespmem:$0x19E00] =	vst v63  }
0x871: {  	s13 =	sadd.s32 $0x70, s10;
	s11 =	sadd.s32 $0x15D30, s7;
	s12 =	sadd.s32 $0x60, s10  }
0x872: {  	[hbm4b:s12+s3] =	stream.linear.scatter [tilespmem:s11], [sflag:$0x7], $0x80, $0x38;
	[tilespmem:$0x19E00] =	vst v63  }
0x873: {  	s10 =	sadd.s32 $0x1000, s10;
	s12 =	sadd.s32 $0x15DB8, s7;
	s11 =	smov.u32 s14  }
0x874: {  	[hbm4b:s13+s3] =	stream.linear.scatter [tilespmem:s12], [sflag:$0x7], $0x80, $0x38;
	[tilespmem:$0x19E00] =	vst v63  }
0x875: {  	s7 =	sadd.s32 $0x15A00, s9  }
0x876: {  	[hbm4b:s10+s3] =	stream.linear.scatter [tilespmem:s7], [sflag:$0x7], $0x80, $0x38;
	[tilespmem:$0x19E00] =	vst v63  }
0x877: {  	s13 =	sadd.s32 $0x15A88, s9;
	s11 =	sadd.s32 $0x10, s10  }
0x878: {  	[hbm4b:s11+s3] =	stream.linear.scatter [tilespmem:s13], [sflag:$0x7], $0x80, $0x38;
	[tilespmem:$0x19E00] =	vst v63  }
0x879: {  	s14 =	sadd.s32 $0x15B10, s9;
	s15 =	sadd.s32 $0x20, s10  }
0x87a: {  	[hbm4b:s15+s3] =	stream.linear.scatter [tilespmem:s14], [sflag:$0x7], $0x80, $0x38;
	[tilespmem:$0x19E00] =	vst v63  }
0x87b: {  	s16 =	sadd.s32 $0x15B98, s9;
	s21 =	sadd.s32 $0x30, s10  }
0x87c: {  	[hbm4b:s21+s3] =	stream.linear.scatter [tilespmem:s16], [sflag:$0x7], $0x80, $0x38;
	[tilespmem:$0x19E00] =	vst v63  }
0x87d: {  	s12 =	sadd.s32 $0x15C20, s9;
	s13 =	sadd.s32 $0x40, s10  }
0x87e: {  	[hbm4b:s13+s3] =	stream.linear.scatter [tilespmem:s12], [sflag:$0x7], $0x80, $0x38;
	[tilespmem:$0x19E00] =	vst v63  }
0x87f: {  	s14 =	sadd.s32 $0x15CA8, s9;
	s15 =	sadd.s32 $0x50, s10  }
0x880: {  	[hbm4b:s15+s3] =	stream.linear.scatter [tilespmem:s14], [sflag:$0x7], $0x80, $0x38;
	[tilespmem:$0x19E00] =	vst v63  }
0x881: {  	s16 =	sadd.s32 $0x15D30, s9;
	s21 =	sadd.s32 $0x60, s10  }
0x882: {  	[hbm4b:s21+s3] =	stream.linear.scatter [tilespmem:s16], [sflag:$0x7], $0x80, $0x38;
	[tilespmem:$0x19E00] =	vst v63  }
0x883: {  	s12 =	sadd.s32 $0x15DB8, s9;
	s13 =	sadd.s32 $0x70, s10  }
0x884: {  	[hbm4b:s13+s3] =	stream.linear.scatter [tilespmem:s12], [sflag:$0x7], $0x80, $0x38;
	[tilespmem:$0x19E00] =	vst v63  }
0x885: {  	_ =	swait.ge [sflag:s25], $0x2000  }
0x886: {  	[sflag:s25] =	ssyncset.done $0x0  }
0x887: {  	[sflag:s25] =	ssyncadd.s32 $0xFFFFE000  }
0x888: {  	s9 =	simm.s32 $0xF680;
	s14 =	simm.s32 $0x0;
	v4 =	vld [tilespmem:$0x95C0]  }
0x889: {  	v5 =	vmov s14;
	v7 =	vld [tilespmem:s9+$0xFFFFFF80]  }
0x88a: {  	v8 =	vand.u32 $0x7C, v5  }
0x88b: {  	v9 =	vadd.s32 v0, v8;
	_ =	sdelay $0x2  }
0x88c: {  	v5 =	vld [tilespmem:$0x95D0];
	v10 =	vadd.f32 v7, v4  }
0x88d: {  	v6 =	vld [tilespmem:$0x95E0]  }
0x88e: {  	v7 =	vld [tilespmem:$0x95F0];
	[tilespmem:v9+s30+$0x0] =	vst.idx.msk $0xffff, v10  }
0x88f: {  	v9 =	vld [tilespmem:s9+$0xFFFFFF90];
	_ =	sdelay $0x1  }
0x890: {  	v10 =	vadd.s32 v1, v8;
	_ =	sdelay $0x2  }
0x891: {  	v9 =	vadd.f32 v9, v5;
	_ =	sdelay $0x1  }
0x892: {  	[tilespmem:v10+s30+$0x0] =	vst.idx.msk $0xffff, v9  }
0x893: {  	v9 =	vld [tilespmem:s9+$0xFFFFFFA0];
	_ =	sdelay $0x1  }
0x894: {  	v10 =	vadd.s32 v2, v8;
	_ =	sdelay $0x2  }
0x895: {  	v9 =	vadd.f32 v9, v6;
	_ =	sdelay $0x1  }
0x896: {  	[tilespmem:v10+s30+$0x0] =	vst.idx.msk $0xffff, v9  }
0x897: {  	v9 =	vld [tilespmem:s9+$0xFFFFFFB0];
	_ =	sdelay $0x1  }
0x898: {  	v8 =	vadd.s32 v3, v8;
	_ =	sdelay $0x2  }
0x899: {  	v9 =	vadd.f32 v9, v7;
	_ =	sdelay $0x1  }
0x89a: {  	s15 =	simm.s32 $0x1;
	[tilespmem:v8+s30+$0x0] =	vst.idx.msk $0xffff, v9  }
0x89b: {  	v8 =	vmov s15;
	v9 =	vld [tilespmem:s9+$0xFFFFFFC0]  }
0x89c: {  	v8 =	vand.u32 $0x7D, v8  }
0x89d: {  	v10 =	vadd.s32 v0, v8;
	_ =	sdelay $0x2  }
0x89e: {  	v9 =	vadd.f32 v9, v4;
	_ =	sdelay $0x1  }
0x89f: {  	[tilespmem:v10+s30+$0x0] =	vst.idx.msk $0xffff, v9  }
0x8a0: {  	v9 =	vld [tilespmem:s9+$0xFFFFFFD0];
	_ =	sdelay $0x1  }
0x8a1: {  	v10 =	vadd.s32 v1, v8;
	_ =	sdelay $0x2  }
0x8a2: {  	v9 =	vadd.f32 v9, v5;
	_ =	sdelay $0x1  }
0x8a3: {  	[tilespmem:v10+s30+$0x0] =	vst.idx.msk $0xffff, v9  }
0x8a4: {  	v9 =	vld [tilespmem:s9+$0xFFFFFFE0];
	_ =	sdelay $0x1  }
0x8a5: {  	v10 =	vadd.s32 v2, v8;
	_ =	sdelay $0x2  }
0x8a6: {  	v9 =	vadd.f32 v9, v6;
	_ =	sdelay $0x1  }
0x8a7: {  	[tilespmem:v10+s30+$0x0] =	vst.idx.msk $0xffff, v9  }
0x8a8: {  	v9 =	vld [tilespmem:s9+$0xFFFFFFF0];
	_ =	sdelay $0x1  }
0x8a9: {  	v8 =	vadd.s32 v3, v8;
	_ =	sdelay $0x2  }
0x8aa: {  	v9 =	vadd.f32 v9, v7;
	_ =	sdelay $0x1  }
0x8ab: {  	s16 =	simm.s32 $0x2;
	[tilespmem:v8+s30+$0x0] =	vst.idx.msk $0xffff, v9  }
0x8ac: {  	v8 =	vmov s16;
	v9 =	vld [tilespmem:s9+$0x0]  }
0x8ad: {  	v8 =	vand.u32 $0x7E, v8  }
0x8ae: {  	v10 =	vadd.s32 v0, v8;
	_ =	sdelay $0x2  }
0x8af: {  	v9 =	vadd.f32 v9, v4;
	_ =	sdelay $0x1  }
0x8b0: {  	[tilespmem:v10+s30+$0x0] =	vst.idx.msk $0xffff, v9  }
0x8b1: {  	v9 =	vld [tilespmem:s9+$0x10];
	_ =	sdelay $0x1  }
0x8b2: {  	v10 =	vadd.s32 v1, v8;
	_ =	sdelay $0x2  }
0x8b3: {  	v9 =	vadd.f32 v9, v5;
	_ =	sdelay $0x1  }
0x8b4: {  	[tilespmem:v10+s30+$0x0] =	vst.idx.msk $0xffff, v9  }
0x8b5: {  	v9 =	vld [tilespmem:s9+$0x20];
	_ =	sdelay $0x1  }
0x8b6: {  	v10 =	vadd.s32 v2, v8;
	_ =	sdelay $0x2  }
0x8b7: {  	v9 =	vadd.f32 v9, v6;
	_ =	sdelay $0x1  }
0x8b8: {  	[tilespmem:v10+s30+$0x0] =	vst.idx.msk $0xffff, v9  }
0x8b9: {  	v9 =	vld [tilespmem:s9+$0x30];
	_ =	sdelay $0x1  }
0x8ba: {  	v8 =	vadd.s32 v3, v8;
	_ =	sdelay $0x2  }
0x8bb: {  	v9 =	vadd.f32 v9, v7;
	_ =	sdelay $0x1  }
0x8bc: {  	s21 =	simm.s32 $0x3;
	[tilespmem:v8+s30+$0x0] =	vst.idx.msk $0xffff, v9  }
0x8bd: {  	v8 =	vmov s21;
	v9 =	vld [tilespmem:s9+$0x40]  }
0x8be: {  	v8 =	vand.u32 $0x7F, v8  }
0x8bf: {  	v10 =	vadd.s32 v0, v8;
	_ =	sdelay $0x2  }
0x8c0: {  	v9 =	vadd.f32 v9, v4;
	_ =	sdelay $0x1  }
0x8c1: {  	[tilespmem:v10+s30+$0x0] =	vst.idx.msk $0xffff, v9  }
0x8c2: {  	v9 =	vld [tilespmem:s9+$0x50];
	_ =	sdelay $0x1  }
0x8c3: {  	v10 =	vadd.s32 v1, v8;
	_ =	sdelay $0x2  }
0x8c4: {  	v9 =	vadd.f32 v9, v5;
	_ =	sdelay $0x1  }
0x8c5: {  	[tilespmem:v10+s30+$0x0] =	vst.idx.msk $0xffff, v9  }
0x8c6: {  	v9 =	vld [tilespmem:s9+$0x60];
	_ =	sdelay $0x1  }
0x8c7: {  	v10 =	vadd.s32 v2, v8;
	_ =	sdelay $0x2  }
0x8c8: {  	v9 =	vadd.f32 v9, v6;
	_ =	sdelay $0x1  }
0x8c9: {  	[tilespmem:v10+s30+$0x0] =	vst.idx.msk $0xffff, v9  }
0x8ca: {  	v9 =	vld [tilespmem:s9+$0x70];
	_ =	sdelay $0x1  }
0x8cb: {  	v8 =	vadd.s32 v3, v8;
	_ =	sdelay $0x2  }
0x8cc: {  	s10 =	simm.s32 $0x4;
	v9 =	vadd.f32 v9, v7  }
.LBB2_48:
0x8cd: {  	p0 =	slt.u32 s10, $0x7C  }
0x8ce: {  	s9 =	sadd.s32 $0x100, s9;
	s11 =	smov.u32 s10;
	s10 =	sadd.s32 $0x4, s10;
	[tilespmem:v8+s30+$0x0] =	vst.idx.msk $0xffff, v9  }
0x8cf: {  	v8 =	vmov s11;
	v9 =	vld [tilespmem:s9+$0xFFFFFF80]  }
0x8d0: {  	v8 =	vand.u32 $0x7C, v8  }
0x8d1: {  	v10 =	vadd.s32 v0, v8;
	_ =	sdelay $0x2  }
0x8d2: {  	v9 =	vadd.f32 v9, v4;
	_ =	sdelay $0x1  }
0x8d3: {  	[tilespmem:v10+s30+$0x0] =	vst.idx.msk $0xffff, v9  }
0x8d4: {  	v9 =	vld [tilespmem:s9+$0xFFFFFF90];
	_ =	sdelay $0x1  }
0x8d5: {  	v10 =	vadd.s32 v1, v8;
	_ =	sdelay $0x2  }
0x8d6: {  	v9 =	vadd.f32 v9, v5;
	_ =	sdelay $0x1  }
0x8d7: {  	[tilespmem:v10+s30+$0x0] =	vst.idx.msk $0xffff, v9  }
0x8d8: {  	v9 =	vld [tilespmem:s9+$0xFFFFFFA0];
	_ =	sdelay $0x1  }
0x8d9: {  	v10 =	vadd.s32 v2, v8;
	_ =	sdelay $0x2  }
0x8da: {  	v9 =	vadd.f32 v9, v6;
	_ =	sdelay $0x1  }
0x8db: {  	[tilespmem:v10+s30+$0x0] =	vst.idx.msk $0xffff, v9  }
0x8dc: {  	v9 =	vld [tilespmem:s9+$0xFFFFFFB0];
	_ =	sdelay $0x1  }
0x8dd: {  	v8 =	vadd.s32 v3, v8;
	_ =	sdelay $0x2  }
0x8de: {  	v9 =	vadd.f32 v9, v7;
	_ =	sdelay $0x1  }
0x8df: {  	s7 =	sadd.s32 $0x1, s11;
	[tilespmem:v8+s30+$0x0] =	vst.idx.msk $0xffff, v9  }
0x8e0: {  	v8 =	vmov s7;
	v9 =	vld [tilespmem:s9+$0xFFFFFFC0]  }
0x8e1: {  	v8 =	vand.u32 $0x7D, v8  }
0x8e2: {  	v10 =	vadd.s32 v0, v8;
	_ =	sdelay $0x2  }
0x8e3: {  	v9 =	vadd.f32 v9, v4;
	_ =	sdelay $0x1  }
0x8e4: {  	[tilespmem:v10+s30+$0x0] =	vst.idx.msk $0xffff, v9  }
0x8e5: {  	v9 =	vld [tilespmem:s9+$0xFFFFFFD0];
	_ =	sdelay $0x1  }
0x8e6: {  	v10 =	vadd.s32 v1, v8;
	_ =	sdelay $0x2  }
0x8e7: {  	v9 =	vadd.f32 v9, v5;
	_ =	sdelay $0x1  }
0x8e8: {  	[tilespmem:v10+s30+$0x0] =	vst.idx.msk $0xffff, v9  }
0x8e9: {  	v9 =	vld [tilespmem:s9+$0xFFFFFFE0];
	_ =	sdelay $0x1  }
0x8ea: {  	v10 =	vadd.s32 v2, v8;
	_ =	sdelay $0x2  }
0x8eb: {  	v9 =	vadd.f32 v9, v6;
	_ =	sdelay $0x1  }
0x8ec: {  	[tilespmem:v10+s30+$0x0] =	vst.idx.msk $0xffff, v9  }
0x8ed: {  	v9 =	vld [tilespmem:s9+$0xFFFFFFF0];
	_ =	sdelay $0x1  }
0x8ee: {  	v8 =	vadd.s32 v3, v8;
	_ =	sdelay $0x2  }
0x8ef: {  	v9 =	vadd.f32 v9, v7;
	_ =	sdelay $0x1  }
0x8f0: {  	s7 =	sadd.s32 $0x2, s11;
	[tilespmem:v8+s30+$0x0] =	vst.idx.msk $0xffff, v9  }
0x8f1: {  	v8 =	vmov s7;
	v9 =	vld [tilespmem:s9+$0x0]  }
0x8f2: {  	v8 =	vand.u32 $0x7E, v8  }
0x8f3: {  	v10 =	vadd.s32 v0, v8;
	_ =	sdelay $0x2  }
0x8f4: {  	v9 =	vadd.f32 v9, v4;
	_ =	sdelay $0x1  }
0x8f5: {  	[tilespmem:v10+s30+$0x0] =	vst.idx.msk $0xffff, v9  }
0x8f6: {  	v9 =	vld [tilespmem:s9+$0x10];
	_ =	sdelay $0x1  }
0x8f7: {  	v10 =	vadd.s32 v1, v8;
	_ =	sdelay $0x2  }
0x8f8: {  	v9 =	vadd.f32 v9, v5;
	_ =	sdelay $0x1  }
0x8f9: {  	[tilespmem:v10+s30+$0x0] =	vst.idx.msk $0xffff, v9  }
0x8fa: {  	v9 =	vld [tilespmem:s9+$0x20];
	_ =	sdelay $0x1  }
0x8fb: {  	v10 =	vadd.s32 v2, v8;
	_ =	sdelay $0x2  }
0x8fc: {  	v9 =	vadd.f32 v9, v6;
	_ =	sdelay $0x1  }
0x8fd: {  	[tilespmem:v10+s30+$0x0] =	vst.idx.msk $0xffff, v9  }
0x8fe: {  	v9 =	vld [tilespmem:s9+$0x30];
	_ =	sdelay $0x1  }
0x8ff: {  	v8 =	vadd.s32 v3, v8;
	_ =	sdelay $0x2  }
0x900: {  	v9 =	vadd.f32 v9, v7;
	_ =	sdelay $0x1  }
0x901: {  	s7 =	sadd.s32 $0x3, s11;
	[tilespmem:v8+s30+$0x0] =	vst.idx.msk $0xffff, v9  }
0x902: {  	v8 =	vmov s7;
	v9 =	vld [tilespmem:s9+$0x40]  }
0x903: {  	v8 =	vand.u32 $0x7F, v8  }
0x904: {  	v10 =	vadd.s32 v0, v8;
	_ =	sdelay $0x2  }
0x905: {  	v9 =	vadd.f32 v9, v4;
	_ =	sdelay $0x1  }
0x906: {  	[tilespmem:v10+s30+$0x0] =	vst.idx.msk $0xffff, v9  }
0x907: {  	v9 =	vld [tilespmem:s9+$0x50];
	_ =	sdelay $0x1  }
0x908: {  	v10 =	vadd.s32 v1, v8;
	_ =	sdelay $0x2  }
0x909: {  	v9 =	vadd.f32 v9, v5;
	_ =	sdelay $0x1  }
0x90a: {  	[tilespmem:v10+s30+$0x0] =	vst.idx.msk $0xffff, v9  }
0x90b: {  	v9 =	vld [tilespmem:s9+$0x60];
	_ =	sdelay $0x1  }
0x90c: {  	v10 =	vadd.s32 v2, v8;
	_ =	sdelay $0x2  }
0x90d: {  	v9 =	vadd.f32 v9, v6;
	_ =	sdelay $0x1  }
0x90e: {  	[tilespmem:v10+s30+$0x0] =	vst.idx.msk $0xffff, v9  }
0x90f: {  	v9 =	vld [tilespmem:s9+$0x70]  }
.Ltmp23:
0x910: {  	(pc) =	sbr.rel @p0 .LBB2_48-.Ltmp23, $2  }
0x911: {  	v8 =	vadd.s32 v3, v8;
	_ =	sdelay $0x2  }
0x912: {  	v9 =	vadd.f32 v9, v7  }
0x913: {  	_ =	sdelay $0x3  }
0x914: {  	[tilespmem:v8+s30+$0x0] =	vst.idx.msk $0xffff, v9  }
0x915: {  	_ =	swait.ge [sflag:s6], $0x2000  }
0x916: {  	[sflag:s6] =	ssyncset.done $0x0  }
0x917: {  	s7 =	simm.s32 $0x17C00;
	s10 =	rddreg [dreg:$0xc];
	[sflag:s6] =	ssyncadd.s32 $0xFFFFE000  }
0x918: {  	[hbm4b:s10+s3] =	stream.linear.scatter [tilespmem:s7], [sflag:$0x8], $0x80, $0x38;
	[tilespmem:$0x19E00] =	vst v63  }
0x919: {  	s15 =	simm.s32 $0x17C88;
	s9 =	sadd.s32 $0x10, s10  }
0x91a: {  	[hbm4b:s9+s3] =	stream.linear.scatter [tilespmem:s15], [sflag:$0x8], $0x80, $0x38;
	[tilespmem:$0x19E00] =	vst v63  }
0x91b: {  	s16 =	simm.s32 $0x17D10;
	s12 =	simm.s32 $0x17E20;
	s21 =	sadd.s32 $0x20, s10  }
0x91c: {  	[hbm4b:s21+s3] =	stream.linear.scatter [tilespmem:s16], [sflag:$0x8], $0x80, $0x38;
	[tilespmem:$0x19E00] =	vst v63  }
0x91d: {  	s14 =	simm.s32 $0x17EA8;
	s11 =	sadd.s32 $0x30, s10;
	s9 =	simm.s32 $0x17D98  }
0x91e: {  	[hbm4b:s11+s3] =	stream.linear.scatter [tilespmem:s9], [sflag:$0x8], $0x80, $0x38;
	[tilespmem:$0x19E00] =	vst v63  }
0x91f: {  	s13 =	sadd.s32 $0x40, s10;
	s15 =	sadd.s32 $0x50, s10;
	s16 =	simm.s32 $0x17F30  }
0x920: {  	[hbm4b:s13+s3] =	stream.linear.scatter [tilespmem:s12], [sflag:$0x8], $0x80, $0x38;
	[tilespmem:$0x19E00] =	vst v63  }
0x921: {  	s21 =	sadd.s32 $0x60, s10;
	s9 =	simm.s32 $0x440;
	s11 =	simm.s32 $0x2200  }
0x922: {  	[hbm4b:s15+s3] =	stream.linear.scatter [tilespmem:s14], [sflag:$0x8], $0x80, $0x38;
	[tilespmem:$0x19E00] =	vst v63  }
0x923: {  	s12 =	simm.s32 $0x17FB8;
	s13 =	sadd.s32 $0x70, s10;
	s10 =	sadd.s32 $0x1000, s10  }
0x924: {  	[hbm4b:s21+s3] =	stream.linear.scatter [tilespmem:s16], [sflag:$0x8], $0x80, $0x38;
	[tilespmem:$0x19E00] =	vst v63  }
.LBB2_50:
0x925: {  	[hbm4b:s13+s3] =	stream.linear.scatter [tilespmem:s12], [sflag:$0x8], $0x80, $0x38;
	[tilespmem:$0x19E00] =	vst v63  }
0x926: {  	s7 =	smov.u32 s9;
	s9 =	smov.u32 s11  }
0x927: {  	s14 =	sadd.s32 $0x1100, s11;
	s9 =	sshra.s32 s9, $0x2;
	s12 =	sadd.s32 $0x17C00, s7  }
0x928: {  	[hbm4b:s10+s3] =	stream.linear.scatter [tilespmem:s12], [sflag:$0x8], $0x80, $0x38;
	[tilespmem:$0x19E00] =	vst v63  }
0x929: {  	p0 =	sne.s32 s11, $0x7700;
	s11 =	sadd.s32 $0x17C88, s7;
	s12 =	sadd.s32 $0x10, s10  }
0x92a: {  	[hbm4b:s12+s3] =	stream.linear.scatter [tilespmem:s11], [sflag:$0x8], $0x80, $0x38;
	[tilespmem:$0x19E00] =	vst v63  }
0x92b: {  	s11 =	sadd.s32 $0x17D10, s7;
	s12 =	sadd.s32 $0x20, s10  }
0x92c: {  	[hbm4b:s12+s3] =	stream.linear.scatter [tilespmem:s11], [sflag:$0x8], $0x80, $0x38;
	[tilespmem:$0x19E00] =	vst v63  }
0x92d: {  	s11 =	sadd.s32 $0x17D98, s7;
	s12 =	sadd.s32 $0x30, s10  }
0x92e: {  	[hbm4b:s12+s3] =	stream.linear.scatter [tilespmem:s11], [sflag:$0x8], $0x80, $0x38;
	[tilespmem:$0x19E00] =	vst v63  }
0x92f: {  	s11 =	sadd.s32 $0x17E20, s7;
	s12 =	sadd.s32 $0x40, s10  }
0x930: {  	[hbm4b:s12+s3] =	stream.linear.scatter [tilespmem:s11], [sflag:$0x8], $0x80, $0x38;
	[tilespmem:$0x19E00] =	vst v63  }
.Ltmp24:
0x931: {  	s11 =	sadd.s32 $0x17EA8, s7;
	s12 =	sadd.s32 $0x50, s10;
	(pc) =	sbr.rel @p0 .LBB2_50-.Ltmp24, $4  }
0x932: {  	[hbm4b:s12+s3] =	stream.linear.scatter [tilespmem:s11], [sflag:$0x8], $0x80, $0x38;
	[tilespmem:$0x19E00] =	vst v63  }
0x933: {  	s13 =	sadd.s32 $0x70, s10;
	s11 =	sadd.s32 $0x17F30, s7;
	s12 =	sadd.s32 $0x60, s10  }
0x934: {  	[hbm4b:s12+s3] =	stream.linear.scatter [tilespmem:s11], [sflag:$0x8], $0x80, $0x38;
	[tilespmem:$0x19E00] =	vst v63  }
0x935: {  	s10 =	sadd.s32 $0x1000, s10;
	s12 =	sadd.s32 $0x17FB8, s7;
	s11 =	smov.u32 s14  }
0x936: {  	[hbm4b:s13+s3] =	stream.linear.scatter [tilespmem:s12], [sflag:$0x8], $0x80, $0x38;
	[tilespmem:$0x19E00] =	vst v63  }
0x937: {  	s7 =	sadd.s32 $0x17C00, s9  }
0x938: {  	[hbm4b:s10+s3] =	stream.linear.scatter [tilespmem:s7], [sflag:$0x8], $0x80, $0x38;
	[tilespmem:$0x19E00] =	vst v63  }
0x939: {  	s15 =	sadd.s32 $0x17C88, s9;
	s11 =	sadd.s32 $0x10, s10  }
0x93a: {  	[hbm4b:s11+s3] =	stream.linear.scatter [tilespmem:s15], [sflag:$0x8], $0x80, $0x38;
	[tilespmem:$0x19E00] =	vst v63  }
0x93b: {  	s16 =	sadd.s32 $0x17D10, s9;
	s21 =	sadd.s32 $0x20, s10  }
0x93c: {  	[hbm4b:s21+s3] =	stream.linear.scatter [tilespmem:s16], [sflag:$0x8], $0x80, $0x38;
	[tilespmem:$0x19E00] =	vst v63  }
0x93d: {  	s12 =	sadd.s32 $0x17D98, s9;
	s13 =	sadd.s32 $0x30, s10  }
0x93e: {  	[hbm4b:s13+s3] =	stream.linear.scatter [tilespmem:s12], [sflag:$0x8], $0x80, $0x38;
	[tilespmem:$0x19E00] =	vst v63  }
0x93f: {  	s14 =	sadd.s32 $0x17E20, s9;
	s15 =	sadd.s32 $0x40, s10  }
0x940: {  	[hbm4b:s15+s3] =	stream.linear.scatter [tilespmem:s14], [sflag:$0x8], $0x80, $0x38;
	[tilespmem:$0x19E00] =	vst v63  }
0x941: {  	s16 =	sadd.s32 $0x17EA8, s9;
	s21 =	sadd.s32 $0x50, s10  }
0x942: {  	[hbm4b:s21+s3] =	stream.linear.scatter [tilespmem:s16], [sflag:$0x8], $0x80, $0x38;
	[tilespmem:$0x19E00] =	vst v63  }
0x943: {  	s12 =	sadd.s32 $0x17F30, s9;
	s13 =	sadd.s32 $0x60, s10  }
0x944: {  	[hbm4b:s13+s3] =	stream.linear.scatter [tilespmem:s12], [sflag:$0x8], $0x80, $0x38;
	[tilespmem:$0x19E00] =	vst v63  }
0x945: {  	s14 =	sadd.s32 $0x17FB8, s9;
	s15 =	sadd.s32 $0x70, s10  }
0x946: {  	[hbm4b:s15+s3] =	stream.linear.scatter [tilespmem:s14], [sflag:$0x8], $0x80, $0x38;
	[tilespmem:$0x19E00] =	vst v63  }
0x947: {  	_ =	swait.ge [sflag:s23], $0x2000  }
0x948: {  	[sflag:s23] =	ssyncset.done $0x0  }
0x949: {  	[sflag:s23] =	ssyncadd.s32 $0xFFFFE000  }
0x94a: {  	_ =	swait.ge [sflag:s1], $0x2000  }
0x94b: {  	[sflag:s1] =	ssyncset.done $0x0  }
0x94c: {  	[sflag:s1] =	ssyncadd.s32 $0xFFFFE000  }
0x94d: {  	_ =	swait.ge [sflag:s5], $0x2000  }
0x94e: {  	[sflag:s5] =	ssyncset.done $0x0  }
0x94f: {  	[sflag:s5] =	ssyncadd.s32 $0xFFFFE000  }
0x950: {  	_ =	swait.ge [sflag:s6], $0x2000  }
0x951: {  	s16 =	rddreg [dreg:$0xe]  }
0x952: {  	s21 =	rddreg [dreg:$0xd];
	s9 =	sadd.s32 $0x1, s16  }
0x953: {  	p0 =	sne.s32 s9, s21  }
.Ltmp25:
0x954: {  	_ = 	snop;
	(pc) =	sbr.rel @p0 .LBB2_1-.Ltmp25, $3  }
0x955: {  	_ =	sdelay $0x1  }
0x956: {  	[sflag:s6] =	ssyncset.done $0x0  }
0x957: {  	[sflag:s6] =	ssyncadd.s32 $0xFFFFE000  }
0x958: {  	_ =	sfence.sel $0x180000  }
0x959: {  	[bflag:$0x0] =	sbarrier.arrive $0xFFFF  }
0x95a: {  	_ =	strace $0x90000047  }
0x95b: {  	s0 =	stileid.u32;
	[bflag:$0x2] =	sbarrier.arrive $0xFFFF  }
0x95c: {  	p0 =	sne.s32 s0, $0x0;
	s0 =	rddreg [dreg:$0x2]  }
0x95d: {  	s0 =	sadd.s32 @!p0 $0x100000, s0  }
0x95e: {  	[sflag:s0] =	ssyncadd.tile.s32 @!p0 $0x1;
	_ =	shalt  }
.Lfunc_end2:
_tile_overlayer_lowered:
.L_overlay_start_2:
0x95f: {  	(tag) =	ssettag $0x2  }
0x960: {  	s0 =	rddreg [dreg:$0x0];
	s2 =	stileid.u32  }
0x961: {  	s1 =	rddreg [dreg:$0x1];
	p0 =	sne.s32 s2, $0x0  }
0x962: {  	s3 =	rddreg [dreg:$0x2];
	[bflag:$0x3] =	sbarrier.arrive $0xFFFF;
	s2 =	simm.s32 @!p0 $0x1C09  }
0x963: {  	[timem:s3], [sflag:s2] =	dma.local @!p0 [hbm:s0], s1  }
0x964: {  	s0 =	simm.s32 @!p0 $0x9  }
0x965: {  	_ =	swait.ge @!p0 [sflag:s0], s1  }
0x966: {  	s1 =	ssub.s32 @!p0 $0x0, s1;
	[sflag:s0] =	ssyncset.done @!p0 $0x0  }
0x967: {  	[sflag:s0] =	ssyncadd.s32 @!p0 s1  }
0x968: {  	[bflag:$0x3] =	sbarrier.arrive $0xFFFF  }
0x969: {  	_ =	shalt  }

</sc_bundles>
